<compile_context>
chip_gen: v7x
topology: tpu7x:2x2x1
jax: 0.10.2.dev20260603
libtpu: 0.0.44.dev20260713+nightly
codegen_flags: <defaults>
</compile_context>

<pallas_src>
import functools

import jax
import jax.numpy as jnp
from jax import lax
from jax.experimental import pallas as pl
from jax.experimental.pallas import tpu as pltpu
from jax.experimental.pallas import tpu_sc as plsc

N = 10000
E = 320000
D = 128
H = 4
F = 32
HF = H * F

NC = 2
NS = 16
NW = NC * NS
K = 128
CHUNKS = (E + NW * K - 1) // (NW * K)
EPAD = NW * K * CHUNKS
NPAD = 10240
ROWS_PER_TILE = NPAD // NS

PBLK = 2048
FBLK = 2000


def _proj_body(feat_ref, w_ref, alr_ref, fp_ref, lr_ref):
    fp = lax.dot_general(feat_ref[:], w_ref[:], (((1,), (1,)), ((), ())),
                         preferred_element_type=jnp.float32)
    fp_ref[:] = fp
    lr_ref[:] = jnp.dot(fp, alr_ref[:], preferred_element_type=jnp.float32)


def _proj_call(featp, w, alr):
    return pl.pallas_call(
        _proj_body,
        grid=(NPAD // PBLK,),
        in_specs=[
            pl.BlockSpec((PBLK, D), lambda i: (i, 0)),
            pl.BlockSpec((HF, D), lambda i: (0, 0)),
            pl.BlockSpec((HF, 16), lambda i: (0, 0)),
        ],
        out_specs=[
            pl.BlockSpec((PBLK, HF), lambda i: (i, 0)),
            pl.BlockSpec((PBLK, 16), lambda i: (i, 0)),
        ],
        out_shape=[
            jax.ShapeDtypeStruct((NPAD, HF), jnp.float32),
            jax.ShapeDtypeStruct((NPAD, 16), jnp.float32),
        ],
    )(featp, w, alr)


@functools.lru_cache(maxsize=1)
def _get_edge_kernel():
    mesh = plsc.VectorSubcoreMesh(core_axis_name="c", subcore_axis_name="s",
                                  num_cores=NC, num_subcores=NS)
    return pl.kernel(
        _edge_body,
        out_type=(
            jax.ShapeDtypeStruct((NC, NPAD, HF), jnp.float32),
            jax.ShapeDtypeStruct((NC, NPAD, 16), jnp.float32),
        ),
        mesh=mesh,
        compiler_params=pltpu.CompilerParams(use_tc_tiling_on_sc=False,
                                             needs_layout_passes=False),
        scratch_types=[
            pltpu.VMEM((K,), jnp.int32),
            pltpu.VMEM((K,), jnp.int32),
            pltpu.VMEM((K,), jnp.float32),
            pltpu.VMEM((K, 16), jnp.float32),
            pltpu.VMEM((K, 16), jnp.float32),
            pltpu.VMEM((K, HF), jnp.float32),
            pltpu.VMEM((K, 16), jnp.float32),
            pltpu.VMEM((H, K), jnp.float32),
            pltpu.VMEM((16,), jnp.float32),
            pltpu.VMEM((16,), jnp.float32),
            pltpu.VMEM_SHARED((NPAD, HF), jnp.float32),
            pltpu.VMEM_SHARED((NPAD, 16), jnp.float32),
            pltpu.VMEM_SHARED((NPAD, 16), jnp.float32),
            pltpu.SemaphoreType.DMA,
            pltpu.SemaphoreType.DMA,
            pltpu.SemaphoreType.DMA,
            pltpu.SemaphoreType.DMA,
        ],
    )


def _lane_splat(v, lane):
    idx = jnp.full((16, 1), lane, jnp.int32)
    return lax.gather(v, idx,
                      lax.GatherDimensionNumbers((), (0,), (0,)), (1,),
                      mode=lax.GatherScatterMode.PROMISE_IN_BOUNDS)


def _edge_body(fp_hbm, lr_hbm, src_hbm, dst_hbm, ew_hbm, wv_hbm, bv_hbm,
               rst_out, esum_out,
               src_v, dst_v, ew_v, lrs_v, lrd_v, fp_v, ee_v, eet_v,
               wv_v, bv_v, rst_sh, esum_sh, lr_sh, sem, sem_s, sem_d, sem_w):
    cid = lax.axis_index("c")
    sid = lax.axis_index("s")
    wid = sid * NC + cid

    zeros16 = jnp.zeros((16,), jnp.float32)
    iota16 = lax.iota(jnp.int32, 16)

    pltpu.sync_copy(wv_hbm, wv_v)
    pltpu.sync_copy(bv_hbm, bv_v)
    wvec = wv_v[:]
    bvec = bv_v[:]

    def _zrow(r, _):
        for j in range(HF // 16):
            fp_v[r, pl.ds(j * 16, 16)] = zeros16
        return 0
    lax.fori_loop(0, K, _zrow, 0)

    for g in range(K // 16):
        rows = iota16 + g * 16
        for h in range(16):
            plsc.store_scatter(ee_v, [rows, jnp.full((16,), h, jnp.int32)], zeros16)

    base_r = sid * ROWS_PER_TILE
    for b in range(ROWS_PER_TILE // K):
        pltpu.sync_copy(fp_v, rst_sh.at[pl.ds(base_r + b * K, K)])
        pltpu.sync_copy(ee_v, esum_sh.at[pl.ds(base_r + b * K, K)])
        pltpu.sync_copy(lr_hbm.at[pl.ds(base_r + b * K, K)],
                        lr_sh.at[pl.ds(base_r + b * K, K)])
    plsc.subcore_barrier()

    def _chunk(ci, _):
        base = (wid * CHUNKS + ci) * K
        s_cp = pltpu.async_copy(src_hbm.at[pl.ds(base, K)], src_v, sem_s)
        d_cp = pltpu.async_copy(dst_hbm.at[pl.ds(base, K)], dst_v, sem_d)
        w_cp = pltpu.async_copy(ew_hbm.at[pl.ds(base, K)], ew_v, sem_w)
        s_cp.wait()
        fp_cp = pltpu.async_copy(fp_hbm.at[src_v], fp_v, sem)
        pltpu.sync_copy(lr_sh.at[src_v], lrs_v)
        d_cp.wait()
        pltpu.sync_copy(lr_sh.at[dst_v], lrd_v)
        w_cp.wait()

        for g in range(K // 16):
            rows = iota16 + g * 16
            wfull = ew_v[pl.ds(g * 16, 16)] * wvec + bvec
            for h in range(H):
                els = plsc.load_gather(lrs_v, [rows, jnp.full((16,), h, jnp.int32)])
                erd = plsc.load_gather(lrd_v, [rows, jnp.full((16,), 4 + h, jnp.int32)])
                e = els + erd
                e = jnp.where(e > 0.0, e, 0.2 * e)
                ee = jnp.exp(e * wfull)
                plsc.store_scatter(ee_v, [rows, jnp.full((16,), h, jnp.int32)], ee)
                eet_v[h, pl.ds(g * 16, 16)] = ee

        pltpu.sync_copy(ee_v, esum_sh.at[dst_v], add=True)
        fp_cp.wait()

        def _scale(gb, _):
            cb = gb * 16
            eh = [eet_v[h, pl.ds(cb, 16)] for h in range(H)]
            for cl in range(16):
                for h in range(H):
                    s = _lane_splat(eh[h], cl)
                    for j in range(F // 16):
                        sl = pl.ds(h * F + j * 16, 16)
                        fp_v[cb + cl, sl] = fp_v[cb + cl, sl] * s
            return 0
        lax.fori_loop(0, K // 16, _scale, 0)

        pltpu.sync_copy(fp_v, rst_sh.at[dst_v], add=True)
        return 0

    lax.fori_loop(0, CHUNKS, _chunk, 0)

    plsc.subcore_barrier()
    for b in range(ROWS_PER_TILE // K):
        rs = base_r + b * K
        pltpu.sync_copy(rst_sh.at[pl.ds(rs, K)], rst_out.at[cid, pl.ds(rs, K)])
        pltpu.sync_copy(esum_sh.at[pl.ds(rs, K)], esum_out.at[cid, pl.ds(rs, K)])


def _final_body(r0_ref, r1_ref, e0_ref, e1_ref, s_ref, b_ref, o_ref):
    es = jnp.dot(e0_ref[:] + e1_ref[:], s_ref[:], preferred_element_type=jnp.float32)
    den = jnp.where(es > 0.0, es, 1.0)
    o_ref[:] = (r0_ref[:] + r1_ref[:]) / den + b_ref[:]


def _final_call(r0, r1, e0, e1, sel, brow):
    return pl.pallas_call(
        _final_body,
        grid=(N // FBLK,),
        in_specs=[
            pl.BlockSpec((FBLK, HF), lambda i: (i, 0)),
            pl.BlockSpec((FBLK, HF), lambda i: (i, 0)),
            pl.BlockSpec((FBLK, 16), lambda i: (i, 0)),
            pl.BlockSpec((FBLK, 16), lambda i: (i, 0)),
            pl.BlockSpec((16, HF), lambda i: (0, 0)),
            pl.BlockSpec((1, HF), lambda i: (0, 0)),
        ],
        out_specs=pl.BlockSpec((FBLK, HF), lambda i: (i, 0)),
        out_shape=jax.ShapeDtypeStruct((N, HF), jnp.float32),
    )(r0, r1, e0, e1, sel, brow)


def kernel(feat, edge_index, edge_weight, W, attn_l, attn_r, w_lin_w, w_lin_b, bias):
    featp = jnp.pad(feat, ((0, NPAD - N), (0, 0)))
    src = edge_index[0]
    dst = edge_index[1]
    srcp = jnp.pad(src, (0, EPAD - E))
    dstp = jnp.concatenate(
        [dst, N + jnp.arange(EPAD - E, dtype=jnp.int32) % (NPAD - N)])
    ewp = jnp.pad(edge_weight, (0, EPAD - E))

    r = jnp.arange(HF)
    alr = (jnp.zeros((HF, 16), jnp.float32)
           .at[r, r // F].set(attn_l.reshape(HF))
           .at[r, 4 + r // F].set(attn_r.reshape(HF)))
    wv = jnp.full((16,), w_lin_w[0, 0], jnp.float32)
    bv = jnp.full((16,), w_lin_b[0], jnp.float32)
    sel = (jnp.arange(HF)[None, :] // F == jnp.arange(16)[:, None]).astype(jnp.float32)

    fp, lr = _proj_call(featp, W, alr)
    rst2, esum2 = _get_edge_kernel()(fp, lr, srcp, dstp, ewp, wv, bv)
    out = _final_call(rst2[0], rst2[1], esum2[0], esum2[1], sel, bias.reshape(1, HF))
    return out.reshape(N, H, F)

# --- scband reference (transcript-rebuilt; emitter-appended) ---
"""Pipeline reference for scband-weighted-gatconv-7086696038723 (READ-ONLY COPY).

The authoritative reference and input builder live on the scoring server;
editing this copy changes nothing except your own understanding.
"""

import jax, jax.numpy as jnp
import numpy as np

N = 10000
E = 320000
D = 128
H = 4
F = 32


def setup_inputs(seed: int = 0) -> dict:
    key = jax.random.key(seed)
    ks = jax.random.split(key, 10)
    feat = jax.random.normal(ks[0], (N, D), dtype=jnp.float32)
    edge_index = jax.random.randint(ks[1], (2, E), 0, N, dtype=jnp.int32)
    edge_weight = jax.random.uniform(ks[2], (E,), dtype=jnp.float32)
    # learned parameters (xavier-ish scale)
    W = jax.random.normal(ks[3], (H * F, D), dtype=jnp.float32) * (2.0 / np.sqrt(D + H * F))
    attn_l = jax.random.normal(ks[4], (1, H, F), dtype=jnp.float32) * 0.1
    attn_r = jax.random.normal(ks[5], (1, H, F), dtype=jnp.float32) * 0.1
    w_lin_w = jax.random.normal(ks[6], (1, 1), dtype=jnp.float32)
    w_lin_b = jax.random.normal(ks[7], (1,), dtype=jnp.float32) * 0.1
    bias = jnp.zeros((H * F,), dtype=jnp.float32)
    return {"feat": feat, "edge_index": edge_index, "edge_weight": edge_weight,
            "W": W, "attn_l": attn_l, "attn_r": attn_r,
            "w_lin_w": w_lin_w, "w_lin_b": w_lin_b, "bias": bias}


def reference(feat, edge_index, edge_weight, W, attn_l, attn_r, w_lin_w, w_lin_b, bias):
    src = edge_index[0]
    dst = edge_index[1]
    # fc projection -> [N, H, F]
    feat_proj = (feat @ W.T).reshape(N, H, F)
    # attention logits per node
    el = (feat_proj * attn_l).sum(axis=-1)  # [N, H]
    er = (feat_proj * attn_r).sum(axis=-1)  # [N, H]
    # per-edge e = leaky_relu(el[src] + er[dst])
    e = el[src] + er[dst]  # [E, H]
    e = jnp.where(e > 0, e, 0.2 * e)
    # weight_linear on edge weights: Linear(1,1)
    w = edge_weight[:, None] @ w_lin_w.T + w_lin_b  # [E, 1]
    e = e * w  # broadcast [E, H] * [E, 1]
    # edge softmax grouped by dst node, per head
    emax = jax.ops.segment_max(e, dst, num_segments=N)  # [N, H]
    ee = jnp.exp(e - emax[dst])
    esum = jax.ops.segment_sum(ee, dst, num_segments=N)  # [N, H]
    a = ee / esum[dst]  # [E, H]
    # message passing: u_mul_e + sum
    m = feat_proj[src] * a[:, :, None]  # [E, H, F]
    rst = jax.ops.segment_sum(m, dst, num_segments=N)  # [N, H, F]
    rst = rst + bias.reshape(1, H, F)
    return rst

if __name__ == "__main__":
    import jax
    _d = setup_inputs()
    print(jax.jit(kernel)(*tuple(_d.values())))

</pallas_src>

<mosaic_0001>
#map = affine_map<(d0, d1) -> (0, 0)>
#map1 = affine_map<(d0, d1) -> (0)>
#map2 = affine_map<(d0, d1) -> (0, 0, 0)>
module attributes {stable_mosaic.version = 14 : i64} {
  func.func @_edge_body(%arg0: i32, %arg1: i32, %arg2: memref<10240x128xf32, #tpu.memory_space<hbm>>, %arg3: memref<10240x16xf32, #tpu.memory_space<hbm>>, %arg4: memref<323584xi32, #tpu.memory_space<hbm>>, %arg5: memref<323584xi32, #tpu.memory_space<hbm>>, %arg6: memref<323584xf32, #tpu.memory_space<hbm>>, %arg7: memref<16xf32, #tpu.memory_space<hbm>>, %arg8: memref<16xf32, #tpu.memory_space<hbm>>, %arg9: memref<2x10240x128xf32, #tpu.memory_space<hbm>>, %arg10: memref<2x10240x16xf32, #tpu.memory_space<hbm>>, %arg11: memref<128xi32, #tpu.memory_space<vmem>>, %arg12: memref<128xi32, #tpu.memory_space<vmem>>, %arg13: memref<128xf32, #tpu.memory_space<vmem>>, %arg14: memref<128x16xf32, #tpu.memory_space<vmem>>, %arg15: memref<128x16xf32, #tpu.memory_space<vmem>>, %arg16: memref<128x128xf32, #tpu.memory_space<vmem>>, %arg17: memref<128x16xf32, #tpu.memory_space<vmem>>, %arg18: memref<4x128xf32, #tpu.memory_space<vmem>>, %arg19: memref<16xf32, #tpu.memory_space<vmem>>, %arg20: memref<16xf32, #tpu.memory_space<vmem>>, %arg21: memref<10240x128xf32, #tpu.memory_space<vmem_shared>>, %arg22: memref<10240x16xf32, #tpu.memory_space<vmem_shared>>, %arg23: memref<10240x16xf32, #tpu.memory_space<vmem_shared>>, %arg24: memref<!tpu.dma_semaphore, #tpu.memory_space<semaphore_mem>>, %arg25: memref<!tpu.dma_semaphore, #tpu.memory_space<semaphore_mem>>, %arg26: memref<!tpu.dma_semaphore, #tpu.memory_space<semaphore_mem>>, %arg27: memref<!tpu.dma_semaphore, #tpu.memory_space<semaphore_mem>>) attributes {dimension_semantics = [#tpu.dimension_semantics<core_parallel>, #tpu.dimension_semantics<subcore_parallel>], iteration_bounds = array<i64: 2, 16>, scalar_prefetch = 0 : i64, scratch_operands = 17 : i64, tpu.core_type = #tpu.core_type<sc_vector_subcore>, window_params = [{transform_indices = #map}, {transform_indices = #map}, {transform_indices = #map1}, {transform_indices = #map1}, {transform_indices = #map1}, {transform_indices = #map1}, {transform_indices = #map1}, {transform_indices = #map2}, {transform_indices = #map2}]} {
    %mul3A = arith.constant 2 : i32
    %mul3A_0 = arith.muli %arg1, %mul3A : i32
    %add3A = arith.addi %mul3A_0, %arg0 : i32
    %broadcast_in_dim3A = arith.constant 0.000000e+00 : f32
    %broadcast_in_dim3A_1 = vector.broadcast %broadcast_in_dim3A : f32 to vector<16xf32>
    %iota3A = tpu.iota {dimensions = array<i32: 0>} : vector<16xi32>
    "tpu.region"() ({
      %run_scoped3A = tpu.sem_alloc : memref<!tpu.dma_semaphore, #tpu.memory_space<semaphore_mem>>
      tpu.enqueue_dma source(%arg7 : memref<16xf32, #tpu.memory_space<hbm>>) target(%arg19 : memref<16xf32, #tpu.memory_space<vmem>>) target_semaphore(%run_scoped3A : memref<!tpu.dma_semaphore, #tpu.memory_space<semaphore_mem>>)
      tpu.wait_dma2 semaphore(%run_scoped3A : memref<!tpu.dma_semaphore, #tpu.memory_space<semaphore_mem>>) src(%arg7 : memref<16xf32, #tpu.memory_space<hbm>>) dst(%arg19 : memref<16xf32, #tpu.memory_space<vmem>>)
      tpu.yield
    }) : () -> ()
    "tpu.region"() ({
      %run_scoped3A = tpu.sem_alloc : memref<!tpu.dma_semaphore, #tpu.memory_space<semaphore_mem>>
      tpu.enqueue_dma source(%arg8 : memref<16xf32, #tpu.memory_space<hbm>>) target(%arg20 : memref<16xf32, #tpu.memory_space<vmem>>) target_semaphore(%run_scoped3A : memref<!tpu.dma_semaphore, #tpu.memory_space<semaphore_mem>>)
      tpu.wait_dma2 semaphore(%run_scoped3A : memref<!tpu.dma_semaphore, #tpu.memory_space<semaphore_mem>>) src(%arg8 : memref<16xf32, #tpu.memory_space<hbm>>) dst(%arg20 : memref<16xf32, #tpu.memory_space<vmem>>)
      tpu.yield
    }) : () -> ()
    %get3A = arith.constant 0 : index
    %get3A_2 = tpu.vector_load %arg19[%get3A] {strides = array<i32>} : memref<16xf32, #tpu.memory_space<vmem>>, vector<16xf32>,
    %get3A_3 = arith.constant 0 : index
    %get3A_4 = tpu.vector_load %arg20[%get3A_3] {strides = array<i32>} : memref<16xf32, #tpu.memory_space<vmem>>, vector<16xf32>,
    %scan3A = arith.constant 0 : i32
    %scan3A_5 = arith.constant 0 : i32
    %scan3A_6 = arith.constant 128 : i32
    %scan3A_7 = arith.addi %scan3A_5, %scan3A_6 : i32
    %scan3A_8 = arith.constant 1 : i32
    %scan3A_9 = scf.for %scan3A_351 = %scan3A_5 to %scan3A_7 step %scan3A_8 iter_args(%scan3A_352 = %scan3A) -> (i32)  : i32 {
      %swap3A = arith.index_cast %scan3A_351 : i32 to index
      %swap3A_353 = arith.constant 0 : index
      %swap3A_354 = tpu.vector_load %arg16[%swap3A, %swap3A_353] {strides = array<i32>} : memref<128x128xf32, #tpu.memory_space<vmem>>, vector<16xf32>,
      tpu.vector_store %arg16[%swap3A, %swap3A_353], %broadcast_in_dim3A_1 {strides = array<i32>} : memref<128x128xf32, #tpu.memory_space<vmem>>, vector<16xf32>,
      %swap3A_355 = arith.index_cast %scan3A_351 : i32 to index
      %swap3A_356 = arith.constant 16 : index
      %swap3A_357 = tpu.vector_load %arg16[%swap3A_355, %swap3A_356] {strides = array<i32>} : memref<128x128xf32, #tpu.memory_space<vmem>>, vector<16xf32>,
      tpu.vector_store %arg16[%swap3A_355, %swap3A_356], %broadcast_in_dim3A_1 {strides = array<i32>} : memref<128x128xf32, #tpu.memory_space<vmem>>, vector<16xf32>,
      %swap3A_358 = arith.index_cast %scan3A_351 : i32 to index
      %swap3A_359 = arith.constant 32 : index
      %swap3A_360 = tpu.vector_load %arg16[%swap3A_358, %swap3A_359] {strides = array<i32>} : memref<128x128xf32, #tpu.memory_space<vmem>>, vector<16xf32>,
      tpu.vector_store %arg16[%swap3A_358, %swap3A_359], %broadcast_in_dim3A_1 {strides = array<i32>} : memref<128x128xf32, #tpu.memory_space<vmem>>, vector<16xf32>,
      %swap3A_361 = arith.index_cast %scan3A_351 : i32 to index
      %swap3A_362 = arith.constant 48 : index
      %swap3A_363 = tpu.vector_load %arg16[%swap3A_361, %swap3A_362] {strides = array<i32>} : memref<128x128xf32, #tpu.memory_space<vmem>>, vector<16xf32>,
      tpu.vector_store %arg16[%swap3A_361, %swap3A_362], %broadcast_in_dim3A_1 {strides = array<i32>} : memref<128x128xf32, #tpu.memory_space<vmem>>, vector<16xf32>,
      %swap3A_364 = arith.index_cast %scan3A_351 : i32 to index
      %swap3A_365 = arith.constant 64 : index
      %swap3A_366 = tpu.vector_load %arg16[%swap3A_364, %swap3A_365] {strides = array<i32>} : memref<128x128xf32, #tpu.memory_space<vmem>>, vector<16xf32>,
      tpu.vector_store %arg16[%swap3A_364, %swap3A_365], %broadcast_in_dim3A_1 {strides = array<i32>} : memref<128x128xf32, #tpu.memory_space<vmem>>, vector<16xf32>,
      %swap3A_367 = arith.index_cast %scan3A_351 : i32 to index
      %swap3A_368 = arith.constant 80 : index
      %swap3A_369 = tpu.vector_load %arg16[%swap3A_367, %swap3A_368] {strides = array<i32>} : memref<128x128xf32, #tpu.memory_space<vmem>>, vector<16xf32>,
      tpu.vector_store %arg16[%swap3A_367, %swap3A_368], %broadcast_in_dim3A_1 {strides = array<i32>} : memref<128x128xf32, #tpu.memory_space<vmem>>, vector<16xf32>,
      %swap3A_370 = arith.index_cast %scan3A_351 : i32 to index
      %swap3A_371 = arith.constant 96 : index
      %swap3A_372 = tpu.vector_load %arg16[%swap3A_370, %swap3A_371] {strides = array<i32>} : memref<128x128xf32, #tpu.memory_space<vmem>>, vector<16xf32>,
      tpu.vector_store %arg16[%swap3A_370, %swap3A_371], %broadcast_in_dim3A_1 {strides = array<i32>} : memref<128x128xf32, #tpu.memory_space<vmem>>, vector<16xf32>,
      %swap3A_373 = arith.index_cast %scan3A_351 : i32 to index
      %swap3A_374 = arith.constant 112 : index
      %swap3A_375 = tpu.vector_load %arg16[%swap3A_373, %swap3A_374] {strides = array<i32>} : memref<128x128xf32, #tpu.memory_space<vmem>>, vector<16xf32>,
      tpu.vector_store %arg16[%swap3A_373, %swap3A_374], %broadcast_in_dim3A_1 {strides = array<i32>} : memref<128x128xf32, #tpu.memory_space<vmem>>, vector<16xf32>,
      %scan3A_376 = arith.constant 0 : i32
      scf.yield %scan3A_376 : i32
    }
    %scan3A_10 = arith.constant 128 : i32
    %add3A_11 = arith.constant 0 : i32
    %add3A_12 = vector.broadcast %add3A_11 : i32 to vector<16xi32>
    %add3A_13 = arith.addi %iota3A, %add3A_12 : vector<16xi32>
    %broadcast_in_dim3A_14 = arith.constant 0 : i32
    %broadcast_in_dim3A_15 = vector.broadcast %broadcast_in_dim3A_14 : i32 to vector<16xi32>
    tpu.vector_store_idx %arg17[%add3A_13, %broadcast_in_dim3A_15], %broadcast_in_dim3A_1 : memref<128x16xf32, #tpu.memory_space<vmem>>[vector<16xi32>, vector<16xi32>], vector<16xf32>,
    %broadcast_in_dim3A_16 = arith.constant 1 : i32
    %broadcast_in_dim3A_17 = vector.broadcast %broadcast_in_dim3A_16 : i32 to vector<16xi32>
    tpu.vector_store_idx %arg17[%add3A_13, %broadcast_in_dim3A_17], %broadcast_in_dim3A_1 : memref<128x16xf32, #tpu.memory_space<vmem>>[vector<16xi32>, vector<16xi32>], vector<16xf32>,
    %broadcast_in_dim3A_18 = arith.constant 2 : i32
    %broadcast_in_dim3A_19 = vector.broadcast %broadcast_in_dim3A_18 : i32 to vector<16xi32>
    tpu.vector_store_idx %arg17[%add3A_13, %broadcast_in_dim3A_19], %broadcast_in_dim3A_1 : memref<128x16xf32, #tpu.memory_space<vmem>>[vector<16xi32>, vector<16xi32>], vector<16xf32>,
    %broadcast_in_dim3A_20 = arith.constant 3 : i32
    %broadcast_in_dim3A_21 = vector.broadcast %broadcast_in_dim3A_20 : i32 to vector<16xi32>
    tpu.vector_store_idx %arg17[%add3A_13, %broadcast_in_dim3A_21], %broadcast_in_dim3A_1 : memref<128x16xf32, #tpu.memory_space<vmem>>[vector<16xi32>, vector<16xi32>], vector<16xf32>,
    %broadcast_in_dim3A_22 = arith.constant 4 : i32
    %broadcast_in_dim3A_23 = vector.broadcast %broadcast_in_dim3A_22 : i32 to vector<16xi32>
    tpu.vector_store_idx %arg17[%add3A_13, %broadcast_in_dim3A_23], %broadcast_in_dim3A_1 : memref<128x16xf32, #tpu.memory_space<vmem>>[vector<16xi32>, vector<16xi32>], vector<16xf32>,
    %broadcast_in_dim3A_24 = arith.constant 5 : i32
    %broadcast_in_dim3A_25 = vector.broadcast %broadcast_in_dim3A_24 : i32 to vector<16xi32>
    tpu.vector_store_idx %arg17[%add3A_13, %broadcast_in_dim3A_25], %broadcast_in_dim3A_1 : memref<128x16xf32, #tpu.memory_space<vmem>>[vector<16xi32>, vector<16xi32>], vector<16xf32>,
    %broadcast_in_dim3A_26 = arith.constant 6 : i32
    %broadcast_in_dim3A_27 = vector.broadcast %broadcast_in_dim3A_26 : i32 to vector<16xi32>
    tpu.vector_store_idx %arg17[%add3A_13, %broadcast_in_dim3A_27], %broadcast_in_dim3A_1 : memref<128x16xf32, #tpu.memory_space<vmem>>[vector<16xi32>, vector<16xi32>], vector<16xf32>,
    %broadcast_in_dim3A_28 = arith.constant 7 : i32
    %broadcast_in_dim3A_29 = vector.broadcast %broadcast_in_dim3A_28 : i32 to vector<16xi32>
    tpu.vector_store_idx %arg17[%add3A_13, %broadcast_in_dim3A_29], %broadcast_in_dim3A_1 : memref<128x16xf32, #tpu.memory_space<vmem>>[vector<16xi32>, vector<16xi32>], vector<16xf32>,
    %broadcast_in_dim3A_30 = arith.constant 8 : i32
    %broadcast_in_dim3A_31 = vector.broadcast %broadcast_in_dim3A_30 : i32 to vector<16xi32>
    tpu.vector_store_idx %arg17[%add3A_13, %broadcast_in_dim3A_31], %broadcast_in_dim3A_1 : memref<128x16xf32, #tpu.memory_space<vmem>>[vector<16xi32>, vector<16xi32>], vector<16xf32>,
    %broadcast_in_dim3A_32 = arith.constant 9 : i32
    %broadcast_in_dim3A_33 = vector.broadcast %broadcast_in_dim3A_32 : i32 to vector<16xi32>
    tpu.vector_store_idx %arg17[%add3A_13, %broadcast_in_dim3A_33], %broadcast_in_dim3A_1 : memref<128x16xf32, #tpu.memory_space<vmem>>[vector<16xi32>, vector<16xi32>], vector<16xf32>,
    %broadcast_in_dim3A_34 = arith.constant 10 : i32
    %broadcast_in_dim3A_35 = vector.broadcast %broadcast_in_dim3A_34 : i32 to vector<16xi32>
    tpu.vector_store_idx %arg17[%add3A_13, %broadcast_in_dim3A_35], %broadcast_in_dim3A_1 : memref<128x16xf32, #tpu.memory_space<vmem>>[vector<16xi32>, vector<16xi32>], vector<16xf32>,
    %broadcast_in_dim3A_36 = arith.constant 11 : i32
    %broadcast_in_dim3A_37 = vector.broadcast %broadcast_in_dim3A_36 : i32 to vector<16xi32>
    tpu.vector_store_idx %arg17[%add3A_13, %broadcast_in_dim3A_37], %broadcast_in_dim3A_1 : memref<128x16xf32, #tpu.memory_space<vmem>>[vector<16xi32>, vector<16xi32>], vector<16xf32>,
    %broadcast_in_dim3A_38 = arith.constant 12 : i32
    %broadcast_in_dim3A_39 = vector.broadcast %broadcast_in_dim3A_38 : i32 to vector<16xi32>
    tpu.vector_store_idx %arg17[%add3A_13, %broadcast_in_dim3A_39], %broadcast_in_dim3A_1 : memref<128x16xf32, #tpu.memory_space<vmem>>[vector<16xi32>, vector<16xi32>], vector<16xf32>,
    %broadcast_in_dim3A_40 = arith.constant 13 : i32
    %broadcast_in_dim3A_41 = vector.broadcast %broadcast_in_dim3A_40 : i32 to vector<16xi32>
    tpu.vector_store_idx %arg17[%add3A_13, %broadcast_in_dim3A_41], %broadcast_in_dim3A_1 : memref<128x16xf32, #tpu.memory_space<vmem>>[vector<16xi32>, vector<16xi32>], vector<16xf32>,
    %broadcast_in_dim3A_42 = arith.constant 14 : i32
    %broadcast_in_dim3A_43 = vector.broadcast %broadcast_in_dim3A_42 : i32 to vector<16xi32>
    tpu.vector_store_idx %arg17[%add3A_13, %broadcast_in_dim3A_43], %broadcast_in_dim3A_1 : memref<128x16xf32, #tpu.memory_space<vmem>>[vector<16xi32>, vector<16xi32>], vector<16xf32>,
    %broadcast_in_dim3A_44 = arith.constant 15 : i32
    %broadcast_in_dim3A_45 = vector.broadcast %broadcast_in_dim3A_44 : i32 to vector<16xi32>
    tpu.vector_store_idx %arg17[%add3A_13, %broadcast_in_dim3A_45], %broadcast_in_dim3A_1 : memref<128x16xf32, #tpu.memory_space<vmem>>[vector<16xi32>, vector<16xi32>], vector<16xf32>,
    %add3A_46 = arith.constant 16 : i32
    %add3A_47 = vector.broadcast %add3A_46 : i32 to vector<16xi32>
    %add3A_48 = arith.addi %iota3A, %add3A_47 : vector<16xi32>
    %broadcast_in_dim3A_49 = arith.constant 0 : i32
    %broadcast_in_dim3A_50 = vector.broadcast %broadcast_in_dim3A_49 : i32 to vector<16xi32>
    tpu.vector_store_idx %arg17[%add3A_48, %broadcast_in_dim3A_50], %broadcast_in_dim3A_1 : memref<128x16xf32, #tpu.memory_space<vmem>>[vector<16xi32>, vector<16xi32>], vector<16xf32>,
    %broadcast_in_dim3A_51 = arith.constant 1 : i32
    %broadcast_in_dim3A_52 = vector.broadcast %broadcast_in_dim3A_51 : i32 to vector<16xi32>
    tpu.vector_store_idx %arg17[%add3A_48, %broadcast_in_dim3A_52], %broadcast_in_dim3A_1 : memref<128x16xf32, #tpu.memory_space<vmem>>[vector<16xi32>, vector<16xi32>], vector<16xf32>,
    %broadcast_in_dim3A_53 = arith.constant 2 : i32
    %broadcast_in_dim3A_54 = vector.broadcast %broadcast_in_dim3A_53 : i32 to vector<16xi32>
    tpu.vector_store_idx %arg17[%add3A_48, %broadcast_in_dim3A_54], %broadcast_in_dim3A_1 : memref<128x16xf32, #tpu.memory_space<vmem>>[vector<16xi32>, vector<16xi32>], vector<16xf32>,
    %broadcast_in_dim3A_55 = arith.constant 3 : i32
    %broadcast_in_dim3A_56 = vector.broadcast %broadcast_in_dim3A_55 : i32 to vector<16xi32>
    tpu.vector_store_idx %arg17[%add3A_48, %broadcast_in_dim3A_56], %broadcast_in_dim3A_1 : memref<128x16xf32, #tpu.memory_space<vmem>>[vector<16xi32>, vector<16xi32>], vector<16xf32>,
    %broadcast_in_dim3A_57 = arith.constant 4 : i32
    %broadcast_in_dim3A_58 = vector.broadcast %broadcast_in_dim3A_57 : i32 to vector<16xi32>
    tpu.vector_store_idx %arg17[%add3A_48, %broadcast_in_dim3A_58], %broadcast_in_dim3A_1 : memref<128x16xf32, #tpu.memory_space<vmem>>[vector<16xi32>, vector<16xi32>], vector<16xf32>,
    %broadcast_in_dim3A_59 = arith.constant 5 : i32
    %broadcast_in_dim3A_60 = vector.broadcast %broadcast_in_dim3A_59 : i32 to vector<16xi32>
    tpu.vector_store_idx %arg17[%add3A_48, %broadcast_in_dim3A_60], %broadcast_in_dim3A_1 : memref<128x16xf32, #tpu.memory_space<vmem>>[vector<16xi32>, vector<16xi32>], vector<16xf32>,
    %broadcast_in_dim3A_61 = arith.constant 6 : i32
    %broadcast_in_dim3A_62 = vector.broadcast %broadcast_in_dim3A_61 : i32 to vector<16xi32>
    tpu.vector_store_idx %arg17[%add3A_48, %broadcast_in_dim3A_62], %broadcast_in_dim3A_1 : memref<128x16xf32, #tpu.memory_space<vmem>>[vector<16xi32>, vector<16xi32>], vector<16xf32>,
    %broadcast_in_dim3A_63 = arith.constant 7 : i32
    %broadcast_in_dim3A_64 = vector.broadcast %broadcast_in_dim3A_63 : i32 to vector<16xi32>
    tpu.vector_store_idx %arg17[%add3A_48, %broadcast_in_dim3A_64], %broadcast_in_dim3A_1 : memref<128x16xf32, #tpu.memory_space<vmem>>[vector<16xi32>, vector<16xi32>], vector<16xf32>,
    %broadcast_in_dim3A_65 = arith.constant 8 : i32
    %broadcast_in_dim3A_66 = vector.broadcast %broadcast_in_dim3A_65 : i32 to vector<16xi32>
    tpu.vector_store_idx %arg17[%add3A_48, %broadcast_in_dim3A_66], %broadcast_in_dim3A_1 : memref<128x16xf32, #tpu.memory_space<vmem>>[vector<16xi32>, vector<16xi32>], vector<16xf32>,
    %broadcast_in_dim3A_67 = arith.constant 9 : i32
    %broadcast_in_dim3A_68 = vector.broadcast %broadcast_in_dim3A_67 : i32 to vector<16xi32>
    tpu.vector_store_idx %arg17[%add3A_48, %broadcast_in_dim3A_68], %broadcast_in_dim3A_1 : memref<128x16xf32, #tpu.memory_space<vmem>>[vector<16xi32>, vector<16xi32>], vector<16xf32>,
    %broadcast_in_dim3A_69 = arith.constant 10 : i32
    %broadcast_in_dim3A_70 = vector.broadcast %broadcast_in_dim3A_69 : i32 to vector<16xi32>
    tpu.vector_store_idx %arg17[%add3A_48, %broadcast_in_dim3A_70], %broadcast_in_dim3A_1 : memref<128x16xf32, #tpu.memory_space<vmem>>[vector<16xi32>, vector<16xi32>], vector<16xf32>,
    %broadcast_in_dim3A_71 = arith.constant 11 : i32
    %broadcast_in_dim3A_72 = vector.broadcast %broadcast_in_dim3A_71 : i32 to vector<16xi32>
    tpu.vector_store_idx %arg17[%add3A_48, %broadcast_in_dim3A_72], %broadcast_in_dim3A_1 : memref<128x16xf32, #tpu.memory_space<vmem>>[vector<16xi32>, vector<16xi32>], vector<16xf32>,
    %broadcast_in_dim3A_73 = arith.constant 12 : i32
    %broadcast_in_dim3A_74 = vector.broadcast %broadcast_in_dim3A_73 : i32 to vector<16xi32>
    tpu.vector_store_idx %arg17[%add3A_48, %broadcast_in_dim3A_74], %broadcast_in_dim3A_1 : memref<128x16xf32, #tpu.memory_space<vmem>>[vector<16xi32>, vector<16xi32>], vector<16xf32>,
    %broadcast_in_dim3A_75 = arith.constant 13 : i32
    %broadcast_in_dim3A_76 = vector.broadcast %broadcast_in_dim3A_75 : i32 to vector<16xi32>
    tpu.vector_store_idx %arg17[%add3A_48, %broadcast_in_dim3A_76], %broadcast_in_dim3A_1 : memref<128x16xf32, #tpu.memory_space<vmem>>[vector<16xi32>, vector<16xi32>], vector<16xf32>,
    %broadcast_in_dim3A_77 = arith.constant 14 : i32
    %broadcast_in_dim3A_78 = vector.broadcast %broadcast_in_dim3A_77 : i32 to vector<16xi32>
    tpu.vector_store_idx %arg17[%add3A_48, %broadcast_in_dim3A_78], %broadcast_in_dim3A_1 : memref<128x16xf32, #tpu.memory_space<vmem>>[vector<16xi32>, vector<16xi32>], vector<16xf32>,
    %broadcast_in_dim3A_79 = arith.constant 15 : i32
    %broadcast_in_dim3A_80 = vector.broadcast %broadcast_in_dim3A_79 : i32 to vector<16xi32>
    tpu.vector_store_idx %arg17[%add3A_48, %broadcast_in_dim3A_80], %broadcast_in_dim3A_1 : memref<128x16xf32, #tpu.memory_space<vmem>>[vector<16xi32>, vector<16xi32>], vector<16xf32>,
    %add3A_81 = arith.constant 32 : i32
    %add3A_82 = vector.broadcast %add3A_81 : i32 to vector<16xi32>
    %add3A_83 = arith.addi %iota3A, %add3A_82 : vector<16xi32>
    %broadcast_in_dim3A_84 = arith.constant 0 : i32
    %broadcast_in_dim3A_85 = vector.broadcast %broadcast_in_dim3A_84 : i32 to vector<16xi32>
    tpu.vector_store_idx %arg17[%add3A_83, %broadcast_in_dim3A_85], %broadcast_in_dim3A_1 : memref<128x16xf32, #tpu.memory_space<vmem>>[vector<16xi32>, vector<16xi32>], vector<16xf32>,
    %broadcast_in_dim3A_86 = arith.constant 1 : i32
    %broadcast_in_dim3A_87 = vector.broadcast %broadcast_in_dim3A_86 : i32 to vector<16xi32>
    tpu.vector_store_idx %arg17[%add3A_83, %broadcast_in_dim3A_87], %broadcast_in_dim3A_1 : memref<128x16xf32, #tpu.memory_space<vmem>>[vector<16xi32>, vector<16xi32>], vector<16xf32>,
    %broadcast_in_dim3A_88 = arith.constant 2 : i32
    %broadcast_in_dim3A_89 = vector.broadcast %broadcast_in_dim3A_88 : i32 to vector<16xi32>
    tpu.vector_store_idx %arg17[%add3A_83, %broadcast_in_dim3A_89], %broadcast_in_dim3A_1 : memref<128x16xf32, #tpu.memory_space<vmem>>[vector<16xi32>, vector<16xi32>], vector<16xf32>,
    %broadcast_in_dim3A_90 = arith.constant 3 : i32
    %broadcast_in_dim3A_91 = vector.broadcast %broadcast_in_dim3A_90 : i32 to vector<16xi32>
    tpu.vector_store_idx %arg17[%add3A_83, %broadcast_in_dim3A_91], %broadcast_in_dim3A_1 : memref<128x16xf32, #tpu.memory_space<vmem>>[vector<16xi32>, vector<16xi32>], vector<16xf32>,
    %broadcast_in_dim3A_92 = arith.constant 4 : i32
    %broadcast_in_dim3A_93 = vector.broadcast %broadcast_in_dim3A_92 : i32 to vector<16xi32>
    tpu.vector_store_idx %arg17[%add3A_83, %broadcast_in_dim3A_93], %broadcast_in_dim3A_1 : memref<128x16xf32, #tpu.memory_space<vmem>>[vector<16xi32>, vector<16xi32>], vector<16xf32>,
    %broadcast_in_dim3A_94 = arith.constant 5 : i32
    %broadcast_in_dim3A_95 = vector.broadcast %broadcast_in_dim3A_94 : i32 to vector<16xi32>
    tpu.vector_store_idx %arg17[%add3A_83, %broadcast_in_dim3A_95], %broadcast_in_dim3A_1 : memref<128x16xf32, #tpu.memory_space<vmem>>[vector<16xi32>, vector<16xi32>], vector<16xf32>,
    %broadcast_in_dim3A_96 = arith.constant 6 : i32
    %broadcast_in_dim3A_97 = vector.broadcast %broadcast_in_dim3A_96 : i32 to vector<16xi32>
    tpu.vector_store_idx %arg17[%add3A_83, %broadcast_in_dim3A_97], %broadcast_in_dim3A_1 : memref<128x16xf32, #tpu.memory_space<vmem>>[vector<16xi32>, vector<16xi32>], vector<16xf32>,
    %broadcast_in_dim3A_98 = arith.constant 7 : i32
    %broadcast_in_dim3A_99 = vector.broadcast %broadcast_in_dim3A_98 : i32 to vector<16xi32>
    tpu.vector_store_idx %arg17[%add3A_83, %broadcast_in_dim3A_99], %broadcast_in_dim3A_1 : memref<128x16xf32, #tpu.memory_space<vmem>>[vector<16xi32>, vector<16xi32>], vector<16xf32>,
    %broadcast_in_dim3A_100 = arith.constant 8 : i32
    %broadcast_in_dim3A_101 = vector.broadcast %broadcast_in_dim3A_100 : i32 to vector<16xi32>
    tpu.vector_store_idx %arg17[%add3A_83, %broadcast_in_dim3A_101], %broadcast_in_dim3A_1 : memref<128x16xf32, #tpu.memory_space<vmem>>[vector<16xi32>, vector<16xi32>], vector<16xf32>,
    %broadcast_in_dim3A_102 = arith.constant 9 : i32
    %broadcast_in_dim3A_103 = vector.broadcast %broadcast_in_dim3A_102 : i32 to vector<16xi32>
    tpu.vector_store_idx %arg17[%add3A_83, %broadcast_in_dim3A_103], %broadcast_in_dim3A_1 : memref<128x16xf32, #tpu.memory_space<vmem>>[vector<16xi32>, vector<16xi32>], vector<16xf32>,
    %broadcast_in_dim3A_104 = arith.constant 10 : i32
    %broadcast_in_dim3A_105 = vector.broadcast %broadcast_in_dim3A_104 : i32 to vector<16xi32>
    tpu.vector_store_idx %arg17[%add3A_83, %broadcast_in_dim3A_105], %broadcast_in_dim3A_1 : memref<128x16xf32, #tpu.memory_space<vmem>>[vector<16xi32>, vector<16xi32>], vector<16xf32>,
    %broadcast_in_dim3A_106 = arith.constant 11 : i32
    %broadcast_in_dim3A_107 = vector.broadcast %broadcast_in_dim3A_106 : i32 to vector<16xi32>
    tpu.vector_store_idx %arg17[%add3A_83, %broadcast_in_dim3A_107], %broadcast_in_dim3A_1 : memref<128x16xf32, #tpu.memory_space<vmem>>[vector<16xi32>, vector<16xi32>], vector<16xf32>,
    %broadcast_in_dim3A_108 = arith.constant 12 : i32
    %broadcast_in_dim3A_109 = vector.broadcast %broadcast_in_dim3A_108 : i32 to vector<16xi32>
    tpu.vector_store_idx %arg17[%add3A_83, %broadcast_in_dim3A_109], %broadcast_in_dim3A_1 : memref<128x16xf32, #tpu.memory_space<vmem>>[vector<16xi32>, vector<16xi32>], vector<16xf32>,
    %broadcast_in_dim3A_110 = arith.constant 13 : i32
    %broadcast_in_dim3A_111 = vector.broadcast %broadcast_in_dim3A_110 : i32 to vector<16xi32>
    tpu.vector_store_idx %arg17[%add3A_83, %broadcast_in_dim3A_111], %broadcast_in_dim3A_1 : memref<128x16xf32, #tpu.memory_space<vmem>>[vector<16xi32>, vector<16xi32>], vector<16xf32>,
    %broadcast_in_dim3A_112 = arith.constant 14 : i32
    %broadcast_in_dim3A_113 = vector.broadcast %broadcast_in_dim3A_112 : i32 to vector<16xi32>
    tpu.vector_store_idx %arg17[%add3A_83, %broadcast_in_dim3A_113], %broadcast_in_dim3A_1 : memref<128x16xf32, #tpu.memory_space<vmem>>[vector<16xi32>, vector<16xi32>], vector<16xf32>,
    %broadcast_in_dim3A_114 = arith.constant 15 : i32
    %broadcast_in_dim3A_115 = vector.broadcast %broadcast_in_dim3A_114 : i32 to vector<16xi32>
    tpu.vector_store_idx %arg17[%add3A_83, %broadcast_in_dim3A_115], %broadcast_in_dim3A_1 : memref<128x16xf32, #tpu.memory_space<vmem>>[vector<16xi32>, vector<16xi32>], vector<16xf32>,
    %add3A_116 = arith.constant 48 : i32
    %add3A_117 = vector.broadcast %add3A_116 : i32 to vector<16xi32>
    %add3A_118 = arith.addi %iota3A, %add3A_117 : vector<16xi32>
    %broadcast_in_dim3A_119 = arith.constant 0 : i32
    %broadcast_in_dim3A_120 = vector.broadcast %broadcast_in_dim3A_119 : i32 to vector<16xi32>
    tpu.vector_store_idx %arg17[%add3A_118, %broadcast_in_dim3A_120], %broadcast_in_dim3A_1 : memref<128x16xf32, #tpu.memory_space<vmem>>[vector<16xi32>, vector<16xi32>], vector<16xf32>,
    %broadcast_in_dim3A_121 = arith.constant 1 : i32
    %broadcast_in_dim3A_122 = vector.broadcast %broadcast_in_dim3A_121 : i32 to vector<16xi32>
    tpu.vector_store_idx %arg17[%add3A_118, %broadcast_in_dim3A_122], %broadcast_in_dim3A_1 : memref<128x16xf32, #tpu.memory_space<vmem>>[vector<16xi32>, vector<16xi32>], vector<16xf32>,
    %broadcast_in_dim3A_123 = arith.constant 2 : i32
    %broadcast_in_dim3A_124 = vector.broadcast %broadcast_in_dim3A_123 : i32 to vector<16xi32>
    tpu.vector_store_idx %arg17[%add3A_118, %broadcast_in_dim3A_124], %broadcast_in_dim3A_1 : memref<128x16xf32, #tpu.memory_space<vmem>>[vector<16xi32>, vector<16xi32>], vector<16xf32>,
    %broadcast_in_dim3A_125 = arith.constant 3 : i32
    %broadcast_in_dim3A_126 = vector.broadcast %broadcast_in_dim3A_125 : i32 to vector<16xi32>
    tpu.vector_store_idx %arg17[%add3A_118, %broadcast_in_dim3A_126], %broadcast_in_dim3A_1 : memref<128x16xf32, #tpu.memory_space<vmem>>[vector<16xi32>, vector<16xi32>], vector<16xf32>,
    %broadcast_in_dim3A_127 = arith.constant 4 : i32
    %broadcast_in_dim3A_128 = vector.broadcast %broadcast_in_dim3A_127 : i32 to vector<16xi32>
    tpu.vector_store_idx %arg17[%add3A_118, %broadcast_in_dim3A_128], %broadcast_in_dim3A_1 : memref<128x16xf32, #tpu.memory_space<vmem>>[vector<16xi32>, vector<16xi32>], vector<16xf32>,
    %broadcast_in_dim3A_129 = arith.constant 5 : i32
    %broadcast_in_dim3A_130 = vector.broadcast %broadcast_in_dim3A_129 : i32 to vector<16xi32>
    tpu.vector_store_idx %arg17[%add3A_118, %broadcast_in_dim3A_130], %broadcast_in_dim3A_1 : memref<128x16xf32, #tpu.memory_space<vmem>>[vector<16xi32>, vector<16xi32>], vector<16xf32>,
    %broadcast_in_dim3A_131 = arith.constant 6 : i32
    %broadcast_in_dim3A_132 = vector.broadcast %broadcast_in_dim3A_131 : i32 to vector<16xi32>
    tpu.vector_store_idx %arg17[%add3A_118, %broadcast_in_dim3A_132], %broadcast_in_dim3A_1 : memref<128x16xf32, #tpu.memory_space<vmem>>[vector<16xi32>, vector<16xi32>], vector<16xf32>,
    %broadcast_in_dim3A_133 = arith.constant 7 : i32
    %broadcast_in_dim3A_134 = vector.broadcast %broadcast_in_dim3A_133 : i32 to vector<16xi32>
    tpu.vector_store_idx %arg17[%add3A_118, %broadcast_in_dim3A_134], %broadcast_in_dim3A_1 : memref<128x16xf32, #tpu.memory_space<vmem>>[vector<16xi32>, vector<16xi32>], vector<16xf32>,
    %broadcast_in_dim3A_135 = arith.constant 8 : i32
    %broadcast_in_dim3A_136 = vector.broadcast %broadcast_in_dim3A_135 : i32 to vector<16xi32>
    tpu.vector_store_idx %arg17[%add3A_118, %broadcast_in_dim3A_136], %broadcast_in_dim3A_1 : memref<128x16xf32, #tpu.memory_space<vmem>>[vector<16xi32>, vector<16xi32>], vector<16xf32>,
    %broadcast_in_dim3A_137 = arith.constant 9 : i32
    %broadcast_in_dim3A_138 = vector.broadcast %broadcast_in_dim3A_137 : i32 to vector<16xi32>
    tpu.vector_store_idx %arg17[%add3A_118, %broadcast_in_dim3A_138], %broadcast_in_dim3A_1 : memref<128x16xf32, #tpu.memory_space<vmem>>[vector<16xi32>, vector<16xi32>], vector<16xf32>,
    %broadcast_in_dim3A_139 = arith.constant 10 : i32
    %broadcast_in_dim3A_140 = vector.broadcast %broadcast_in_dim3A_139 : i32 to vector<16xi32>
    tpu.vector_store_idx %arg17[%add3A_118, %broadcast_in_dim3A_140], %broadcast_in_dim3A_1 : memref<128x16xf32, #tpu.memory_space<vmem>>[vector<16xi32>, vector<16xi32>], vector<16xf32>,
    %broadcast_in_dim3A_141 = arith.constant 11 : i32
    %broadcast_in_dim3A_142 = vector.broadcast %broadcast_in_dim3A_141 : i32 to vector<16xi32>
    tpu.vector_store_idx %arg17[%add3A_118, %broadcast_in_dim3A_142], %broadcast_in_dim3A_1 : memref<128x16xf32, #tpu.memory_space<vmem>>[vector<16xi32>, vector<16xi32>], vector<16xf32>,
    %broadcast_in_dim3A_143 = arith.constant 12 : i32
    %broadcast_in_dim3A_144 = vector.broadcast %broadcast_in_dim3A_143 : i32 to vector<16xi32>
    tpu.vector_store_idx %arg17[%add3A_118, %broadcast_in_dim3A_144], %broadcast_in_dim3A_1 : memref<128x16xf32, #tpu.memory_space<vmem>>[vector<16xi32>, vector<16xi32>], vector<16xf32>,
    %broadcast_in_dim3A_145 = arith.constant 13 : i32
    %broadcast_in_dim3A_146 = vector.broadcast %broadcast_in_dim3A_145 : i32 to vector<16xi32>
    tpu.vector_store_idx %arg17[%add3A_118, %broadcast_in_dim3A_146], %broadcast_in_dim3A_1 : memref<128x16xf32, #tpu.memory_space<vmem>>[vector<16xi32>, vector<16xi32>], vector<16xf32>,
    %broadcast_in_dim3A_147 = arith.constant 14 : i32
    %broadcast_in_dim3A_148 = vector.broadcast %broadcast_in_dim3A_147 : i32 to vector<16xi32>
    tpu.vector_store_idx %arg17[%add3A_118, %broadcast_in_dim3A_148], %broadcast_in_dim3A_1 : memref<128x16xf32, #tpu.memory_space<vmem>>[vector<16xi32>, vector<16xi32>], vector<16xf32>,
    %broadcast_in_dim3A_149 = arith.constant 15 : i32
    %broadcast_in_dim3A_150 = vector.broadcast %broadcast_in_dim3A_149 : i32 to vector<16xi32>
    tpu.vector_store_idx %arg17[%add3A_118, %broadcast_in_dim3A_150], %broadcast_in_dim3A_1 : memref<128x16xf32, #tpu.memory_space<vmem>>[vector<16xi32>, vector<16xi32>], vector<16xf32>,
    %add3A_151 = arith.constant 64 : i32
    %add3A_152 = vector.broadcast %add3A_151 : i32 to vector<16xi32>
    %add3A_153 = arith.addi %iota3A, %add3A_152 : vector<16xi32>
    %broadcast_in_dim3A_154 = arith.constant 0 : i32
    %broadcast_in_dim3A_155 = vector.broadcast %broadcast_in_dim3A_154 : i32 to vector<16xi32>
    tpu.vector_store_idx %arg17[%add3A_153, %broadcast_in_dim3A_155], %broadcast_in_dim3A_1 : memref<128x16xf32, #tpu.memory_space<vmem>>[vector<16xi32>, vector<16xi32>], vector<16xf32>,
    %broadcast_in_dim3A_156 = arith.constant 1 : i32
    %broadcast_in_dim3A_157 = vector.broadcast %broadcast_in_dim3A_156 : i32 to vector<16xi32>
    tpu.vector_store_idx %arg17[%add3A_153, %broadcast_in_dim3A_157], %broadcast_in_dim3A_1 : memref<128x16xf32, #tpu.memory_space<vmem>>[vector<16xi32>, vector<16xi32>], vector<16xf32>,
    %broadcast_in_dim3A_158 = arith.constant 2 : i32
    %broadcast_in_dim3A_159 = vector.broadcast %broadcast_in_dim3A_158 : i32 to vector<16xi32>
    tpu.vector_store_idx %arg17[%add3A_153, %broadcast_in_dim3A_159], %broadcast_in_dim3A_1 : memref<128x16xf32, #tpu.memory_space<vmem>>[vector<16xi32>, vector<16xi32>], vector<16xf32>,
    %broadcast_in_dim3A_160 = arith.constant 3 : i32
    %broadcast_in_dim3A_161 = vector.broadcast %broadcast_in_dim3A_160 : i32 to vector<16xi32>
    tpu.vector_store_idx %arg17[%add3A_153, %broadcast_in_dim3A_161], %broadcast_in_dim3A_1 : memref<128x16xf32, #tpu.memory_space<vmem>>[vector<16xi32>, vector<16xi32>], vector<16xf32>,
    %broadcast_in_dim3A_162 = arith.constant 4 : i32
    %broadcast_in_dim3A_163 = vector.broadcast %broadcast_in_dim3A_162 : i32 to vector<16xi32>
    tpu.vector_store_idx %arg17[%add3A_153, %broadcast_in_dim3A_163], %broadcast_in_dim3A_1 : memref<128x16xf32, #tpu.memory_space<vmem>>[vector<16xi32>, vector<16xi32>], vector<16xf32>,
    %broadcast_in_dim3A_164 = arith.constant 5 : i32
    %broadcast_in_dim3A_165 = vector.broadcast %broadcast_in_dim3A_164 : i32 to vector<16xi32>
    tpu.vector_store_idx %arg17[%add3A_153, %broadcast_in_dim3A_165], %broadcast_in_dim3A_1 : memref<128x16xf32, #tpu.memory_space<vmem>>[vector<16xi32>, vector<16xi32>], vector<16xf32>,
    %broadcast_in_dim3A_166 = arith.constant 6 : i32
    %broadcast_in_dim3A_167 = vector.broadcast %broadcast_in_dim3A_166 : i32 to vector<16xi32>
    tpu.vector_store_idx %arg17[%add3A_153, %broadcast_in_dim3A_167], %broadcast_in_dim3A_1 : memref<128x16xf32, #tpu.memory_space<vmem>>[vector<16xi32>, vector<16xi32>], vector<16xf32>,
    %broadcast_in_dim3A_168 = arith.constant 7 : i32
    %broadcast_in_dim3A_169 = vector.broadcast %broadcast_in_dim3A_168 : i32 to vector<16xi32>
    tpu.vector_store_idx %arg17[%add3A_153, %broadcast_in_dim3A_169], %broadcast_in_dim3A_1 : memref<128x16xf32, #tpu.memory_space<vmem>>[vector<16xi32>, vector<16xi32>], vector<16xf32>,
    %broadcast_in_dim3A_170 = arith.constant 8 : i32
    %broadcast_in_dim3A_171 = vector.broadcast %broadcast_in_dim3A_170 : i32 to vector<16xi32>
    tpu.vector_store_idx %arg17[%add3A_153, %broadcast_in_dim3A_171], %broadcast_in_dim3A_1 : memref<128x16xf32, #tpu.memory_space<vmem>>[vector<16xi32>, vector<16xi32>], vector<16xf32>,
    %broadcast_in_dim3A_172 = arith.constant 9 : i32
    %broadcast_in_dim3A_173 = vector.broadcast %broadcast_in_dim3A_172 : i32 to vector<16xi32>
    tpu.vector_store_idx %arg17[%add3A_153, %broadcast_in_dim3A_173], %broadcast_in_dim3A_1 : memref<128x16xf32, #tpu.memory_space<vmem>>[vector<16xi32>, vector<16xi32>], vector<16xf32>,
    %broadcast_in_dim3A_174 = arith.constant 10 : i32
    %broadcast_in_dim3A_175 = vector.broadcast %broadcast_in_dim3A_174 : i32 to vector<16xi32>
    tpu.vector_store_idx %arg17[%add3A_153, %broadcast_in_dim3A_175], %broadcast_in_dim3A_1 : memref<128x16xf32, #tpu.memory_space<vmem>>[vector<16xi32>, vector<16xi32>], vector<16xf32>,
    %broadcast_in_dim3A_176 = arith.constant 11 : i32
    %broadcast_in_dim3A_177 = vector.broadcast %broadcast_in_dim3A_176 : i32 to vector<16xi32>
    tpu.vector_store_idx %arg17[%add3A_153, %broadcast_in_dim3A_177], %broadcast_in_dim3A_1 : memref<128x16xf32, #tpu.memory_space<vmem>>[vector<16xi32>, vector<16xi32>], vector<16xf32>,
    %broadcast_in_dim3A_178 = arith.constant 12 : i32
    %broadcast_in_dim3A_179 = vector.broadcast %broadcast_in_dim3A_178 : i32 to vector<16xi32>
    tpu.vector_store_idx %arg17[%add3A_153, %broadcast_in_dim3A_179], %broadcast_in_dim3A_1 : memref<128x16xf32, #tpu.memory_space<vmem>>[vector<16xi32>, vector<16xi32>], vector<16xf32>,
    %broadcast_in_dim3A_180 = arith.constant 13 : i32
    %broadcast_in_dim3A_181 = vector.broadcast %broadcast_in_dim3A_180 : i32 to vector<16xi32>
    tpu.vector_store_idx %arg17[%add3A_153, %broadcast_in_dim3A_181], %broadcast_in_dim3A_1 : memref<128x16xf32, #tpu.memory_space<vmem>>[vector<16xi32>, vector<16xi32>], vector<16xf32>,
    %broadcast_in_dim3A_182 = arith.constant 14 : i32
    %broadcast_in_dim3A_183 = vector.broadcast %broadcast_in_dim3A_182 : i32 to vector<16xi32>
    tpu.vector_store_idx %arg17[%add3A_153, %broadcast_in_dim3A_183], %broadcast_in_dim3A_1 : memref<128x16xf32, #tpu.memory_space<vmem>>[vector<16xi32>, vector<16xi32>], vector<16xf32>,
    %broadcast_in_dim3A_184 = arith.constant 15 : i32
    %broadcast_in_dim3A_185 = vector.broadcast %broadcast_in_dim3A_184 : i32 to vector<16xi32>
    tpu.vector_store_idx %arg17[%add3A_153, %broadcast_in_dim3A_185], %broadcast_in_dim3A_1 : memref<128x16xf32, #tpu.memory_space<vmem>>[vector<16xi32>, vector<16xi32>], vector<16xf32>,
    %add3A_186 = arith.constant 80 : i32
    %add3A_187 = vector.broadcast %add3A_186 : i32 to vector<16xi32>
    %add3A_188 = arith.addi %iota3A, %add3A_187 : vector<16xi32>
    %broadcast_in_dim3A_189 = arith.constant 0 : i32
    %broadcast_in_dim3A_190 = vector.broadcast %broadcast_in_dim3A_189 : i32 to vector<16xi32>
    tpu.vector_store_idx %arg17[%add3A_188, %broadcast_in_dim3A_190], %broadcast_in_dim3A_1 : memref<128x16xf32, #tpu.memory_space<vmem>>[vector<16xi32>, vector<16xi32>], vector<16xf32>,
    %broadcast_in_dim3A_191 = arith.constant 1 : i32
    %broadcast_in_dim3A_192 = vector.broadcast %broadcast_in_dim3A_191 : i32 to vector<16xi32>
    tpu.vector_store_idx %arg17[%add3A_188, %broadcast_in_dim3A_192], %broadcast_in_dim3A_1 : memref<128x16xf32, #tpu.memory_space<vmem>>[vector<16xi32>, vector<16xi32>], vector<16xf32>,
    %broadcast_in_dim3A_193 = arith.constant 2 : i32
    %broadcast_in_dim3A_194 = vector.broadcast %broadcast_in_dim3A_193 : i32 to vector<16xi32>
    tpu.vector_store_idx %arg17[%add3A_188, %broadcast_in_dim3A_194], %broadcast_in_dim3A_1 : memref<128x16xf32, #tpu.memory_space<vmem>>[vector<16xi32>, vector<16xi32>], vector<16xf32>,
    %broadcast_in_dim3A_195 = arith.constant 3 : i32
    %broadcast_in_dim3A_196 = vector.broadcast %broadcast_in_dim3A_195 : i32 to vector<16xi32>
    tpu.vector_store_idx %arg17[%add3A_188, %broadcast_in_dim3A_196], %broadcast_in_dim3A_1 : memref<128x16xf32, #tpu.memory_space<vmem>>[vector<16xi32>, vector<16xi32>], vector<16xf32>,
    %broadcast_in_dim3A_197 = arith.constant 4 : i32
    %broadcast_in_dim3A_198 = vector.broadcast %broadcast_in_dim3A_197 : i32 to vector<16xi32>
    tpu.vector_store_idx %arg17[%add3A_188, %broadcast_in_dim3A_198], %broadcast_in_dim3A_1 : memref<128x16xf32, #tpu.memory_space<vmem>>[vector<16xi32>, vector<16xi32>], vector<16xf32>,
    %broadcast_in_dim3A_199 = arith.constant 5 : i32
    %broadcast_in_dim3A_200 = vector.broadcast %broadcast_in_dim3A_199 : i32 to vector<16xi32>
    tpu.vector_store_idx %arg17[%add3A_188, %broadcast_in_dim3A_200], %broadcast_in_dim3A_1 : memref<128x16xf32, #tpu.memory_space<vmem>>[vector<16xi32>, vector<16xi32>], vector<16xf32>,
    %broadcast_in_dim3A_201 = arith.constant 6 : i32
    %broadcast_in_dim3A_202 = vector.broadcast %broadcast_in_dim3A_201 : i32 to vector<16xi32>
    tpu.vector_store_idx %arg17[%add3A_188, %broadcast_in_dim3A_202], %broadcast_in_dim3A_1 : memref<128x16xf32, #tpu.memory_space<vmem>>[vector<16xi32>, vector<16xi32>], vector<16xf32>,
    %broadcast_in_dim3A_203 = arith.constant 7 : i32
    %broadcast_in_dim3A_204 = vector.broadcast %broadcast_in_dim3A_203 : i32 to vector<16xi32>
    tpu.vector_store_idx %arg17[%add3A_188, %broadcast_in_dim3A_204], %broadcast_in_dim3A_1 : memref<128x16xf32, #tpu.memory_space<vmem>>[vector<16xi32>, vector<16xi32>], vector<16xf32>,
    %broadcast_in_dim3A_205 = arith.constant 8 : i32
    %broadcast_in_dim3A_206 = vector.broadcast %broadcast_in_dim3A_205 : i32 to vector<16xi32>
    tpu.vector_store_idx %arg17[%add3A_188, %broadcast_in_dim3A_206], %broadcast_in_dim3A_1 : memref<128x16xf32, #tpu.memory_space<vmem>>[vector<16xi32>, vector<16xi32>], vector<16xf32>,
    %broadcast_in_dim3A_207 = arith.constant 9 : i32
    %broadcast_in_dim3A_208 = vector.broadcast %broadcast_in_dim3A_207 : i32 to vector<16xi32>
    tpu.vector_store_idx %arg17[%add3A_188, %broadcast_in_dim3A_208], %broadcast_in_dim3A_1 : memref<128x16xf32, #tpu.memory_space<vmem>>[vector<16xi32>, vector<16xi32>], vector<16xf32>,
    %broadcast_in_dim3A_209 = arith.constant 10 : i32
    %broadcast_in_dim3A_210 = vector.broadcast %broadcast_in_dim3A_209 : i32 to vector<16xi32>
    tpu.vector_store_idx %arg17[%add3A_188, %broadcast_in_dim3A_210], %broadcast_in_dim3A_1 : memref<128x16xf32, #tpu.memory_space<vmem>>[vector<16xi32>, vector<16xi32>], vector<16xf32>,
    %broadcast_in_dim3A_211 = arith.constant 11 : i32
    %broadcast_in_dim3A_212 = vector.broadcast %broadcast_in_dim3A_211 : i32 to vector<16xi32>
    tpu.vector_store_idx %arg17[%add3A_188, %broadcast_in_dim3A_212], %broadcast_in_dim3A_1 : memref<128x16xf32, #tpu.memory_space<vmem>>[vector<16xi32>, vector<16xi32>], vector<16xf32>,
    %broadcast_in_dim3A_213 = arith.constant 12 : i32
    %broadcast_in_dim3A_214 = vector.broadcast %broadcast_in_dim3A_213 : i32 to vector<16xi32>
    tpu.vector_store_idx %arg17[%add3A_188, %broadcast_in_dim3A_214], %broadcast_in_dim3A_1 : memref<128x16xf32, #tpu.memory_space<vmem>>[vector<16xi32>, vector<16xi32>], vector<16xf32>,
    %broadcast_in_dim3A_215 = arith.constant 13 : i32
    %broadcast_in_dim3A_216 = vector.broadcast %broadcast_in_dim3A_215 : i32 to vector<16xi32>
    tpu.vector_store_idx %arg17[%add3A_188, %broadcast_in_dim3A_216], %broadcast_in_dim3A_1 : memref<128x16xf32, #tpu.memory_space<vmem>>[vector<16xi32>, vector<16xi32>], vector<16xf32>,
    %broadcast_in_dim3A_217 = arith.constant 14 : i32
    %broadcast_in_dim3A_218 = vector.broadcast %broadcast_in_dim3A_217 : i32 to vector<16xi32>
    tpu.vector_store_idx %arg17[%add3A_188, %broadcast_in_dim3A_218], %broadcast_in_dim3A_1 : memref<128x16xf32, #tpu.memory_space<vmem>>[vector<16xi32>, vector<16xi32>], vector<16xf32>,
    %broadcast_in_dim3A_219 = arith.constant 15 : i32
    %broadcast_in_dim3A_220 = vector.broadcast %broadcast_in_dim3A_219 : i32 to vector<16xi32>
    tpu.vector_store_idx %arg17[%add3A_188, %broadcast_in_dim3A_220], %broadcast_in_dim3A_1 : memref<128x16xf32, #tpu.memory_space<vmem>>[vector<16xi32>, vector<16xi32>], vector<16xf32>,
    %add3A_221 = arith.constant 96 : i32
    %add3A_222 = vector.broadcast %add3A_221 : i32 to vector<16xi32>
    %add3A_223 = arith.addi %iota3A, %add3A_222 : vector<16xi32>
    %broadcast_in_dim3A_224 = arith.constant 0 : i32
    %broadcast_in_dim3A_225 = vector.broadcast %broadcast_in_dim3A_224 : i32 to vector<16xi32>
    tpu.vector_store_idx %arg17[%add3A_223, %broadcast_in_dim3A_225], %broadcast_in_dim3A_1 : memref<128x16xf32, #tpu.memory_space<vmem>>[vector<16xi32>, vector<16xi32>], vector<16xf32>,
    %broadcast_in_dim3A_226 = arith.constant 1 : i32
    %broadcast_in_dim3A_227 = vector.broadcast %broadcast_in_dim3A_226 : i32 to vector<16xi32>
    tpu.vector_store_idx %arg17[%add3A_223, %broadcast_in_dim3A_227], %broadcast_in_dim3A_1 : memref<128x16xf32, #tpu.memory_space<vmem>>[vector<16xi32>, vector<16xi32>], vector<16xf32>,
    %broadcast_in_dim3A_228 = arith.constant 2 : i32
    %broadcast_in_dim3A_229 = vector.broadcast %broadcast_in_dim3A_228 : i32 to vector<16xi32>
    tpu.vector_store_idx %arg17[%add3A_223, %broadcast_in_dim3A_229], %broadcast_in_dim3A_1 : memref<128x16xf32, #tpu.memory_space<vmem>>[vector<16xi32>, vector<16xi32>], vector<16xf32>,
    %broadcast_in_dim3A_230 = arith.constant 3 : i32
    %broadcast_in_dim3A_231 = vector.broadcast %broadcast_in_dim3A_230 : i32 to vector<16xi32>
    tpu.vector_store_idx %arg17[%add3A_223, %broadcast_in_dim3A_231], %broadcast_in_dim3A_1 : memref<128x16xf32, #tpu.memory_space<vmem>>[vector<16xi32>, vector<16xi32>], vector<16xf32>,
    %broadcast_in_dim3A_232 = arith.constant 4 : i32
    %broadcast_in_dim3A_233 = vector.broadcast %broadcast_in_dim3A_232 : i32 to vector<16xi32>
    tpu.vector_store_idx %arg17[%add3A_223, %broadcast_in_dim3A_233], %broadcast_in_dim3A_1 : memref<128x16xf32, #tpu.memory_space<vmem>>[vector<16xi32>, vector<16xi32>], vector<16xf32>,
    %broadcast_in_dim3A_234 = arith.constant 5 : i32
    %broadcast_in_dim3A_235 = vector.broadcast %broadcast_in_dim3A_234 : i32 to vector<16xi32>
    tpu.vector_store_idx %arg17[%add3A_223, %broadcast_in_dim3A_235], %broadcast_in_dim3A_1 : memref<128x16xf32, #tpu.memory_space<vmem>>[vector<16xi32>, vector<16xi32>], vector<16xf32>,
    %broadcast_in_dim3A_236 = arith.constant 6 : i32
    %broadcast_in_dim3A_237 = vector.broadcast %broadcast_in_dim3A_236 : i32 to vector<16xi32>
    tpu.vector_store_idx %arg17[%add3A_223, %broadcast_in_dim3A_237], %broadcast_in_dim3A_1 : memref<128x16xf32, #tpu.memory_space<vmem>>[vector<16xi32>, vector<16xi32>], vector<16xf32>,
    %broadcast_in_dim3A_238 = arith.constant 7 : i32
    %broadcast_in_dim3A_239 = vector.broadcast %broadcast_in_dim3A_238 : i32 to vector<16xi32>
    tpu.vector_store_idx %arg17[%add3A_223, %broadcast_in_dim3A_239], %broadcast_in_dim3A_1 : memref<128x16xf32, #tpu.memory_space<vmem>>[vector<16xi32>, vector<16xi32>], vector<16xf32>,
    %broadcast_in_dim3A_240 = arith.constant 8 : i32
    %broadcast_in_dim3A_241 = vector.broadcast %broadcast_in_dim3A_240 : i32 to vector<16xi32>
    tpu.vector_store_idx %arg17[%add3A_223, %broadcast_in_dim3A_241], %broadcast_in_dim3A_1 : memref<128x16xf32, #tpu.memory_space<vmem>>[vector<16xi32>, vector<16xi32>], vector<16xf32>,
    %broadcast_in_dim3A_242 = arith.constant 9 : i32
    %broadcast_in_dim3A_243 = vector.broadcast %broadcast_in_dim3A_242 : i32 to vector<16xi32>
    tpu.vector_store_idx %arg17[%add3A_223, %broadcast_in_dim3A_243], %broadcast_in_dim3A_1 : memref<128x16xf32, #tpu.memory_space<vmem>>[vector<16xi32>, vector<16xi32>], vector<16xf32>,
    %broadcast_in_dim3A_244 = arith.constant 10 : i32
    %broadcast_in_dim3A_245 = vector.broadcast %broadcast_in_dim3A_244 : i32 to vector<16xi32>
    tpu.vector_store_idx %arg17[%add3A_223, %broadcast_in_dim3A_245], %broadcast_in_dim3A_1 : memref<128x16xf32, #tpu.memory_space<vmem>>[vector<16xi32>, vector<16xi32>], vector<16xf32>,
    %broadcast_in_dim3A_246 = arith.constant 11 : i32
    %broadcast_in_dim3A_247 = vector.broadcast %broadcast_in_dim3A_246 : i32 to vector<16xi32>
    tpu.vector_store_idx %arg17[%add3A_223, %broadcast_in_dim3A_247], %broadcast_in_dim3A_1 : memref<128x16xf32, #tpu.memory_space<vmem>>[vector<16xi32>, vector<16xi32>], vector<16xf32>,
    %broadcast_in_dim3A_248 = arith.constant 12 : i32
    %broadcast_in_dim3A_249 = vector.broadcast %broadcast_in_dim3A_248 : i32 to vector<16xi32>
    tpu.vector_store_idx %arg17[%add3A_223, %broadcast_in_dim3A_249], %broadcast_in_dim3A_1 : memref<128x16xf32, #tpu.memory_space<vmem>>[vector<16xi32>, vector<16xi32>], vector<16xf32>,
    %broadcast_in_dim3A_250 = arith.constant 13 : i32
    %broadcast_in_dim3A_251 = vector.broadcast %broadcast_in_dim3A_250 : i32 to vector<16xi32>
    tpu.vector_store_idx %arg17[%add3A_223, %broadcast_in_dim3A_251], %broadcast_in_dim3A_1 : memref<128x16xf32, #tpu.memory_space<vmem>>[vector<16xi32>, vector<16xi32>], vector<16xf32>,
    %broadcast_in_dim3A_252 = arith.constant 14 : i32
    %broadcast_in_dim3A_253 = vector.broadcast %broadcast_in_dim3A_252 : i32 to vector<16xi32>
    tpu.vector_store_idx %arg17[%add3A_223, %broadcast_in_dim3A_253], %broadcast_in_dim3A_1 : memref<128x16xf32, #tpu.memory_space<vmem>>[vector<16xi32>, vector<16xi32>], vector<16xf32>,
    %broadcast_in_dim3A_254 = arith.constant 15 : i32
    %broadcast_in_dim3A_255 = vector.broadcast %broadcast_in_dim3A_254 : i32 to vector<16xi32>
    tpu.vector_store_idx %arg17[%add3A_223, %broadcast_in_dim3A_255], %broadcast_in_dim3A_1 : memref<128x16xf32, #tpu.memory_space<vmem>>[vector<16xi32>, vector<16xi32>], vector<16xf32>,
    %add3A_256 = arith.constant 112 : i32
    %add3A_257 = vector.broadcast %add3A_256 : i32 to vector<16xi32>
    %add3A_258 = arith.addi %iota3A, %add3A_257 : vector<16xi32>
    %broadcast_in_dim3A_259 = arith.constant 0 : i32
    %broadcast_in_dim3A_260 = vector.broadcast %broadcast_in_dim3A_259 : i32 to vector<16xi32>
    tpu.vector_store_idx %arg17[%add3A_258, %broadcast_in_dim3A_260], %broadcast_in_dim3A_1 : memref<128x16xf32, #tpu.memory_space<vmem>>[vector<16xi32>, vector<16xi32>], vector<16xf32>,
    %broadcast_in_dim3A_261 = arith.constant 1 : i32
    %broadcast_in_dim3A_262 = vector.broadcast %broadcast_in_dim3A_261 : i32 to vector<16xi32>
    tpu.vector_store_idx %arg17[%add3A_258, %broadcast_in_dim3A_262], %broadcast_in_dim3A_1 : memref<128x16xf32, #tpu.memory_space<vmem>>[vector<16xi32>, vector<16xi32>], vector<16xf32>,
    %broadcast_in_dim3A_263 = arith.constant 2 : i32
    %broadcast_in_dim3A_264 = vector.broadcast %broadcast_in_dim3A_263 : i32 to vector<16xi32>
    tpu.vector_store_idx %arg17[%add3A_258, %broadcast_in_dim3A_264], %broadcast_in_dim3A_1 : memref<128x16xf32, #tpu.memory_space<vmem>>[vector<16xi32>, vector<16xi32>], vector<16xf32>,
    %broadcast_in_dim3A_265 = arith.constant 3 : i32
    %broadcast_in_dim3A_266 = vector.broadcast %broadcast_in_dim3A_265 : i32 to vector<16xi32>
    tpu.vector_store_idx %arg17[%add3A_258, %broadcast_in_dim3A_266], %broadcast_in_dim3A_1 : memref<128x16xf32, #tpu.memory_space<vmem>>[vector<16xi32>, vector<16xi32>], vector<16xf32>,
    %broadcast_in_dim3A_267 = arith.constant 4 : i32
    %broadcast_in_dim3A_268 = vector.broadcast %broadcast_in_dim3A_267 : i32 to vector<16xi32>
    tpu.vector_store_idx %arg17[%add3A_258, %broadcast_in_dim3A_268], %broadcast_in_dim3A_1 : memref<128x16xf32, #tpu.memory_space<vmem>>[vector<16xi32>, vector<16xi32>], vector<16xf32>,
    %broadcast_in_dim3A_269 = arith.constant 5 : i32
    %broadcast_in_dim3A_270 = vector.broadcast %broadcast_in_dim3A_269 : i32 to vector<16xi32>
    tpu.vector_store_idx %arg17[%add3A_258, %broadcast_in_dim3A_270], %broadcast_in_dim3A_1 : memref<128x16xf32, #tpu.memory_space<vmem>>[vector<16xi32>, vector<16xi32>], vector<16xf32>,
    %broadcast_in_dim3A_271 = arith.constant 6 : i32
    %broadcast_in_dim3A_272 = vector.broadcast %broadcast_in_dim3A_271 : i32 to vector<16xi32>
    tpu.vector_store_idx %arg17[%add3A_258, %broadcast_in_dim3A_272], %broadcast_in_dim3A_1 : memref<128x16xf32, #tpu.memory_space<vmem>>[vector<16xi32>, vector<16xi32>], vector<16xf32>,
    %broadcast_in_dim3A_273 = arith.constant 7 : i32
    %broadcast_in_dim3A_274 = vector.broadcast %broadcast_in_dim3A_273 : i32 to vector<16xi32>
    tpu.vector_store_idx %arg17[%add3A_258, %broadcast_in_dim3A_274], %broadcast_in_dim3A_1 : memref<128x16xf32, #tpu.memory_space<vmem>>[vector<16xi32>, vector<16xi32>], vector<16xf32>,
    %broadcast_in_dim3A_275 = arith.constant 8 : i32
    %broadcast_in_dim3A_276 = vector.broadcast %broadcast_in_dim3A_275 : i32 to vector<16xi32>
    tpu.vector_store_idx %arg17[%add3A_258, %broadcast_in_dim3A_276], %broadcast_in_dim3A_1 : memref<128x16xf32, #tpu.memory_space<vmem>>[vector<16xi32>, vector<16xi32>], vector<16xf32>,
    %broadcast_in_dim3A_277 = arith.constant 9 : i32
    %broadcast_in_dim3A_278 = vector.broadcast %broadcast_in_dim3A_277 : i32 to vector<16xi32>
    tpu.vector_store_idx %arg17[%add3A_258, %broadcast_in_dim3A_278], %broadcast_in_dim3A_1 : memref<128x16xf32, #tpu.memory_space<vmem>>[vector<16xi32>, vector<16xi32>], vector<16xf32>,
    %broadcast_in_dim3A_279 = arith.constant 10 : i32
    %broadcast_in_dim3A_280 = vector.broadcast %broadcast_in_dim3A_279 : i32 to vector<16xi32>
    tpu.vector_store_idx %arg17[%add3A_258, %broadcast_in_dim3A_280], %broadcast_in_dim3A_1 : memref<128x16xf32, #tpu.memory_space<vmem>>[vector<16xi32>, vector<16xi32>], vector<16xf32>,
    %broadcast_in_dim3A_281 = arith.constant 11 : i32
    %broadcast_in_dim3A_282 = vector.broadcast %broadcast_in_dim3A_281 : i32 to vector<16xi32>
    tpu.vector_store_idx %arg17[%add3A_258, %broadcast_in_dim3A_282], %broadcast_in_dim3A_1 : memref<128x16xf32, #tpu.memory_space<vmem>>[vector<16xi32>, vector<16xi32>], vector<16xf32>,
    %broadcast_in_dim3A_283 = arith.constant 12 : i32
    %broadcast_in_dim3A_284 = vector.broadcast %broadcast_in_dim3A_283 : i32 to vector<16xi32>
    tpu.vector_store_idx %arg17[%add3A_258, %broadcast_in_dim3A_284], %broadcast_in_dim3A_1 : memref<128x16xf32, #tpu.memory_space<vmem>>[vector<16xi32>, vector<16xi32>], vector<16xf32>,
    %broadcast_in_dim3A_285 = arith.constant 13 : i32
    %broadcast_in_dim3A_286 = vector.broadcast %broadcast_in_dim3A_285 : i32 to vector<16xi32>
    tpu.vector_store_idx %arg17[%add3A_258, %broadcast_in_dim3A_286], %broadcast_in_dim3A_1 : memref<128x16xf32, #tpu.memory_space<vmem>>[vector<16xi32>, vector<16xi32>], vector<16xf32>,
    %broadcast_in_dim3A_287 = arith.constant 14 : i32
    %broadcast_in_dim3A_288 = vector.broadcast %broadcast_in_dim3A_287 : i32 to vector<16xi32>
    tpu.vector_store_idx %arg17[%add3A_258, %broadcast_in_dim3A_288], %broadcast_in_dim3A_1 : memref<128x16xf32, #tpu.memory_space<vmem>>[vector<16xi32>, vector<16xi32>], vector<16xf32>,
    %broadcast_in_dim3A_289 = arith.constant 15 : i32
    %broadcast_in_dim3A_290 = vector.broadcast %broadcast_in_dim3A_289 : i32 to vector<16xi32>
    tpu.vector_store_idx %arg17[%add3A_258, %broadcast_in_dim3A_290], %broadcast_in_dim3A_1 : memref<128x16xf32, #tpu.memory_space<vmem>>[vector<16xi32>, vector<16xi32>], vector<16xf32>,
    %mul3A_291 = arith.constant 640 : i32
    %mul3A_292 = arith.muli %arg1, %mul3A_291 : i32
    %add3A_293 = arith.constant 0 : i32
    %add3A_294 = arith.addi %mul3A_292, %add3A_293 : i32
    "tpu.region"() ({
      %run_scoped3A = tpu.sem_alloc : memref<!tpu.dma_semaphore, #tpu.memory_space<semaphore_mem>>
      %dma_start3A = arith.constant 0 : i32
      %dma_start3A_351 = tpu.memref_slice %arg21[%add3A_294, %dma_start3A] : memref<10240x128xf32, #tpu.memory_space<vmem_shared>> -> memref<128x128xf32, #tpu.memory_space<vmem_shared>>
      %dma_start3A_352 = arith.constant 0 : i32
      %dma_start3A_353 = tpu.memref_slice %arg21[%add3A_294, %dma_start3A_352] : memref<10240x128xf32, #tpu.memory_space<vmem_shared>> -> memref<128x128xf32, #tpu.memory_space<vmem_shared>>
      tpu.enqueue_dma source(%arg16 : memref<128x128xf32, #tpu.memory_space<vmem>>) target(%dma_start3A_353 : memref<128x128xf32, #tpu.memory_space<vmem_shared>>) target_semaphore(%run_scoped3A : memref<!tpu.dma_semaphore, #tpu.memory_space<semaphore_mem>>)
      %dma_wait3A = arith.constant 0 : i32
      %dma_wait3A_354 = tpu.memref_slice %arg21[%add3A_294, %dma_wait3A] : memref<10240x128xf32, #tpu.memory_space<vmem_shared>> -> memref<128x128xf32, #tpu.memory_space<vmem_shared>>
      %dma_wait3A_355 = arith.constant 0 : i32
      %dma_wait3A_356 = tpu.memref_slice %arg21[%add3A_294, %dma_wait3A_355] : memref<10240x128xf32, #tpu.memory_space<vmem_shared>> -> memref<128x128xf32, #tpu.memory_space<vmem_shared>>
      tpu.wait_dma2 semaphore(%run_scoped3A : memref<!tpu.dma_semaphore, #tpu.memory_space<semaphore_mem>>) src(%arg16 : memref<128x128xf32, #tpu.memory_space<vmem>>) dst(%dma_wait3A_356 : memref<128x128xf32, #tpu.memory_space<vmem_shared>>)
      tpu.yield
    }) : () -> ()
    %add3A_295 = arith.constant 0 : i32
    %add3A_296 = arith.addi %mul3A_292, %add3A_295 : i32
    "tpu.region"() ({
      %run_scoped3A = tpu.sem_alloc : memref<!tpu.dma_semaphore, #tpu.memory_space<semaphore_mem>>
      %dma_start3A = arith.constant 0 : i32
      %dma_start3A_351 = tpu.memref_slice %arg22[%add3A_296, %dma_start3A] : memref<10240x16xf32, #tpu.memory_space<vmem_shared>> -> memref<128x16xf32, #tpu.memory_space<vmem_shared>>
      %dma_start3A_352 = arith.constant 0 : i32
      %dma_start3A_353 = tpu.memref_slice %arg22[%add3A_296, %dma_start3A_352] : memref<10240x16xf32, #tpu.memory_space<vmem_shared>> -> memref<128x16xf32, #tpu.memory_space<vmem_shared>>
      tpu.enqueue_dma source(%arg17 : memref<128x16xf32, #tpu.memory_space<vmem>>) target(%dma_start3A_353 : memref<128x16xf32, #tpu.memory_space<vmem_shared>>) target_semaphore(%run_scoped3A : memref<!tpu.dma_semaphore, #tpu.memory_space<semaphore_mem>>)
      %dma_wait3A = arith.constant 0 : i32
      %dma_wait3A_354 = tpu.memref_slice %arg22[%add3A_296, %dma_wait3A] : memref<10240x16xf32, #tpu.memory_space<vmem_shared>> -> memref<128x16xf32, #tpu.memory_space<vmem_shared>>
      %dma_wait3A_355 = arith.constant 0 : i32
      %dma_wait3A_356 = tpu.memref_slice %arg22[%add3A_296, %dma_wait3A_355] : memref<10240x16xf32, #tpu.memory_space<vmem_shared>> -> memref<128x16xf32, #tpu.memory_space<vmem_shared>>
      tpu.wait_dma2 semaphore(%run_scoped3A : memref<!tpu.dma_semaphore, #tpu.memory_space<semaphore_mem>>) src(%arg17 : memref<128x16xf32, #tpu.memory_space<vmem>>) dst(%dma_wait3A_356 : memref<128x16xf32, #tpu.memory_space<vmem_shared>>)
      tpu.yield
    }) : () -> ()
    %add3A_297 = arith.constant 0 : i32
    %add3A_298 = arith.addi %mul3A_292, %add3A_297 : i32
    %add3A_299 = arith.constant 0 : i32
    %add3A_300 = arith.addi %mul3A_292, %add3A_299 : i32
    "tpu.region"() ({
      %run_scoped3A = tpu.sem_alloc : memref<!tpu.dma_semaphore, #tpu.memory_space<semaphore_mem>>
      %dma_start3A = arith.constant 0 : i32
      %dma_start3A_351 = tpu.memref_slice %arg23[%add3A_300, %dma_start3A] : memref<10240x16xf32, #tpu.memory_space<vmem_shared>> -> memref<128x16xf32, #tpu.memory_space<vmem_shared>>
      %dma_start3A_352 = arith.constant 0 : i32
      %dma_start3A_353 = tpu.memref_slice %arg3[%add3A_298, %dma_start3A_352] : memref<10240x16xf32, #tpu.memory_space<hbm>> -> memref<128x16xf32, #tpu.memory_space<hbm>>
      tpu.enqueue_dma source(%dma_start3A_353 : memref<128x16xf32, #tpu.memory_space<hbm>>) target(%dma_start3A_351 : memref<128x16xf32, #tpu.memory_space<vmem_shared>>) target_semaphore(%run_scoped3A : memref<!tpu.dma_semaphore, #tpu.memory_space<semaphore_mem>>)
      %dma_wait3A = arith.constant 0 : i32
      %dma_wait3A_354 = tpu.memref_slice %arg23[%add3A_300, %dma_wait3A] : memref<10240x16xf32, #tpu.memory_space<vmem_shared>> -> memref<128x16xf32, #tpu.memory_space<vmem_shared>>
      %dma_wait3A_355 = arith.constant 0 : i32
      %dma_wait3A_356 = tpu.memref_slice %arg3[%add3A_298, %dma_wait3A_355] : memref<10240x16xf32, #tpu.memory_space<hbm>> -> memref<128x16xf32, #tpu.memory_space<hbm>>
      tpu.wait_dma2 semaphore(%run_scoped3A : memref<!tpu.dma_semaphore, #tpu.memory_space<semaphore_mem>>) src(%dma_wait3A_356 : memref<128x16xf32, #tpu.memory_space<hbm>>) dst(%dma_wait3A_354 : memref<128x16xf32, #tpu.memory_space<vmem_shared>>)
      tpu.yield
    }) : () -> ()
    %add3A_301 = arith.constant 128 : i32
    %add3A_302 = arith.addi %mul3A_292, %add3A_301 : i32
    "tpu.region"() ({
      %run_scoped3A = tpu.sem_alloc : memref<!tpu.dma_semaphore, #tpu.memory_space<semaphore_mem>>
      %dma_start3A = arith.constant 0 : i32
      %dma_start3A_351 = tpu.memref_slice %arg21[%add3A_302, %dma_start3A] : memref<10240x128xf32, #tpu.memory_space<vmem_shared>> -> memref<128x128xf32, #tpu.memory_space<vmem_shared>>
      %dma_start3A_352 = arith.constant 0 : i32
      %dma_start3A_353 = tpu.memref_slice %arg21[%add3A_302, %dma_start3A_352] : memref<10240x128xf32, #tpu.memory_space<vmem_shared>> -> memref<128x128xf32, #tpu.memory_space<vmem_shared>>
      tpu.enqueue_dma source(%arg16 : memref<128x128xf32, #tpu.memory_space<vmem>>) target(%dma_start3A_353 : memref<128x128xf32, #tpu.memory_space<vmem_shared>>) target_semaphore(%run_scoped3A : memref<!tpu.dma_semaphore, #tpu.memory_space<semaphore_mem>>)
      %dma_wait3A = arith.constant 0 : i32
      %dma_wait3A_354 = tpu.memref_slice %arg21[%add3A_302, %dma_wait3A] : memref<10240x128xf32, #tpu.memory_space<vmem_shared>> -> memref<128x128xf32, #tpu.memory_space<vmem_shared>>
      %dma_wait3A_355 = arith.constant 0 : i32
      %dma_wait3A_356 = tpu.memref_slice %arg21[%add3A_302, %dma_wait3A_355] : memref<10240x128xf32, #tpu.memory_space<vmem_shared>> -> memref<128x128xf32, #tpu.memory_space<vmem_shared>>
      tpu.wait_dma2 semaphore(%run_scoped3A : memref<!tpu.dma_semaphore, #tpu.memory_space<semaphore_mem>>) src(%arg16 : memref<128x128xf32, #tpu.memory_space<vmem>>) dst(%dma_wait3A_356 : memref<128x128xf32, #tpu.memory_space<vmem_shared>>)
      tpu.yield
    }) : () -> ()
    %add3A_303 = arith.constant 128 : i32
    %add3A_304 = arith.addi %mul3A_292, %add3A_303 : i32
    "tpu.region"() ({
      %run_scoped3A = tpu.sem_alloc : memref<!tpu.dma_semaphore, #tpu.memory_space<semaphore_mem>>
      %dma_start3A = arith.constant 0 : i32
      %dma_start3A_351 = tpu.memref_slice %arg22[%add3A_304, %dma_start3A] : memref<10240x16xf32, #tpu.memory_space<vmem_shared>> -> memref<128x16xf32, #tpu.memory_space<vmem_shared>>
      %dma_start3A_352 = arith.constant 0 : i32
      %dma_start3A_353 = tpu.memref_slice %arg22[%add3A_304, %dma_start3A_352] : memref<10240x16xf32, #tpu.memory_space<vmem_shared>> -> memref<128x16xf32, #tpu.memory_space<vmem_shared>>
      tpu.enqueue_dma source(%arg17 : memref<128x16xf32, #tpu.memory_space<vmem>>) target(%dma_start3A_353 : memref<128x16xf32, #tpu.memory_space<vmem_shared>>) target_semaphore(%run_scoped3A : memref<!tpu.dma_semaphore, #tpu.memory_space<semaphore_mem>>)
      %dma_wait3A = arith.constant 0 : i32
      %dma_wait3A_354 = tpu.memref_slice %arg22[%add3A_304, %dma_wait3A] : memref<10240x16xf32, #tpu.memory_space<vmem_shared>> -> memref<128x16xf32, #tpu.memory_space<vmem_shared>>
      %dma_wait3A_355 = arith.constant 0 : i32
      %dma_wait3A_356 = tpu.memref_slice %arg22[%add3A_304, %dma_wait3A_355] : memref<10240x16xf32, #tpu.memory_space<vmem_shared>> -> memref<128x16xf32, #tpu.memory_space<vmem_shared>>
      tpu.wait_dma2 semaphore(%run_scoped3A : memref<!tpu.dma_semaphore, #tpu.memory_space<semaphore_mem>>) src(%arg17 : memref<128x16xf32, #tpu.memory_space<vmem>>) dst(%dma_wait3A_356 : memref<128x16xf32, #tpu.memory_space<vmem_shared>>)
      tpu.yield
    }) : () -> ()
    %add3A_305 = arith.constant 128 : i32
    %add3A_306 = arith.addi %mul3A_292, %add3A_305 : i32
    %add3A_307 = arith.constant 128 : i32
    %add3A_308 = arith.addi %mul3A_292, %add3A_307 : i32
    "tpu.region"() ({
      %run_scoped3A = tpu.sem_alloc : memref<!tpu.dma_semaphore, #tpu.memory_space<semaphore_mem>>
      %dma_start3A = arith.constant 0 : i32
      %dma_start3A_351 = tpu.memref_slice %arg23[%add3A_308, %dma_start3A] : memref<10240x16xf32, #tpu.memory_space<vmem_shared>> -> memref<128x16xf32, #tpu.memory_space<vmem_shared>>
      %dma_start3A_352 = arith.constant 0 : i32
      %dma_start3A_353 = tpu.memref_slice %arg3[%add3A_306, %dma_start3A_352] : memref<10240x16xf32, #tpu.memory_space<hbm>> -> memref<128x16xf32, #tpu.memory_space<hbm>>
      tpu.enqueue_dma source(%dma_start3A_353 : memref<128x16xf32, #tpu.memory_space<hbm>>) target(%dma_start3A_351 : memref<128x16xf32, #tpu.memory_space<vmem_shared>>) target_semaphore(%run_scoped3A : memref<!tpu.dma_semaphore, #tpu.memory_space<semaphore_mem>>)
      %dma_wait3A = arith.constant 0 : i32
      %dma_wait3A_354 = tpu.memref_slice %arg23[%add3A_308, %dma_wait3A] : memref<10240x16xf32, #tpu.memory_space<vmem_shared>> -> memref<128x16xf32, #tpu.memory_space<vmem_shared>>
      %dma_wait3A_355 = arith.constant 0 : i32
      %dma_wait3A_356 = tpu.memref_slice %arg3[%add3A_306, %dma_wait3A_355] : memref<10240x16xf32, #tpu.memory_space<hbm>> -> memref<128x16xf32, #tpu.memory_space<hbm>>
      tpu.wait_dma2 semaphore(%run_scoped3A : memref<!tpu.dma_semaphore, #tpu.memory_space<semaphore_mem>>) src(%dma_wait3A_356 : memref<128x16xf32, #tpu.memory_space<hbm>>) dst(%dma_wait3A_354 : memref<128x16xf32, #tpu.memory_space<vmem_shared>>)
      tpu.yield
    }) : () -> ()
    %add3A_309 = arith.constant 256 : i32
    %add3A_310 = arith.addi %mul3A_292, %add3A_309 : i32
    "tpu.region"() ({
      %run_scoped3A = tpu.sem_alloc : memref<!tpu.dma_semaphore, #tpu.memory_space<semaphore_mem>>
      %dma_start3A = arith.constant 0 : i32
      %dma_start3A_351 = tpu.memref_slice %arg21[%add3A_310, %dma_start3A] : memref<10240x128xf32, #tpu.memory_space<vmem_shared>> -> memref<128x128xf32, #tpu.memory_space<vmem_shared>>
      %dma_start3A_352 = arith.constant 0 : i32
      %dma_start3A_353 = tpu.memref_slice %arg21[%add3A_310, %dma_start3A_352] : memref<10240x128xf32, #tpu.memory_space<vmem_shared>> -> memref<128x128xf32, #tpu.memory_space<vmem_shared>>
      tpu.enqueue_dma source(%arg16 : memref<128x128xf32, #tpu.memory_space<vmem>>) target(%dma_start3A_353 : memref<128x128xf32, #tpu.memory_space<vmem_shared>>) target_semaphore(%run_scoped3A : memref<!tpu.dma_semaphore, #tpu.memory_space<semaphore_mem>>)
      %dma_wait3A = arith.constant 0 : i32
      %dma_wait3A_354 = tpu.memref_slice %arg21[%add3A_310, %dma_wait3A] : memref<10240x128xf32, #tpu.memory_space<vmem_shared>> -> memref<128x128xf32, #tpu.memory_space<vmem_shared>>
      %dma_wait3A_355 = arith.constant 0 : i32
      %dma_wait3A_356 = tpu.memref_slice %arg21[%add3A_310, %dma_wait3A_355] : memref<10240x128xf32, #tpu.memory_space<vmem_shared>> -> memref<128x128xf32, #tpu.memory_space<vmem_shared>>
      tpu.wait_dma2 semaphore(%run_scoped3A : memref<!tpu.dma_semaphore, #tpu.memory_space<semaphore_mem>>) src(%arg16 : memref<128x128xf32, #tpu.memory_space<vmem>>) dst(%dma_wait3A_356 : memref<128x128xf32, #tpu.memory_space<vmem_shared>>)
      tpu.yield
    }) : () -> ()
    %add3A_311 = arith.constant 256 : i32
    %add3A_312 = arith.addi %mul3A_292, %add3A_311 : i32
    "tpu.region"() ({
      %run_scoped3A = tpu.sem_alloc : memref<!tpu.dma_semaphore, #tpu.memory_space<semaphore_mem>>
      %dma_start3A = arith.constant 0 : i32
      %dma_start3A_351 = tpu.memref_slice %arg22[%add3A_312, %dma_start3A] : memref<10240x16xf32, #tpu.memory_space<vmem_shared>> -> memref<128x16xf32, #tpu.memory_space<vmem_shared>>
      %dma_start3A_352 = arith.constant 0 : i32
      %dma_start3A_353 = tpu.memref_slice %arg22[%add3A_312, %dma_start3A_352] : memref<10240x16xf32, #tpu.memory_space<vmem_shared>> -> memref<128x16xf32, #tpu.memory_space<vmem_shared>>
      tpu.enqueue_dma source(%arg17 : memref<128x16xf32, #tpu.memory_space<vmem>>) target(%dma_start3A_353 : memref<128x16xf32, #tpu.memory_space<vmem_shared>>) target_semaphore(%run_scoped3A : memref<!tpu.dma_semaphore, #tpu.memory_space<semaphore_mem>>)
      %dma_wait3A = arith.constant 0 : i32
      %dma_wait3A_354 = tpu.memref_slice %arg22[%add3A_312, %dma_wait3A] : memref<10240x16xf32, #tpu.memory_space<vmem_shared>> -> memref<128x16xf32, #tpu.memory_space<vmem_shared>>
      %dma_wait3A_355 = arith.constant 0 : i32
      %dma_wait3A_356 = tpu.memref_slice %arg22[%add3A_312, %dma_wait3A_355] : memref<10240x16xf32, #tpu.memory_space<vmem_shared>> -> memref<128x16xf32, #tpu.memory_space<vmem_shared>>
      tpu.wait_dma2 semaphore(%run_scoped3A : memref<!tpu.dma_semaphore, #tpu.memory_space<semaphore_mem>>) src(%arg17 : memref<128x16xf32, #tpu.memory_space<vmem>>) dst(%dma_wait3A_356 : memref<128x16xf32, #tpu.memory_space<vmem_shared>>)
      tpu.yield
    }) : () -> ()
    %add3A_313 = arith.constant 256 : i32
    %add3A_314 = arith.addi %mul3A_292, %add3A_313 : i32
    %add3A_315 = arith.constant 256 : i32
    %add3A_316 = arith.addi %mul3A_292, %add3A_315 : i32
    "tpu.region"() ({
      %run_scoped3A = tpu.sem_alloc : memref<!tpu.dma_semaphore, #tpu.memory_space<semaphore_mem>>
      %dma_start3A = arith.constant 0 : i32
      %dma_start3A_351 = tpu.memref_slice %arg23[%add3A_316, %dma_start3A] : memref<10240x16xf32, #tpu.memory_space<vmem_shared>> -> memref<128x16xf32, #tpu.memory_space<vmem_shared>>
      %dma_start3A_352 = arith.constant 0 : i32
      %dma_start3A_353 = tpu.memref_slice %arg3[%add3A_314, %dma_start3A_352] : memref<10240x16xf32, #tpu.memory_space<hbm>> -> memref<128x16xf32, #tpu.memory_space<hbm>>
      tpu.enqueue_dma source(%dma_start3A_353 : memref<128x16xf32, #tpu.memory_space<hbm>>) target(%dma_start3A_351 : memref<128x16xf32, #tpu.memory_space<vmem_shared>>) target_semaphore(%run_scoped3A : memref<!tpu.dma_semaphore, #tpu.memory_space<semaphore_mem>>)
      %dma_wait3A = arith.constant 0 : i32
      %dma_wait3A_354 = tpu.memref_slice %arg23[%add3A_316, %dma_wait3A] : memref<10240x16xf32, #tpu.memory_space<vmem_shared>> -> memref<128x16xf32, #tpu.memory_space<vmem_shared>>
      %dma_wait3A_355 = arith.constant 0 : i32
      %dma_wait3A_356 = tpu.memref_slice %arg3[%add3A_314, %dma_wait3A_355] : memref<10240x16xf32, #tpu.memory_space<hbm>> -> memref<128x16xf32, #tpu.memory_space<hbm>>
      tpu.wait_dma2 semaphore(%run_scoped3A : memref<!tpu.dma_semaphore, #tpu.memory_space<semaphore_mem>>) src(%dma_wait3A_356 : memref<128x16xf32, #tpu.memory_space<hbm>>) dst(%dma_wait3A_354 : memref<128x16xf32, #tpu.memory_space<vmem_shared>>)
      tpu.yield
    }) : () -> ()
    %add3A_317 = arith.constant 384 : i32
    %add3A_318 = arith.addi %mul3A_292, %add3A_317 : i32
    "tpu.region"() ({
      %run_scoped3A = tpu.sem_alloc : memref<!tpu.dma_semaphore, #tpu.memory_space<semaphore_mem>>
      %dma_start3A = arith.constant 0 : i32
      %dma_start3A_351 = tpu.memref_slice %arg21[%add3A_318, %dma_start3A] : memref<10240x128xf32, #tpu.memory_space<vmem_shared>> -> memref<128x128xf32, #tpu.memory_space<vmem_shared>>
      %dma_start3A_352 = arith.constant 0 : i32
      %dma_start3A_353 = tpu.memref_slice %arg21[%add3A_318, %dma_start3A_352] : memref<10240x128xf32, #tpu.memory_space<vmem_shared>> -> memref<128x128xf32, #tpu.memory_space<vmem_shared>>
      tpu.enqueue_dma source(%arg16 : memref<128x128xf32, #tpu.memory_space<vmem>>) target(%dma_start3A_353 : memref<128x128xf32, #tpu.memory_space<vmem_shared>>) target_semaphore(%run_scoped3A : memref<!tpu.dma_semaphore, #tpu.memory_space<semaphore_mem>>)
      %dma_wait3A = arith.constant 0 : i32
      %dma_wait3A_354 = tpu.memref_slice %arg21[%add3A_318, %dma_wait3A] : memref<10240x128xf32, #tpu.memory_space<vmem_shared>> -> memref<128x128xf32, #tpu.memory_space<vmem_shared>>
      %dma_wait3A_355 = arith.constant 0 : i32
      %dma_wait3A_356 = tpu.memref_slice %arg21[%add3A_318, %dma_wait3A_355] : memref<10240x128xf32, #tpu.memory_space<vmem_shared>> -> memref<128x128xf32, #tpu.memory_space<vmem_shared>>
      tpu.wait_dma2 semaphore(%run_scoped3A : memref<!tpu.dma_semaphore, #tpu.memory_space<semaphore_mem>>) src(%arg16 : memref<128x128xf32, #tpu.memory_space<vmem>>) dst(%dma_wait3A_356 : memref<128x128xf32, #tpu.memory_space<vmem_shared>>)
      tpu.yield
    }) : () -> ()
    %add3A_319 = arith.constant 384 : i32
    %add3A_320 = arith.addi %mul3A_292, %add3A_319 : i32
    "tpu.region"() ({
      %run_scoped3A = tpu.sem_alloc : memref<!tpu.dma_semaphore, #tpu.memory_space<semaphore_mem>>
      %dma_start3A = arith.constant 0 : i32
      %dma_start3A_351 = tpu.memref_slice %arg22[%add3A_320, %dma_start3A] : memref<10240x16xf32, #tpu.memory_space<vmem_shared>> -> memref<128x16xf32, #tpu.memory_space<vmem_shared>>
      %dma_start3A_352 = arith.constant 0 : i32
      %dma_start3A_353 = tpu.memref_slice %arg22[%add3A_320, %dma_start3A_352] : memref<10240x16xf32, #tpu.memory_space<vmem_shared>> -> memref<128x16xf32, #tpu.memory_space<vmem_shared>>
      tpu.enqueue_dma source(%arg17 : memref<128x16xf32, #tpu.memory_space<vmem>>) target(%dma_start3A_353 : memref<128x16xf32, #tpu.memory_space<vmem_shared>>) target_semaphore(%run_scoped3A : memref<!tpu.dma_semaphore, #tpu.memory_space<semaphore_mem>>)
      %dma_wait3A = arith.constant 0 : i32
      %dma_wait3A_354 = tpu.memref_slice %arg22[%add3A_320, %dma_wait3A] : memref<10240x16xf32, #tpu.memory_space<vmem_shared>> -> memref<128x16xf32, #tpu.memory_space<vmem_shared>>
      %dma_wait3A_355 = arith.constant 0 : i32
      %dma_wait3A_356 = tpu.memref_slice %arg22[%add3A_320, %dma_wait3A_355] : memref<10240x16xf32, #tpu.memory_space<vmem_shared>> -> memref<128x16xf32, #tpu.memory_space<vmem_shared>>
      tpu.wait_dma2 semaphore(%run_scoped3A : memref<!tpu.dma_semaphore, #tpu.memory_space<semaphore_mem>>) src(%arg17 : memref<128x16xf32, #tpu.memory_space<vmem>>) dst(%dma_wait3A_356 : memref<128x16xf32, #tpu.memory_space<vmem_shared>>)
      tpu.yield
    }) : () -> ()
    %add3A_321 = arith.constant 384 : i32
    %add3A_322 = arith.addi %mul3A_292, %add3A_321 : i32
    %add3A_323 = arith.constant 384 : i32
    %add3A_324 = arith.addi %mul3A_292, %add3A_323 : i32
    "tpu.region"() ({
      %run_scoped3A = tpu.sem_alloc : memref<!tpu.dma_semaphore, #tpu.memory_space<semaphore_mem>>
      %dma_start3A = arith.constant 0 : i32
      %dma_start3A_351 = tpu.memref_slice %arg23[%add3A_324, %dma_start3A] : memref<10240x16xf32, #tpu.memory_space<vmem_shared>> -> memref<128x16xf32, #tpu.memory_space<vmem_shared>>
      %dma_start3A_352 = arith.constant 0 : i32
      %dma_start3A_353 = tpu.memref_slice %arg3[%add3A_322, %dma_start3A_352] : memref<10240x16xf32, #tpu.memory_space<hbm>> -> memref<128x16xf32, #tpu.memory_space<hbm>>
      tpu.enqueue_dma source(%dma_start3A_353 : memref<128x16xf32, #tpu.memory_space<hbm>>) target(%dma_start3A_351 : memref<128x16xf32, #tpu.memory_space<vmem_shared>>) target_semaphore(%run_scoped3A : memref<!tpu.dma_semaphore, #tpu.memory_space<semaphore_mem>>)
      %dma_wait3A = arith.constant 0 : i32
      %dma_wait3A_354 = tpu.memref_slice %arg23[%add3A_324, %dma_wait3A] : memref<10240x16xf32, #tpu.memory_space<vmem_shared>> -> memref<128x16xf32, #tpu.memory_space<vmem_shared>>
      %dma_wait3A_355 = arith.constant 0 : i32
      %dma_wait3A_356 = tpu.memref_slice %arg3[%add3A_322, %dma_wait3A_355] : memref<10240x16xf32, #tpu.memory_space<hbm>> -> memref<128x16xf32, #tpu.memory_space<hbm>>
      tpu.wait_dma2 semaphore(%run_scoped3A : memref<!tpu.dma_semaphore, #tpu.memory_space<semaphore_mem>>) src(%dma_wait3A_356 : memref<128x16xf32, #tpu.memory_space<hbm>>) dst(%dma_wait3A_354 : memref<128x16xf32, #tpu.memory_space<vmem_shared>>)
      tpu.yield
    }) : () -> ()
    %add3A_325 = arith.constant 512 : i32
    %add3A_326 = arith.addi %mul3A_292, %add3A_325 : i32
    "tpu.region"() ({
      %run_scoped3A = tpu.sem_alloc : memref<!tpu.dma_semaphore, #tpu.memory_space<semaphore_mem>>
      %dma_start3A = arith.constant 0 : i32
      %dma_start3A_351 = tpu.memref_slice %arg21[%add3A_326, %dma_start3A] : memref<10240x128xf32, #tpu.memory_space<vmem_shared>> -> memref<128x128xf32, #tpu.memory_space<vmem_shared>>
      %dma_start3A_352 = arith.constant 0 : i32
      %dma_start3A_353 = tpu.memref_slice %arg21[%add3A_326, %dma_start3A_352] : memref<10240x128xf32, #tpu.memory_space<vmem_shared>> -> memref<128x128xf32, #tpu.memory_space<vmem_shared>>
      tpu.enqueue_dma source(%arg16 : memref<128x128xf32, #tpu.memory_space<vmem>>) target(%dma_start3A_353 : memref<128x128xf32, #tpu.memory_space<vmem_shared>>) target_semaphore(%run_scoped3A : memref<!tpu.dma_semaphore, #tpu.memory_space<semaphore_mem>>)
      %dma_wait3A = arith.constant 0 : i32
      %dma_wait3A_354 = tpu.memref_slice %arg21[%add3A_326, %dma_wait3A] : memref<10240x128xf32, #tpu.memory_space<vmem_shared>> -> memref<128x128xf32, #tpu.memory_space<vmem_shared>>
      %dma_wait3A_355 = arith.constant 0 : i32
      %dma_wait3A_356 = tpu.memref_slice %arg21[%add3A_326, %dma_wait3A_355] : memref<10240x128xf32, #tpu.memory_space<vmem_shared>> -> memref<128x128xf32, #tpu.memory_space<vmem_shared>>
      tpu.wait_dma2 semaphore(%run_scoped3A : memref<!tpu.dma_semaphore, #tpu.memory_space<semaphore_mem>>) src(%arg16 : memref<128x128xf32, #tpu.memory_space<vmem>>) dst(%dma_wait3A_356 : memref<128x128xf32, #tpu.memory_space<vmem_shared>>)
      tpu.yield
    }) : () -> ()
    %add3A_327 = arith.constant 512 : i32
    %add3A_328 = arith.addi %mul3A_292, %add3A_327 : i32
    "tpu.region"() ({
      %run_scoped3A = tpu.sem_alloc : memref<!tpu.dma_semaphore, #tpu.memory_space<semaphore_mem>>
      %dma_start3A = arith.constant 0 : i32
      %dma_start3A_351 = tpu.memref_slice %arg22[%add3A_328, %dma_start3A] : memref<10240x16xf32, #tpu.memory_space<vmem_shared>> -> memref<128x16xf32, #tpu.memory_space<vmem_shared>>
      %dma_start3A_352 = arith.constant 0 : i32
      %dma_start3A_353 = tpu.memref_slice %arg22[%add3A_328, %dma_start3A_352] : memref<10240x16xf32, #tpu.memory_space<vmem_shared>> -> memref<128x16xf32, #tpu.memory_space<vmem_shared>>
      tpu.enqueue_dma source(%arg17 : memref<128x16xf32, #tpu.memory_space<vmem>>) target(%dma_start3A_353 : memref<128x16xf32, #tpu.memory_space<vmem_shared>>) target_semaphore(%run_scoped3A : memref<!tpu.dma_semaphore, #tpu.memory_space<semaphore_mem>>)
      %dma_wait3A = arith.constant 0 : i32
      %dma_wait3A_354 = tpu.memref_slice %arg22[%add3A_328, %dma_wait3A] : memref<10240x16xf32, #tpu.memory_space<vmem_shared>> -> memref<128x16xf32, #tpu.memory_space<vmem_shared>>
      %dma_wait3A_355 = arith.constant 0 : i32
      %dma_wait3A_356 = tpu.memref_slice %arg22[%add3A_328, %dma_wait3A_355] : memref<10240x16xf32, #tpu.memory_space<vmem_shared>> -> memref<128x16xf32, #tpu.memory_space<vmem_shared>>
      tpu.wait_dma2 semaphore(%run_scoped3A : memref<!tpu.dma_semaphore, #tpu.memory_space<semaphore_mem>>) src(%arg17 : memref<128x16xf32, #tpu.memory_space<vmem>>) dst(%dma_wait3A_356 : memref<128x16xf32, #tpu.memory_space<vmem_shared>>)
      tpu.yield
    }) : () -> ()
    %add3A_329 = arith.constant 512 : i32
    %add3A_330 = arith.addi %mul3A_292, %add3A_329 : i32
    %add3A_331 = arith.constant 512 : i32
    %add3A_332 = arith.addi %mul3A_292, %add3A_331 : i32
    "tpu.region"() ({
      %run_scoped3A = tpu.sem_alloc : memref<!tpu.dma_semaphore, #tpu.memory_space<semaphore_mem>>
      %dma_start3A = arith.constant 0 : i32
      %dma_start3A_351 = tpu.memref_slice %arg23[%add3A_332, %dma_start3A] : memref<10240x16xf32, #tpu.memory_space<vmem_shared>> -> memref<128x16xf32, #tpu.memory_space<vmem_shared>>
      %dma_start3A_352 = arith.constant 0 : i32
      %dma_start3A_353 = tpu.memref_slice %arg3[%add3A_330, %dma_start3A_352] : memref<10240x16xf32, #tpu.memory_space<hbm>> -> memref<128x16xf32, #tpu.memory_space<hbm>>
      tpu.enqueue_dma source(%dma_start3A_353 : memref<128x16xf32, #tpu.memory_space<hbm>>) target(%dma_start3A_351 : memref<128x16xf32, #tpu.memory_space<vmem_shared>>) target_semaphore(%run_scoped3A : memref<!tpu.dma_semaphore, #tpu.memory_space<semaphore_mem>>)
      %dma_wait3A = arith.constant 0 : i32
      %dma_wait3A_354 = tpu.memref_slice %arg23[%add3A_332, %dma_wait3A] : memref<10240x16xf32, #tpu.memory_space<vmem_shared>> -> memref<128x16xf32, #tpu.memory_space<vmem_shared>>
      %dma_wait3A_355 = arith.constant 0 : i32
      %dma_wait3A_356 = tpu.memref_slice %arg3[%add3A_330, %dma_wait3A_355] : memref<10240x16xf32, #tpu.memory_space<hbm>> -> memref<128x16xf32, #tpu.memory_space<hbm>>
      tpu.wait_dma2 semaphore(%run_scoped3A : memref<!tpu.dma_semaphore, #tpu.memory_space<semaphore_mem>>) src(%dma_wait3A_356 : memref<128x16xf32, #tpu.memory_space<hbm>>) dst(%dma_wait3A_354 : memref<128x16xf32, #tpu.memory_space<vmem_shared>>)
      tpu.yield
    }) : () -> ()
    %barrier3A = arith.constant 0 : index
    tpu.barrier barrier_id(%barrier3A)
    %scan3A_333 = arith.constant 0 : i32
    %scan3A_334 = arith.constant 0 : i32
    %scan3A_335 = arith.constant 79 : i32
    %scan3A_336 = arith.addi %scan3A_334, %scan3A_335 : i32
    %scan3A_337 = arith.constant 1 : i32
    %scan3A_338 = scf.for %scan3A_351 = %scan3A_334 to %scan3A_336 step %scan3A_337 iter_args(%scan3A_352 = %scan3A_333) -> (i32)  : i32 {
      %mul3A_353 = arith.constant 79 : i32
      %mul3A_354 = arith.muli %add3A, %mul3A_353 : i32
      %add3A_355 = arith.addi %mul3A_354, %scan3A_351 : i32
      %mul3A_356 = arith.constant 128 : i32
      %mul3A_357 = arith.muli %add3A_355, %mul3A_356 : i32
      %dma_start3A = tpu.memref_slice %arg4[%mul3A_357] : memref<323584xi32, #tpu.memory_space<hbm>> -> memref<128xi32, #tpu.memory_space<hbm>>
      %dma_start3A_358 = tpu.memref_slice %arg4[%mul3A_357] : memref<323584xi32, #tpu.memory_space<hbm>> -> memref<128xi32, #tpu.memory_space<hbm>>
      tpu.enqueue_dma source(%dma_start3A_358 : memref<128xi32, #tpu.memory_space<hbm>>) target(%arg11 : memref<128xi32, #tpu.memory_space<vmem>>) target_semaphore(%arg25 : memref<!tpu.dma_semaphore, #tpu.memory_space<semaphore_mem>>)
      %dma_start3A_359 = tpu.memref_slice %arg5[%mul3A_357] : memref<323584xi32, #tpu.memory_space<hbm>> -> memref<128xi32, #tpu.memory_space<hbm>>
      %dma_start3A_360 = tpu.memref_slice %arg5[%mul3A_357] : memref<323584xi32, #tpu.memory_space<hbm>> -> memref<128xi32, #tpu.memory_space<hbm>>
      tpu.enqueue_dma source(%dma_start3A_360 : memref<128xi32, #tpu.memory_space<hbm>>) target(%arg12 : memref<128xi32, #tpu.memory_space<vmem>>) target_semaphore(%arg26 : memref<!tpu.dma_semaphore, #tpu.memory_space<semaphore_mem>>)
      %dma_start3A_361 = tpu.memref_slice %arg6[%mul3A_357] : memref<323584xf32, #tpu.memory_space<hbm>> -> memref<128xf32, #tpu.memory_space<hbm>>
      %dma_start3A_362 = tpu.memref_slice %arg6[%mul3A_357] : memref<323584xf32, #tpu.memory_space<hbm>> -> memref<128xf32, #tpu.memory_space<hbm>>
      tpu.enqueue_dma source(%dma_start3A_362 : memref<128xf32, #tpu.memory_space<hbm>>) target(%arg13 : memref<128xf32, #tpu.memory_space<vmem>>) target_semaphore(%arg27 : memref<!tpu.dma_semaphore, #tpu.memory_space<semaphore_mem>>)
      %dma_wait3A = tpu.memref_slice %arg4[%mul3A_357] : memref<323584xi32, #tpu.memory_space<hbm>> -> memref<128xi32, #tpu.memory_space<hbm>>
      %dma_wait3A_363 = tpu.memref_slice %arg4[%mul3A_357] : memref<323584xi32, #tpu.memory_space<hbm>> -> memref<128xi32, #tpu.memory_space<hbm>>
      tpu.wait_dma2 semaphore(%arg25 : memref<!tpu.dma_semaphore, #tpu.memory_space<semaphore_mem>>) src(%dma_wait3A_363 : memref<128xi32, #tpu.memory_space<hbm>>) dst(%arg11 : memref<128xi32, #tpu.memory_space<vmem>>)
      %dma_start3A_364 = arith.constant 0 : i32
      %dma_start3A_365 = arith.constant 0 : i32
      %dma_start3A_366 = tpu.memref_slice %arg2[%dma_start3A_364, %dma_start3A_365] : memref<10240x128xf32, #tpu.memory_space<hbm>> -> memref<10240x128xf32, #tpu.memory_space<hbm>>
      tpu.enqueue_indirect_dma source(%dma_start3A_366 : memref<10240x128xf32, #tpu.memory_space<hbm>>) target(%arg16 : memref<128x128xf32, #tpu.memory_space<vmem>>) offsets(%arg11 : memref<128xi32, #tpu.memory_space<vmem>>) semaphore(%arg24 : memref<!tpu.dma_semaphore, #tpu.memory_space<semaphore_mem>>)
      "tpu.region"() ({
        %run_scoped3A = tpu.sem_alloc : memref<!tpu.dma_semaphore, #tpu.memory_space<semaphore_mem>>
        %dma_start3A_1137 = arith.constant 0 : i32
        %dma_start3A_1138 = arith.constant 0 : i32
        %dma_start3A_1139 = tpu.memref_slice %arg23[%dma_start3A_1137, %dma_start3A_1138] : memref<10240x16xf32, #tpu.memory_space<vmem_shared>> -> memref<10240x16xf32, #tpu.memory_space<vmem_shared>>
        tpu.enqueue_indirect_dma source(%dma_start3A_1139 : memref<10240x16xf32, #tpu.memory_space<vmem_shared>>) target(%arg14 : memref<128x16xf32, #tpu.memory_space<vmem>>) offsets(%arg11 : memref<128xi32, #tpu.memory_space<vmem>>) semaphore(%run_scoped3A : memref<!tpu.dma_semaphore, #tpu.memory_space<semaphore_mem>>)
        %dma_wait3A_1140 = arith.constant 0 : i32
        %dma_wait3A_1141 = arith.constant 0 : i32
        %dma_wait3A_1142 = tpu.memref_slice %arg23[%dma_wait3A_1140, %dma_wait3A_1141] : memref<10240x16xf32, #tpu.memory_space<vmem_shared>> -> memref<10240x16xf32, #tpu.memory_space<vmem_shared>>
        tpu.wait_indirect_dma semaphore(%run_scoped3A : memref<!tpu.dma_semaphore, #tpu.memory_space<semaphore_mem>>) src(%dma_wait3A_1142 : memref<10240x16xf32, #tpu.memory_space<vmem_shared>>) dst(%arg14 : memref<128x16xf32, #tpu.memory_space<vmem>>)
        tpu.yield
      }) : () -> ()
      %dma_wait3A_367 = tpu.memref_slice %arg5[%mul3A_357] : memref<323584xi32, #tpu.memory_space<hbm>> -> memref<128xi32, #tpu.memory_space<hbm>>
      %dma_wait3A_368 = tpu.memref_slice %arg5[%mul3A_357] : memref<323584xi32, #tpu.memory_space<hbm>> -> memref<128xi32, #tpu.memory_space<hbm>>
      tpu.wait_dma2 semaphore(%arg26 : memref<!tpu.dma_semaphore, #tpu.memory_space<semaphore_mem>>) src(%dma_wait3A_368 : memref<128xi32, #tpu.memory_space<hbm>>) dst(%arg12 : memref<128xi32, #tpu.memory_space<vmem>>)
      "tpu.region"() ({
        %run_scoped3A = tpu.sem_alloc : memref<!tpu.dma_semaphore, #tpu.memory_space<semaphore_mem>>
        %dma_start3A_1137 = arith.constant 0 : i32
        %dma_start3A_1138 = arith.constant 0 : i32
        %dma_start3A_1139 = tpu.memref_slice %arg23[%dma_start3A_1137, %dma_start3A_1138] : memref<10240x16xf32, #tpu.memory_space<vmem_shared>> -> memref<10240x16xf32, #tpu.memory_space<vmem_shared>>
        tpu.enqueue_indirect_dma source(%dma_start3A_1139 : memref<10240x16xf32, #tpu.memory_space<vmem_shared>>) target(%arg15 : memref<128x16xf32, #tpu.memory_space<vmem>>) offsets(%arg12 : memref<128xi32, #tpu.memory_space<vmem>>) semaphore(%run_scoped3A : memref<!tpu.dma_semaphore, #tpu.memory_space<semaphore_mem>>)
        %dma_wait3A_1140 = arith.constant 0 : i32
        %dma_wait3A_1141 = arith.constant 0 : i32
        %dma_wait3A_1142 = tpu.memref_slice %arg23[%dma_wait3A_1140, %dma_wait3A_1141] : memref<10240x16xf32, #tpu.memory_space<vmem_shared>> -> memref<10240x16xf32, #tpu.memory_space<vmem_shared>>
        tpu.wait_indirect_dma semaphore(%run_scoped3A : memref<!tpu.dma_semaphore, #tpu.memory_space<semaphore_mem>>) src(%dma_wait3A_1142 : memref<10240x16xf32, #tpu.memory_space<vmem_shared>>) dst(%arg15 : memref<128x16xf32, #tpu.memory_space<vmem>>)
        tpu.yield
      }) : () -> ()
      %dma_wait3A_369 = tpu.memref_slice %arg6[%mul3A_357] : memref<323584xf32, #tpu.memory_space<hbm>> -> memref<128xf32, #tpu.memory_space<hbm>>
      %dma_wait3A_370 = tpu.memref_slice %arg6[%mul3A_357] : memref<323584xf32, #tpu.memory_space<hbm>> -> memref<128xf32, #tpu.memory_space<hbm>>
      tpu.wait_dma2 semaphore(%arg27 : memref<!tpu.dma_semaphore, #tpu.memory_space<semaphore_mem>>) src(%dma_wait3A_370 : memref<128xf32, #tpu.memory_space<hbm>>) dst(%arg13 : memref<128xf32, #tpu.memory_space<vmem>>)
      %add3A_371 = arith.constant 0 : i32
      %add3A_372 = vector.broadcast %add3A_371 : i32 to vector<16xi32>
      %add3A_373 = arith.addi %iota3A, %add3A_372 : vector<16xi32>
      %get3A_374 = arith.constant 0 : index
      %get3A_375 = tpu.vector_load %arg13[%get3A_374] {strides = array<i32>} : memref<128xf32, #tpu.memory_space<vmem>>, vector<16xf32>,
      %mul3A_376 = arith.mulf %get3A_375, %get3A_2 : vector<16xf32>
      %add3A_377 = arith.addf %mul3A_376, %get3A_4 : vector<16xf32>
      %broadcast_in_dim3A_378 = arith.constant 0 : i32
      %broadcast_in_dim3A_379 = vector.broadcast %broadcast_in_dim3A_378 : i32 to vector<16xi32>
      %gather3A = tpu.vector_load_idx %arg14[%add3A_373, %broadcast_in_dim3A_379] : memref<128x16xf32, #tpu.memory_space<vmem>>[vector<16xi32>, vector<16xi32>], vector<16xf32>,
      %broadcast_in_dim3A_380 = arith.constant 4 : i32
      %broadcast_in_dim3A_381 = vector.broadcast %broadcast_in_dim3A_380 : i32 to vector<16xi32>
      %gather3A_382 = tpu.vector_load_idx %arg15[%add3A_373, %broadcast_in_dim3A_381] : memref<128x16xf32, #tpu.memory_space<vmem>>[vector<16xi32>, vector<16xi32>], vector<16xf32>,
      %add3A_383 = arith.addf %gather3A, %gather3A_382 : vector<16xf32>
      %gt3A = arith.constant 0.000000e+00 : f32
      %gt3A_384 = vector.broadcast %gt3A : f32 to vector<16xf32>
      %gt3A_385 = arith.cmpf ogt, %add3A_383, %gt3A_384 : vector<16xf32>
      %mul3A_386 = arith.constant 2.000000e-01 : f32
      %mul3A_387 = vector.broadcast %mul3A_386 : f32 to vector<16xf32>
      %mul3A_388 = arith.mulf %mul3A_387, %add3A_383 : vector<16xf32>
      %select_n3A = arith.select %gt3A_385, %add3A_383, %mul3A_388 : vector<16xi1>, vector<16xf32>
      %mul3A_389 = arith.mulf %select_n3A, %add3A_377 : vector<16xf32>
      %exp3A = math.exp %mul3A_389 : vector<16xf32>
      %broadcast_in_dim3A_390 = arith.constant 0 : i32
      %broadcast_in_dim3A_391 = vector.broadcast %broadcast_in_dim3A_390 : i32 to vector<16xi32>
      tpu.vector_store_idx %arg17[%add3A_373, %broadcast_in_dim3A_391], %exp3A : memref<128x16xf32, #tpu.memory_space<vmem>>[vector<16xi32>, vector<16xi32>], vector<16xf32>,
      %swap3A = arith.constant 0 : i32
      %swap3A_392 = arith.index_cast %swap3A : i32 to index
      %swap3A_393 = arith.constant 0 : index
      %swap3A_394 = tpu.vector_load %arg18[%swap3A_392, %swap3A_393] {strides = array<i32>} : memref<4x128xf32, #tpu.memory_space<vmem>>, vector<16xf32>,
      tpu.vector_store %arg18[%swap3A_392, %swap3A_393], %exp3A {strides = array<i32>} : memref<4x128xf32, #tpu.memory_space<vmem>>, vector<16xf32>,
      %broadcast_in_dim3A_395 = arith.constant 1 : i32
      %broadcast_in_dim3A_396 = vector.broadcast %broadcast_in_dim3A_395 : i32 to vector<16xi32>
      %gather3A_397 = tpu.vector_load_idx %arg14[%add3A_373, %broadcast_in_dim3A_396] : memref<128x16xf32, #tpu.memory_space<vmem>>[vector<16xi32>, vector<16xi32>], vector<16xf32>,
      %broadcast_in_dim3A_398 = arith.constant 5 : i32
      %broadcast_in_dim3A_399 = vector.broadcast %broadcast_in_dim3A_398 : i32 to vector<16xi32>
      %gather3A_400 = tpu.vector_load_idx %arg15[%add3A_373, %broadcast_in_dim3A_399] : memref<128x16xf32, #tpu.memory_space<vmem>>[vector<16xi32>, vector<16xi32>], vector<16xf32>,
      %add3A_401 = arith.addf %gather3A_397, %gather3A_400 : vector<16xf32>
      %gt3A_402 = arith.constant 0.000000e+00 : f32
      %gt3A_403 = vector.broadcast %gt3A_402 : f32 to vector<16xf32>
      %gt3A_404 = arith.cmpf ogt, %add3A_401, %gt3A_403 : vector<16xf32>
      %mul3A_405 = arith.constant 2.000000e-01 : f32
      %mul3A_406 = vector.broadcast %mul3A_405 : f32 to vector<16xf32>
      %mul3A_407 = arith.mulf %mul3A_406, %add3A_401 : vector<16xf32>
      %select_n3A_408 = arith.select %gt3A_404, %add3A_401, %mul3A_407 : vector<16xi1>, vector<16xf32>
      %mul3A_409 = arith.mulf %select_n3A_408, %add3A_377 : vector<16xf32>
      %exp3A_410 = math.exp %mul3A_409 : vector<16xf32>
      %broadcast_in_dim3A_411 = arith.constant 1 : i32
      %broadcast_in_dim3A_412 = vector.broadcast %broadcast_in_dim3A_411 : i32 to vector<16xi32>
      tpu.vector_store_idx %arg17[%add3A_373, %broadcast_in_dim3A_412], %exp3A_410 : memref<128x16xf32, #tpu.memory_space<vmem>>[vector<16xi32>, vector<16xi32>], vector<16xf32>,
      %swap3A_413 = arith.constant 1 : i32
      %swap3A_414 = arith.index_cast %swap3A_413 : i32 to index
      %swap3A_415 = arith.constant 0 : index
      %swap3A_416 = tpu.vector_load %arg18[%swap3A_414, %swap3A_415] {strides = array<i32>} : memref<4x128xf32, #tpu.memory_space<vmem>>, vector<16xf32>,
      tpu.vector_store %arg18[%swap3A_414, %swap3A_415], %exp3A_410 {strides = array<i32>} : memref<4x128xf32, #tpu.memory_space<vmem>>, vector<16xf32>,
      %broadcast_in_dim3A_417 = arith.constant 2 : i32
      %broadcast_in_dim3A_418 = vector.broadcast %broadcast_in_dim3A_417 : i32 to vector<16xi32>
      %gather3A_419 = tpu.vector_load_idx %arg14[%add3A_373, %broadcast_in_dim3A_418] : memref<128x16xf32, #tpu.memory_space<vmem>>[vector<16xi32>, vector<16xi32>], vector<16xf32>,
      %broadcast_in_dim3A_420 = arith.constant 6 : i32
      %broadcast_in_dim3A_421 = vector.broadcast %broadcast_in_dim3A_420 : i32 to vector<16xi32>
      %gather3A_422 = tpu.vector_load_idx %arg15[%add3A_373, %broadcast_in_dim3A_421] : memref<128x16xf32, #tpu.memory_space<vmem>>[vector<16xi32>, vector<16xi32>], vector<16xf32>,
      %add3A_423 = arith.addf %gather3A_419, %gather3A_422 : vector<16xf32>
      %gt3A_424 = arith.constant 0.000000e+00 : f32
      %gt3A_425 = vector.broadcast %gt3A_424 : f32 to vector<16xf32>
      %gt3A_426 = arith.cmpf ogt, %add3A_423, %gt3A_425 : vector<16xf32>
      %mul3A_427 = arith.constant 2.000000e-01 : f32
      %mul3A_428 = vector.broadcast %mul3A_427 : f32 to vector<16xf32>
      %mul3A_429 = arith.mulf %mul3A_428, %add3A_423 : vector<16xf32>
      %select_n3A_430 = arith.select %gt3A_426, %add3A_423, %mul3A_429 : vector<16xi1>, vector<16xf32>
      %mul3A_431 = arith.mulf %select_n3A_430, %add3A_377 : vector<16xf32>
      %exp3A_432 = math.exp %mul3A_431 : vector<16xf32>
      %broadcast_in_dim3A_433 = arith.constant 2 : i32
      %broadcast_in_dim3A_434 = vector.broadcast %broadcast_in_dim3A_433 : i32 to vector<16xi32>
      tpu.vector_store_idx %arg17[%add3A_373, %broadcast_in_dim3A_434], %exp3A_432 : memref<128x16xf32, #tpu.memory_space<vmem>>[vector<16xi32>, vector<16xi32>], vector<16xf32>,
      %swap3A_435 = arith.constant 2 : i32
      %swap3A_436 = arith.index_cast %swap3A_435 : i32 to index
      %swap3A_437 = arith.constant 0 : index
      %swap3A_438 = tpu.vector_load %arg18[%swap3A_436, %swap3A_437] {strides = array<i32>} : memref<4x128xf32, #tpu.memory_space<vmem>>, vector<16xf32>,
      tpu.vector_store %arg18[%swap3A_436, %swap3A_437], %exp3A_432 {strides = array<i32>} : memref<4x128xf32, #tpu.memory_space<vmem>>, vector<16xf32>,
      %broadcast_in_dim3A_439 = arith.constant 3 : i32
      %broadcast_in_dim3A_440 = vector.broadcast %broadcast_in_dim3A_439 : i32 to vector<16xi32>
      %gather3A_441 = tpu.vector_load_idx %arg14[%add3A_373, %broadcast_in_dim3A_440] : memref<128x16xf32, #tpu.memory_space<vmem>>[vector<16xi32>, vector<16xi32>], vector<16xf32>,
      %broadcast_in_dim3A_442 = arith.constant 7 : i32
      %broadcast_in_dim3A_443 = vector.broadcast %broadcast_in_dim3A_442 : i32 to vector<16xi32>
      %gather3A_444 = tpu.vector_load_idx %arg15[%add3A_373, %broadcast_in_dim3A_443] : memref<128x16xf32, #tpu.memory_space<vmem>>[vector<16xi32>, vector<16xi32>], vector<16xf32>,
      %add3A_445 = arith.addf %gather3A_441, %gather3A_444 : vector<16xf32>
      %gt3A_446 = arith.constant 0.000000e+00 : f32
      %gt3A_447 = vector.broadcast %gt3A_446 : f32 to vector<16xf32>
      %gt3A_448 = arith.cmpf ogt, %add3A_445, %gt3A_447 : vector<16xf32>
      %mul3A_449 = arith.constant 2.000000e-01 : f32
      %mul3A_450 = vector.broadcast %mul3A_449 : f32 to vector<16xf32>
      %mul3A_451 = arith.mulf %mul3A_450, %add3A_445 : vector<16xf32>
      %select_n3A_452 = arith.select %gt3A_448, %add3A_445, %mul3A_451 : vector<16xi1>, vector<16xf32>
      %mul3A_453 = arith.mulf %select_n3A_452, %add3A_377 : vector<16xf32>
      %exp3A_454 = math.exp %mul3A_453 : vector<16xf32>
      %broadcast_in_dim3A_455 = arith.constant 3 : i32
      %broadcast_in_dim3A_456 = vector.broadcast %broadcast_in_dim3A_455 : i32 to vector<16xi32>
      tpu.vector_store_idx %arg17[%add3A_373, %broadcast_in_dim3A_456], %exp3A_454 : memref<128x16xf32, #tpu.memory_space<vmem>>[vector<16xi32>, vector<16xi32>], vector<16xf32>,
      %swap3A_457 = arith.constant 3 : i32
      %swap3A_458 = arith.index_cast %swap3A_457 : i32 to index
      %swap3A_459 = arith.constant 0 : index
      %swap3A_460 = tpu.vector_load %arg18[%swap3A_458, %swap3A_459] {strides = array<i32>} : memref<4x128xf32, #tpu.memory_space<vmem>>, vector<16xf32>,
      tpu.vector_store %arg18[%swap3A_458, %swap3A_459], %exp3A_454 {strides = array<i32>} : memref<4x128xf32, #tpu.memory_space<vmem>>, vector<16xf32>,
      %add3A_461 = arith.constant 16 : i32
      %add3A_462 = vector.broadcast %add3A_461 : i32 to vector<16xi32>
      %add3A_463 = arith.addi %iota3A, %add3A_462 : vector<16xi32>
      %get3A_464 = arith.constant 16 : index
      %get3A_465 = tpu.vector_load %arg13[%get3A_464] {strides = array<i32>} : memref<128xf32, #tpu.memory_space<vmem>>, vector<16xf32>,
      %mul3A_466 = arith.mulf %get3A_465, %get3A_2 : vector<16xf32>
      %add3A_467 = arith.addf %mul3A_466, %get3A_4 : vector<16xf32>
      %broadcast_in_dim3A_468 = arith.constant 0 : i32
      %broadcast_in_dim3A_469 = vector.broadcast %broadcast_in_dim3A_468 : i32 to vector<16xi32>
      %gather3A_470 = tpu.vector_load_idx %arg14[%add3A_463, %broadcast_in_dim3A_469] : memref<128x16xf32, #tpu.memory_space<vmem>>[vector<16xi32>, vector<16xi32>], vector<16xf32>,
      %broadcast_in_dim3A_471 = arith.constant 4 : i32
      %broadcast_in_dim3A_472 = vector.broadcast %broadcast_in_dim3A_471 : i32 to vector<16xi32>
      %gather3A_473 = tpu.vector_load_idx %arg15[%add3A_463, %broadcast_in_dim3A_472] : memref<128x16xf32, #tpu.memory_space<vmem>>[vector<16xi32>, vector<16xi32>], vector<16xf32>,
      %add3A_474 = arith.addf %gather3A_470, %gather3A_473 : vector<16xf32>
      %gt3A_475 = arith.constant 0.000000e+00 : f32
      %gt3A_476 = vector.broadcast %gt3A_475 : f32 to vector<16xf32>
      %gt3A_477 = arith.cmpf ogt, %add3A_474, %gt3A_476 : vector<16xf32>
      %mul3A_478 = arith.constant 2.000000e-01 : f32
      %mul3A_479 = vector.broadcast %mul3A_478 : f32 to vector<16xf32>
      %mul3A_480 = arith.mulf %mul3A_479, %add3A_474 : vector<16xf32>
      %select_n3A_481 = arith.select %gt3A_477, %add3A_474, %mul3A_480 : vector<16xi1>, vector<16xf32>
      %mul3A_482 = arith.mulf %select_n3A_481, %add3A_467 : vector<16xf32>
      %exp3A_483 = math.exp %mul3A_482 : vector<16xf32>
      %broadcast_in_dim3A_484 = arith.constant 0 : i32
      %broadcast_in_dim3A_485 = vector.broadcast %broadcast_in_dim3A_484 : i32 to vector<16xi32>
      tpu.vector_store_idx %arg17[%add3A_463, %broadcast_in_dim3A_485], %exp3A_483 : memref<128x16xf32, #tpu.memory_space<vmem>>[vector<16xi32>, vector<16xi32>], vector<16xf32>,
      %swap3A_486 = arith.constant 0 : i32
      %swap3A_487 = arith.index_cast %swap3A_486 : i32 to index
      %swap3A_488 = arith.constant 16 : index
      %swap3A_489 = tpu.vector_load %arg18[%swap3A_487, %swap3A_488] {strides = array<i32>} : memref<4x128xf32, #tpu.memory_space<vmem>>, vector<16xf32>,
      tpu.vector_store %arg18[%swap3A_487, %swap3A_488], %exp3A_483 {strides = array<i32>} : memref<4x128xf32, #tpu.memory_space<vmem>>, vector<16xf32>,
      %broadcast_in_dim3A_490 = arith.constant 1 : i32
      %broadcast_in_dim3A_491 = vector.broadcast %broadcast_in_dim3A_490 : i32 to vector<16xi32>
      %gather3A_492 = tpu.vector_load_idx %arg14[%add3A_463, %broadcast_in_dim3A_491] : memref<128x16xf32, #tpu.memory_space<vmem>>[vector<16xi32>, vector<16xi32>], vector<16xf32>,
      %broadcast_in_dim3A_493 = arith.constant 5 : i32
      %broadcast_in_dim3A_494 = vector.broadcast %broadcast_in_dim3A_493 : i32 to vector<16xi32>
      %gather3A_495 = tpu.vector_load_idx %arg15[%add3A_463, %broadcast_in_dim3A_494] : memref<128x16xf32, #tpu.memory_space<vmem>>[vector<16xi32>, vector<16xi32>], vector<16xf32>,
      %add3A_496 = arith.addf %gather3A_492, %gather3A_495 : vector<16xf32>
      %gt3A_497 = arith.constant 0.000000e+00 : f32
      %gt3A_498 = vector.broadcast %gt3A_497 : f32 to vector<16xf32>
      %gt3A_499 = arith.cmpf ogt, %add3A_496, %gt3A_498 : vector<16xf32>
      %mul3A_500 = arith.constant 2.000000e-01 : f32
      %mul3A_501 = vector.broadcast %mul3A_500 : f32 to vector<16xf32>
      %mul3A_502 = arith.mulf %mul3A_501, %add3A_496 : vector<16xf32>
      %select_n3A_503 = arith.select %gt3A_499, %add3A_496, %mul3A_502 : vector<16xi1>, vector<16xf32>
      %mul3A_504 = arith.mulf %select_n3A_503, %add3A_467 : vector<16xf32>
      %exp3A_505 = math.exp %mul3A_504 : vector<16xf32>
      %broadcast_in_dim3A_506 = arith.constant 1 : i32
      %broadcast_in_dim3A_507 = vector.broadcast %broadcast_in_dim3A_506 : i32 to vector<16xi32>
      tpu.vector_store_idx %arg17[%add3A_463, %broadcast_in_dim3A_507], %exp3A_505 : memref<128x16xf32, #tpu.memory_space<vmem>>[vector<16xi32>, vector<16xi32>], vector<16xf32>,
      %swap3A_508 = arith.constant 1 : i32
      %swap3A_509 = arith.index_cast %swap3A_508 : i32 to index
      %swap3A_510 = arith.constant 16 : index
      %swap3A_511 = tpu.vector_load %arg18[%swap3A_509, %swap3A_510] {strides = array<i32>} : memref<4x128xf32, #tpu.memory_space<vmem>>, vector<16xf32>,
      tpu.vector_store %arg18[%swap3A_509, %swap3A_510], %exp3A_505 {strides = array<i32>} : memref<4x128xf32, #tpu.memory_space<vmem>>, vector<16xf32>,
      %broadcast_in_dim3A_512 = arith.constant 2 : i32
      %broadcast_in_dim3A_513 = vector.broadcast %broadcast_in_dim3A_512 : i32 to vector<16xi32>
      %gather3A_514 = tpu.vector_load_idx %arg14[%add3A_463, %broadcast_in_dim3A_513] : memref<128x16xf32, #tpu.memory_space<vmem>>[vector<16xi32>, vector<16xi32>], vector<16xf32>,
      %broadcast_in_dim3A_515 = arith.constant 6 : i32
      %broadcast_in_dim3A_516 = vector.broadcast %broadcast_in_dim3A_515 : i32 to vector<16xi32>
      %gather3A_517 = tpu.vector_load_idx %arg15[%add3A_463, %broadcast_in_dim3A_516] : memref<128x16xf32, #tpu.memory_space<vmem>>[vector<16xi32>, vector<16xi32>], vector<16xf32>,
      %add3A_518 = arith.addf %gather3A_514, %gather3A_517 : vector<16xf32>
      %gt3A_519 = arith.constant 0.000000e+00 : f32
      %gt3A_520 = vector.broadcast %gt3A_519 : f32 to vector<16xf32>
      %gt3A_521 = arith.cmpf ogt, %add3A_518, %gt3A_520 : vector<16xf32>
      %mul3A_522 = arith.constant 2.000000e-01 : f32
      %mul3A_523 = vector.broadcast %mul3A_522 : f32 to vector<16xf32>
      %mul3A_524 = arith.mulf %mul3A_523, %add3A_518 : vector<16xf32>
      %select_n3A_525 = arith.select %gt3A_521, %add3A_518, %mul3A_524 : vector<16xi1>, vector<16xf32>
      %mul3A_526 = arith.mulf %select_n3A_525, %add3A_467 : vector<16xf32>
      %exp3A_527 = math.exp %mul3A_526 : vector<16xf32>
      %broadcast_in_dim3A_528 = arith.constant 2 : i32
      %broadcast_in_dim3A_529 = vector.broadcast %broadcast_in_dim3A_528 : i32 to vector<16xi32>
      tpu.vector_store_idx %arg17[%add3A_463, %broadcast_in_dim3A_529], %exp3A_527 : memref<128x16xf32, #tpu.memory_space<vmem>>[vector<16xi32>, vector<16xi32>], vector<16xf32>,
      %swap3A_530 = arith.constant 2 : i32
      %swap3A_531 = arith.index_cast %swap3A_530 : i32 to index
      %swap3A_532 = arith.constant 16 : index
      %swap3A_533 = tpu.vector_load %arg18[%swap3A_531, %swap3A_532] {strides = array<i32>} : memref<4x128xf32, #tpu.memory_space<vmem>>, vector<16xf32>,
      tpu.vector_store %arg18[%swap3A_531, %swap3A_532], %exp3A_527 {strides = array<i32>} : memref<4x128xf32, #tpu.memory_space<vmem>>, vector<16xf32>,
      %broadcast_in_dim3A_534 = arith.constant 3 : i32
      %broadcast_in_dim3A_535 = vector.broadcast %broadcast_in_dim3A_534 : i32 to vector<16xi32>
      %gather3A_536 = tpu.vector_load_idx %arg14[%add3A_463, %broadcast_in_dim3A_535] : memref<128x16xf32, #tpu.memory_space<vmem>>[vector<16xi32>, vector<16xi32>], vector<16xf32>,
      %broadcast_in_dim3A_537 = arith.constant 7 : i32
      %broadcast_in_dim3A_538 = vector.broadcast %broadcast_in_dim3A_537 : i32 to vector<16xi32>
      %gather3A_539 = tpu.vector_load_idx %arg15[%add3A_463, %broadcast_in_dim3A_538] : memref<128x16xf32, #tpu.memory_space<vmem>>[vector<16xi32>, vector<16xi32>], vector<16xf32>,
      %add3A_540 = arith.addf %gather3A_536, %gather3A_539 : vector<16xf32>
      %gt3A_541 = arith.constant 0.000000e+00 : f32
      %gt3A_542 = vector.broadcast %gt3A_541 : f32 to vector<16xf32>
      %gt3A_543 = arith.cmpf ogt, %add3A_540, %gt3A_542 : vector<16xf32>
      %mul3A_544 = arith.constant 2.000000e-01 : f32
      %mul3A_545 = vector.broadcast %mul3A_544 : f32 to vector<16xf32>
      %mul3A_546 = arith.mulf %mul3A_545, %add3A_540 : vector<16xf32>
      %select_n3A_547 = arith.select %gt3A_543, %add3A_540, %mul3A_546 : vector<16xi1>, vector<16xf32>
      %mul3A_548 = arith.mulf %select_n3A_547, %add3A_467 : vector<16xf32>
      %exp3A_549 = math.exp %mul3A_548 : vector<16xf32>
      %broadcast_in_dim3A_550 = arith.constant 3 : i32
      %broadcast_in_dim3A_551 = vector.broadcast %broadcast_in_dim3A_550 : i32 to vector<16xi32>
      tpu.vector_store_idx %arg17[%add3A_463, %broadcast_in_dim3A_551], %exp3A_549 : memref<128x16xf32, #tpu.memory_space<vmem>>[vector<16xi32>, vector<16xi32>], vector<16xf32>,
      %swap3A_552 = arith.constant 3 : i32
      %swap3A_553 = arith.index_cast %swap3A_552 : i32 to index
      %swap3A_554 = arith.constant 16 : index
      %swap3A_555 = tpu.vector_load %arg18[%swap3A_553, %swap3A_554] {strides = array<i32>} : memref<4x128xf32, #tpu.memory_space<vmem>>, vector<16xf32>,
      tpu.vector_store %arg18[%swap3A_553, %swap3A_554], %exp3A_549 {strides = array<i32>} : memref<4x128xf32, #tpu.memory_space<vmem>>, vector<16xf32>,
      %add3A_556 = arith.constant 32 : i32
      %add3A_557 = vector.broadcast %add3A_556 : i32 to vector<16xi32>
      %add3A_558 = arith.addi %iota3A, %add3A_557 : vector<16xi32>
      %get3A_559 = arith.constant 32 : index
      %get3A_560 = tpu.vector_load %arg13[%get3A_559] {strides = array<i32>} : memref<128xf32, #tpu.memory_space<vmem>>, vector<16xf32>,
      %mul3A_561 = arith.mulf %get3A_560, %get3A_2 : vector<16xf32>
      %add3A_562 = arith.addf %mul3A_561, %get3A_4 : vector<16xf32>
      %broadcast_in_dim3A_563 = arith.constant 0 : i32
      %broadcast_in_dim3A_564 = vector.broadcast %broadcast_in_dim3A_563 : i32 to vector<16xi32>
      %gather3A_565 = tpu.vector_load_idx %arg14[%add3A_558, %broadcast_in_dim3A_564] : memref<128x16xf32, #tpu.memory_space<vmem>>[vector<16xi32>, vector<16xi32>], vector<16xf32>,
      %broadcast_in_dim3A_566 = arith.constant 4 : i32
      %broadcast_in_dim3A_567 = vector.broadcast %broadcast_in_dim3A_566 : i32 to vector<16xi32>
      %gather3A_568 = tpu.vector_load_idx %arg15[%add3A_558, %broadcast_in_dim3A_567] : memref<128x16xf32, #tpu.memory_space<vmem>>[vector<16xi32>, vector<16xi32>], vector<16xf32>,
      %add3A_569 = arith.addf %gather3A_565, %gather3A_568 : vector<16xf32>
      %gt3A_570 = arith.constant 0.000000e+00 : f32
      %gt3A_571 = vector.broadcast %gt3A_570 : f32 to vector<16xf32>
      %gt3A_572 = arith.cmpf ogt, %add3A_569, %gt3A_571 : vector<16xf32>
      %mul3A_573 = arith.constant 2.000000e-01 : f32
      %mul3A_574 = vector.broadcast %mul3A_573 : f32 to vector<16xf32>
      %mul3A_575 = arith.mulf %mul3A_574, %add3A_569 : vector<16xf32>
      %select_n3A_576 = arith.select %gt3A_572, %add3A_569, %mul3A_575 : vector<16xi1>, vector<16xf32>
      %mul3A_577 = arith.mulf %select_n3A_576, %add3A_562 : vector<16xf32>
      %exp3A_578 = math.exp %mul3A_577 : vector<16xf32>
      %broadcast_in_dim3A_579 = arith.constant 0 : i32
      %broadcast_in_dim3A_580 = vector.broadcast %broadcast_in_dim3A_579 : i32 to vector<16xi32>
      tpu.vector_store_idx %arg17[%add3A_558, %broadcast_in_dim3A_580], %exp3A_578 : memref<128x16xf32, #tpu.memory_space<vmem>>[vector<16xi32>, vector<16xi32>], vector<16xf32>,
      %swap3A_581 = arith.constant 0 : i32
      %swap3A_582 = arith.index_cast %swap3A_581 : i32 to index
      %swap3A_583 = arith.constant 32 : index
      %swap3A_584 = tpu.vector_load %arg18[%swap3A_582, %swap3A_583] {strides = array<i32>} : memref<4x128xf32, #tpu.memory_space<vmem>>, vector<16xf32>,
      tpu.vector_store %arg18[%swap3A_582, %swap3A_583], %exp3A_578 {strides = array<i32>} : memref<4x128xf32, #tpu.memory_space<vmem>>, vector<16xf32>,
      %broadcast_in_dim3A_585 = arith.constant 1 : i32
      %broadcast_in_dim3A_586 = vector.broadcast %broadcast_in_dim3A_585 : i32 to vector<16xi32>
      %gather3A_587 = tpu.vector_load_idx %arg14[%add3A_558, %broadcast_in_dim3A_586] : memref<128x16xf32, #tpu.memory_space<vmem>>[vector<16xi32>, vector<16xi32>], vector<16xf32>,
      %broadcast_in_dim3A_588 = arith.constant 5 : i32
      %broadcast_in_dim3A_589 = vector.broadcast %broadcast_in_dim3A_588 : i32 to vector<16xi32>
      %gather3A_590 = tpu.vector_load_idx %arg15[%add3A_558, %broadcast_in_dim3A_589] : memref<128x16xf32, #tpu.memory_space<vmem>>[vector<16xi32>, vector<16xi32>], vector<16xf32>,
      %add3A_591 = arith.addf %gather3A_587, %gather3A_590 : vector<16xf32>
      %gt3A_592 = arith.constant 0.000000e+00 : f32
      %gt3A_593 = vector.broadcast %gt3A_592 : f32 to vector<16xf32>
      %gt3A_594 = arith.cmpf ogt, %add3A_591, %gt3A_593 : vector<16xf32>
      %mul3A_595 = arith.constant 2.000000e-01 : f32
      %mul3A_596 = vector.broadcast %mul3A_595 : f32 to vector<16xf32>
      %mul3A_597 = arith.mulf %mul3A_596, %add3A_591 : vector<16xf32>
      %select_n3A_598 = arith.select %gt3A_594, %add3A_591, %mul3A_597 : vector<16xi1>, vector<16xf32>
      %mul3A_599 = arith.mulf %select_n3A_598, %add3A_562 : vector<16xf32>
      %exp3A_600 = math.exp %mul3A_599 : vector<16xf32>
      %broadcast_in_dim3A_601 = arith.constant 1 : i32
      %broadcast_in_dim3A_602 = vector.broadcast %broadcast_in_dim3A_601 : i32 to vector<16xi32>
      tpu.vector_store_idx %arg17[%add3A_558, %broadcast_in_dim3A_602], %exp3A_600 : memref<128x16xf32, #tpu.memory_space<vmem>>[vector<16xi32>, vector<16xi32>], vector<16xf32>,
      %swap3A_603 = arith.constant 1 : i32
      %swap3A_604 = arith.index_cast %swap3A_603 : i32 to index
      %swap3A_605 = arith.constant 32 : index
      %swap3A_606 = tpu.vector_load %arg18[%swap3A_604, %swap3A_605] {strides = array<i32>} : memref<4x128xf32, #tpu.memory_space<vmem>>, vector<16xf32>,
      tpu.vector_store %arg18[%swap3A_604, %swap3A_605], %exp3A_600 {strides = array<i32>} : memref<4x128xf32, #tpu.memory_space<vmem>>, vector<16xf32>,
      %broadcast_in_dim3A_607 = arith.constant 2 : i32
      %broadcast_in_dim3A_608 = vector.broadcast %broadcast_in_dim3A_607 : i32 to vector<16xi32>
      %gather3A_609 = tpu.vector_load_idx %arg14[%add3A_558, %broadcast_in_dim3A_608] : memref<128x16xf32, #tpu.memory_space<vmem>>[vector<16xi32>, vector<16xi32>], vector<16xf32>,
      %broadcast_in_dim3A_610 = arith.constant 6 : i32
      %broadcast_in_dim3A_611 = vector.broadcast %broadcast_in_dim3A_610 : i32 to vector<16xi32>
      %gather3A_612 = tpu.vector_load_idx %arg15[%add3A_558, %broadcast_in_dim3A_611] : memref<128x16xf32, #tpu.memory_space<vmem>>[vector<16xi32>, vector<16xi32>], vector<16xf32>,
      %add3A_613 = arith.addf %gather3A_609, %gather3A_612 : vector<16xf32>
      %gt3A_614 = arith.constant 0.000000e+00 : f32
      %gt3A_615 = vector.broadcast %gt3A_614 : f32 to vector<16xf32>
      %gt3A_616 = arith.cmpf ogt, %add3A_613, %gt3A_615 : vector<16xf32>
      %mul3A_617 = arith.constant 2.000000e-01 : f32
      %mul3A_618 = vector.broadcast %mul3A_617 : f32 to vector<16xf32>
      %mul3A_619 = arith.mulf %mul3A_618, %add3A_613 : vector<16xf32>
      %select_n3A_620 = arith.select %gt3A_616, %add3A_613, %mul3A_619 : vector<16xi1>, vector<16xf32>
      %mul3A_621 = arith.mulf %select_n3A_620, %add3A_562 : vector<16xf32>
      %exp3A_622 = math.exp %mul3A_621 : vector<16xf32>
      %broadcast_in_dim3A_623 = arith.constant 2 : i32
      %broadcast_in_dim3A_624 = vector.broadcast %broadcast_in_dim3A_623 : i32 to vector<16xi32>
      tpu.vector_store_idx %arg17[%add3A_558, %broadcast_in_dim3A_624], %exp3A_622 : memref<128x16xf32, #tpu.memory_space<vmem>>[vector<16xi32>, vector<16xi32>], vector<16xf32>,
      %swap3A_625 = arith.constant 2 : i32
      %swap3A_626 = arith.index_cast %swap3A_625 : i32 to index
      %swap3A_627 = arith.constant 32 : index
      %swap3A_628 = tpu.vector_load %arg18[%swap3A_626, %swap3A_627] {strides = array<i32>} : memref<4x128xf32, #tpu.memory_space<vmem>>, vector<16xf32>,
      tpu.vector_store %arg18[%swap3A_626, %swap3A_627], %exp3A_622 {strides = array<i32>} : memref<4x128xf32, #tpu.memory_space<vmem>>, vector<16xf32>,
      %broadcast_in_dim3A_629 = arith.constant 3 : i32
      %broadcast_in_dim3A_630 = vector.broadcast %broadcast_in_dim3A_629 : i32 to vector<16xi32>
      %gather3A_631 = tpu.vector_load_idx %arg14[%add3A_558, %broadcast_in_dim3A_630] : memref<128x16xf32, #tpu.memory_space<vmem>>[vector<16xi32>, vector<16xi32>], vector<16xf32>,
      %broadcast_in_dim3A_632 = arith.constant 7 : i32
      %broadcast_in_dim3A_633 = vector.broadcast %broadcast_in_dim3A_632 : i32 to vector<16xi32>
      %gather3A_634 = tpu.vector_load_idx %arg15[%add3A_558, %broadcast_in_dim3A_633] : memref<128x16xf32, #tpu.memory_space<vmem>>[vector<16xi32>, vector<16xi32>], vector<16xf32>,
      %add3A_635 = arith.addf %gather3A_631, %gather3A_634 : vector<16xf32>
      %gt3A_636 = arith.constant 0.000000e+00 : f32
      %gt3A_637 = vector.broadcast %gt3A_636 : f32 to vector<16xf32>
      %gt3A_638 = arith.cmpf ogt, %add3A_635, %gt3A_637 : vector<16xf32>
      %mul3A_639 = arith.constant 2.000000e-01 : f32
      %mul3A_640 = vector.broadcast %mul3A_639 : f32 to vector<16xf32>
      %mul3A_641 = arith.mulf %mul3A_640, %add3A_635 : vector<16xf32>
      %select_n3A_642 = arith.select %gt3A_638, %add3A_635, %mul3A_641 : vector<16xi1>, vector<16xf32>
      %mul3A_643 = arith.mulf %select_n3A_642, %add3A_562 : vector<16xf32>
      %exp3A_644 = math.exp %mul3A_643 : vector<16xf32>
      %broadcast_in_dim3A_645 = arith.constant 3 : i32
      %broadcast_in_dim3A_646 = vector.broadcast %broadcast_in_dim3A_645 : i32 to vector<16xi32>
      tpu.vector_store_idx %arg17[%add3A_558, %broadcast_in_dim3A_646], %exp3A_644 : memref<128x16xf32, #tpu.memory_space<vmem>>[vector<16xi32>, vector<16xi32>], vector<16xf32>,
      %swap3A_647 = arith.constant 3 : i32
      %swap3A_648 = arith.index_cast %swap3A_647 : i32 to index
      %swap3A_649 = arith.constant 32 : index
      %swap3A_650 = tpu.vector_load %arg18[%swap3A_648, %swap3A_649] {strides = array<i32>} : memref<4x128xf32, #tpu.memory_space<vmem>>, vector<16xf32>,
      tpu.vector_store %arg18[%swap3A_648, %swap3A_649], %exp3A_644 {strides = array<i32>} : memref<4x128xf32, #tpu.memory_space<vmem>>, vector<16xf32>,
      %add3A_651 = arith.constant 48 : i32
      %add3A_652 = vector.broadcast %add3A_651 : i32 to vector<16xi32>
      %add3A_653 = arith.addi %iota3A, %add3A_652 : vector<16xi32>
      %get3A_654 = arith.constant 48 : index
      %get3A_655 = tpu.vector_load %arg13[%get3A_654] {strides = array<i32>} : memref<128xf32, #tpu.memory_space<vmem>>, vector<16xf32>,
      %mul3A_656 = arith.mulf %get3A_655, %get3A_2 : vector<16xf32>
      %add3A_657 = arith.addf %mul3A_656, %get3A_4 : vector<16xf32>
      %broadcast_in_dim3A_658 = arith.constant 0 : i32
      %broadcast_in_dim3A_659 = vector.broadcast %broadcast_in_dim3A_658 : i32 to vector<16xi32>
      %gather3A_660 = tpu.vector_load_idx %arg14[%add3A_653, %broadcast_in_dim3A_659] : memref<128x16xf32, #tpu.memory_space<vmem>>[vector<16xi32>, vector<16xi32>], vector<16xf32>,
      %broadcast_in_dim3A_661 = arith.constant 4 : i32
      %broadcast_in_dim3A_662 = vector.broadcast %broadcast_in_dim3A_661 : i32 to vector<16xi32>
      %gather3A_663 = tpu.vector_load_idx %arg15[%add3A_653, %broadcast_in_dim3A_662] : memref<128x16xf32, #tpu.memory_space<vmem>>[vector<16xi32>, vector<16xi32>], vector<16xf32>,
      %add3A_664 = arith.addf %gather3A_660, %gather3A_663 : vector<16xf32>
      %gt3A_665 = arith.constant 0.000000e+00 : f32
      %gt3A_666 = vector.broadcast %gt3A_665 : f32 to vector<16xf32>
      %gt3A_667 = arith.cmpf ogt, %add3A_664, %gt3A_666 : vector<16xf32>
      %mul3A_668 = arith.constant 2.000000e-01 : f32
      %mul3A_669 = vector.broadcast %mul3A_668 : f32 to vector<16xf32>
      %mul3A_670 = arith.mulf %mul3A_669, %add3A_664 : vector<16xf32>
      %select_n3A_671 = arith.select %gt3A_667, %add3A_664, %mul3A_670 : vector<16xi1>, vector<16xf32>
      %mul3A_672 = arith.mulf %select_n3A_671, %add3A_657 : vector<16xf32>
      %exp3A_673 = math.exp %mul3A_672 : vector<16xf32>
      %broadcast_in_dim3A_674 = arith.constant 0 : i32
      %broadcast_in_dim3A_675 = vector.broadcast %broadcast_in_dim3A_674 : i32 to vector<16xi32>
      tpu.vector_store_idx %arg17[%add3A_653, %broadcast_in_dim3A_675], %exp3A_673 : memref<128x16xf32, #tpu.memory_space<vmem>>[vector<16xi32>, vector<16xi32>], vector<16xf32>,
      %swap3A_676 = arith.constant 0 : i32
      %swap3A_677 = arith.index_cast %swap3A_676 : i32 to index
      %swap3A_678 = arith.constant 48 : index
      %swap3A_679 = tpu.vector_load %arg18[%swap3A_677, %swap3A_678] {strides = array<i32>} : memref<4x128xf32, #tpu.memory_space<vmem>>, vector<16xf32>,
      tpu.vector_store %arg18[%swap3A_677, %swap3A_678], %exp3A_673 {strides = array<i32>} : memref<4x128xf32, #tpu.memory_space<vmem>>, vector<16xf32>,
      %broadcast_in_dim3A_680 = arith.constant 1 : i32
      %broadcast_in_dim3A_681 = vector.broadcast %broadcast_in_dim3A_680 : i32 to vector<16xi32>
      %gather3A_682 = tpu.vector_load_idx %arg14[%add3A_653, %broadcast_in_dim3A_681] : memref<128x16xf32, #tpu.memory_space<vmem>>[vector<16xi32>, vector<16xi32>], vector<16xf32>,
      %broadcast_in_dim3A_683 = arith.constant 5 : i32
      %broadcast_in_dim3A_684 = vector.broadcast %broadcast_in_dim3A_683 : i32 to vector<16xi32>
      %gather3A_685 = tpu.vector_load_idx %arg15[%add3A_653, %broadcast_in_dim3A_684] : memref<128x16xf32, #tpu.memory_space<vmem>>[vector<16xi32>, vector<16xi32>], vector<16xf32>,
      %add3A_686 = arith.addf %gather3A_682, %gather3A_685 : vector<16xf32>
      %gt3A_687 = arith.constant 0.000000e+00 : f32
      %gt3A_688 = vector.broadcast %gt3A_687 : f32 to vector<16xf32>
      %gt3A_689 = arith.cmpf ogt, %add3A_686, %gt3A_688 : vector<16xf32>
      %mul3A_690 = arith.constant 2.000000e-01 : f32
      %mul3A_691 = vector.broadcast %mul3A_690 : f32 to vector<16xf32>
      %mul3A_692 = arith.mulf %mul3A_691, %add3A_686 : vector<16xf32>
      %select_n3A_693 = arith.select %gt3A_689, %add3A_686, %mul3A_692 : vector<16xi1>, vector<16xf32>
      %mul3A_694 = arith.mulf %select_n3A_693, %add3A_657 : vector<16xf32>
      %exp3A_695 = math.exp %mul3A_694 : vector<16xf32>
      %broadcast_in_dim3A_696 = arith.constant 1 : i32
      %broadcast_in_dim3A_697 = vector.broadcast %broadcast_in_dim3A_696 : i32 to vector<16xi32>
      tpu.vector_store_idx %arg17[%add3A_653, %broadcast_in_dim3A_697], %exp3A_695 : memref<128x16xf32, #tpu.memory_space<vmem>>[vector<16xi32>, vector<16xi32>], vector<16xf32>,
      %swap3A_698 = arith.constant 1 : i32
      %swap3A_699 = arith.index_cast %swap3A_698 : i32 to index
      %swap3A_700 = arith.constant 48 : index
      %swap3A_701 = tpu.vector_load %arg18[%swap3A_699, %swap3A_700] {strides = array<i32>} : memref<4x128xf32, #tpu.memory_space<vmem>>, vector<16xf32>,
      tpu.vector_store %arg18[%swap3A_699, %swap3A_700], %exp3A_695 {strides = array<i32>} : memref<4x128xf32, #tpu.memory_space<vmem>>, vector<16xf32>,
      %broadcast_in_dim3A_702 = arith.constant 2 : i32
      %broadcast_in_dim3A_703 = vector.broadcast %broadcast_in_dim3A_702 : i32 to vector<16xi32>
      %gather3A_704 = tpu.vector_load_idx %arg14[%add3A_653, %broadcast_in_dim3A_703] : memref<128x16xf32, #tpu.memory_space<vmem>>[vector<16xi32>, vector<16xi32>], vector<16xf32>,
      %broadcast_in_dim3A_705 = arith.constant 6 : i32
      %broadcast_in_dim3A_706 = vector.broadcast %broadcast_in_dim3A_705 : i32 to vector<16xi32>
      %gather3A_707 = tpu.vector_load_idx %arg15[%add3A_653, %broadcast_in_dim3A_706] : memref<128x16xf32, #tpu.memory_space<vmem>>[vector<16xi32>, vector<16xi32>], vector<16xf32>,
      %add3A_708 = arith.addf %gather3A_704, %gather3A_707 : vector<16xf32>
      %gt3A_709 = arith.constant 0.000000e+00 : f32
      %gt3A_710 = vector.broadcast %gt3A_709 : f32 to vector<16xf32>
      %gt3A_711 = arith.cmpf ogt, %add3A_708, %gt3A_710 : vector<16xf32>
      %mul3A_712 = arith.constant 2.000000e-01 : f32
      %mul3A_713 = vector.broadcast %mul3A_712 : f32 to vector<16xf32>
      %mul3A_714 = arith.mulf %mul3A_713, %add3A_708 : vector<16xf32>
      %select_n3A_715 = arith.select %gt3A_711, %add3A_708, %mul3A_714 : vector<16xi1>, vector<16xf32>
      %mul3A_716 = arith.mulf %select_n3A_715, %add3A_657 : vector<16xf32>
      %exp3A_717 = math.exp %mul3A_716 : vector<16xf32>
      %broadcast_in_dim3A_718 = arith.constant 2 : i32
      %broadcast_in_dim3A_719 = vector.broadcast %broadcast_in_dim3A_718 : i32 to vector<16xi32>
      tpu.vector_store_idx %arg17[%add3A_653, %broadcast_in_dim3A_719], %exp3A_717 : memref<128x16xf32, #tpu.memory_space<vmem>>[vector<16xi32>, vector<16xi32>], vector<16xf32>,
      %swap3A_720 = arith.constant 2 : i32
      %swap3A_721 = arith.index_cast %swap3A_720 : i32 to index
      %swap3A_722 = arith.constant 48 : index
      %swap3A_723 = tpu.vector_load %arg18[%swap3A_721, %swap3A_722] {strides = array<i32>} : memref<4x128xf32, #tpu.memory_space<vmem>>, vector<16xf32>,
      tpu.vector_store %arg18[%swap3A_721, %swap3A_722], %exp3A_717 {strides = array<i32>} : memref<4x128xf32, #tpu.memory_space<vmem>>, vector<16xf32>,
      %broadcast_in_dim3A_724 = arith.constant 3 : i32
      %broadcast_in_dim3A_725 = vector.broadcast %broadcast_in_dim3A_724 : i32 to vector<16xi32>
      %gather3A_726 = tpu.vector_load_idx %arg14[%add3A_653, %broadcast_in_dim3A_725] : memref<128x16xf32, #tpu.memory_space<vmem>>[vector<16xi32>, vector<16xi32>], vector<16xf32>,
      %broadcast_in_dim3A_727 = arith.constant 7 : i32
      %broadcast_in_dim3A_728 = vector.broadcast %broadcast_in_dim3A_727 : i32 to vector<16xi32>
      %gather3A_729 = tpu.vector_load_idx %arg15[%add3A_653, %broadcast_in_dim3A_728] : memref<128x16xf32, #tpu.memory_space<vmem>>[vector<16xi32>, vector<16xi32>], vector<16xf32>,
      %add3A_730 = arith.addf %gather3A_726, %gather3A_729 : vector<16xf32>
      %gt3A_731 = arith.constant 0.000000e+00 : f32
      %gt3A_732 = vector.broadcast %gt3A_731 : f32 to vector<16xf32>
      %gt3A_733 = arith.cmpf ogt, %add3A_730, %gt3A_732 : vector<16xf32>
      %mul3A_734 = arith.constant 2.000000e-01 : f32
      %mul3A_735 = vector.broadcast %mul3A_734 : f32 to vector<16xf32>
      %mul3A_736 = arith.mulf %mul3A_735, %add3A_730 : vector<16xf32>
      %select_n3A_737 = arith.select %gt3A_733, %add3A_730, %mul3A_736 : vector<16xi1>, vector<16xf32>
      %mul3A_738 = arith.mulf %select_n3A_737, %add3A_657 : vector<16xf32>
      %exp3A_739 = math.exp %mul3A_738 : vector<16xf32>
      %broadcast_in_dim3A_740 = arith.constant 3 : i32
      %broadcast_in_dim3A_741 = vector.broadcast %broadcast_in_dim3A_740 : i32 to vector<16xi32>
      tpu.vector_store_idx %arg17[%add3A_653, %broadcast_in_dim3A_741], %exp3A_739 : memref<128x16xf32, #tpu.memory_space<vmem>>[vector<16xi32>, vector<16xi32>], vector<16xf32>,
      %swap3A_742 = arith.constant 3 : i32
      %swap3A_743 = arith.index_cast %swap3A_742 : i32 to index
      %swap3A_744 = arith.constant 48 : index
      %swap3A_745 = tpu.vector_load %arg18[%swap3A_743, %swap3A_744] {strides = array<i32>} : memref<4x128xf32, #tpu.memory_space<vmem>>, vector<16xf32>,
      tpu.vector_store %arg18[%swap3A_743, %swap3A_744], %exp3A_739 {strides = array<i32>} : memref<4x128xf32, #tpu.memory_space<vmem>>, vector<16xf32>,
      %add3A_746 = arith.constant 64 : i32
      %add3A_747 = vector.broadcast %add3A_746 : i32 to vector<16xi32>
      %add3A_748 = arith.addi %iota3A, %add3A_747 : vector<16xi32>
      %get3A_749 = arith.constant 64 : index
      %get3A_750 = tpu.vector_load %arg13[%get3A_749] {strides = array<i32>} : memref<128xf32, #tpu.memory_space<vmem>>, vector<16xf32>,
      %mul3A_751 = arith.mulf %get3A_750, %get3A_2 : vector<16xf32>
      %add3A_752 = arith.addf %mul3A_751, %get3A_4 : vector<16xf32>
      %broadcast_in_dim3A_753 = arith.constant 0 : i32
      %broadcast_in_dim3A_754 = vector.broadcast %broadcast_in_dim3A_753 : i32 to vector<16xi32>
      %gather3A_755 = tpu.vector_load_idx %arg14[%add3A_748, %broadcast_in_dim3A_754] : memref<128x16xf32, #tpu.memory_space<vmem>>[vector<16xi32>, vector<16xi32>], vector<16xf32>,
      %broadcast_in_dim3A_756 = arith.constant 4 : i32
      %broadcast_in_dim3A_757 = vector.broadcast %broadcast_in_dim3A_756 : i32 to vector<16xi32>
      %gather3A_758 = tpu.vector_load_idx %arg15[%add3A_748, %broadcast_in_dim3A_757] : memref<128x16xf32, #tpu.memory_space<vmem>>[vector<16xi32>, vector<16xi32>], vector<16xf32>,
      %add3A_759 = arith.addf %gather3A_755, %gather3A_758 : vector<16xf32>
      %gt3A_760 = arith.constant 0.000000e+00 : f32
      %gt3A_761 = vector.broadcast %gt3A_760 : f32 to vector<16xf32>
      %gt3A_762 = arith.cmpf ogt, %add3A_759, %gt3A_761 : vector<16xf32>
      %mul3A_763 = arith.constant 2.000000e-01 : f32
      %mul3A_764 = vector.broadcast %mul3A_763 : f32 to vector<16xf32>
      %mul3A_765 = arith.mulf %mul3A_764, %add3A_759 : vector<16xf32>
      %select_n3A_766 = arith.select %gt3A_762, %add3A_759, %mul3A_765 : vector<16xi1>, vector<16xf32>
      %mul3A_767 = arith.mulf %select_n3A_766, %add3A_752 : vector<16xf32>
      %exp3A_768 = math.exp %mul3A_767 : vector<16xf32>
      %broadcast_in_dim3A_769 = arith.constant 0 : i32
      %broadcast_in_dim3A_770 = vector.broadcast %broadcast_in_dim3A_769 : i32 to vector<16xi32>
      tpu.vector_store_idx %arg17[%add3A_748, %broadcast_in_dim3A_770], %exp3A_768 : memref<128x16xf32, #tpu.memory_space<vmem>>[vector<16xi32>, vector<16xi32>], vector<16xf32>,
      %swap3A_771 = arith.constant 0 : i32
      %swap3A_772 = arith.index_cast %swap3A_771 : i32 to index
      %swap3A_773 = arith.constant 64 : index
      %swap3A_774 = tpu.vector_load %arg18[%swap3A_772, %swap3A_773] {strides = array<i32>} : memref<4x128xf32, #tpu.memory_space<vmem>>, vector<16xf32>,
      tpu.vector_store %arg18[%swap3A_772, %swap3A_773], %exp3A_768 {strides = array<i32>} : memref<4x128xf32, #tpu.memory_space<vmem>>, vector<16xf32>,
      %broadcast_in_dim3A_775 = arith.constant 1 : i32
      %broadcast_in_dim3A_776 = vector.broadcast %broadcast_in_dim3A_775 : i32 to vector<16xi32>
      %gather3A_777 = tpu.vector_load_idx %arg14[%add3A_748, %broadcast_in_dim3A_776] : memref<128x16xf32, #tpu.memory_space<vmem>>[vector<16xi32>, vector<16xi32>], vector<16xf32>,
      %broadcast_in_dim3A_778 = arith.constant 5 : i32
      %broadcast_in_dim3A_779 = vector.broadcast %broadcast_in_dim3A_778 : i32 to vector<16xi32>
      %gather3A_780 = tpu.vector_load_idx %arg15[%add3A_748, %broadcast_in_dim3A_779] : memref<128x16xf32, #tpu.memory_space<vmem>>[vector<16xi32>, vector<16xi32>], vector<16xf32>,
      %add3A_781 = arith.addf %gather3A_777, %gather3A_780 : vector<16xf32>
      %gt3A_782 = arith.constant 0.000000e+00 : f32
      %gt3A_783 = vector.broadcast %gt3A_782 : f32 to vector<16xf32>
      %gt3A_784 = arith.cmpf ogt, %add3A_781, %gt3A_783 : vector<16xf32>
      %mul3A_785 = arith.constant 2.000000e-01 : f32
      %mul3A_786 = vector.broadcast %mul3A_785 : f32 to vector<16xf32>
      %mul3A_787 = arith.mulf %mul3A_786, %add3A_781 : vector<16xf32>
      %select_n3A_788 = arith.select %gt3A_784, %add3A_781, %mul3A_787 : vector<16xi1>, vector<16xf32>
      %mul3A_789 = arith.mulf %select_n3A_788, %add3A_752 : vector<16xf32>
      %exp3A_790 = math.exp %mul3A_789 : vector<16xf32>
      %broadcast_in_dim3A_791 = arith.constant 1 : i32
      %broadcast_in_dim3A_792 = vector.broadcast %broadcast_in_dim3A_791 : i32 to vector<16xi32>
      tpu.vector_store_idx %arg17[%add3A_748, %broadcast_in_dim3A_792], %exp3A_790 : memref<128x16xf32, #tpu.memory_space<vmem>>[vector<16xi32>, vector<16xi32>], vector<16xf32>,
      %swap3A_793 = arith.constant 1 : i32
      %swap3A_794 = arith.index_cast %swap3A_793 : i32 to index
      %swap3A_795 = arith.constant 64 : index
      %swap3A_796 = tpu.vector_load %arg18[%swap3A_794, %swap3A_795] {strides = array<i32>} : memref<4x128xf32, #tpu.memory_space<vmem>>, vector<16xf32>,
      tpu.vector_store %arg18[%swap3A_794, %swap3A_795], %exp3A_790 {strides = array<i32>} : memref<4x128xf32, #tpu.memory_space<vmem>>, vector<16xf32>,
      %broadcast_in_dim3A_797 = arith.constant 2 : i32
      %broadcast_in_dim3A_798 = vector.broadcast %broadcast_in_dim3A_797 : i32 to vector<16xi32>
      %gather3A_799 = tpu.vector_load_idx %arg14[%add3A_748, %broadcast_in_dim3A_798] : memref<128x16xf32, #tpu.memory_space<vmem>>[vector<16xi32>, vector<16xi32>], vector<16xf32>,
      %broadcast_in_dim3A_800 = arith.constant 6 : i32
      %broadcast_in_dim3A_801 = vector.broadcast %broadcast_in_dim3A_800 : i32 to vector<16xi32>
      %gather3A_802 = tpu.vector_load_idx %arg15[%add3A_748, %broadcast_in_dim3A_801] : memref<128x16xf32, #tpu.memory_space<vmem>>[vector<16xi32>, vector<16xi32>], vector<16xf32>,
      %add3A_803 = arith.addf %gather3A_799, %gather3A_802 : vector<16xf32>
      %gt3A_804 = arith.constant 0.000000e+00 : f32
      %gt3A_805 = vector.broadcast %gt3A_804 : f32 to vector<16xf32>
      %gt3A_806 = arith.cmpf ogt, %add3A_803, %gt3A_805 : vector<16xf32>
      %mul3A_807 = arith.constant 2.000000e-01 : f32
      %mul3A_808 = vector.broadcast %mul3A_807 : f32 to vector<16xf32>
      %mul3A_809 = arith.mulf %mul3A_808, %add3A_803 : vector<16xf32>
      %select_n3A_810 = arith.select %gt3A_806, %add3A_803, %mul3A_809 : vector<16xi1>, vector<16xf32>
      %mul3A_811 = arith.mulf %select_n3A_810, %add3A_752 : vector<16xf32>
      %exp3A_812 = math.exp %mul3A_811 : vector<16xf32>
      %broadcast_in_dim3A_813 = arith.constant 2 : i32
      %broadcast_in_dim3A_814 = vector.broadcast %broadcast_in_dim3A_813 : i32 to vector<16xi32>
      tpu.vector_store_idx %arg17[%add3A_748, %broadcast_in_dim3A_814], %exp3A_812 : memref<128x16xf32, #tpu.memory_space<vmem>>[vector<16xi32>, vector<16xi32>], vector<16xf32>,
      %swap3A_815 = arith.constant 2 : i32
      %swap3A_816 = arith.index_cast %swap3A_815 : i32 to index
      %swap3A_817 = arith.constant 64 : index
      %swap3A_818 = tpu.vector_load %arg18[%swap3A_816, %swap3A_817] {strides = array<i32>} : memref<4x128xf32, #tpu.memory_space<vmem>>, vector<16xf32>,
      tpu.vector_store %arg18[%swap3A_816, %swap3A_817], %exp3A_812 {strides = array<i32>} : memref<4x128xf32, #tpu.memory_space<vmem>>, vector<16xf32>,
      %broadcast_in_dim3A_819 = arith.constant 3 : i32
      %broadcast_in_dim3A_820 = vector.broadcast %broadcast_in_dim3A_819 : i32 to vector<16xi32>
      %gather3A_821 = tpu.vector_load_idx %arg14[%add3A_748, %broadcast_in_dim3A_820] : memref<128x16xf32, #tpu.memory_space<vmem>>[vector<16xi32>, vector<16xi32>], vector<16xf32>,
      %broadcast_in_dim3A_822 = arith.constant 7 : i32
      %broadcast_in_dim3A_823 = vector.broadcast %broadcast_in_dim3A_822 : i32 to vector<16xi32>
      %gather3A_824 = tpu.vector_load_idx %arg15[%add3A_748, %broadcast_in_dim3A_823] : memref<128x16xf32, #tpu.memory_space<vmem>>[vector<16xi32>, vector<16xi32>], vector<16xf32>,
      %add3A_825 = arith.addf %gather3A_821, %gather3A_824 : vector<16xf32>
      %gt3A_826 = arith.constant 0.000000e+00 : f32
      %gt3A_827 = vector.broadcast %gt3A_826 : f32 to vector<16xf32>
      %gt3A_828 = arith.cmpf ogt, %add3A_825, %gt3A_827 : vector<16xf32>
      %mul3A_829 = arith.constant 2.000000e-01 : f32
      %mul3A_830 = vector.broadcast %mul3A_829 : f32 to vector<16xf32>
      %mul3A_831 = arith.mulf %mul3A_830, %add3A_825 : vector<16xf32>
      %select_n3A_832 = arith.select %gt3A_828, %add3A_825, %mul3A_831 : vector<16xi1>, vector<16xf32>
      %mul3A_833 = arith.mulf %select_n3A_832, %add3A_752 : vector<16xf32>
      %exp3A_834 = math.exp %mul3A_833 : vector<16xf32>
      %broadcast_in_dim3A_835 = arith.constant 3 : i32
      %broadcast_in_dim3A_836 = vector.broadcast %broadcast_in_dim3A_835 : i32 to vector<16xi32>
      tpu.vector_store_idx %arg17[%add3A_748, %broadcast_in_dim3A_836], %exp3A_834 : memref<128x16xf32, #tpu.memory_space<vmem>>[vector<16xi32>, vector<16xi32>], vector<16xf32>,
      %swap3A_837 = arith.constant 3 : i32
      %swap3A_838 = arith.index_cast %swap3A_837 : i32 to index
      %swap3A_839 = arith.constant 64 : index
      %swap3A_840 = tpu.vector_load %arg18[%swap3A_838, %swap3A_839] {strides = array<i32>} : memref<4x128xf32, #tpu.memory_space<vmem>>, vector<16xf32>,
      tpu.vector_store %arg18[%swap3A_838, %swap3A_839], %exp3A_834 {strides = array<i32>} : memref<4x128xf32, #tpu.memory_space<vmem>>, vector<16xf32>,
      %add3A_841 = arith.constant 80 : i32
      %add3A_842 = vector.broadcast %add3A_841 : i32 to vector<16xi32>
      %add3A_843 = arith.addi %iota3A, %add3A_842 : vector<16xi32>
      %get3A_844 = arith.constant 80 : index
      %get3A_845 = tpu.vector_load %arg13[%get3A_844] {strides = array<i32>} : memref<128xf32, #tpu.memory_space<vmem>>, vector<16xf32>,
      %mul3A_846 = arith.mulf %get3A_845, %get3A_2 : vector<16xf32>
      %add3A_847 = arith.addf %mul3A_846, %get3A_4 : vector<16xf32>
      %broadcast_in_dim3A_848 = arith.constant 0 : i32
      %broadcast_in_dim3A_849 = vector.broadcast %broadcast_in_dim3A_848 : i32 to vector<16xi32>
      %gather3A_850 = tpu.vector_load_idx %arg14[%add3A_843, %broadcast_in_dim3A_849] : memref<128x16xf32, #tpu.memory_space<vmem>>[vector<16xi32>, vector<16xi32>], vector<16xf32>,
      %broadcast_in_dim3A_851 = arith.constant 4 : i32
      %broadcast_in_dim3A_852 = vector.broadcast %broadcast_in_dim3A_851 : i32 to vector<16xi32>
      %gather3A_853 = tpu.vector_load_idx %arg15[%add3A_843, %broadcast_in_dim3A_852] : memref<128x16xf32, #tpu.memory_space<vmem>>[vector<16xi32>, vector<16xi32>], vector<16xf32>,
      %add3A_854 = arith.addf %gather3A_850, %gather3A_853 : vector<16xf32>
      %gt3A_855 = arith.constant 0.000000e+00 : f32
      %gt3A_856 = vector.broadcast %gt3A_855 : f32 to vector<16xf32>
      %gt3A_857 = arith.cmpf ogt, %add3A_854, %gt3A_856 : vector<16xf32>
      %mul3A_858 = arith.constant 2.000000e-01 : f32
      %mul3A_859 = vector.broadcast %mul3A_858 : f32 to vector<16xf32>
      %mul3A_860 = arith.mulf %mul3A_859, %add3A_854 : vector<16xf32>
      %select_n3A_861 = arith.select %gt3A_857, %add3A_854, %mul3A_860 : vector<16xi1>, vector<16xf32>
      %mul3A_862 = arith.mulf %select_n3A_861, %add3A_847 : vector<16xf32>
      %exp3A_863 = math.exp %mul3A_862 : vector<16xf32>
      %broadcast_in_dim3A_864 = arith.constant 0 : i32
      %broadcast_in_dim3A_865 = vector.broadcast %broadcast_in_dim3A_864 : i32 to vector<16xi32>
      tpu.vector_store_idx %arg17[%add3A_843, %broadcast_in_dim3A_865], %exp3A_863 : memref<128x16xf32, #tpu.memory_space<vmem>>[vector<16xi32>, vector<16xi32>], vector<16xf32>,
      %swap3A_866 = arith.constant 0 : i32
      %swap3A_867 = arith.index_cast %swap3A_866 : i32 to index
      %swap3A_868 = arith.constant 80 : index
      %swap3A_869 = tpu.vector_load %arg18[%swap3A_867, %swap3A_868] {strides = array<i32>} : memref<4x128xf32, #tpu.memory_space<vmem>>, vector<16xf32>,
      tpu.vector_store %arg18[%swap3A_867, %swap3A_868], %exp3A_863 {strides = array<i32>} : memref<4x128xf32, #tpu.memory_space<vmem>>, vector<16xf32>,
      %broadcast_in_dim3A_870 = arith.constant 1 : i32
      %broadcast_in_dim3A_871 = vector.broadcast %broadcast_in_dim3A_870 : i32 to vector<16xi32>
      %gather3A_872 = tpu.vector_load_idx %arg14[%add3A_843, %broadcast_in_dim3A_871] : memref<128x16xf32, #tpu.memory_space<vmem>>[vector<16xi32>, vector<16xi32>], vector<16xf32>,
      %broadcast_in_dim3A_873 = arith.constant 5 : i32
      %broadcast_in_dim3A_874 = vector.broadcast %broadcast_in_dim3A_873 : i32 to vector<16xi32>
      %gather3A_875 = tpu.vector_load_idx %arg15[%add3A_843, %broadcast_in_dim3A_874] : memref<128x16xf32, #tpu.memory_space<vmem>>[vector<16xi32>, vector<16xi32>], vector<16xf32>,
      %add3A_876 = arith.addf %gather3A_872, %gather3A_875 : vector<16xf32>
      %gt3A_877 = arith.constant 0.000000e+00 : f32
      %gt3A_878 = vector.broadcast %gt3A_877 : f32 to vector<16xf32>
      %gt3A_879 = arith.cmpf ogt, %add3A_876, %gt3A_878 : vector<16xf32>
      %mul3A_880 = arith.constant 2.000000e-01 : f32
      %mul3A_881 = vector.broadcast %mul3A_880 : f32 to vector<16xf32>
      %mul3A_882 = arith.mulf %mul3A_881, %add3A_876 : vector<16xf32>
      %select_n3A_883 = arith.select %gt3A_879, %add3A_876, %mul3A_882 : vector<16xi1>, vector<16xf32>
      %mul3A_884 = arith.mulf %select_n3A_883, %add3A_847 : vector<16xf32>
      %exp3A_885 = math.exp %mul3A_884 : vector<16xf32>
      %broadcast_in_dim3A_886 = arith.constant 1 : i32
      %broadcast_in_dim3A_887 = vector.broadcast %broadcast_in_dim3A_886 : i32 to vector<16xi32>
      tpu.vector_store_idx %arg17[%add3A_843, %broadcast_in_dim3A_887], %exp3A_885 : memref<128x16xf32, #tpu.memory_space<vmem>>[vector<16xi32>, vector<16xi32>], vector<16xf32>,
      %swap3A_888 = arith.constant 1 : i32
      %swap3A_889 = arith.index_cast %swap3A_888 : i32 to index
      %swap3A_890 = arith.constant 80 : index
      %swap3A_891 = tpu.vector_load %arg18[%swap3A_889, %swap3A_890] {strides = array<i32>} : memref<4x128xf32, #tpu.memory_space<vmem>>, vector<16xf32>,
      tpu.vector_store %arg18[%swap3A_889, %swap3A_890], %exp3A_885 {strides = array<i32>} : memref<4x128xf32, #tpu.memory_space<vmem>>, vector<16xf32>,
      %broadcast_in_dim3A_892 = arith.constant 2 : i32
      %broadcast_in_dim3A_893 = vector.broadcast %broadcast_in_dim3A_892 : i32 to vector<16xi32>
      %gather3A_894 = tpu.vector_load_idx %arg14[%add3A_843, %broadcast_in_dim3A_893] : memref<128x16xf32, #tpu.memory_space<vmem>>[vector<16xi32>, vector<16xi32>], vector<16xf32>,
      %broadcast_in_dim3A_895 = arith.constant 6 : i32
      %broadcast_in_dim3A_896 = vector.broadcast %broadcast_in_dim3A_895 : i32 to vector<16xi32>
      %gather3A_897 = tpu.vector_load_idx %arg15[%add3A_843, %broadcast_in_dim3A_896] : memref<128x16xf32, #tpu.memory_space<vmem>>[vector<16xi32>, vector<16xi32>], vector<16xf32>,
      %add3A_898 = arith.addf %gather3A_894, %gather3A_897 : vector<16xf32>
      %gt3A_899 = arith.constant 0.000000e+00 : f32
      %gt3A_900 = vector.broadcast %gt3A_899 : f32 to vector<16xf32>
      %gt3A_901 = arith.cmpf ogt, %add3A_898, %gt3A_900 : vector<16xf32>
      %mul3A_902 = arith.constant 2.000000e-01 : f32
      %mul3A_903 = vector.broadcast %mul3A_902 : f32 to vector<16xf32>
      %mul3A_904 = arith.mulf %mul3A_903, %add3A_898 : vector<16xf32>
      %select_n3A_905 = arith.select %gt3A_901, %add3A_898, %mul3A_904 : vector<16xi1>, vector<16xf32>
      %mul3A_906 = arith.mulf %select_n3A_905, %add3A_847 : vector<16xf32>
      %exp3A_907 = math.exp %mul3A_906 : vector<16xf32>
      %broadcast_in_dim3A_908 = arith.constant 2 : i32
      %broadcast_in_dim3A_909 = vector.broadcast %broadcast_in_dim3A_908 : i32 to vector<16xi32>
      tpu.vector_store_idx %arg17[%add3A_843, %broadcast_in_dim3A_909], %exp3A_907 : memref<128x16xf32, #tpu.memory_space<vmem>>[vector<16xi32>, vector<16xi32>], vector<16xf32>,
      %swap3A_910 = arith.constant 2 : i32
      %swap3A_911 = arith.index_cast %swap3A_910 : i32 to index
      %swap3A_912 = arith.constant 80 : index
      %swap3A_913 = tpu.vector_load %arg18[%swap3A_911, %swap3A_912] {strides = array<i32>} : memref<4x128xf32, #tpu.memory_space<vmem>>, vector<16xf32>,
      tpu.vector_store %arg18[%swap3A_911, %swap3A_912], %exp3A_907 {strides = array<i32>} : memref<4x128xf32, #tpu.memory_space<vmem>>, vector<16xf32>,
      %broadcast_in_dim3A_914 = arith.constant 3 : i32
      %broadcast_in_dim3A_915 = vector.broadcast %broadcast_in_dim3A_914 : i32 to vector<16xi32>
      %gather3A_916 = tpu.vector_load_idx %arg14[%add3A_843, %broadcast_in_dim3A_915] : memref<128x16xf32, #tpu.memory_space<vmem>>[vector<16xi32>, vector<16xi32>], vector<16xf32>,
      %broadcast_in_dim3A_917 = arith.constant 7 : i32
      %broadcast_in_dim3A_918 = vector.broadcast %broadcast_in_dim3A_917 : i32 to vector<16xi32>
      %gather3A_919 = tpu.vector_load_idx %arg15[%add3A_843, %broadcast_in_dim3A_918] : memref<128x16xf32, #tpu.memory_space<vmem>>[vector<16xi32>, vector<16xi32>], vector<16xf32>,
      %add3A_920 = arith.addf %gather3A_916, %gather3A_919 : vector<16xf32>
      %gt3A_921 = arith.constant 0.000000e+00 : f32
      %gt3A_922 = vector.broadcast %gt3A_921 : f32 to vector<16xf32>
      %gt3A_923 = arith.cmpf ogt, %add3A_920, %gt3A_922 : vector<16xf32>
      %mul3A_924 = arith.constant 2.000000e-01 : f32
      %mul3A_925 = vector.broadcast %mul3A_924 : f32 to vector<16xf32>
      %mul3A_926 = arith.mulf %mul3A_925, %add3A_920 : vector<16xf32>
      %select_n3A_927 = arith.select %gt3A_923, %add3A_920, %mul3A_926 : vector<16xi1>, vector<16xf32>
      %mul3A_928 = arith.mulf %select_n3A_927, %add3A_847 : vector<16xf32>
      %exp3A_929 = math.exp %mul3A_928 : vector<16xf32>
      %broadcast_in_dim3A_930 = arith.constant 3 : i32
      %broadcast_in_dim3A_931 = vector.broadcast %broadcast_in_dim3A_930 : i32 to vector<16xi32>
      tpu.vector_store_idx %arg17[%add3A_843, %broadcast_in_dim3A_931], %exp3A_929 : memref<128x16xf32, #tpu.memory_space<vmem>>[vector<16xi32>, vector<16xi32>], vector<16xf32>,
      %swap3A_932 = arith.constant 3 : i32
      %swap3A_933 = arith.index_cast %swap3A_932 : i32 to index
      %swap3A_934 = arith.constant 80 : index
      %swap3A_935 = tpu.vector_load %arg18[%swap3A_933, %swap3A_934] {strides = array<i32>} : memref<4x128xf32, #tpu.memory_space<vmem>>, vector<16xf32>,
      tpu.vector_store %arg18[%swap3A_933, %swap3A_934], %exp3A_929 {strides = array<i32>} : memref<4x128xf32, #tpu.memory_space<vmem>>, vector<16xf32>,
      %add3A_936 = arith.constant 96 : i32
      %add3A_937 = vector.broadcast %add3A_936 : i32 to vector<16xi32>
      %add3A_938 = arith.addi %iota3A, %add3A_937 : vector<16xi32>
      %get3A_939 = arith.constant 96 : index
      %get3A_940 = tpu.vector_load %arg13[%get3A_939] {strides = array<i32>} : memref<128xf32, #tpu.memory_space<vmem>>, vector<16xf32>,
      %mul3A_941 = arith.mulf %get3A_940, %get3A_2 : vector<16xf32>
      %add3A_942 = arith.addf %mul3A_941, %get3A_4 : vector<16xf32>
      %broadcast_in_dim3A_943 = arith.constant 0 : i32
      %broadcast_in_dim3A_944 = vector.broadcast %broadcast_in_dim3A_943 : i32 to vector<16xi32>
      %gather3A_945 = tpu.vector_load_idx %arg14[%add3A_938, %broadcast_in_dim3A_944] : memref<128x16xf32, #tpu.memory_space<vmem>>[vector<16xi32>, vector<16xi32>], vector<16xf32>,
      %broadcast_in_dim3A_946 = arith.constant 4 : i32
      %broadcast_in_dim3A_947 = vector.broadcast %broadcast_in_dim3A_946 : i32 to vector<16xi32>
      %gather3A_948 = tpu.vector_load_idx %arg15[%add3A_938, %broadcast_in_dim3A_947] : memref<128x16xf32, #tpu.memory_space<vmem>>[vector<16xi32>, vector<16xi32>], vector<16xf32>,
      %add3A_949 = arith.addf %gather3A_945, %gather3A_948 : vector<16xf32>
      %gt3A_950 = arith.constant 0.000000e+00 : f32
      %gt3A_951 = vector.broadcast %gt3A_950 : f32 to vector<16xf32>
      %gt3A_952 = arith.cmpf ogt, %add3A_949, %gt3A_951 : vector<16xf32>
      %mul3A_953 = arith.constant 2.000000e-01 : f32
      %mul3A_954 = vector.broadcast %mul3A_953 : f32 to vector<16xf32>
      %mul3A_955 = arith.mulf %mul3A_954, %add3A_949 : vector<16xf32>
      %select_n3A_956 = arith.select %gt3A_952, %add3A_949, %mul3A_955 : vector<16xi1>, vector<16xf32>
      %mul3A_957 = arith.mulf %select_n3A_956, %add3A_942 : vector<16xf32>
      %exp3A_958 = math.exp %mul3A_957 : vector<16xf32>
      %broadcast_in_dim3A_959 = arith.constant 0 : i32
      %broadcast_in_dim3A_960 = vector.broadcast %broadcast_in_dim3A_959 : i32 to vector<16xi32>
      tpu.vector_store_idx %arg17[%add3A_938, %broadcast_in_dim3A_960], %exp3A_958 : memref<128x16xf32, #tpu.memory_space<vmem>>[vector<16xi32>, vector<16xi32>], vector<16xf32>,
      %swap3A_961 = arith.constant 0 : i32
      %swap3A_962 = arith.index_cast %swap3A_961 : i32 to index
      %swap3A_963 = arith.constant 96 : index
      %swap3A_964 = tpu.vector_load %arg18[%swap3A_962, %swap3A_963] {strides = array<i32>} : memref<4x128xf32, #tpu.memory_space<vmem>>, vector<16xf32>,
      tpu.vector_store %arg18[%swap3A_962, %swap3A_963], %exp3A_958 {strides = array<i32>} : memref<4x128xf32, #tpu.memory_space<vmem>>, vector<16xf32>,
      %broadcast_in_dim3A_965 = arith.constant 1 : i32
      %broadcast_in_dim3A_966 = vector.broadcast %broadcast_in_dim3A_965 : i32 to vector<16xi32>
      %gather3A_967 = tpu.vector_load_idx %arg14[%add3A_938, %broadcast_in_dim3A_966] : memref<128x16xf32, #tpu.memory_space<vmem>>[vector<16xi32>, vector<16xi32>], vector<16xf32>,
      %broadcast_in_dim3A_968 = arith.constant 5 : i32
      %broadcast_in_dim3A_969 = vector.broadcast %broadcast_in_dim3A_968 : i32 to vector<16xi32>
      %gather3A_970 = tpu.vector_load_idx %arg15[%add3A_938, %broadcast_in_dim3A_969] : memref<128x16xf32, #tpu.memory_space<vmem>>[vector<16xi32>, vector<16xi32>], vector<16xf32>,
      %add3A_971 = arith.addf %gather3A_967, %gather3A_970 : vector<16xf32>
      %gt3A_972 = arith.constant 0.000000e+00 : f32
      %gt3A_973 = vector.broadcast %gt3A_972 : f32 to vector<16xf32>
      %gt3A_974 = arith.cmpf ogt, %add3A_971, %gt3A_973 : vector<16xf32>
      %mul3A_975 = arith.constant 2.000000e-01 : f32
      %mul3A_976 = vector.broadcast %mul3A_975 : f32 to vector<16xf32>
      %mul3A_977 = arith.mulf %mul3A_976, %add3A_971 : vector<16xf32>
      %select_n3A_978 = arith.select %gt3A_974, %add3A_971, %mul3A_977 : vector<16xi1>, vector<16xf32>
      %mul3A_979 = arith.mulf %select_n3A_978, %add3A_942 : vector<16xf32>
      %exp3A_980 = math.exp %mul3A_979 : vector<16xf32>
      %broadcast_in_dim3A_981 = arith.constant 1 : i32
      %broadcast_in_dim3A_982 = vector.broadcast %broadcast_in_dim3A_981 : i32 to vector<16xi32>
      tpu.vector_store_idx %arg17[%add3A_938, %broadcast_in_dim3A_982], %exp3A_980 : memref<128x16xf32, #tpu.memory_space<vmem>>[vector<16xi32>, vector<16xi32>], vector<16xf32>,
      %swap3A_983 = arith.constant 1 : i32
      %swap3A_984 = arith.index_cast %swap3A_983 : i32 to index
      %swap3A_985 = arith.constant 96 : index
      %swap3A_986 = tpu.vector_load %arg18[%swap3A_984, %swap3A_985] {strides = array<i32>} : memref<4x128xf32, #tpu.memory_space<vmem>>, vector<16xf32>,
      tpu.vector_store %arg18[%swap3A_984, %swap3A_985], %exp3A_980 {strides = array<i32>} : memref<4x128xf32, #tpu.memory_space<vmem>>, vector<16xf32>,
      %broadcast_in_dim3A_987 = arith.constant 2 : i32
      %broadcast_in_dim3A_988 = vector.broadcast %broadcast_in_dim3A_987 : i32 to vector<16xi32>
      %gather3A_989 = tpu.vector_load_idx %arg14[%add3A_938, %broadcast_in_dim3A_988] : memref<128x16xf32, #tpu.memory_space<vmem>>[vector<16xi32>, vector<16xi32>], vector<16xf32>,
      %broadcast_in_dim3A_990 = arith.constant 6 : i32
      %broadcast_in_dim3A_991 = vector.broadcast %broadcast_in_dim3A_990 : i32 to vector<16xi32>
      %gather3A_992 = tpu.vector_load_idx %arg15[%add3A_938, %broadcast_in_dim3A_991] : memref<128x16xf32, #tpu.memory_space<vmem>>[vector<16xi32>, vector<16xi32>], vector<16xf32>,
      %add3A_993 = arith.addf %gather3A_989, %gather3A_992 : vector<16xf32>
      %gt3A_994 = arith.constant 0.000000e+00 : f32
      %gt3A_995 = vector.broadcast %gt3A_994 : f32 to vector<16xf32>
      %gt3A_996 = arith.cmpf ogt, %add3A_993, %gt3A_995 : vector<16xf32>
      %mul3A_997 = arith.constant 2.000000e-01 : f32
      %mul3A_998 = vector.broadcast %mul3A_997 : f32 to vector<16xf32>
      %mul3A_999 = arith.mulf %mul3A_998, %add3A_993 : vector<16xf32>
      %select_n3A_1000 = arith.select %gt3A_996, %add3A_993, %mul3A_999 : vector<16xi1>, vector<16xf32>
      %mul3A_1001 = arith.mulf %select_n3A_1000, %add3A_942 : vector<16xf32>
      %exp3A_1002 = math.exp %mul3A_1001 : vector<16xf32>
      %broadcast_in_dim3A_1003 = arith.constant 2 : i32
      %broadcast_in_dim3A_1004 = vector.broadcast %broadcast_in_dim3A_1003 : i32 to vector<16xi32>
      tpu.vector_store_idx %arg17[%add3A_938, %broadcast_in_dim3A_1004], %exp3A_1002 : memref<128x16xf32, #tpu.memory_space<vmem>>[vector<16xi32>, vector<16xi32>], vector<16xf32>,
      %swap3A_1005 = arith.constant 2 : i32
      %swap3A_1006 = arith.index_cast %swap3A_1005 : i32 to index
      %swap3A_1007 = arith.constant 96 : index
      %swap3A_1008 = tpu.vector_load %arg18[%swap3A_1006, %swap3A_1007] {strides = array<i32>} : memref<4x128xf32, #tpu.memory_space<vmem>>, vector<16xf32>,
      tpu.vector_store %arg18[%swap3A_1006, %swap3A_1007], %exp3A_1002 {strides = array<i32>} : memref<4x128xf32, #tpu.memory_space<vmem>>, vector<16xf32>,
      %broadcast_in_dim3A_1009 = arith.constant 3 : i32
      %broadcast_in_dim3A_1010 = vector.broadcast %broadcast_in_dim3A_1009 : i32 to vector<16xi32>
      %gather3A_1011 = tpu.vector_load_idx %arg14[%add3A_938, %broadcast_in_dim3A_1010] : memref<128x16xf32, #tpu.memory_space<vmem>>[vector<16xi32>, vector<16xi32>], vector<16xf32>,
      %broadcast_in_dim3A_1012 = arith.constant 7 : i32
      %broadcast_in_dim3A_1013 = vector.broadcast %broadcast_in_dim3A_1012 : i32 to vector<16xi32>
      %gather3A_1014 = tpu.vector_load_idx %arg15[%add3A_938, %broadcast_in_dim3A_1013] : memref<128x16xf32, #tpu.memory_space<vmem>>[vector<16xi32>, vector<16xi32>], vector<16xf32>,
      %add3A_1015 = arith.addf %gather3A_1011, %gather3A_1014 : vector<16xf32>
      %gt3A_1016 = arith.constant 0.000000e+00 : f32
      %gt3A_1017 = vector.broadcast %gt3A_1016 : f32 to vector<16xf32>
      %gt3A_1018 = arith.cmpf ogt, %add3A_1015, %gt3A_1017 : vector<16xf32>
      %mul3A_1019 = arith.constant 2.000000e-01 : f32
      %mul3A_1020 = vector.broadcast %mul3A_1019 : f32 to vector<16xf32>
      %mul3A_1021 = arith.mulf %mul3A_1020, %add3A_1015 : vector<16xf32>
      %select_n3A_1022 = arith.select %gt3A_1018, %add3A_1015, %mul3A_1021 : vector<16xi1>, vector<16xf32>
      %mul3A_1023 = arith.mulf %select_n3A_1022, %add3A_942 : vector<16xf32>
      %exp3A_1024 = math.exp %mul3A_1023 : vector<16xf32>
      %broadcast_in_dim3A_1025 = arith.constant 3 : i32
      %broadcast_in_dim3A_1026 = vector.broadcast %broadcast_in_dim3A_1025 : i32 to vector<16xi32>
      tpu.vector_store_idx %arg17[%add3A_938, %broadcast_in_dim3A_1026], %exp3A_1024 : memref<128x16xf32, #tpu.memory_space<vmem>>[vector<16xi32>, vector<16xi32>], vector<16xf32>,
      %swap3A_1027 = arith.constant 3 : i32
      %swap3A_1028 = arith.index_cast %swap3A_1027 : i32 to index
      %swap3A_1029 = arith.constant 96 : index
      %swap3A_1030 = tpu.vector_load %arg18[%swap3A_1028, %swap3A_1029] {strides = array<i32>} : memref<4x128xf32, #tpu.memory_space<vmem>>, vector<16xf32>,
      tpu.vector_store %arg18[%swap3A_1028, %swap3A_1029], %exp3A_1024 {strides = array<i32>} : memref<4x128xf32, #tpu.memory_space<vmem>>, vector<16xf32>,
      %add3A_1031 = arith.constant 112 : i32
      %add3A_1032 = vector.broadcast %add3A_1031 : i32 to vector<16xi32>
      %add3A_1033 = arith.addi %iota3A, %add3A_1032 : vector<16xi32>
      %get3A_1034 = arith.constant 112 : index
      %get3A_1035 = tpu.vector_load %arg13[%get3A_1034] {strides = array<i32>} : memref<128xf32, #tpu.memory_space<vmem>>, vector<16xf32>,
      %mul3A_1036 = arith.mulf %get3A_1035, %get3A_2 : vector<16xf32>
      %add3A_1037 = arith.addf %mul3A_1036, %get3A_4 : vector<16xf32>
      %broadcast_in_dim3A_1038 = arith.constant 0 : i32
      %broadcast_in_dim3A_1039 = vector.broadcast %broadcast_in_dim3A_1038 : i32 to vector<16xi32>
      %gather3A_1040 = tpu.vector_load_idx %arg14[%add3A_1033, %broadcast_in_dim3A_1039] : memref<128x16xf32, #tpu.memory_space<vmem>>[vector<16xi32>, vector<16xi32>], vector<16xf32>,
      %broadcast_in_dim3A_1041 = arith.constant 4 : i32
      %broadcast_in_dim3A_1042 = vector.broadcast %broadcast_in_dim3A_1041 : i32 to vector<16xi32>
      %gather3A_1043 = tpu.vector_load_idx %arg15[%add3A_1033, %broadcast_in_dim3A_1042] : memref<128x16xf32, #tpu.memory_space<vmem>>[vector<16xi32>, vector<16xi32>], vector<16xf32>,
      %add3A_1044 = arith.addf %gather3A_1040, %gather3A_1043 : vector<16xf32>
      %gt3A_1045 = arith.constant 0.000000e+00 : f32
      %gt3A_1046 = vector.broadcast %gt3A_1045 : f32 to vector<16xf32>
      %gt3A_1047 = arith.cmpf ogt, %add3A_1044, %gt3A_1046 : vector<16xf32>
      %mul3A_1048 = arith.constant 2.000000e-01 : f32
      %mul3A_1049 = vector.broadcast %mul3A_1048 : f32 to vector<16xf32>
      %mul3A_1050 = arith.mulf %mul3A_1049, %add3A_1044 : vector<16xf32>
      %select_n3A_1051 = arith.select %gt3A_1047, %add3A_1044, %mul3A_1050 : vector<16xi1>, vector<16xf32>
      %mul3A_1052 = arith.mulf %select_n3A_1051, %add3A_1037 : vector<16xf32>
      %exp3A_1053 = math.exp %mul3A_1052 : vector<16xf32>
      %broadcast_in_dim3A_1054 = arith.constant 0 : i32
      %broadcast_in_dim3A_1055 = vector.broadcast %broadcast_in_dim3A_1054 : i32 to vector<16xi32>
      tpu.vector_store_idx %arg17[%add3A_1033, %broadcast_in_dim3A_1055], %exp3A_1053 : memref<128x16xf32, #tpu.memory_space<vmem>>[vector<16xi32>, vector<16xi32>], vector<16xf32>,
      %swap3A_1056 = arith.constant 0 : i32
      %swap3A_1057 = arith.index_cast %swap3A_1056 : i32 to index
      %swap3A_1058 = arith.constant 112 : index
      %swap3A_1059 = tpu.vector_load %arg18[%swap3A_1057, %swap3A_1058] {strides = array<i32>} : memref<4x128xf32, #tpu.memory_space<vmem>>, vector<16xf32>,
      tpu.vector_store %arg18[%swap3A_1057, %swap3A_1058], %exp3A_1053 {strides = array<i32>} : memref<4x128xf32, #tpu.memory_space<vmem>>, vector<16xf32>,
      %broadcast_in_dim3A_1060 = arith.constant 1 : i32
      %broadcast_in_dim3A_1061 = vector.broadcast %broadcast_in_dim3A_1060 : i32 to vector<16xi32>
      %gather3A_1062 = tpu.vector_load_idx %arg14[%add3A_1033, %broadcast_in_dim3A_1061] : memref<128x16xf32, #tpu.memory_space<vmem>>[vector<16xi32>, vector<16xi32>], vector<16xf32>,
      %broadcast_in_dim3A_1063 = arith.constant 5 : i32
      %broadcast_in_dim3A_1064 = vector.broadcast %broadcast_in_dim3A_1063 : i32 to vector<16xi32>
      %gather3A_1065 = tpu.vector_load_idx %arg15[%add3A_1033, %broadcast_in_dim3A_1064] : memref<128x16xf32, #tpu.memory_space<vmem>>[vector<16xi32>, vector<16xi32>], vector<16xf32>,
      %add3A_1066 = arith.addf %gather3A_1062, %gather3A_1065 : vector<16xf32>
      %gt3A_1067 = arith.constant 0.000000e+00 : f32
      %gt3A_1068 = vector.broadcast %gt3A_1067 : f32 to vector<16xf32>
      %gt3A_1069 = arith.cmpf ogt, %add3A_1066, %gt3A_1068 : vector<16xf32>
      %mul3A_1070 = arith.constant 2.000000e-01 : f32
      %mul3A_1071 = vector.broadcast %mul3A_1070 : f32 to vector<16xf32>
      %mul3A_1072 = arith.mulf %mul3A_1071, %add3A_1066 : vector<16xf32>
      %select_n3A_1073 = arith.select %gt3A_1069, %add3A_1066, %mul3A_1072 : vector<16xi1>, vector<16xf32>
      %mul3A_1074 = arith.mulf %select_n3A_1073, %add3A_1037 : vector<16xf32>
      %exp3A_1075 = math.exp %mul3A_1074 : vector<16xf32>
      %broadcast_in_dim3A_1076 = arith.constant 1 : i32
      %broadcast_in_dim3A_1077 = vector.broadcast %broadcast_in_dim3A_1076 : i32 to vector<16xi32>
      tpu.vector_store_idx %arg17[%add3A_1033, %broadcast_in_dim3A_1077], %exp3A_1075 : memref<128x16xf32, #tpu.memory_space<vmem>>[vector<16xi32>, vector<16xi32>], vector<16xf32>,
      %swap3A_1078 = arith.constant 1 : i32
      %swap3A_1079 = arith.index_cast %swap3A_1078 : i32 to index
      %swap3A_1080 = arith.constant 112 : index
      %swap3A_1081 = tpu.vector_load %arg18[%swap3A_1079, %swap3A_1080] {strides = array<i32>} : memref<4x128xf32, #tpu.memory_space<vmem>>, vector<16xf32>,
      tpu.vector_store %arg18[%swap3A_1079, %swap3A_1080], %exp3A_1075 {strides = array<i32>} : memref<4x128xf32, #tpu.memory_space<vmem>>, vector<16xf32>,
      %broadcast_in_dim3A_1082 = arith.constant 2 : i32
      %broadcast_in_dim3A_1083 = vector.broadcast %broadcast_in_dim3A_1082 : i32 to vector<16xi32>
      %gather3A_1084 = tpu.vector_load_idx %arg14[%add3A_1033, %broadcast_in_dim3A_1083] : memref<128x16xf32, #tpu.memory_space<vmem>>[vector<16xi32>, vector<16xi32>], vector<16xf32>,
      %broadcast_in_dim3A_1085 = arith.constant 6 : i32
      %broadcast_in_dim3A_1086 = vector.broadcast %broadcast_in_dim3A_1085 : i32 to vector<16xi32>
      %gather3A_1087 = tpu.vector_load_idx %arg15[%add3A_1033, %broadcast_in_dim3A_1086] : memref<128x16xf32, #tpu.memory_space<vmem>>[vector<16xi32>, vector<16xi32>], vector<16xf32>,
      %add3A_1088 = arith.addf %gather3A_1084, %gather3A_1087 : vector<16xf32>
      %gt3A_1089 = arith.constant 0.000000e+00 : f32
      %gt3A_1090 = vector.broadcast %gt3A_1089 : f32 to vector<16xf32>
      %gt3A_1091 = arith.cmpf ogt, %add3A_1088, %gt3A_1090 : vector<16xf32>
      %mul3A_1092 = arith.constant 2.000000e-01 : f32
      %mul3A_1093 = vector.broadcast %mul3A_1092 : f32 to vector<16xf32>
      %mul3A_1094 = arith.mulf %mul3A_1093, %add3A_1088 : vector<16xf32>
      %select_n3A_1095 = arith.select %gt3A_1091, %add3A_1088, %mul3A_1094 : vector<16xi1>, vector<16xf32>
      %mul3A_1096 = arith.mulf %select_n3A_1095, %add3A_1037 : vector<16xf32>
      %exp3A_1097 = math.exp %mul3A_1096 : vector<16xf32>
      %broadcast_in_dim3A_1098 = arith.constant 2 : i32
      %broadcast_in_dim3A_1099 = vector.broadcast %broadcast_in_dim3A_1098 : i32 to vector<16xi32>
      tpu.vector_store_idx %arg17[%add3A_1033, %broadcast_in_dim3A_1099], %exp3A_1097 : memref<128x16xf32, #tpu.memory_space<vmem>>[vector<16xi32>, vector<16xi32>], vector<16xf32>,
      %swap3A_1100 = arith.constant 2 : i32
      %swap3A_1101 = arith.index_cast %swap3A_1100 : i32 to index
      %swap3A_1102 = arith.constant 112 : index
      %swap3A_1103 = tpu.vector_load %arg18[%swap3A_1101, %swap3A_1102] {strides = array<i32>} : memref<4x128xf32, #tpu.memory_space<vmem>>, vector<16xf32>,
      tpu.vector_store %arg18[%swap3A_1101, %swap3A_1102], %exp3A_1097 {strides = array<i32>} : memref<4x128xf32, #tpu.memory_space<vmem>>, vector<16xf32>,
      %broadcast_in_dim3A_1104 = arith.constant 3 : i32
      %broadcast_in_dim3A_1105 = vector.broadcast %broadcast_in_dim3A_1104 : i32 to vector<16xi32>
      %gather3A_1106 = tpu.vector_load_idx %arg14[%add3A_1033, %broadcast_in_dim3A_1105] : memref<128x16xf32, #tpu.memory_space<vmem>>[vector<16xi32>, vector<16xi32>], vector<16xf32>,
      %broadcast_in_dim3A_1107 = arith.constant 7 : i32
      %broadcast_in_dim3A_1108 = vector.broadcast %broadcast_in_dim3A_1107 : i32 to vector<16xi32>
      %gather3A_1109 = tpu.vector_load_idx %arg15[%add3A_1033, %broadcast_in_dim3A_1108] : memref<128x16xf32, #tpu.memory_space<vmem>>[vector<16xi32>, vector<16xi32>], vector<16xf32>,
      %add3A_1110 = arith.addf %gather3A_1106, %gather3A_1109 : vector<16xf32>
      %gt3A_1111 = arith.constant 0.000000e+00 : f32
      %gt3A_1112 = vector.broadcast %gt3A_1111 : f32 to vector<16xf32>
      %gt3A_1113 = arith.cmpf ogt, %add3A_1110, %gt3A_1112 : vector<16xf32>
      %mul3A_1114 = arith.constant 2.000000e-01 : f32
      %mul3A_1115 = vector.broadcast %mul3A_1114 : f32 to vector<16xf32>
      %mul3A_1116 = arith.mulf %mul3A_1115, %add3A_1110 : vector<16xf32>
      %select_n3A_1117 = arith.select %gt3A_1113, %add3A_1110, %mul3A_1116 : vector<16xi1>, vector<16xf32>
      %mul3A_1118 = arith.mulf %select_n3A_1117, %add3A_1037 : vector<16xf32>
      %exp3A_1119 = math.exp %mul3A_1118 : vector<16xf32>
      %broadcast_in_dim3A_1120 = arith.constant 3 : i32
      %broadcast_in_dim3A_1121 = vector.broadcast %broadcast_in_dim3A_1120 : i32 to vector<16xi32>
      tpu.vector_store_idx %arg17[%add3A_1033, %broadcast_in_dim3A_1121], %exp3A_1119 : memref<128x16xf32, #tpu.memory_space<vmem>>[vector<16xi32>, vector<16xi32>], vector<16xf32>,
      %swap3A_1122 = arith.constant 3 : i32
      %swap3A_1123 = arith.index_cast %swap3A_1122 : i32 to index
      %swap3A_1124 = arith.constant 112 : index
      %swap3A_1125 = tpu.vector_load %arg18[%swap3A_1123, %swap3A_1124] {strides = array<i32>} : memref<4x128xf32, #tpu.memory_space<vmem>>, vector<16xf32>,
      tpu.vector_store %arg18[%swap3A_1123, %swap3A_1124], %exp3A_1119 {strides = array<i32>} : memref<4x128xf32, #tpu.memory_space<vmem>>, vector<16xf32>,
      "tpu.region"() ({
        %run_scoped3A = tpu.sem_alloc : memref<!tpu.dma_semaphore, #tpu.memory_space<semaphore_mem>>
        %dma_start3A_1137 = arith.constant 0 : i32
        %dma_start3A_1138 = arith.constant 0 : i32
        %dma_start3A_1139 = tpu.memref_slice %arg22[%dma_start3A_1137, %dma_start3A_1138] : memref<10240x16xf32, #tpu.memory_space<vmem_shared>> -> memref<10240x16xf32, #tpu.memory_space<vmem_shared>>
        tpu.enqueue_indirect_dma source(%arg17 : memref<128x16xf32, #tpu.memory_space<vmem>>) target(%dma_start3A_1139 : memref<10240x16xf32, #tpu.memory_space<vmem_shared>>) offsets(%arg12 : memref<128xi32, #tpu.memory_space<vmem>>) semaphore(%run_scoped3A : memref<!tpu.dma_semaphore, #tpu.memory_space<semaphore_mem>>) {add = true}
        %dma_wait3A_1140 = arith.constant 0 : i32
        %dma_wait3A_1141 = arith.constant 0 : i32
        %dma_wait3A_1142 = tpu.memref_slice %arg22[%dma_wait3A_1140, %dma_wait3A_1141] : memref<10240x16xf32, #tpu.memory_space<vmem_shared>> -> memref<10240x16xf32, #tpu.memory_space<vmem_shared>>
        tpu.wait_indirect_dma semaphore(%run_scoped3A : memref<!tpu.dma_semaphore, #tpu.memory_space<semaphore_mem>>) src(%arg17 : memref<128x16xf32, #tpu.memory_space<vmem>>) dst(%dma_wait3A_1142 : memref<10240x16xf32, #tpu.memory_space<vmem_shared>>)
        tpu.yield
      }) : () -> ()
      %dma_wait3A_1126 = arith.constant 0 : i32
      %dma_wait3A_1127 = arith.constant 0 : i32
      %dma_wait3A_1128 = tpu.memref_slice %arg2[%dma_wait3A_1126, %dma_wait3A_1127] : memref<10240x128xf32, #tpu.memory_space<hbm>> -> memref<10240x128xf32, #tpu.memory_space<hbm>>
      tpu.wait_indirect_dma semaphore(%arg24 : memref<!tpu.dma_semaphore, #tpu.memory_space<semaphore_mem>>) src(%dma_wait3A_1128 : memref<10240x128xf32, #tpu.memory_space<hbm>>) dst(%arg16 : memref<128x128xf32, #tpu.memory_space<vmem>>)
      %scan3A_1129 = arith.constant 0 : i32
      %scan3A_1130 = arith.constant 0 : i32
      %scan3A_1131 = arith.constant 8 : i32
      %scan3A_1132 = arith.addi %scan3A_1130, %scan3A_1131 : i32
      %scan3A_1133 = arith.constant 1 : i32
      %scan3A_1134 = scf.for %scan3A_1137 = %scan3A_1130 to %scan3A_1132 step %scan3A_1133 iter_args(%scan3A_1138 = %scan3A_1129) -> (i32)  : i32 {
        %mul3A_1139 = arith.constant 16 : i32
        %mul3A_1140 = arith.muli %scan3A_1137, %mul3A_1139 : i32
        %get3A_1141 = arith.constant 0 : i32
        %get3A_1142 = arith.index_cast %get3A_1141 : i32 to index
        %get3A_1143 = arith.index_cast %mul3A_1140 : i32 to index
        %get3A_1144 = tpu.vector_load %arg18[%get3A_1142, %get3A_1143] {strides = array<i32>} : memref<4x128xf32, #tpu.memory_space<vmem>>, vector<16xf32>,
        %get3A_1145 = arith.constant 1 : i32
        %get3A_1146 = arith.index_cast %get3A_1145 : i32 to index
        %get3A_1147 = arith.index_cast %mul3A_1140 : i32 to index
        %get3A_1148 = tpu.vector_load %arg18[%get3A_1146, %get3A_1147] {strides = array<i32>} : memref<4x128xf32, #tpu.memory_space<vmem>>, vector<16xf32>,
        %get3A_1149 = arith.constant 2 : i32
        %get3A_1150 = arith.index_cast %get3A_1149 : i32 to index
        %get3A_1151 = arith.index_cast %mul3A_1140 : i32 to index
        %get3A_1152 = tpu.vector_load %arg18[%get3A_1150, %get3A_1151] {strides = array<i32>} : memref<4x128xf32, #tpu.memory_space<vmem>>, vector<16xf32>,
        %get3A_1153 = arith.constant 3 : i32
        %get3A_1154 = arith.index_cast %get3A_1153 : i32 to index
        %get3A_1155 = arith.index_cast %mul3A_1140 : i32 to index
        %get3A_1156 = tpu.vector_load %arg18[%get3A_1154, %get3A_1155] {strides = array<i32>} : memref<4x128xf32, #tpu.memory_space<vmem>>, vector<16xf32>,
        %broadcast_in_dim3A_1157 = arith.constant 0 : i32
        %broadcast_in_dim3A_1158 = vector.broadcast %broadcast_in_dim3A_1157 : i32 to vector<16x1xi32>
        %gather3A_1159 = vector.shape_cast %broadcast_in_dim3A_1158 : vector<16x1xi32> to vector<16xi32>
        %gather3A_1160 = tpu.dynamic_gather %get3A_1144[%gather3A_1159] in [0] : vector<16xf32>, vector<16xi32> -> vector<16xf32>
        %add3A_1161 = arith.constant 0 : i32
        %add3A_1162 = arith.addi %mul3A_1140, %add3A_1161 : i32
        %get3A_1163 = arith.index_cast %add3A_1162 : i32 to index
        %get3A_1164 = arith.constant 0 : index
        %get3A_1165 = tpu.vector_load %arg16[%get3A_1163, %get3A_1164] {strides = array<i32>} : memref<128x128xf32, #tpu.memory_space<vmem>>, vector<16xf32>,
        %mul3A_1166 = arith.mulf %get3A_1165, %gather3A_1160 : vector<16xf32>
        %add3A_1167 = arith.constant 0 : i32
        %add3A_1168 = arith.addi %mul3A_1140, %add3A_1167 : i32
        %swap3A_1169 = arith.index_cast %add3A_1168 : i32 to index
        %swap3A_1170 = arith.constant 0 : index
        %swap3A_1171 = tpu.vector_load %arg16[%swap3A_1169, %swap3A_1170] {strides = array<i32>} : memref<128x128xf32, #tpu.memory_space<vmem>>, vector<16xf32>,
        tpu.vector_store %arg16[%swap3A_1169, %swap3A_1170], %mul3A_1166 {strides = array<i32>} : memref<128x128xf32, #tpu.memory_space<vmem>>, vector<16xf32>,
        %add3A_1172 = arith.constant 0 : i32
        %add3A_1173 = arith.addi %mul3A_1140, %add3A_1172 : i32
        %get3A_1174 = arith.index_cast %add3A_1173 : i32 to index
        %get3A_1175 = arith.constant 16 : index
        %get3A_1176 = tpu.vector_load %arg16[%get3A_1174, %get3A_1175] {strides = array<i32>} : memref<128x128xf32, #tpu.memory_space<vmem>>, vector<16xf32>,
        %mul3A_1177 = arith.mulf %get3A_1176, %gather3A_1160 : vector<16xf32>
        %add3A_1178 = arith.constant 0 : i32
        %add3A_1179 = arith.addi %mul3A_1140, %add3A_1178 : i32
        %swap3A_1180 = arith.index_cast %add3A_1179 : i32 to index
        %swap3A_1181 = arith.constant 16 : index
        %swap3A_1182 = tpu.vector_load %arg16[%swap3A_1180, %swap3A_1181] {strides = array<i32>} : memref<128x128xf32, #tpu.memory_space<vmem>>, vector<16xf32>,
        tpu.vector_store %arg16[%swap3A_1180, %swap3A_1181], %mul3A_1177 {strides = array<i32>} : memref<128x128xf32, #tpu.memory_space<vmem>>, vector<16xf32>,
        %broadcast_in_dim3A_1183 = arith.constant 0 : i32
        %broadcast_in_dim3A_1184 = vector.broadcast %broadcast_in_dim3A_1183 : i32 to vector<16x1xi32>
        %gather3A_1185 = vector.shape_cast %broadcast_in_dim3A_1184 : vector<16x1xi32> to vector<16xi32>
        %gather3A_1186 = tpu.dynamic_gather %get3A_1148[%gather3A_1185] in [0] : vector<16xf32>, vector<16xi32> -> vector<16xf32>
        %add3A_1187 = arith.constant 0 : i32
        %add3A_1188 = arith.addi %mul3A_1140, %add3A_1187 : i32
        %get3A_1189 = arith.index_cast %add3A_1188 : i32 to index
        %get3A_1190 = arith.constant 32 : index
        %get3A_1191 = tpu.vector_load %arg16[%get3A_1189, %get3A_1190] {strides = array<i32>} : memref<128x128xf32, #tpu.memory_space<vmem>>, vector<16xf32>,
        %mul3A_1192 = arith.mulf %get3A_1191, %gather3A_1186 : vector<16xf32>
        %add3A_1193 = arith.constant 0 : i32
        %add3A_1194 = arith.addi %mul3A_1140, %add3A_1193 : i32
        %swap3A_1195 = arith.index_cast %add3A_1194 : i32 to index
        %swap3A_1196 = arith.constant 32 : index
        %swap3A_1197 = tpu.vector_load %arg16[%swap3A_1195, %swap3A_1196] {strides = array<i32>} : memref<128x128xf32, #tpu.memory_space<vmem>>, vector<16xf32>,
        tpu.vector_store %arg16[%swap3A_1195, %swap3A_1196], %mul3A_1192 {strides = array<i32>} : memref<128x128xf32, #tpu.memory_space<vmem>>, vector<16xf32>,
        %add3A_1198 = arith.constant 0 : i32
        %add3A_1199 = arith.addi %mul3A_1140, %add3A_1198 : i32
        %get3A_1200 = arith.index_cast %add3A_1199 : i32 to index
        %get3A_1201 = arith.constant 48 : index
        %get3A_1202 = tpu.vector_load %arg16[%get3A_1200, %get3A_1201] {strides = array<i32>} : memref<128x128xf32, #tpu.memory_space<vmem>>, vector<16xf32>,
        %mul3A_1203 = arith.mulf %get3A_1202, %gather3A_1186 : vector<16xf32>
        %add3A_1204 = arith.constant 0 : i32
        %add3A_1205 = arith.addi %mul3A_1140, %add3A_1204 : i32
        %swap3A_1206 = arith.index_cast %add3A_1205 : i32 to index
        %swap3A_1207 = arith.constant 48 : index
        %swap3A_1208 = tpu.vector_load %arg16[%swap3A_1206, %swap3A_1207] {strides = array<i32>} : memref<128x128xf32, #tpu.memory_space<vmem>>, vector<16xf32>,
        tpu.vector_store %arg16[%swap3A_1206, %swap3A_1207], %mul3A_1203 {strides = array<i32>} : memref<128x128xf32, #tpu.memory_space<vmem>>, vector<16xf32>,
        %broadcast_in_dim3A_1209 = arith.constant 0 : i32
        %broadcast_in_dim3A_1210 = vector.broadcast %broadcast_in_dim3A_1209 : i32 to vector<16x1xi32>
        %gather3A_1211 = vector.shape_cast %broadcast_in_dim3A_1210 : vector<16x1xi32> to vector<16xi32>
        %gather3A_1212 = tpu.dynamic_gather %get3A_1152[%gather3A_1211] in [0] : vector<16xf32>, vector<16xi32> -> vector<16xf32>
        %add3A_1213 = arith.constant 0 : i32
        %add3A_1214 = arith.addi %mul3A_1140, %add3A_1213 : i32
        %get3A_1215 = arith.index_cast %add3A_1214 : i32 to index
        %get3A_1216 = arith.constant 64 : index
        %get3A_1217 = tpu.vector_load %arg16[%get3A_1215, %get3A_1216] {strides = array<i32>} : memref<128x128xf32, #tpu.memory_space<vmem>>, vector<16xf32>,
        %mul3A_1218 = arith.mulf %get3A_1217, %gather3A_1212 : vector<16xf32>
        %add3A_1219 = arith.constant 0 : i32
        %add3A_1220 = arith.addi %mul3A_1140, %add3A_1219 : i32
        %swap3A_1221 = arith.index_cast %add3A_1220 : i32 to index
        %swap3A_1222 = arith.constant 64 : index
        %swap3A_1223 = tpu.vector_load %arg16[%swap3A_1221, %swap3A_1222] {strides = array<i32>} : memref<128x128xf32, #tpu.memory_space<vmem>>, vector<16xf32>,
        tpu.vector_store %arg16[%swap3A_1221, %swap3A_1222], %mul3A_1218 {strides = array<i32>} : memref<128x128xf32, #tpu.memory_space<vmem>>, vector<16xf32>,
        %add3A_1224 = arith.constant 0 : i32
        %add3A_1225 = arith.addi %mul3A_1140, %add3A_1224 : i32
        %get3A_1226 = arith.index_cast %add3A_1225 : i32 to index
        %get3A_1227 = arith.constant 80 : index
        %get3A_1228 = tpu.vector_load %arg16[%get3A_1226, %get3A_1227] {strides = array<i32>} : memref<128x128xf32, #tpu.memory_space<vmem>>, vector<16xf32>,
        %mul3A_1229 = arith.mulf %get3A_1228, %gather3A_1212 : vector<16xf32>
        %add3A_1230 = arith.constant 0 : i32
        %add3A_1231 = arith.addi %mul3A_1140, %add3A_1230 : i32
        %swap3A_1232 = arith.index_cast %add3A_1231 : i32 to index
        %swap3A_1233 = arith.constant 80 : index
        %swap3A_1234 = tpu.vector_load %arg16[%swap3A_1232, %swap3A_1233] {strides = array<i32>} : memref<128x128xf32, #tpu.memory_space<vmem>>, vector<16xf32>,
        tpu.vector_store %arg16[%swap3A_1232, %swap3A_1233], %mul3A_1229 {strides = array<i32>} : memref<128x128xf32, #tpu.memory_space<vmem>>, vector<16xf32>,
        %broadcast_in_dim3A_1235 = arith.constant 0 : i32
        %broadcast_in_dim3A_1236 = vector.broadcast %broadcast_in_dim3A_1235 : i32 to vector<16x1xi32>
        %gather3A_1237 = vector.shape_cast %broadcast_in_dim3A_1236 : vector<16x1xi32> to vector<16xi32>
        %gather3A_1238 = tpu.dynamic_gather %get3A_1156[%gather3A_1237] in [0] : vector<16xf32>, vector<16xi32> -> vector<16xf32>
        %add3A_1239 = arith.constant 0 : i32
        %add3A_1240 = arith.addi %mul3A_1140, %add3A_1239 : i32
        %get3A_1241 = arith.index_cast %add3A_1240 : i32 to index
        %get3A_1242 = arith.constant 96 : index
        %get3A_1243 = tpu.vector_load %arg16[%get3A_1241, %get3A_1242] {strides = array<i32>} : memref<128x128xf32, #tpu.memory_space<vmem>>, vector<16xf32>,
        %mul3A_1244 = arith.mulf %get3A_1243, %gather3A_1238 : vector<16xf32>
        %add3A_1245 = arith.constant 0 : i32
        %add3A_1246 = arith.addi %mul3A_1140, %add3A_1245 : i32
        %swap3A_1247 = arith.index_cast %add3A_1246 : i32 to index
        %swap3A_1248 = arith.constant 96 : index
        %swap3A_1249 = tpu.vector_load %arg16[%swap3A_1247, %swap3A_1248] {strides = array<i32>} : memref<128x128xf32, #tpu.memory_space<vmem>>, vector<16xf32>,
        tpu.vector_store %arg16[%swap3A_1247, %swap3A_1248], %mul3A_1244 {strides = array<i32>} : memref<128x128xf32, #tpu.memory_space<vmem>>, vector<16xf32>,
        %add3A_1250 = arith.constant 0 : i32
        %add3A_1251 = arith.addi %mul3A_1140, %add3A_1250 : i32
        %get3A_1252 = arith.index_cast %add3A_1251 : i32 to index
        %get3A_1253 = arith.constant 112 : index
        %get3A_1254 = tpu.vector_load %arg16[%get3A_1252, %get3A_1253] {strides = array<i32>} : memref<128x128xf32, #tpu.memory_space<vmem>>, vector<16xf32>,
        %mul3A_1255 = arith.mulf %get3A_1254, %gather3A_1238 : vector<16xf32>
        %add3A_1256 = arith.constant 0 : i32
        %add3A_1257 = arith.addi %mul3A_1140, %add3A_1256 : i32
        %swap3A_1258 = arith.index_cast %add3A_1257 : i32 to index
        %swap3A_1259 = arith.constant 112 : index
        %swap3A_1260 = tpu.vector_load %arg16[%swap3A_1258, %swap3A_1259] {strides = array<i32>} : memref<128x128xf32, #tpu.memory_space<vmem>>, vector<16xf32>,
        tpu.vector_store %arg16[%swap3A_1258, %swap3A_1259], %mul3A_1255 {strides = array<i32>} : memref<128x128xf32, #tpu.memory_space<vmem>>, vector<16xf32>,
        %broadcast_in_dim3A_1261 = arith.constant 1 : i32
        %broadcast_in_dim3A_1262 = vector.broadcast %broadcast_in_dim3A_1261 : i32 to vector<16x1xi32>
        %gather3A_1263 = vector.shape_cast %broadcast_in_dim3A_1262 : vector<16x1xi32> to vector<16xi32>
        %gather3A_1264 = tpu.dynamic_gather %get3A_1144[%gather3A_1263] in [0] : vector<16xf32>, vector<16xi32> -> vector<16xf32>
        %add3A_1265 = arith.constant 1 : i32
        %add3A_1266 = arith.addi %mul3A_1140, %add3A_1265 : i32
        %get3A_1267 = arith.index_cast %add3A_1266 : i32 to index
        %get3A_1268 = arith.constant 0 : index
        %get3A_1269 = tpu.vector_load %arg16[%get3A_1267, %get3A_1268] {strides = array<i32>} : memref<128x128xf32, #tpu.memory_space<vmem>>, vector<16xf32>,
        %mul3A_1270 = arith.mulf %get3A_1269, %gather3A_1264 : vector<16xf32>
        %add3A_1271 = arith.constant 1 : i32
        %add3A_1272 = arith.addi %mul3A_1140, %add3A_1271 : i32
        %swap3A_1273 = arith.index_cast %add3A_1272 : i32 to index
        %swap3A_1274 = arith.constant 0 : index
        %swap3A_1275 = tpu.vector_load %arg16[%swap3A_1273, %swap3A_1274] {strides = array<i32>} : memref<128x128xf32, #tpu.memory_space<vmem>>, vector<16xf32>,
        tpu.vector_store %arg16[%swap3A_1273, %swap3A_1274], %mul3A_1270 {strides = array<i32>} : memref<128x128xf32, #tpu.memory_space<vmem>>, vector<16xf32>,
        %add3A_1276 = arith.constant 1 : i32
        %add3A_1277 = arith.addi %mul3A_1140, %add3A_1276 : i32
        %get3A_1278 = arith.index_cast %add3A_1277 : i32 to index
        %get3A_1279 = arith.constant 16 : index
        %get3A_1280 = tpu.vector_load %arg16[%get3A_1278, %get3A_1279] {strides = array<i32>} : memref<128x128xf32, #tpu.memory_space<vmem>>, vector<16xf32>,
        %mul3A_1281 = arith.mulf %get3A_1280, %gather3A_1264 : vector<16xf32>
        %add3A_1282 = arith.constant 1 : i32
        %add3A_1283 = arith.addi %mul3A_1140, %add3A_1282 : i32
        %swap3A_1284 = arith.index_cast %add3A_1283 : i32 to index
        %swap3A_1285 = arith.constant 16 : index
        %swap3A_1286 = tpu.vector_load %arg16[%swap3A_1284, %swap3A_1285] {strides = array<i32>} : memref<128x128xf32, #tpu.memory_space<vmem>>, vector<16xf32>,
        tpu.vector_store %arg16[%swap3A_1284, %swap3A_1285], %mul3A_1281 {strides = array<i32>} : memref<128x128xf32, #tpu.memory_space<vmem>>, vector<16xf32>,
        %broadcast_in_dim3A_1287 = arith.constant 1 : i32
        %broadcast_in_dim3A_1288 = vector.broadcast %broadcast_in_dim3A_1287 : i32 to vector<16x1xi32>
        %gather3A_1289 = vector.shape_cast %broadcast_in_dim3A_1288 : vector<16x1xi32> to vector<16xi32>
        %gather3A_1290 = tpu.dynamic_gather %get3A_1148[%gather3A_1289] in [0] : vector<16xf32>, vector<16xi32> -> vector<16xf32>
        %add3A_1291 = arith.constant 1 : i32
        %add3A_1292 = arith.addi %mul3A_1140, %add3A_1291 : i32
        %get3A_1293 = arith.index_cast %add3A_1292 : i32 to index
        %get3A_1294 = arith.constant 32 : index
        %get3A_1295 = tpu.vector_load %arg16[%get3A_1293, %get3A_1294] {strides = array<i32>} : memref<128x128xf32, #tpu.memory_space<vmem>>, vector<16xf32>,
        %mul3A_1296 = arith.mulf %get3A_1295, %gather3A_1290 : vector<16xf32>
        %add3A_1297 = arith.constant 1 : i32
        %add3A_1298 = arith.addi %mul3A_1140, %add3A_1297 : i32
        %swap3A_1299 = arith.index_cast %add3A_1298 : i32 to index
        %swap3A_1300 = arith.constant 32 : index
        %swap3A_1301 = tpu.vector_load %arg16[%swap3A_1299, %swap3A_1300] {strides = array<i32>} : memref<128x128xf32, #tpu.memory_space<vmem>>, vector<16xf32>,
        tpu.vector_store %arg16[%swap3A_1299, %swap3A_1300], %mul3A_1296 {strides = array<i32>} : memref<128x128xf32, #tpu.memory_space<vmem>>, vector<16xf32>,
        %add3A_1302 = arith.constant 1 : i32
        %add3A_1303 = arith.addi %mul3A_1140, %add3A_1302 : i32
        %get3A_1304 = arith.index_cast %add3A_1303 : i32 to index
        %get3A_1305 = arith.constant 48 : index
        %get3A_1306 = tpu.vector_load %arg16[%get3A_1304, %get3A_1305] {strides = array<i32>} : memref<128x128xf32, #tpu.memory_space<vmem>>, vector<16xf32>,
        %mul3A_1307 = arith.mulf %get3A_1306, %gather3A_1290 : vector<16xf32>
        %add3A_1308 = arith.constant 1 : i32
        %add3A_1309 = arith.addi %mul3A_1140, %add3A_1308 : i32
        %swap3A_1310 = arith.index_cast %add3A_1309 : i32 to index
        %swap3A_1311 = arith.constant 48 : index
        %swap3A_1312 = tpu.vector_load %arg16[%swap3A_1310, %swap3A_1311] {strides = array<i32>} : memref<128x128xf32, #tpu.memory_space<vmem>>, vector<16xf32>,
        tpu.vector_store %arg16[%swap3A_1310, %swap3A_1311], %mul3A_1307 {strides = array<i32>} : memref<128x128xf32, #tpu.memory_space<vmem>>, vector<16xf32>,
        %broadcast_in_dim3A_1313 = arith.constant 1 : i32
        %broadcast_in_dim3A_1314 = vector.broadcast %broadcast_in_dim3A_1313 : i32 to vector<16x1xi32>
        %gather3A_1315 = vector.shape_cast %broadcast_in_dim3A_1314 : vector<16x1xi32> to vector<16xi32>
        %gather3A_1316 = tpu.dynamic_gather %get3A_1152[%gather3A_1315] in [0] : vector<16xf32>, vector<16xi32> -> vector<16xf32>
        %add3A_1317 = arith.constant 1 : i32
        %add3A_1318 = arith.addi %mul3A_1140, %add3A_1317 : i32
        %get3A_1319 = arith.index_cast %add3A_1318 : i32 to index
        %get3A_1320 = arith.constant 64 : index
        %get3A_1321 = tpu.vector_load %arg16[%get3A_1319, %get3A_1320] {strides = array<i32>} : memref<128x128xf32, #tpu.memory_space<vmem>>, vector<16xf32>,
        %mul3A_1322 = arith.mulf %get3A_1321, %gather3A_1316 : vector<16xf32>
        %add3A_1323 = arith.constant 1 : i32
        %add3A_1324 = arith.addi %mul3A_1140, %add3A_1323 : i32
        %swap3A_1325 = arith.index_cast %add3A_1324 : i32 to index
        %swap3A_1326 = arith.constant 64 : index
        %swap3A_1327 = tpu.vector_load %arg16[%swap3A_1325, %swap3A_1326] {strides = array<i32>} : memref<128x128xf32, #tpu.memory_space<vmem>>, vector<16xf32>,
        tpu.vector_store %arg16[%swap3A_1325, %swap3A_1326], %mul3A_1322 {strides = array<i32>} : memref<128x128xf32, #tpu.memory_space<vmem>>, vector<16xf32>,
        %add3A_1328 = arith.constant 1 : i32
        %add3A_1329 = arith.addi %mul3A_1140, %add3A_1328 : i32
        %get3A_1330 = arith.index_cast %add3A_1329 : i32 to index
        %get3A_1331 = arith.constant 80 : index
        %get3A_1332 = tpu.vector_load %arg16[%get3A_1330, %get3A_1331] {strides = array<i32>} : memref<128x128xf32, #tpu.memory_space<vmem>>, vector<16xf32>,
        %mul3A_1333 = arith.mulf %get3A_1332, %gather3A_1316 : vector<16xf32>
        %add3A_1334 = arith.constant 1 : i32
        %add3A_1335 = arith.addi %mul3A_1140, %add3A_1334 : i32
        %swap3A_1336 = arith.index_cast %add3A_1335 : i32 to index
        %swap3A_1337 = arith.constant 80 : index
        %swap3A_1338 = tpu.vector_load %arg16[%swap3A_1336, %swap3A_1337] {strides = array<i32>} : memref<128x128xf32, #tpu.memory_space<vmem>>, vector<16xf32>,
        tpu.vector_store %arg16[%swap3A_1336, %swap3A_1337], %mul3A_1333 {strides = array<i32>} : memref<128x128xf32, #tpu.memory_space<vmem>>, vector<16xf32>,
        %broadcast_in_dim3A_1339 = arith.constant 1 : i32
        %broadcast_in_dim3A_1340 = vector.broadcast %broadcast_in_dim3A_1339 : i32 to vector<16x1xi32>
        %gather3A_1341 = vector.shape_cast %broadcast_in_dim3A_1340 : vector<16x1xi32> to vector<16xi32>
        %gather3A_1342 = tpu.dynamic_gather %get3A_1156[%gather3A_1341] in [0] : vector<16xf32>, vector<16xi32> -> vector<16xf32>
        %add3A_1343 = arith.constant 1 : i32
        %add3A_1344 = arith.addi %mul3A_1140, %add3A_1343 : i32
        %get3A_1345 = arith.index_cast %add3A_1344 : i32 to index
        %get3A_1346 = arith.constant 96 : index
        %get3A_1347 = tpu.vector_load %arg16[%get3A_1345, %get3A_1346] {strides = array<i32>} : memref<128x128xf32, #tpu.memory_space<vmem>>, vector<16xf32>,
        %mul3A_1348 = arith.mulf %get3A_1347, %gather3A_1342 : vector<16xf32>
        %add3A_1349 = arith.constant 1 : i32
        %add3A_1350 = arith.addi %mul3A_1140, %add3A_1349 : i32
        %swap3A_1351 = arith.index_cast %add3A_1350 : i32 to index
        %swap3A_1352 = arith.constant 96 : index
        %swap3A_1353 = tpu.vector_load %arg16[%swap3A_1351, %swap3A_1352] {strides = array<i32>} : memref<128x128xf32, #tpu.memory_space<vmem>>, vector<16xf32>,
        tpu.vector_store %arg16[%swap3A_1351, %swap3A_1352], %mul3A_1348 {strides = array<i32>} : memref<128x128xf32, #tpu.memory_space<vmem>>, vector<16xf32>,
        %add3A_1354 = arith.constant 1 : i32
        %add3A_1355 = arith.addi %mul3A_1140, %add3A_1354 : i32
        %get3A_1356 = arith.index_cast %add3A_1355 : i32 to index
        %get3A_1357 = arith.constant 112 : index
        %get3A_1358 = tpu.vector_load %arg16[%get3A_1356, %get3A_1357] {strides = array<i32>} : memref<128x128xf32, #tpu.memory_space<vmem>>, vector<16xf32>,
        %mul3A_1359 = arith.mulf %get3A_1358, %gather3A_1342 : vector<16xf32>
        %add3A_1360 = arith.constant 1 : i32
        %add3A_1361 = arith.addi %mul3A_1140, %add3A_1360 : i32
        %swap3A_1362 = arith.index_cast %add3A_1361 : i32 to index
        %swap3A_1363 = arith.constant 112 : index
        %swap3A_1364 = tpu.vector_load %arg16[%swap3A_1362, %swap3A_1363] {strides = array<i32>} : memref<128x128xf32, #tpu.memory_space<vmem>>, vector<16xf32>,
        tpu.vector_store %arg16[%swap3A_1362, %swap3A_1363], %mul3A_1359 {strides = array<i32>} : memref<128x128xf32, #tpu.memory_space<vmem>>, vector<16xf32>,
        %broadcast_in_dim3A_1365 = arith.constant 2 : i32
        %broadcast_in_dim3A_1366 = vector.broadcast %broadcast_in_dim3A_1365 : i32 to vector<16x1xi32>
        %gather3A_1367 = vector.shape_cast %broadcast_in_dim3A_1366 : vector<16x1xi32> to vector<16xi32>
        %gather3A_1368 = tpu.dynamic_gather %get3A_1144[%gather3A_1367] in [0] : vector<16xf32>, vector<16xi32> -> vector<16xf32>
        %add3A_1369 = arith.constant 2 : i32
        %add3A_1370 = arith.addi %mul3A_1140, %add3A_1369 : i32
        %get3A_1371 = arith.index_cast %add3A_1370 : i32 to index
        %get3A_1372 = arith.constant 0 : index
        %get3A_1373 = tpu.vector_load %arg16[%get3A_1371, %get3A_1372] {strides = array<i32>} : memref<128x128xf32, #tpu.memory_space<vmem>>, vector<16xf32>,
        %mul3A_1374 = arith.mulf %get3A_1373, %gather3A_1368 : vector<16xf32>
        %add3A_1375 = arith.constant 2 : i32
        %add3A_1376 = arith.addi %mul3A_1140, %add3A_1375 : i32
        %swap3A_1377 = arith.index_cast %add3A_1376 : i32 to index
        %swap3A_1378 = arith.constant 0 : index
        %swap3A_1379 = tpu.vector_load %arg16[%swap3A_1377, %swap3A_1378] {strides = array<i32>} : memref<128x128xf32, #tpu.memory_space<vmem>>, vector<16xf32>,
        tpu.vector_store %arg16[%swap3A_1377, %swap3A_1378], %mul3A_1374 {strides = array<i32>} : memref<128x128xf32, #tpu.memory_space<vmem>>, vector<16xf32>,
        %add3A_1380 = arith.constant 2 : i32
        %add3A_1381 = arith.addi %mul3A_1140, %add3A_1380 : i32
        %get3A_1382 = arith.index_cast %add3A_1381 : i32 to index
        %get3A_1383 = arith.constant 16 : index
        %get3A_1384 = tpu.vector_load %arg16[%get3A_1382, %get3A_1383] {strides = array<i32>} : memref<128x128xf32, #tpu.memory_space<vmem>>, vector<16xf32>,
        %mul3A_1385 = arith.mulf %get3A_1384, %gather3A_1368 : vector<16xf32>
        %add3A_1386 = arith.constant 2 : i32
        %add3A_1387 = arith.addi %mul3A_1140, %add3A_1386 : i32
        %swap3A_1388 = arith.index_cast %add3A_1387 : i32 to index
        %swap3A_1389 = arith.constant 16 : index
        %swap3A_1390 = tpu.vector_load %arg16[%swap3A_1388, %swap3A_1389] {strides = array<i32>} : memref<128x128xf32, #tpu.memory_space<vmem>>, vector<16xf32>,
        tpu.vector_store %arg16[%swap3A_1388, %swap3A_1389], %mul3A_1385 {strides = array<i32>} : memref<128x128xf32, #tpu.memory_space<vmem>>, vector<16xf32>,
        %broadcast_in_dim3A_1391 = arith.constant 2 : i32
        %broadcast_in_dim3A_1392 = vector.broadcast %broadcast_in_dim3A_1391 : i32 to vector<16x1xi32>
        %gather3A_1393 = vector.shape_cast %broadcast_in_dim3A_1392 : vector<16x1xi32> to vector<16xi32>
        %gather3A_1394 = tpu.dynamic_gather %get3A_1148[%gather3A_1393] in [0] : vector<16xf32>, vector<16xi32> -> vector<16xf32>
        %add3A_1395 = arith.constant 2 : i32
        %add3A_1396 = arith.addi %mul3A_1140, %add3A_1395 : i32
        %get3A_1397 = arith.index_cast %add3A_1396 : i32 to index
        %get3A_1398 = arith.constant 32 : index
        %get3A_1399 = tpu.vector_load %arg16[%get3A_1397, %get3A_1398] {strides = array<i32>} : memref<128x128xf32, #tpu.memory_space<vmem>>, vector<16xf32>,
        %mul3A_1400 = arith.mulf %get3A_1399, %gather3A_1394 : vector<16xf32>
        %add3A_1401 = arith.constant 2 : i32
        %add3A_1402 = arith.addi %mul3A_1140, %add3A_1401 : i32
        %swap3A_1403 = arith.index_cast %add3A_1402 : i32 to index
        %swap3A_1404 = arith.constant 32 : index
        %swap3A_1405 = tpu.vector_load %arg16[%swap3A_1403, %swap3A_1404] {strides = array<i32>} : memref<128x128xf32, #tpu.memory_space<vmem>>, vector<16xf32>,
        tpu.vector_store %arg16[%swap3A_1403, %swap3A_1404], %mul3A_1400 {strides = array<i32>} : memref<128x128xf32, #tpu.memory_space<vmem>>, vector<16xf32>,
        %add3A_1406 = arith.constant 2 : i32
        %add3A_1407 = arith.addi %mul3A_1140, %add3A_1406 : i32
        %get3A_1408 = arith.index_cast %add3A_1407 : i32 to index
        %get3A_1409 = arith.constant 48 : index
        %get3A_1410 = tpu.vector_load %arg16[%get3A_1408, %get3A_1409] {strides = array<i32>} : memref<128x128xf32, #tpu.memory_space<vmem>>, vector<16xf32>,
        %mul3A_1411 = arith.mulf %get3A_1410, %gather3A_1394 : vector<16xf32>
        %add3A_1412 = arith.constant 2 : i32
        %add3A_1413 = arith.addi %mul3A_1140, %add3A_1412 : i32
        %swap3A_1414 = arith.index_cast %add3A_1413 : i32 to index
        %swap3A_1415 = arith.constant 48 : index
        %swap3A_1416 = tpu.vector_load %arg16[%swap3A_1414, %swap3A_1415] {strides = array<i32>} : memref<128x128xf32, #tpu.memory_space<vmem>>, vector<16xf32>,
        tpu.vector_store %arg16[%swap3A_1414, %swap3A_1415], %mul3A_1411 {strides = array<i32>} : memref<128x128xf32, #tpu.memory_space<vmem>>, vector<16xf32>,
        %broadcast_in_dim3A_1417 = arith.constant 2 : i32
        %broadcast_in_dim3A_1418 = vector.broadcast %broadcast_in_dim3A_1417 : i32 to vector<16x1xi32>
        %gather3A_1419 = vector.shape_cast %broadcast_in_dim3A_1418 : vector<16x1xi32> to vector<16xi32>
        %gather3A_1420 = tpu.dynamic_gather %get3A_1152[%gather3A_1419] in [0] : vector<16xf32>, vector<16xi32> -> vector<16xf32>
        %add3A_1421 = arith.constant 2 : i32
        %add3A_1422 = arith.addi %mul3A_1140, %add3A_1421 : i32
        %get3A_1423 = arith.index_cast %add3A_1422 : i32 to index
        %get3A_1424 = arith.constant 64 : index
        %get3A_1425 = tpu.vector_load %arg16[%get3A_1423, %get3A_1424] {strides = array<i32>} : memref<128x128xf32, #tpu.memory_space<vmem>>, vector<16xf32>,
        %mul3A_1426 = arith.mulf %get3A_1425, %gather3A_1420 : vector<16xf32>
        %add3A_1427 = arith.constant 2 : i32
        %add3A_1428 = arith.addi %mul3A_1140, %add3A_1427 : i32
        %swap3A_1429 = arith.index_cast %add3A_1428 : i32 to index
        %swap3A_1430 = arith.constant 64 : index
        %swap3A_1431 = tpu.vector_load %arg16[%swap3A_1429, %swap3A_1430] {strides = array<i32>} : memref<128x128xf32, #tpu.memory_space<vmem>>, vector<16xf32>,
        tpu.vector_store %arg16[%swap3A_1429, %swap3A_1430], %mul3A_1426 {strides = array<i32>} : memref<128x128xf32, #tpu.memory_space<vmem>>, vector<16xf32>,
        %add3A_1432 = arith.constant 2 : i32
        %add3A_1433 = arith.addi %mul3A_1140, %add3A_1432 : i32
        %get3A_1434 = arith.index_cast %add3A_1433 : i32 to index
        %get3A_1435 = arith.constant 80 : index
        %get3A_1436 = tpu.vector_load %arg16[%get3A_1434, %get3A_1435] {strides = array<i32>} : memref<128x128xf32, #tpu.memory_space<vmem>>, vector<16xf32>,
        %mul3A_1437 = arith.mulf %get3A_1436, %gather3A_1420 : vector<16xf32>
        %add3A_1438 = arith.constant 2 : i32
        %add3A_1439 = arith.addi %mul3A_1140, %add3A_1438 : i32
        %swap3A_1440 = arith.index_cast %add3A_1439 : i32 to index
        %swap3A_1441 = arith.constant 80 : index
        %swap3A_1442 = tpu.vector_load %arg16[%swap3A_1440, %swap3A_1441] {strides = array<i32>} : memref<128x128xf32, #tpu.memory_space<vmem>>, vector<16xf32>,
        tpu.vector_store %arg16[%swap3A_1440, %swap3A_1441], %mul3A_1437 {strides = array<i32>} : memref<128x128xf32, #tpu.memory_space<vmem>>, vector<16xf32>,
        %broadcast_in_dim3A_1443 = arith.constant 2 : i32
        %broadcast_in_dim3A_1444 = vector.broadcast %broadcast_in_dim3A_1443 : i32 to vector<16x1xi32>
        %gather3A_1445 = vector.shape_cast %broadcast_in_dim3A_1444 : vector<16x1xi32> to vector<16xi32>
        %gather3A_1446 = tpu.dynamic_gather %get3A_1156[%gather3A_1445] in [0] : vector<16xf32>, vector<16xi32> -> vector<16xf32>
        %add3A_1447 = arith.constant 2 : i32
        %add3A_1448 = arith.addi %mul3A_1140, %add3A_1447 : i32
        %get3A_1449 = arith.index_cast %add3A_1448 : i32 to index
        %get3A_1450 = arith.constant 96 : index
        %get3A_1451 = tpu.vector_load %arg16[%get3A_1449, %get3A_1450] {strides = array<i32>} : memref<128x128xf32, #tpu.memory_space<vmem>>, vector<16xf32>,
        %mul3A_1452 = arith.mulf %get3A_1451, %gather3A_1446 : vector<16xf32>
        %add3A_1453 = arith.constant 2 : i32
        %add3A_1454 = arith.addi %mul3A_1140, %add3A_1453 : i32
        %swap3A_1455 = arith.index_cast %add3A_1454 : i32 to index
        %swap3A_1456 = arith.constant 96 : index
        %swap3A_1457 = tpu.vector_load %arg16[%swap3A_1455, %swap3A_1456] {strides = array<i32>} : memref<128x128xf32, #tpu.memory_space<vmem>>, vector<16xf32>,
        tpu.vector_store %arg16[%swap3A_1455, %swap3A_1456], %mul3A_1452 {strides = array<i32>} : memref<128x128xf32, #tpu.memory_space<vmem>>, vector<16xf32>,
        %add3A_1458 = arith.constant 2 : i32
        %add3A_1459 = arith.addi %mul3A_1140, %add3A_1458 : i32
        %get3A_1460 = arith.index_cast %add3A_1459 : i32 to index
        %get3A_1461 = arith.constant 112 : index
        %get3A_1462 = tpu.vector_load %arg16[%get3A_1460, %get3A_1461] {strides = array<i32>} : memref<128x128xf32, #tpu.memory_space<vmem>>, vector<16xf32>,
        %mul3A_1463 = arith.mulf %get3A_1462, %gather3A_1446 : vector<16xf32>
        %add3A_1464 = arith.constant 2 : i32
        %add3A_1465 = arith.addi %mul3A_1140, %add3A_1464 : i32
        %swap3A_1466 = arith.index_cast %add3A_1465 : i32 to index
        %swap3A_1467 = arith.constant 112 : index
        %swap3A_1468 = tpu.vector_load %arg16[%swap3A_1466, %swap3A_1467] {strides = array<i32>} : memref<128x128xf32, #tpu.memory_space<vmem>>, vector<16xf32>,
        tpu.vector_store %arg16[%swap3A_1466, %swap3A_1467], %mul3A_1463 {strides = array<i32>} : memref<128x128xf32, #tpu.memory_space<vmem>>, vector<16xf32>,
        %broadcast_in_dim3A_1469 = arith.constant 3 : i32
        %broadcast_in_dim3A_1470 = vector.broadcast %broadcast_in_dim3A_1469 : i32 to vector<16x1xi32>
        %gather3A_1471 = vector.shape_cast %broadcast_in_dim3A_1470 : vector<16x1xi32> to vector<16xi32>
        %gather3A_1472 = tpu.dynamic_gather %get3A_1144[%gather3A_1471] in [0] : vector<16xf32>, vector<16xi32> -> vector<16xf32>
        %add3A_1473 = arith.constant 3 : i32
        %add3A_1474 = arith.addi %mul3A_1140, %add3A_1473 : i32
        %get3A_1475 = arith.index_cast %add3A_1474 : i32 to index
        %get3A_1476 = arith.constant 0 : index
        %get3A_1477 = tpu.vector_load %arg16[%get3A_1475, %get3A_1476] {strides = array<i32>} : memref<128x128xf32, #tpu.memory_space<vmem>>, vector<16xf32>,
        %mul3A_1478 = arith.mulf %get3A_1477, %gather3A_1472 : vector<16xf32>
        %add3A_1479 = arith.constant 3 : i32
        %add3A_1480 = arith.addi %mul3A_1140, %add3A_1479 : i32
        %swap3A_1481 = arith.index_cast %add3A_1480 : i32 to index
        %swap3A_1482 = arith.constant 0 : index
        %swap3A_1483 = tpu.vector_load %arg16[%swap3A_1481, %swap3A_1482] {strides = array<i32>} : memref<128x128xf32, #tpu.memory_space<vmem>>, vector<16xf32>,
        tpu.vector_store %arg16[%swap3A_1481, %swap3A_1482], %mul3A_1478 {strides = array<i32>} : memref<128x128xf32, #tpu.memory_space<vmem>>, vector<16xf32>,
        %add3A_1484 = arith.constant 3 : i32
        %add3A_1485 = arith.addi %mul3A_1140, %add3A_1484 : i32
        %get3A_1486 = arith.index_cast %add3A_1485 : i32 to index
        %get3A_1487 = arith.constant 16 : index
        %get3A_1488 = tpu.vector_load %arg16[%get3A_1486, %get3A_1487] {strides = array<i32>} : memref<128x128xf32, #tpu.memory_space<vmem>>, vector<16xf32>,
        %mul3A_1489 = arith.mulf %get3A_1488, %gather3A_1472 : vector<16xf32>
        %add3A_1490 = arith.constant 3 : i32
        %add3A_1491 = arith.addi %mul3A_1140, %add3A_1490 : i32
        %swap3A_1492 = arith.index_cast %add3A_1491 : i32 to index
        %swap3A_1493 = arith.constant 16 : index
        %swap3A_1494 = tpu.vector_load %arg16[%swap3A_1492, %swap3A_1493] {strides = array<i32>} : memref<128x128xf32, #tpu.memory_space<vmem>>, vector<16xf32>,
        tpu.vector_store %arg16[%swap3A_1492, %swap3A_1493], %mul3A_1489 {strides = array<i32>} : memref<128x128xf32, #tpu.memory_space<vmem>>, vector<16xf32>,
        %broadcast_in_dim3A_1495 = arith.constant 3 : i32
        %broadcast_in_dim3A_1496 = vector.broadcast %broadcast_in_dim3A_1495 : i32 to vector<16x1xi32>
        %gather3A_1497 = vector.shape_cast %broadcast_in_dim3A_1496 : vector<16x1xi32> to vector<16xi32>
        %gather3A_1498 = tpu.dynamic_gather %get3A_1148[%gather3A_1497] in [0] : vector<16xf32>, vector<16xi32> -> vector<16xf32>
        %add3A_1499 = arith.constant 3 : i32
        %add3A_1500 = arith.addi %mul3A_1140, %add3A_1499 : i32
        %get3A_1501 = arith.index_cast %add3A_1500 : i32 to index
        %get3A_1502 = arith.constant 32 : index
        %get3A_1503 = tpu.vector_load %arg16[%get3A_1501, %get3A_1502] {strides = array<i32>} : memref<128x128xf32, #tpu.memory_space<vmem>>, vector<16xf32>,
        %mul3A_1504 = arith.mulf %get3A_1503, %gather3A_1498 : vector<16xf32>
        %add3A_1505 = arith.constant 3 : i32
        %add3A_1506 = arith.addi %mul3A_1140, %add3A_1505 : i32
        %swap3A_1507 = arith.index_cast %add3A_1506 : i32 to index
        %swap3A_1508 = arith.constant 32 : index
        %swap3A_1509 = tpu.vector_load %arg16[%swap3A_1507, %swap3A_1508] {strides = array<i32>} : memref<128x128xf32, #tpu.memory_space<vmem>>, vector<16xf32>,
        tpu.vector_store %arg16[%swap3A_1507, %swap3A_1508], %mul3A_1504 {strides = array<i32>} : memref<128x128xf32, #tpu.memory_space<vmem>>, vector<16xf32>,
        %add3A_1510 = arith.constant 3 : i32
        %add3A_1511 = arith.addi %mul3A_1140, %add3A_1510 : i32
        %get3A_1512 = arith.index_cast %add3A_1511 : i32 to index
        %get3A_1513 = arith.constant 48 : index
        %get3A_1514 = tpu.vector_load %arg16[%get3A_1512, %get3A_1513] {strides = array<i32>} : memref<128x128xf32, #tpu.memory_space<vmem>>, vector<16xf32>,
        %mul3A_1515 = arith.mulf %get3A_1514, %gather3A_1498 : vector<16xf32>
        %add3A_1516 = arith.constant 3 : i32
        %add3A_1517 = arith.addi %mul3A_1140, %add3A_1516 : i32
        %swap3A_1518 = arith.index_cast %add3A_1517 : i32 to index
        %swap3A_1519 = arith.constant 48 : index
        %swap3A_1520 = tpu.vector_load %arg16[%swap3A_1518, %swap3A_1519] {strides = array<i32>} : memref<128x128xf32, #tpu.memory_space<vmem>>, vector<16xf32>,
        tpu.vector_store %arg16[%swap3A_1518, %swap3A_1519], %mul3A_1515 {strides = array<i32>} : memref<128x128xf32, #tpu.memory_space<vmem>>, vector<16xf32>,
        %broadcast_in_dim3A_1521 = arith.constant 3 : i32
        %broadcast_in_dim3A_1522 = vector.broadcast %broadcast_in_dim3A_1521 : i32 to vector<16x1xi32>
        %gather3A_1523 = vector.shape_cast %broadcast_in_dim3A_1522 : vector<16x1xi32> to vector<16xi32>
        %gather3A_1524 = tpu.dynamic_gather %get3A_1152[%gather3A_1523] in [0] : vector<16xf32>, vector<16xi32> -> vector<16xf32>
        %add3A_1525 = arith.constant 3 : i32
        %add3A_1526 = arith.addi %mul3A_1140, %add3A_1525 : i32
        %get3A_1527 = arith.index_cast %add3A_1526 : i32 to index
        %get3A_1528 = arith.constant 64 : index
        %get3A_1529 = tpu.vector_load %arg16[%get3A_1527, %get3A_1528] {strides = array<i32>} : memref<128x128xf32, #tpu.memory_space<vmem>>, vector<16xf32>,
        %mul3A_1530 = arith.mulf %get3A_1529, %gather3A_1524 : vector<16xf32>
        %add3A_1531 = arith.constant 3 : i32
        %add3A_1532 = arith.addi %mul3A_1140, %add3A_1531 : i32
        %swap3A_1533 = arith.index_cast %add3A_1532 : i32 to index
        %swap3A_1534 = arith.constant 64 : index
        %swap3A_1535 = tpu.vector_load %arg16[%swap3A_1533, %swap3A_1534] {strides = array<i32>} : memref<128x128xf32, #tpu.memory_space<vmem>>, vector<16xf32>,
        tpu.vector_store %arg16[%swap3A_1533, %swap3A_1534], %mul3A_1530 {strides = array<i32>} : memref<128x128xf32, #tpu.memory_space<vmem>>, vector<16xf32>,
        %add3A_1536 = arith.constant 3 : i32
        %add3A_1537 = arith.addi %mul3A_1140, %add3A_1536 : i32
        %get3A_1538 = arith.index_cast %add3A_1537 : i32 to index
        %get3A_1539 = arith.constant 80 : index
        %get3A_1540 = tpu.vector_load %arg16[%get3A_1538, %get3A_1539] {strides = array<i32>} : memref<128x128xf32, #tpu.memory_space<vmem>>, vector<16xf32>,
        %mul3A_1541 = arith.mulf %get3A_1540, %gather3A_1524 : vector<16xf32>
        %add3A_1542 = arith.constant 3 : i32
        %add3A_1543 = arith.addi %mul3A_1140, %add3A_1542 : i32
        %swap3A_1544 = arith.index_cast %add3A_1543 : i32 to index
        %swap3A_1545 = arith.constant 80 : index
        %swap3A_1546 = tpu.vector_load %arg16[%swap3A_1544, %swap3A_1545] {strides = array<i32>} : memref<128x128xf32, #tpu.memory_space<vmem>>, vector<16xf32>,
        tpu.vector_store %arg16[%swap3A_1544, %swap3A_1545], %mul3A_1541 {strides = array<i32>} : memref<128x128xf32, #tpu.memory_space<vmem>>, vector<16xf32>,
        %broadcast_in_dim3A_1547 = arith.constant 3 : i32
        %broadcast_in_dim3A_1548 = vector.broadcast %broadcast_in_dim3A_1547 : i32 to vector<16x1xi32>
        %gather3A_1549 = vector.shape_cast %broadcast_in_dim3A_1548 : vector<16x1xi32> to vector<16xi32>
        %gather3A_1550 = tpu.dynamic_gather %get3A_1156[%gather3A_1549] in [0] : vector<16xf32>, vector<16xi32> -> vector<16xf32>
        %add3A_1551 = arith.constant 3 : i32
        %add3A_1552 = arith.addi %mul3A_1140, %add3A_1551 : i32
        %get3A_1553 = arith.index_cast %add3A_1552 : i32 to index
        %get3A_1554 = arith.constant 96 : index
        %get3A_1555 = tpu.vector_load %arg16[%get3A_1553, %get3A_1554] {strides = array<i32>} : memref<128x128xf32, #tpu.memory_space<vmem>>, vector<16xf32>,
        %mul3A_1556 = arith.mulf %get3A_1555, %gather3A_1550 : vector<16xf32>
        %add3A_1557 = arith.constant 3 : i32
        %add3A_1558 = arith.addi %mul3A_1140, %add3A_1557 : i32
        %swap3A_1559 = arith.index_cast %add3A_1558 : i32 to index
        %swap3A_1560 = arith.constant 96 : index
        %swap3A_1561 = tpu.vector_load %arg16[%swap3A_1559, %swap3A_1560] {strides = array<i32>} : memref<128x128xf32, #tpu.memory_space<vmem>>, vector<16xf32>,
        tpu.vector_store %arg16[%swap3A_1559, %swap3A_1560], %mul3A_1556 {strides = array<i32>} : memref<128x128xf32, #tpu.memory_space<vmem>>, vector<16xf32>,
        %add3A_1562 = arith.constant 3 : i32
        %add3A_1563 = arith.addi %mul3A_1140, %add3A_1562 : i32
        %get3A_1564 = arith.index_cast %add3A_1563 : i32 to index
        %get3A_1565 = arith.constant 112 : index
        %get3A_1566 = tpu.vector_load %arg16[%get3A_1564, %get3A_1565] {strides = array<i32>} : memref<128x128xf32, #tpu.memory_space<vmem>>, vector<16xf32>,
        %mul3A_1567 = arith.mulf %get3A_1566, %gather3A_1550 : vector<16xf32>
        %add3A_1568 = arith.constant 3 : i32
        %add3A_1569 = arith.addi %mul3A_1140, %add3A_1568 : i32
        %swap3A_1570 = arith.index_cast %add3A_1569 : i32 to index
        %swap3A_1571 = arith.constant 112 : index
        %swap3A_1572 = tpu.vector_load %arg16[%swap3A_1570, %swap3A_1571] {strides = array<i32>} : memref<128x128xf32, #tpu.memory_space<vmem>>, vector<16xf32>,
        tpu.vector_store %arg16[%swap3A_1570, %swap3A_1571], %mul3A_1567 {strides = array<i32>} : memref<128x128xf32, #tpu.memory_space<vmem>>, vector<16xf32>,
        %broadcast_in_dim3A_1573 = arith.constant 4 : i32
        %broadcast_in_dim3A_1574 = vector.broadcast %broadcast_in_dim3A_1573 : i32 to vector<16x1xi32>
        %gather3A_1575 = vector.shape_cast %broadcast_in_dim3A_1574 : vector<16x1xi32> to vector<16xi32>
        %gather3A_1576 = tpu.dynamic_gather %get3A_1144[%gather3A_1575] in [0] : vector<16xf32>, vector<16xi32> -> vector<16xf32>
        %add3A_1577 = arith.constant 4 : i32
        %add3A_1578 = arith.addi %mul3A_1140, %add3A_1577 : i32
        %get3A_1579 = arith.index_cast %add3A_1578 : i32 to index
        %get3A_1580 = arith.constant 0 : index
        %get3A_1581 = tpu.vector_load %arg16[%get3A_1579, %get3A_1580] {strides = array<i32>} : memref<128x128xf32, #tpu.memory_space<vmem>>, vector<16xf32>,
        %mul3A_1582 = arith.mulf %get3A_1581, %gather3A_1576 : vector<16xf32>
        %add3A_1583 = arith.constant 4 : i32
        %add3A_1584 = arith.addi %mul3A_1140, %add3A_1583 : i32
        %swap3A_1585 = arith.index_cast %add3A_1584 : i32 to index
        %swap3A_1586 = arith.constant 0 : index
        %swap3A_1587 = tpu.vector_load %arg16[%swap3A_1585, %swap3A_1586] {strides = array<i32>} : memref<128x128xf32, #tpu.memory_space<vmem>>, vector<16xf32>,
        tpu.vector_store %arg16[%swap3A_1585, %swap3A_1586], %mul3A_1582 {strides = array<i32>} : memref<128x128xf32, #tpu.memory_space<vmem>>, vector<16xf32>,
        %add3A_1588 = arith.constant 4 : i32
        %add3A_1589 = arith.addi %mul3A_1140, %add3A_1588 : i32
        %get3A_1590 = arith.index_cast %add3A_1589 : i32 to index
        %get3A_1591 = arith.constant 16 : index
        %get3A_1592 = tpu.vector_load %arg16[%get3A_1590, %get3A_1591] {strides = array<i32>} : memref<128x128xf32, #tpu.memory_space<vmem>>, vector<16xf32>,
        %mul3A_1593 = arith.mulf %get3A_1592, %gather3A_1576 : vector<16xf32>
        %add3A_1594 = arith.constant 4 : i32
        %add3A_1595 = arith.addi %mul3A_1140, %add3A_1594 : i32
        %swap3A_1596 = arith.index_cast %add3A_1595 : i32 to index
        %swap3A_1597 = arith.constant 16 : index
        %swap3A_1598 = tpu.vector_load %arg16[%swap3A_1596, %swap3A_1597] {strides = array<i32>} : memref<128x128xf32, #tpu.memory_space<vmem>>, vector<16xf32>,
        tpu.vector_store %arg16[%swap3A_1596, %swap3A_1597], %mul3A_1593 {strides = array<i32>} : memref<128x128xf32, #tpu.memory_space<vmem>>, vector<16xf32>,
        %broadcast_in_dim3A_1599 = arith.constant 4 : i32
        %broadcast_in_dim3A_1600 = vector.broadcast %broadcast_in_dim3A_1599 : i32 to vector<16x1xi32>
        %gather3A_1601 = vector.shape_cast %broadcast_in_dim3A_1600 : vector<16x1xi32> to vector<16xi32>
        %gather3A_1602 = tpu.dynamic_gather %get3A_1148[%gather3A_1601] in [0] : vector<16xf32>, vector<16xi32> -> vector<16xf32>
        %add3A_1603 = arith.constant 4 : i32
        %add3A_1604 = arith.addi %mul3A_1140, %add3A_1603 : i32
        %get3A_1605 = arith.index_cast %add3A_1604 : i32 to index
        %get3A_1606 = arith.constant 32 : index
        %get3A_1607 = tpu.vector_load %arg16[%get3A_1605, %get3A_1606] {strides = array<i32>} : memref<128x128xf32, #tpu.memory_space<vmem>>, vector<16xf32>,
        %mul3A_1608 = arith.mulf %get3A_1607, %gather3A_1602 : vector<16xf32>
        %add3A_1609 = arith.constant 4 : i32
        %add3A_1610 = arith.addi %mul3A_1140, %add3A_1609 : i32
        %swap3A_1611 = arith.index_cast %add3A_1610 : i32 to index
        %swap3A_1612 = arith.constant 32 : index
        %swap3A_1613 = tpu.vector_load %arg16[%swap3A_1611, %swap3A_1612] {strides = array<i32>} : memref<128x128xf32, #tpu.memory_space<vmem>>, vector<16xf32>,
        tpu.vector_store %arg16[%swap3A_1611, %swap3A_1612], %mul3A_1608 {strides = array<i32>} : memref<128x128xf32, #tpu.memory_space<vmem>>, vector<16xf32>,
        %add3A_1614 = arith.constant 4 : i32
        %add3A_1615 = arith.addi %mul3A_1140, %add3A_1614 : i32
        %get3A_1616 = arith.index_cast %add3A_1615 : i32 to index
        %get3A_1617 = arith.constant 48 : index
        %get3A_1618 = tpu.vector_load %arg16[%get3A_1616, %get3A_1617] {strides = array<i32>} : memref<128x128xf32, #tpu.memory_space<vmem>>, vector<16xf32>,
        %mul3A_1619 = arith.mulf %get3A_1618, %gather3A_1602 : vector<16xf32>
        %add3A_1620 = arith.constant 4 : i32
        %add3A_1621 = arith.addi %mul3A_1140, %add3A_1620 : i32
        %swap3A_1622 = arith.index_cast %add3A_1621 : i32 to index
        %swap3A_1623 = arith.constant 48 : index
        %swap3A_1624 = tpu.vector_load %arg16[%swap3A_1622, %swap3A_1623] {strides = array<i32>} : memref<128x128xf32, #tpu.memory_space<vmem>>, vector<16xf32>,
        tpu.vector_store %arg16[%swap3A_1622, %swap3A_1623], %mul3A_1619 {strides = array<i32>} : memref<128x128xf32, #tpu.memory_space<vmem>>, vector<16xf32>,
        %broadcast_in_dim3A_1625 = arith.constant 4 : i32
        %broadcast_in_dim3A_1626 = vector.broadcast %broadcast_in_dim3A_1625 : i32 to vector<16x1xi32>
        %gather3A_1627 = vector.shape_cast %broadcast_in_dim3A_1626 : vector<16x1xi32> to vector<16xi32>
        %gather3A_1628 = tpu.dynamic_gather %get3A_1152[%gather3A_1627] in [0] : vector<16xf32>, vector<16xi32> -> vector<16xf32>
        %add3A_1629 = arith.constant 4 : i32
        %add3A_1630 = arith.addi %mul3A_1140, %add3A_1629 : i32
        %get3A_1631 = arith.index_cast %add3A_1630 : i32 to index
        %get3A_1632 = arith.constant 64 : index
        %get3A_1633 = tpu.vector_load %arg16[%get3A_1631, %get3A_1632] {strides = array<i32>} : memref<128x128xf32, #tpu.memory_space<vmem>>, vector<16xf32>,
        %mul3A_1634 = arith.mulf %get3A_1633, %gather3A_1628 : vector<16xf32>
        %add3A_1635 = arith.constant 4 : i32
        %add3A_1636 = arith.addi %mul3A_1140, %add3A_1635 : i32
        %swap3A_1637 = arith.index_cast %add3A_1636 : i32 to index
        %swap3A_1638 = arith.constant 64 : index
        %swap3A_1639 = tpu.vector_load %arg16[%swap3A_1637, %swap3A_1638] {strides = array<i32>} : memref<128x128xf32, #tpu.memory_space<vmem>>, vector<16xf32>,
        tpu.vector_store %arg16[%swap3A_1637, %swap3A_1638], %mul3A_1634 {strides = array<i32>} : memref<128x128xf32, #tpu.memory_space<vmem>>, vector<16xf32>,
        %add3A_1640 = arith.constant 4 : i32
        %add3A_1641 = arith.addi %mul3A_1140, %add3A_1640 : i32
        %get3A_1642 = arith.index_cast %add3A_1641 : i32 to index
        %get3A_1643 = arith.constant 80 : index
        %get3A_1644 = tpu.vector_load %arg16[%get3A_1642, %get3A_1643] {strides = array<i32>} : memref<128x128xf32, #tpu.memory_space<vmem>>, vector<16xf32>,
        %mul3A_1645 = arith.mulf %get3A_1644, %gather3A_1628 : vector<16xf32>
        %add3A_1646 = arith.constant 4 : i32
        %add3A_1647 = arith.addi %mul3A_1140, %add3A_1646 : i32
        %swap3A_1648 = arith.index_cast %add3A_1647 : i32 to index
        %swap3A_1649 = arith.constant 80 : index
        %swap3A_1650 = tpu.vector_load %arg16[%swap3A_1648, %swap3A_1649] {strides = array<i32>} : memref<128x128xf32, #tpu.memory_space<vmem>>, vector<16xf32>,
        tpu.vector_store %arg16[%swap3A_1648, %swap3A_1649], %mul3A_1645 {strides = array<i32>} : memref<128x128xf32, #tpu.memory_space<vmem>>, vector<16xf32>,
        %broadcast_in_dim3A_1651 = arith.constant 4 : i32
        %broadcast_in_dim3A_1652 = vector.broadcast %broadcast_in_dim3A_1651 : i32 to vector<16x1xi32>
        %gather3A_1653 = vector.shape_cast %broadcast_in_dim3A_1652 : vector<16x1xi32> to vector<16xi32>
        %gather3A_1654 = tpu.dynamic_gather %get3A_1156[%gather3A_1653] in [0] : vector<16xf32>, vector<16xi32> -> vector<16xf32>
        %add3A_1655 = arith.constant 4 : i32
        %add3A_1656 = arith.addi %mul3A_1140, %add3A_1655 : i32
        %get3A_1657 = arith.index_cast %add3A_1656 : i32 to index
        %get3A_1658 = arith.constant 96 : index
        %get3A_1659 = tpu.vector_load %arg16[%get3A_1657, %get3A_1658] {strides = array<i32>} : memref<128x128xf32, #tpu.memory_space<vmem>>, vector<16xf32>,
        %mul3A_1660 = arith.mulf %get3A_1659, %gather3A_1654 : vector<16xf32>
        %add3A_1661 = arith.constant 4 : i32
        %add3A_1662 = arith.addi %mul3A_1140, %add3A_1661 : i32
        %swap3A_1663 = arith.index_cast %add3A_1662 : i32 to index
        %swap3A_1664 = arith.constant 96 : index
        %swap3A_1665 = tpu.vector_load %arg16[%swap3A_1663, %swap3A_1664] {strides = array<i32>} : memref<128x128xf32, #tpu.memory_space<vmem>>, vector<16xf32>,
        tpu.vector_store %arg16[%swap3A_1663, %swap3A_1664], %mul3A_1660 {strides = array<i32>} : memref<128x128xf32, #tpu.memory_space<vmem>>, vector<16xf32>,
        %add3A_1666 = arith.constant 4 : i32
        %add3A_1667 = arith.addi %mul3A_1140, %add3A_1666 : i32
        %get3A_1668 = arith.index_cast %add3A_1667 : i32 to index
        %get3A_1669 = arith.constant 112 : index
        %get3A_1670 = tpu.vector_load %arg16[%get3A_1668, %get3A_1669] {strides = array<i32>} : memref<128x128xf32, #tpu.memory_space<vmem>>, vector<16xf32>,
        %mul3A_1671 = arith.mulf %get3A_1670, %gather3A_1654 : vector<16xf32>
        %add3A_1672 = arith.constant 4 : i32
        %add3A_1673 = arith.addi %mul3A_1140, %add3A_1672 : i32
        %swap3A_1674 = arith.index_cast %add3A_1673 : i32 to index
        %swap3A_1675 = arith.constant 112 : index
        %swap3A_1676 = tpu.vector_load %arg16[%swap3A_1674, %swap3A_1675] {strides = array<i32>} : memref<128x128xf32, #tpu.memory_space<vmem>>, vector<16xf32>,
        tpu.vector_store %arg16[%swap3A_1674, %swap3A_1675], %mul3A_1671 {strides = array<i32>} : memref<128x128xf32, #tpu.memory_space<vmem>>, vector<16xf32>,
        %broadcast_in_dim3A_1677 = arith.constant 5 : i32
        %broadcast_in_dim3A_1678 = vector.broadcast %broadcast_in_dim3A_1677 : i32 to vector<16x1xi32>
        %gather3A_1679 = vector.shape_cast %broadcast_in_dim3A_1678 : vector<16x1xi32> to vector<16xi32>
        %gather3A_1680 = tpu.dynamic_gather %get3A_1144[%gather3A_1679] in [0] : vector<16xf32>, vector<16xi32> -> vector<16xf32>
        %add3A_1681 = arith.constant 5 : i32
        %add3A_1682 = arith.addi %mul3A_1140, %add3A_1681 : i32
        %get3A_1683 = arith.index_cast %add3A_1682 : i32 to index
        %get3A_1684 = arith.constant 0 : index
        %get3A_1685 = tpu.vector_load %arg16[%get3A_1683, %get3A_1684] {strides = array<i32>} : memref<128x128xf32, #tpu.memory_space<vmem>>, vector<16xf32>,
        %mul3A_1686 = arith.mulf %get3A_1685, %gather3A_1680 : vector<16xf32>
        %add3A_1687 = arith.constant 5 : i32
        %add3A_1688 = arith.addi %mul3A_1140, %add3A_1687 : i32
        %swap3A_1689 = arith.index_cast %add3A_1688 : i32 to index
        %swap3A_1690 = arith.constant 0 : index
        %swap3A_1691 = tpu.vector_load %arg16[%swap3A_1689, %swap3A_1690] {strides = array<i32>} : memref<128x128xf32, #tpu.memory_space<vmem>>, vector<16xf32>,
        tpu.vector_store %arg16[%swap3A_1689, %swap3A_1690], %mul3A_1686 {strides = array<i32>} : memref<128x128xf32, #tpu.memory_space<vmem>>, vector<16xf32>,
        %add3A_1692 = arith.constant 5 : i32
        %add3A_1693 = arith.addi %mul3A_1140, %add3A_1692 : i32
        %get3A_1694 = arith.index_cast %add3A_1693 : i32 to index
        %get3A_1695 = arith.constant 16 : index
        %get3A_1696 = tpu.vector_load %arg16[%get3A_1694, %get3A_1695] {strides = array<i32>} : memref<128x128xf32, #tpu.memory_space<vmem>>, vector<16xf32>,
        %mul3A_1697 = arith.mulf %get3A_1696, %gather3A_1680 : vector<16xf32>
        %add3A_1698 = arith.constant 5 : i32
        %add3A_1699 = arith.addi %mul3A_1140, %add3A_1698 : i32
        %swap3A_1700 = arith.index_cast %add3A_1699 : i32 to index
        %swap3A_1701 = arith.constant 16 : index
        %swap3A_1702 = tpu.vector_load %arg16[%swap3A_1700, %swap3A_1701] {strides = array<i32>} : memref<128x128xf32, #tpu.memory_space<vmem>>, vector<16xf32>,
        tpu.vector_store %arg16[%swap3A_1700, %swap3A_1701], %mul3A_1697 {strides = array<i32>} : memref<128x128xf32, #tpu.memory_space<vmem>>, vector<16xf32>,
        %broadcast_in_dim3A_1703 = arith.constant 5 : i32
        %broadcast_in_dim3A_1704 = vector.broadcast %broadcast_in_dim3A_1703 : i32 to vector<16x1xi32>
        %gather3A_1705 = vector.shape_cast %broadcast_in_dim3A_1704 : vector<16x1xi32> to vector<16xi32>
        %gather3A_1706 = tpu.dynamic_gather %get3A_1148[%gather3A_1705] in [0] : vector<16xf32>, vector<16xi32> -> vector<16xf32>
        %add3A_1707 = arith.constant 5 : i32
        %add3A_1708 = arith.addi %mul3A_1140, %add3A_1707 : i32
        %get3A_1709 = arith.index_cast %add3A_1708 : i32 to index
        %get3A_1710 = arith.constant 32 : index
        %get3A_1711 = tpu.vector_load %arg16[%get3A_1709, %get3A_1710] {strides = array<i32>} : memref<128x128xf32, #tpu.memory_space<vmem>>, vector<16xf32>,
        %mul3A_1712 = arith.mulf %get3A_1711, %gather3A_1706 : vector<16xf32>
        %add3A_1713 = arith.constant 5 : i32
        %add3A_1714 = arith.addi %mul3A_1140, %add3A_1713 : i32
        %swap3A_1715 = arith.index_cast %add3A_1714 : i32 to index
        %swap3A_1716 = arith.constant 32 : index
        %swap3A_1717 = tpu.vector_load %arg16[%swap3A_1715, %swap3A_1716] {strides = array<i32>} : memref<128x128xf32, #tpu.memory_space<vmem>>, vector<16xf32>,
        tpu.vector_store %arg16[%swap3A_1715, %swap3A_1716], %mul3A_1712 {strides = array<i32>} : memref<128x128xf32, #tpu.memory_space<vmem>>, vector<16xf32>,
        %add3A_1718 = arith.constant 5 : i32
        %add3A_1719 = arith.addi %mul3A_1140, %add3A_1718 : i32
        %get3A_1720 = arith.index_cast %add3A_1719 : i32 to index
        %get3A_1721 = arith.constant 48 : index
        %get3A_1722 = tpu.vector_load %arg16[%get3A_1720, %get3A_1721] {strides = array<i32>} : memref<128x128xf32, #tpu.memory_space<vmem>>, vector<16xf32>,
        %mul3A_1723 = arith.mulf %get3A_1722, %gather3A_1706 : vector<16xf32>
        %add3A_1724 = arith.constant 5 : i32
        %add3A_1725 = arith.addi %mul3A_1140, %add3A_1724 : i32
        %swap3A_1726 = arith.index_cast %add3A_1725 : i32 to index
        %swap3A_1727 = arith.constant 48 : index
        %swap3A_1728 = tpu.vector_load %arg16[%swap3A_1726, %swap3A_1727] {strides = array<i32>} : memref<128x128xf32, #tpu.memory_space<vmem>>, vector<16xf32>,
        tpu.vector_store %arg16[%swap3A_1726, %swap3A_1727], %mul3A_1723 {strides = array<i32>} : memref<128x128xf32, #tpu.memory_space<vmem>>, vector<16xf32>,
        %broadcast_in_dim3A_1729 = arith.constant 5 : i32
        %broadcast_in_dim3A_1730 = vector.broadcast %broadcast_in_dim3A_1729 : i32 to vector<16x1xi32>
        %gather3A_1731 = vector.shape_cast %broadcast_in_dim3A_1730 : vector<16x1xi32> to vector<16xi32>
        %gather3A_1732 = tpu.dynamic_gather %get3A_1152[%gather3A_1731] in [0] : vector<16xf32>, vector<16xi32> -> vector<16xf32>
        %add3A_1733 = arith.constant 5 : i32
        %add3A_1734 = arith.addi %mul3A_1140, %add3A_1733 : i32
        %get3A_1735 = arith.index_cast %add3A_1734 : i32 to index
        %get3A_1736 = arith.constant 64 : index
        %get3A_1737 = tpu.vector_load %arg16[%get3A_1735, %get3A_1736] {strides = array<i32>} : memref<128x128xf32, #tpu.memory_space<vmem>>, vector<16xf32>,
        %mul3A_1738 = arith.mulf %get3A_1737, %gather3A_1732 : vector<16xf32>
        %add3A_1739 = arith.constant 5 : i32
        %add3A_1740 = arith.addi %mul3A_1140, %add3A_1739 : i32
        %swap3A_1741 = arith.index_cast %add3A_1740 : i32 to index
        %swap3A_1742 = arith.constant 64 : index
        %swap3A_1743 = tpu.vector_load %arg16[%swap3A_1741, %swap3A_1742] {strides = array<i32>} : memref<128x128xf32, #tpu.memory_space<vmem>>, vector<16xf32>,
        tpu.vector_store %arg16[%swap3A_1741, %swap3A_1742], %mul3A_1738 {strides = array<i32>} : memref<128x128xf32, #tpu.memory_space<vmem>>, vector<16xf32>,
        %add3A_1744 = arith.constant 5 : i32
        %add3A_1745 = arith.addi %mul3A_1140, %add3A_1744 : i32
        %get3A_1746 = arith.index_cast %add3A_1745 : i32 to index
        %get3A_1747 = arith.constant 80 : index
        %get3A_1748 = tpu.vector_load %arg16[%get3A_1746, %get3A_1747] {strides = array<i32>} : memref<128x128xf32, #tpu.memory_space<vmem>>, vector<16xf32>,
        %mul3A_1749 = arith.mulf %get3A_1748, %gather3A_1732 : vector<16xf32>
        %add3A_1750 = arith.constant 5 : i32
        %add3A_1751 = arith.addi %mul3A_1140, %add3A_1750 : i32
        %swap3A_1752 = arith.index_cast %add3A_1751 : i32 to index
        %swap3A_1753 = arith.constant 80 : index
        %swap3A_1754 = tpu.vector_load %arg16[%swap3A_1752, %swap3A_1753] {strides = array<i32>} : memref<128x128xf32, #tpu.memory_space<vmem>>, vector<16xf32>,
        tpu.vector_store %arg16[%swap3A_1752, %swap3A_1753], %mul3A_1749 {strides = array<i32>} : memref<128x128xf32, #tpu.memory_space<vmem>>, vector<16xf32>,
        %broadcast_in_dim3A_1755 = arith.constant 5 : i32
        %broadcast_in_dim3A_1756 = vector.broadcast %broadcast_in_dim3A_1755 : i32 to vector<16x1xi32>
        %gather3A_1757 = vector.shape_cast %broadcast_in_dim3A_1756 : vector<16x1xi32> to vector<16xi32>
        %gather3A_1758 = tpu.dynamic_gather %get3A_1156[%gather3A_1757] in [0] : vector<16xf32>, vector<16xi32> -> vector<16xf32>
        %add3A_1759 = arith.constant 5 : i32
        %add3A_1760 = arith.addi %mul3A_1140, %add3A_1759 : i32
        %get3A_1761 = arith.index_cast %add3A_1760 : i32 to index
        %get3A_1762 = arith.constant 96 : index
        %get3A_1763 = tpu.vector_load %arg16[%get3A_1761, %get3A_1762] {strides = array<i32>} : memref<128x128xf32, #tpu.memory_space<vmem>>, vector<16xf32>,
        %mul3A_1764 = arith.mulf %get3A_1763, %gather3A_1758 : vector<16xf32>
        %add3A_1765 = arith.constant 5 : i32
        %add3A_1766 = arith.addi %mul3A_1140, %add3A_1765 : i32
        %swap3A_1767 = arith.index_cast %add3A_1766 : i32 to index
        %swap3A_1768 = arith.constant 96 : index
        %swap3A_1769 = tpu.vector_load %arg16[%swap3A_1767, %swap3A_1768] {strides = array<i32>} : memref<128x128xf32, #tpu.memory_space<vmem>>, vector<16xf32>,
        tpu.vector_store %arg16[%swap3A_1767, %swap3A_1768], %mul3A_1764 {strides = array<i32>} : memref<128x128xf32, #tpu.memory_space<vmem>>, vector<16xf32>,
        %add3A_1770 = arith.constant 5 : i32
        %add3A_1771 = arith.addi %mul3A_1140, %add3A_1770 : i32
        %get3A_1772 = arith.index_cast %add3A_1771 : i32 to index
        %get3A_1773 = arith.constant 112 : index
        %get3A_1774 = tpu.vector_load %arg16[%get3A_1772, %get3A_1773] {strides = array<i32>} : memref<128x128xf32, #tpu.memory_space<vmem>>, vector<16xf32>,
        %mul3A_1775 = arith.mulf %get3A_1774, %gather3A_1758 : vector<16xf32>
        %add3A_1776 = arith.constant 5 : i32
        %add3A_1777 = arith.addi %mul3A_1140, %add3A_1776 : i32
        %swap3A_1778 = arith.index_cast %add3A_1777 : i32 to index
        %swap3A_1779 = arith.constant 112 : index
        %swap3A_1780 = tpu.vector_load %arg16[%swap3A_1778, %swap3A_1779] {strides = array<i32>} : memref<128x128xf32, #tpu.memory_space<vmem>>, vector<16xf32>,
        tpu.vector_store %arg16[%swap3A_1778, %swap3A_1779], %mul3A_1775 {strides = array<i32>} : memref<128x128xf32, #tpu.memory_space<vmem>>, vector<16xf32>,
        %broadcast_in_dim3A_1781 = arith.constant 6 : i32
        %broadcast_in_dim3A_1782 = vector.broadcast %broadcast_in_dim3A_1781 : i32 to vector<16x1xi32>
        %gather3A_1783 = vector.shape_cast %broadcast_in_dim3A_1782 : vector<16x1xi32> to vector<16xi32>
        %gather3A_1784 = tpu.dynamic_gather %get3A_1144[%gather3A_1783] in [0] : vector<16xf32>, vector<16xi32> -> vector<16xf32>
        %add3A_1785 = arith.constant 6 : i32
        %add3A_1786 = arith.addi %mul3A_1140, %add3A_1785 : i32
        %get3A_1787 = arith.index_cast %add3A_1786 : i32 to index
        %get3A_1788 = arith.constant 0 : index
        %get3A_1789 = tpu.vector_load %arg16[%get3A_1787, %get3A_1788] {strides = array<i32>} : memref<128x128xf32, #tpu.memory_space<vmem>>, vector<16xf32>,
        %mul3A_1790 = arith.mulf %get3A_1789, %gather3A_1784 : vector<16xf32>
        %add3A_1791 = arith.constant 6 : i32
        %add3A_1792 = arith.addi %mul3A_1140, %add3A_1791 : i32
        %swap3A_1793 = arith.index_cast %add3A_1792 : i32 to index
        %swap3A_1794 = arith.constant 0 : index
        %swap3A_1795 = tpu.vector_load %arg16[%swap3A_1793, %swap3A_1794] {strides = array<i32>} : memref<128x128xf32, #tpu.memory_space<vmem>>, vector<16xf32>,
        tpu.vector_store %arg16[%swap3A_1793, %swap3A_1794], %mul3A_1790 {strides = array<i32>} : memref<128x128xf32, #tpu.memory_space<vmem>>, vector<16xf32>,
        %add3A_1796 = arith.constant 6 : i32
        %add3A_1797 = arith.addi %mul3A_1140, %add3A_1796 : i32
        %get3A_1798 = arith.index_cast %add3A_1797 : i32 to index
        %get3A_1799 = arith.constant 16 : index
        %get3A_1800 = tpu.vector_load %arg16[%get3A_1798, %get3A_1799] {strides = array<i32>} : memref<128x128xf32, #tpu.memory_space<vmem>>, vector<16xf32>,
        %mul3A_1801 = arith.mulf %get3A_1800, %gather3A_1784 : vector<16xf32>
        %add3A_1802 = arith.constant 6 : i32
        %add3A_1803 = arith.addi %mul3A_1140, %add3A_1802 : i32
        %swap3A_1804 = arith.index_cast %add3A_1803 : i32 to index
        %swap3A_1805 = arith.constant 16 : index
        %swap3A_1806 = tpu.vector_load %arg16[%swap3A_1804, %swap3A_1805] {strides = array<i32>} : memref<128x128xf32, #tpu.memory_space<vmem>>, vector<16xf32>,
        tpu.vector_store %arg16[%swap3A_1804, %swap3A_1805], %mul3A_1801 {strides = array<i32>} : memref<128x128xf32, #tpu.memory_space<vmem>>, vector<16xf32>,
        %broadcast_in_dim3A_1807 = arith.constant 6 : i32
        %broadcast_in_dim3A_1808 = vector.broadcast %broadcast_in_dim3A_1807 : i32 to vector<16x1xi32>
        %gather3A_1809 = vector.shape_cast %broadcast_in_dim3A_1808 : vector<16x1xi32> to vector<16xi32>
        %gather3A_1810 = tpu.dynamic_gather %get3A_1148[%gather3A_1809] in [0] : vector<16xf32>, vector<16xi32> -> vector<16xf32>
        %add3A_1811 = arith.constant 6 : i32
        %add3A_1812 = arith.addi %mul3A_1140, %add3A_1811 : i32
        %get3A_1813 = arith.index_cast %add3A_1812 : i32 to index
        %get3A_1814 = arith.constant 32 : index
        %get3A_1815 = tpu.vector_load %arg16[%get3A_1813, %get3A_1814] {strides = array<i32>} : memref<128x128xf32, #tpu.memory_space<vmem>>, vector<16xf32>,
        %mul3A_1816 = arith.mulf %get3A_1815, %gather3A_1810 : vector<16xf32>
        %add3A_1817 = arith.constant 6 : i32
        %add3A_1818 = arith.addi %mul3A_1140, %add3A_1817 : i32
        %swap3A_1819 = arith.index_cast %add3A_1818 : i32 to index
        %swap3A_1820 = arith.constant 32 : index
        %swap3A_1821 = tpu.vector_load %arg16[%swap3A_1819, %swap3A_1820] {strides = array<i32>} : memref<128x128xf32, #tpu.memory_space<vmem>>, vector<16xf32>,
        tpu.vector_store %arg16[%swap3A_1819, %swap3A_1820], %mul3A_1816 {strides = array<i32>} : memref<128x128xf32, #tpu.memory_space<vmem>>, vector<16xf32>,
        %add3A_1822 = arith.constant 6 : i32
        %add3A_1823 = arith.addi %mul3A_1140, %add3A_1822 : i32
        %get3A_1824 = arith.index_cast %add3A_1823 : i32 to index
        %get3A_1825 = arith.constant 48 : index
        %get3A_1826 = tpu.vector_load %arg16[%get3A_1824, %get3A_1825] {strides = array<i32>} : memref<128x128xf32, #tpu.memory_space<vmem>>, vector<16xf32>,
        %mul3A_1827 = arith.mulf %get3A_1826, %gather3A_1810 : vector<16xf32>
        %add3A_1828 = arith.constant 6 : i32
        %add3A_1829 = arith.addi %mul3A_1140, %add3A_1828 : i32
        %swap3A_1830 = arith.index_cast %add3A_1829 : i32 to index
        %swap3A_1831 = arith.constant 48 : index
        %swap3A_1832 = tpu.vector_load %arg16[%swap3A_1830, %swap3A_1831] {strides = array<i32>} : memref<128x128xf32, #tpu.memory_space<vmem>>, vector<16xf32>,
        tpu.vector_store %arg16[%swap3A_1830, %swap3A_1831], %mul3A_1827 {strides = array<i32>} : memref<128x128xf32, #tpu.memory_space<vmem>>, vector<16xf32>,
        %broadcast_in_dim3A_1833 = arith.constant 6 : i32
        %broadcast_in_dim3A_1834 = vector.broadcast %broadcast_in_dim3A_1833 : i32 to vector<16x1xi32>
        %gather3A_1835 = vector.shape_cast %broadcast_in_dim3A_1834 : vector<16x1xi32> to vector<16xi32>
        %gather3A_1836 = tpu.dynamic_gather %get3A_1152[%gather3A_1835] in [0] : vector<16xf32>, vector<16xi32> -> vector<16xf32>
        %add3A_1837 = arith.constant 6 : i32
        %add3A_1838 = arith.addi %mul3A_1140, %add3A_1837 : i32
        %get3A_1839 = arith.index_cast %add3A_1838 : i32 to index
        %get3A_1840 = arith.constant 64 : index
        %get3A_1841 = tpu.vector_load %arg16[%get3A_1839, %get3A_1840] {strides = array<i32>} : memref<128x128xf32, #tpu.memory_space<vmem>>, vector<16xf32>,
        %mul3A_1842 = arith.mulf %get3A_1841, %gather3A_1836 : vector<16xf32>
        %add3A_1843 = arith.constant 6 : i32
        %add3A_1844 = arith.addi %mul3A_1140, %add3A_1843 : i32
        %swap3A_1845 = arith.index_cast %add3A_1844 : i32 to index
        %swap3A_1846 = arith.constant 64 : index
        %swap3A_1847 = tpu.vector_load %arg16[%swap3A_1845, %swap3A_1846] {strides = array<i32>} : memref<128x128xf32, #tpu.memory_space<vmem>>, vector<16xf32>,
        tpu.vector_store %arg16[%swap3A_1845, %swap3A_1846], %mul3A_1842 {strides = array<i32>} : memref<128x128xf32, #tpu.memory_space<vmem>>, vector<16xf32>,
        %add3A_1848 = arith.constant 6 : i32
        %add3A_1849 = arith.addi %mul3A_1140, %add3A_1848 : i32
        %get3A_1850 = arith.index_cast %add3A_1849 : i32 to index
        %get3A_1851 = arith.constant 80 : index
        %get3A_1852 = tpu.vector_load %arg16[%get3A_1850, %get3A_1851] {strides = array<i32>} : memref<128x128xf32, #tpu.memory_space<vmem>>, vector<16xf32>,
        %mul3A_1853 = arith.mulf %get3A_1852, %gather3A_1836 : vector<16xf32>
        %add3A_1854 = arith.constant 6 : i32
        %add3A_1855 = arith.addi %mul3A_1140, %add3A_1854 : i32
        %swap3A_1856 = arith.index_cast %add3A_1855 : i32 to index
        %swap3A_1857 = arith.constant 80 : index
        %swap3A_1858 = tpu.vector_load %arg16[%swap3A_1856, %swap3A_1857] {strides = array<i32>} : memref<128x128xf32, #tpu.memory_space<vmem>>, vector<16xf32>,
        tpu.vector_store %arg16[%swap3A_1856, %swap3A_1857], %mul3A_1853 {strides = array<i32>} : memref<128x128xf32, #tpu.memory_space<vmem>>, vector<16xf32>,
        %broadcast_in_dim3A_1859 = arith.constant 6 : i32
        %broadcast_in_dim3A_1860 = vector.broadcast %broadcast_in_dim3A_1859 : i32 to vector<16x1xi32>
        %gather3A_1861 = vector.shape_cast %broadcast_in_dim3A_1860 : vector<16x1xi32> to vector<16xi32>
        %gather3A_1862 = tpu.dynamic_gather %get3A_1156[%gather3A_1861] in [0] : vector<16xf32>, vector<16xi32> -> vector<16xf32>
        %add3A_1863 = arith.constant 6 : i32
        %add3A_1864 = arith.addi %mul3A_1140, %add3A_1863 : i32
        %get3A_1865 = arith.index_cast %add3A_1864 : i32 to index
        %get3A_1866 = arith.constant 96 : index
        %get3A_1867 = tpu.vector_load %arg16[%get3A_1865, %get3A_1866] {strides = array<i32>} : memref<128x128xf32, #tpu.memory_space<vmem>>, vector<16xf32>,
        %mul3A_1868 = arith.mulf %get3A_1867, %gather3A_1862 : vector<16xf32>
        %add3A_1869 = arith.constant 6 : i32
        %add3A_1870 = arith.addi %mul3A_1140, %add3A_1869 : i32
        %swap3A_1871 = arith.index_cast %add3A_1870 : i32 to index
        %swap3A_1872 = arith.constant 96 : index
        %swap3A_1873 = tpu.vector_load %arg16[%swap3A_1871, %swap3A_1872] {strides = array<i32>} : memref<128x128xf32, #tpu.memory_space<vmem>>, vector<16xf32>,
        tpu.vector_store %arg16[%swap3A_1871, %swap3A_1872], %mul3A_1868 {strides = array<i32>} : memref<128x128xf32, #tpu.memory_space<vmem>>, vector<16xf32>,
        %add3A_1874 = arith.constant 6 : i32
        %add3A_1875 = arith.addi %mul3A_1140, %add3A_1874 : i32
        %get3A_1876 = arith.index_cast %add3A_1875 : i32 to index
        %get3A_1877 = arith.constant 112 : index
        %get3A_1878 = tpu.vector_load %arg16[%get3A_1876, %get3A_1877] {strides = array<i32>} : memref<128x128xf32, #tpu.memory_space<vmem>>, vector<16xf32>,
        %mul3A_1879 = arith.mulf %get3A_1878, %gather3A_1862 : vector<16xf32>
        %add3A_1880 = arith.constant 6 : i32
        %add3A_1881 = arith.addi %mul3A_1140, %add3A_1880 : i32
        %swap3A_1882 = arith.index_cast %add3A_1881 : i32 to index
        %swap3A_1883 = arith.constant 112 : index
        %swap3A_1884 = tpu.vector_load %arg16[%swap3A_1882, %swap3A_1883] {strides = array<i32>} : memref<128x128xf32, #tpu.memory_space<vmem>>, vector<16xf32>,
        tpu.vector_store %arg16[%swap3A_1882, %swap3A_1883], %mul3A_1879 {strides = array<i32>} : memref<128x128xf32, #tpu.memory_space<vmem>>, vector<16xf32>,
        %broadcast_in_dim3A_1885 = arith.constant 7 : i32
        %broadcast_in_dim3A_1886 = vector.broadcast %broadcast_in_dim3A_1885 : i32 to vector<16x1xi32>
        %gather3A_1887 = vector.shape_cast %broadcast_in_dim3A_1886 : vector<16x1xi32> to vector<16xi32>
        %gather3A_1888 = tpu.dynamic_gather %get3A_1144[%gather3A_1887] in [0] : vector<16xf32>, vector<16xi32> -> vector<16xf32>
        %add3A_1889 = arith.constant 7 : i32
        %add3A_1890 = arith.addi %mul3A_1140, %add3A_1889 : i32
        %get3A_1891 = arith.index_cast %add3A_1890 : i32 to index
        %get3A_1892 = arith.constant 0 : index
        %get3A_1893 = tpu.vector_load %arg16[%get3A_1891, %get3A_1892] {strides = array<i32>} : memref<128x128xf32, #tpu.memory_space<vmem>>, vector<16xf32>,
        %mul3A_1894 = arith.mulf %get3A_1893, %gather3A_1888 : vector<16xf32>
        %add3A_1895 = arith.constant 7 : i32
        %add3A_1896 = arith.addi %mul3A_1140, %add3A_1895 : i32
        %swap3A_1897 = arith.index_cast %add3A_1896 : i32 to index
        %swap3A_1898 = arith.constant 0 : index
        %swap3A_1899 = tpu.vector_load %arg16[%swap3A_1897, %swap3A_1898] {strides = array<i32>} : memref<128x128xf32, #tpu.memory_space<vmem>>, vector<16xf32>,
        tpu.vector_store %arg16[%swap3A_1897, %swap3A_1898], %mul3A_1894 {strides = array<i32>} : memref<128x128xf32, #tpu.memory_space<vmem>>, vector<16xf32>,
        %add3A_1900 = arith.constant 7 : i32
        %add3A_1901 = arith.addi %mul3A_1140, %add3A_1900 : i32
        %get3A_1902 = arith.index_cast %add3A_1901 : i32 to index
        %get3A_1903 = arith.constant 16 : index
        %get3A_1904 = tpu.vector_load %arg16[%get3A_1902, %get3A_1903] {strides = array<i32>} : memref<128x128xf32, #tpu.memory_space<vmem>>, vector<16xf32>,
        %mul3A_1905 = arith.mulf %get3A_1904, %gather3A_1888 : vector<16xf32>
        %add3A_1906 = arith.constant 7 : i32
        %add3A_1907 = arith.addi %mul3A_1140, %add3A_1906 : i32
        %swap3A_1908 = arith.index_cast %add3A_1907 : i32 to index
        %swap3A_1909 = arith.constant 16 : index
        %swap3A_1910 = tpu.vector_load %arg16[%swap3A_1908, %swap3A_1909] {strides = array<i32>} : memref<128x128xf32, #tpu.memory_space<vmem>>, vector<16xf32>,
        tpu.vector_store %arg16[%swap3A_1908, %swap3A_1909], %mul3A_1905 {strides = array<i32>} : memref<128x128xf32, #tpu.memory_space<vmem>>, vector<16xf32>,
        %broadcast_in_dim3A_1911 = arith.constant 7 : i32
        %broadcast_in_dim3A_1912 = vector.broadcast %broadcast_in_dim3A_1911 : i32 to vector<16x1xi32>
        %gather3A_1913 = vector.shape_cast %broadcast_in_dim3A_1912 : vector<16x1xi32> to vector<16xi32>
        %gather3A_1914 = tpu.dynamic_gather %get3A_1148[%gather3A_1913] in [0] : vector<16xf32>, vector<16xi32> -> vector<16xf32>
        %add3A_1915 = arith.constant 7 : i32
        %add3A_1916 = arith.addi %mul3A_1140, %add3A_1915 : i32
        %get3A_1917 = arith.index_cast %add3A_1916 : i32 to index
        %get3A_1918 = arith.constant 32 : index
        %get3A_1919 = tpu.vector_load %arg16[%get3A_1917, %get3A_1918] {strides = array<i32>} : memref<128x128xf32, #tpu.memory_space<vmem>>, vector<16xf32>,
        %mul3A_1920 = arith.mulf %get3A_1919, %gather3A_1914 : vector<16xf32>
        %add3A_1921 = arith.constant 7 : i32
        %add3A_1922 = arith.addi %mul3A_1140, %add3A_1921 : i32
        %swap3A_1923 = arith.index_cast %add3A_1922 : i32 to index
        %swap3A_1924 = arith.constant 32 : index
        %swap3A_1925 = tpu.vector_load %arg16[%swap3A_1923, %swap3A_1924] {strides = array<i32>} : memref<128x128xf32, #tpu.memory_space<vmem>>, vector<16xf32>,
        tpu.vector_store %arg16[%swap3A_1923, %swap3A_1924], %mul3A_1920 {strides = array<i32>} : memref<128x128xf32, #tpu.memory_space<vmem>>, vector<16xf32>,
        %add3A_1926 = arith.constant 7 : i32
        %add3A_1927 = arith.addi %mul3A_1140, %add3A_1926 : i32
        %get3A_1928 = arith.index_cast %add3A_1927 : i32 to index
        %get3A_1929 = arith.constant 48 : index
        %get3A_1930 = tpu.vector_load %arg16[%get3A_1928, %get3A_1929] {strides = array<i32>} : memref<128x128xf32, #tpu.memory_space<vmem>>, vector<16xf32>,
        %mul3A_1931 = arith.mulf %get3A_1930, %gather3A_1914 : vector<16xf32>
        %add3A_1932 = arith.constant 7 : i32
        %add3A_1933 = arith.addi %mul3A_1140, %add3A_1932 : i32
        %swap3A_1934 = arith.index_cast %add3A_1933 : i32 to index
        %swap3A_1935 = arith.constant 48 : index
        %swap3A_1936 = tpu.vector_load %arg16[%swap3A_1934, %swap3A_1935] {strides = array<i32>} : memref<128x128xf32, #tpu.memory_space<vmem>>, vector<16xf32>,
        tpu.vector_store %arg16[%swap3A_1934, %swap3A_1935], %mul3A_1931 {strides = array<i32>} : memref<128x128xf32, #tpu.memory_space<vmem>>, vector<16xf32>,
        %broadcast_in_dim3A_1937 = arith.constant 7 : i32
        %broadcast_in_dim3A_1938 = vector.broadcast %broadcast_in_dim3A_1937 : i32 to vector<16x1xi32>
        %gather3A_1939 = vector.shape_cast %broadcast_in_dim3A_1938 : vector<16x1xi32> to vector<16xi32>
        %gather3A_1940 = tpu.dynamic_gather %get3A_1152[%gather3A_1939] in [0] : vector<16xf32>, vector<16xi32> -> vector<16xf32>
        %add3A_1941 = arith.constant 7 : i32
        %add3A_1942 = arith.addi %mul3A_1140, %add3A_1941 : i32
        %get3A_1943 = arith.index_cast %add3A_1942 : i32 to index
        %get3A_1944 = arith.constant 64 : index
        %get3A_1945 = tpu.vector_load %arg16[%get3A_1943, %get3A_1944] {strides = array<i32>} : memref<128x128xf32, #tpu.memory_space<vmem>>, vector<16xf32>,
        %mul3A_1946 = arith.mulf %get3A_1945, %gather3A_1940 : vector<16xf32>
        %add3A_1947 = arith.constant 7 : i32
        %add3A_1948 = arith.addi %mul3A_1140, %add3A_1947 : i32
        %swap3A_1949 = arith.index_cast %add3A_1948 : i32 to index
        %swap3A_1950 = arith.constant 64 : index
        %swap3A_1951 = tpu.vector_load %arg16[%swap3A_1949, %swap3A_1950] {strides = array<i32>} : memref<128x128xf32, #tpu.memory_space<vmem>>, vector<16xf32>,
        tpu.vector_store %arg16[%swap3A_1949, %swap3A_1950], %mul3A_1946 {strides = array<i32>} : memref<128x128xf32, #tpu.memory_space<vmem>>, vector<16xf32>,
        %add3A_1952 = arith.constant 7 : i32
        %add3A_1953 = arith.addi %mul3A_1140, %add3A_1952 : i32
        %get3A_1954 = arith.index_cast %add3A_1953 : i32 to index
        %get3A_1955 = arith.constant 80 : index
        %get3A_1956 = tpu.vector_load %arg16[%get3A_1954, %get3A_1955] {strides = array<i32>} : memref<128x128xf32, #tpu.memory_space<vmem>>, vector<16xf32>,
        %mul3A_1957 = arith.mulf %get3A_1956, %gather3A_1940 : vector<16xf32>
        %add3A_1958 = arith.constant 7 : i32
        %add3A_1959 = arith.addi %mul3A_1140, %add3A_1958 : i32
        %swap3A_1960 = arith.index_cast %add3A_1959 : i32 to index
        %swap3A_1961 = arith.constant 80 : index
        %swap3A_1962 = tpu.vector_load %arg16[%swap3A_1960, %swap3A_1961] {strides = array<i32>} : memref<128x128xf32, #tpu.memory_space<vmem>>, vector<16xf32>,
        tpu.vector_store %arg16[%swap3A_1960, %swap3A_1961], %mul3A_1957 {strides = array<i32>} : memref<128x128xf32, #tpu.memory_space<vmem>>, vector<16xf32>,
        %broadcast_in_dim3A_1963 = arith.constant 7 : i32
        %broadcast_in_dim3A_1964 = vector.broadcast %broadcast_in_dim3A_1963 : i32 to vector<16x1xi32>
        %gather3A_1965 = vector.shape_cast %broadcast_in_dim3A_1964 : vector<16x1xi32> to vector<16xi32>
        %gather3A_1966 = tpu.dynamic_gather %get3A_1156[%gather3A_1965] in [0] : vector<16xf32>, vector<16xi32> -> vector<16xf32>
        %add3A_1967 = arith.constant 7 : i32
        %add3A_1968 = arith.addi %mul3A_1140, %add3A_1967 : i32
        %get3A_1969 = arith.index_cast %add3A_1968 : i32 to index
        %get3A_1970 = arith.constant 96 : index
        %get3A_1971 = tpu.vector_load %arg16[%get3A_1969, %get3A_1970] {strides = array<i32>} : memref<128x128xf32, #tpu.memory_space<vmem>>, vector<16xf32>,
        %mul3A_1972 = arith.mulf %get3A_1971, %gather3A_1966 : vector<16xf32>
        %add3A_1973 = arith.constant 7 : i32
        %add3A_1974 = arith.addi %mul3A_1140, %add3A_1973 : i32
        %swap3A_1975 = arith.index_cast %add3A_1974 : i32 to index
        %swap3A_1976 = arith.constant 96 : index
        %swap3A_1977 = tpu.vector_load %arg16[%swap3A_1975, %swap3A_1976] {strides = array<i32>} : memref<128x128xf32, #tpu.memory_space<vmem>>, vector<16xf32>,
        tpu.vector_store %arg16[%swap3A_1975, %swap3A_1976], %mul3A_1972 {strides = array<i32>} : memref<128x128xf32, #tpu.memory_space<vmem>>, vector<16xf32>,
        %add3A_1978 = arith.constant 7 : i32
        %add3A_1979 = arith.addi %mul3A_1140, %add3A_1978 : i32
        %get3A_1980 = arith.index_cast %add3A_1979 : i32 to index
        %get3A_1981 = arith.constant 112 : index
        %get3A_1982 = tpu.vector_load %arg16[%get3A_1980, %get3A_1981] {strides = array<i32>} : memref<128x128xf32, #tpu.memory_space<vmem>>, vector<16xf32>,
        %mul3A_1983 = arith.mulf %get3A_1982, %gather3A_1966 : vector<16xf32>
        %add3A_1984 = arith.constant 7 : i32
        %add3A_1985 = arith.addi %mul3A_1140, %add3A_1984 : i32
        %swap3A_1986 = arith.index_cast %add3A_1985 : i32 to index
        %swap3A_1987 = arith.constant 112 : index
        %swap3A_1988 = tpu.vector_load %arg16[%swap3A_1986, %swap3A_1987] {strides = array<i32>} : memref<128x128xf32, #tpu.memory_space<vmem>>, vector<16xf32>,
        tpu.vector_store %arg16[%swap3A_1986, %swap3A_1987], %mul3A_1983 {strides = array<i32>} : memref<128x128xf32, #tpu.memory_space<vmem>>, vector<16xf32>,
        %broadcast_in_dim3A_1989 = arith.constant 8 : i32
        %broadcast_in_dim3A_1990 = vector.broadcast %broadcast_in_dim3A_1989 : i32 to vector<16x1xi32>
        %gather3A_1991 = vector.shape_cast %broadcast_in_dim3A_1990 : vector<16x1xi32> to vector<16xi32>
        %gather3A_1992 = tpu.dynamic_gather %get3A_1144[%gather3A_1991] in [0] : vector<16xf32>, vector<16xi32> -> vector<16xf32>
        %add3A_1993 = arith.constant 8 : i32
        %add3A_1994 = arith.addi %mul3A_1140, %add3A_1993 : i32
        %get3A_1995 = arith.index_cast %add3A_1994 : i32 to index
        %get3A_1996 = arith.constant 0 : index
        %get3A_1997 = tpu.vector_load %arg16[%get3A_1995, %get3A_1996] {strides = array<i32>} : memref<128x128xf32, #tpu.memory_space<vmem>>, vector<16xf32>,
        %mul3A_1998 = arith.mulf %get3A_1997, %gather3A_1992 : vector<16xf32>
        %add3A_1999 = arith.constant 8 : i32
        %add3A_2000 = arith.addi %mul3A_1140, %add3A_1999 : i32
        %swap3A_2001 = arith.index_cast %add3A_2000 : i32 to index
        %swap3A_2002 = arith.constant 0 : index
        %swap3A_2003 = tpu.vector_load %arg16[%swap3A_2001, %swap3A_2002] {strides = array<i32>} : memref<128x128xf32, #tpu.memory_space<vmem>>, vector<16xf32>,
        tpu.vector_store %arg16[%swap3A_2001, %swap3A_2002], %mul3A_1998 {strides = array<i32>} : memref<128x128xf32, #tpu.memory_space<vmem>>, vector<16xf32>,
        %add3A_2004 = arith.constant 8 : i32
        %add3A_2005 = arith.addi %mul3A_1140, %add3A_2004 : i32
        %get3A_2006 = arith.index_cast %add3A_2005 : i32 to index
        %get3A_2007 = arith.constant 16 : index
        %get3A_2008 = tpu.vector_load %arg16[%get3A_2006, %get3A_2007] {strides = array<i32>} : memref<128x128xf32, #tpu.memory_space<vmem>>, vector<16xf32>,
        %mul3A_2009 = arith.mulf %get3A_2008, %gather3A_1992 : vector<16xf32>
        %add3A_2010 = arith.constant 8 : i32
        %add3A_2011 = arith.addi %mul3A_1140, %add3A_2010 : i32
        %swap3A_2012 = arith.index_cast %add3A_2011 : i32 to index
        %swap3A_2013 = arith.constant 16 : index
        %swap3A_2014 = tpu.vector_load %arg16[%swap3A_2012, %swap3A_2013] {strides = array<i32>} : memref<128x128xf32, #tpu.memory_space<vmem>>, vector<16xf32>,
        tpu.vector_store %arg16[%swap3A_2012, %swap3A_2013], %mul3A_2009 {strides = array<i32>} : memref<128x128xf32, #tpu.memory_space<vmem>>, vector<16xf32>,
        %broadcast_in_dim3A_2015 = arith.constant 8 : i32
        %broadcast_in_dim3A_2016 = vector.broadcast %broadcast_in_dim3A_2015 : i32 to vector<16x1xi32>
        %gather3A_2017 = vector.shape_cast %broadcast_in_dim3A_2016 : vector<16x1xi32> to vector<16xi32>
        %gather3A_2018 = tpu.dynamic_gather %get3A_1148[%gather3A_2017] in [0] : vector<16xf32>, vector<16xi32> -> vector<16xf32>
        %add3A_2019 = arith.constant 8 : i32
        %add3A_2020 = arith.addi %mul3A_1140, %add3A_2019 : i32
        %get3A_2021 = arith.index_cast %add3A_2020 : i32 to index
        %get3A_2022 = arith.constant 32 : index
        %get3A_2023 = tpu.vector_load %arg16[%get3A_2021, %get3A_2022] {strides = array<i32>} : memref<128x128xf32, #tpu.memory_space<vmem>>, vector<16xf32>,
        %mul3A_2024 = arith.mulf %get3A_2023, %gather3A_2018 : vector<16xf32>
        %add3A_2025 = arith.constant 8 : i32
        %add3A_2026 = arith.addi %mul3A_1140, %add3A_2025 : i32
        %swap3A_2027 = arith.index_cast %add3A_2026 : i32 to index
        %swap3A_2028 = arith.constant 32 : index
        %swap3A_2029 = tpu.vector_load %arg16[%swap3A_2027, %swap3A_2028] {strides = array<i32>} : memref<128x128xf32, #tpu.memory_space<vmem>>, vector<16xf32>,
        tpu.vector_store %arg16[%swap3A_2027, %swap3A_2028], %mul3A_2024 {strides = array<i32>} : memref<128x128xf32, #tpu.memory_space<vmem>>, vector<16xf32>,
        %add3A_2030 = arith.constant 8 : i32
        %add3A_2031 = arith.addi %mul3A_1140, %add3A_2030 : i32
        %get3A_2032 = arith.index_cast %add3A_2031 : i32 to index
        %get3A_2033 = arith.constant 48 : index
        %get3A_2034 = tpu.vector_load %arg16[%get3A_2032, %get3A_2033] {strides = array<i32>} : memref<128x128xf32, #tpu.memory_space<vmem>>, vector<16xf32>,
        %mul3A_2035 = arith.mulf %get3A_2034, %gather3A_2018 : vector<16xf32>
        %add3A_2036 = arith.constant 8 : i32
        %add3A_2037 = arith.addi %mul3A_1140, %add3A_2036 : i32
        %swap3A_2038 = arith.index_cast %add3A_2037 : i32 to index
        %swap3A_2039 = arith.constant 48 : index
        %swap3A_2040 = tpu.vector_load %arg16[%swap3A_2038, %swap3A_2039] {strides = array<i32>} : memref<128x128xf32, #tpu.memory_space<vmem>>, vector<16xf32>,
        tpu.vector_store %arg16[%swap3A_2038, %swap3A_2039], %mul3A_2035 {strides = array<i32>} : memref<128x128xf32, #tpu.memory_space<vmem>>, vector<16xf32>,
        %broadcast_in_dim3A_2041 = arith.constant 8 : i32
        %broadcast_in_dim3A_2042 = vector.broadcast %broadcast_in_dim3A_2041 : i32 to vector<16x1xi32>
        %gather3A_2043 = vector.shape_cast %broadcast_in_dim3A_2042 : vector<16x1xi32> to vector<16xi32>
        %gather3A_2044 = tpu.dynamic_gather %get3A_1152[%gather3A_2043] in [0] : vector<16xf32>, vector<16xi32> -> vector<16xf32>
        %add3A_2045 = arith.constant 8 : i32
        %add3A_2046 = arith.addi %mul3A_1140, %add3A_2045 : i32
        %get3A_2047 = arith.index_cast %add3A_2046 : i32 to index
        %get3A_2048 = arith.constant 64 : index
        %get3A_2049 = tpu.vector_load %arg16[%get3A_2047, %get3A_2048] {strides = array<i32>} : memref<128x128xf32, #tpu.memory_space<vmem>>, vector<16xf32>,
        %mul3A_2050 = arith.mulf %get3A_2049, %gather3A_2044 : vector<16xf32>
        %add3A_2051 = arith.constant 8 : i32
        %add3A_2052 = arith.addi %mul3A_1140, %add3A_2051 : i32
        %swap3A_2053 = arith.index_cast %add3A_2052 : i32 to index
        %swap3A_2054 = arith.constant 64 : index
        %swap3A_2055 = tpu.vector_load %arg16[%swap3A_2053, %swap3A_2054] {strides = array<i32>} : memref<128x128xf32, #tpu.memory_space<vmem>>, vector<16xf32>,
        tpu.vector_store %arg16[%swap3A_2053, %swap3A_2054], %mul3A_2050 {strides = array<i32>} : memref<128x128xf32, #tpu.memory_space<vmem>>, vector<16xf32>,
        %add3A_2056 = arith.constant 8 : i32
        %add3A_2057 = arith.addi %mul3A_1140, %add3A_2056 : i32
        %get3A_2058 = arith.index_cast %add3A_2057 : i32 to index
        %get3A_2059 = arith.constant 80 : index
        %get3A_2060 = tpu.vector_load %arg16[%get3A_2058, %get3A_2059] {strides = array<i32>} : memref<128x128xf32, #tpu.memory_space<vmem>>, vector<16xf32>,
        %mul3A_2061 = arith.mulf %get3A_2060, %gather3A_2044 : vector<16xf32>
        %add3A_2062 = arith.constant 8 : i32
        %add3A_2063 = arith.addi %mul3A_1140, %add3A_2062 : i32
        %swap3A_2064 = arith.index_cast %add3A_2063 : i32 to index
        %swap3A_2065 = arith.constant 80 : index
        %swap3A_2066 = tpu.vector_load %arg16[%swap3A_2064, %swap3A_2065] {strides = array<i32>} : memref<128x128xf32, #tpu.memory_space<vmem>>, vector<16xf32>,
        tpu.vector_store %arg16[%swap3A_2064, %swap3A_2065], %mul3A_2061 {strides = array<i32>} : memref<128x128xf32, #tpu.memory_space<vmem>>, vector<16xf32>,
        %broadcast_in_dim3A_2067 = arith.constant 8 : i32
        %broadcast_in_dim3A_2068 = vector.broadcast %broadcast_in_dim3A_2067 : i32 to vector<16x1xi32>
        %gather3A_2069 = vector.shape_cast %broadcast_in_dim3A_2068 : vector<16x1xi32> to vector<16xi32>
        %gather3A_2070 = tpu.dynamic_gather %get3A_1156[%gather3A_2069] in [0] : vector<16xf32>, vector<16xi32> -> vector<16xf32>
        %add3A_2071 = arith.constant 8 : i32
        %add3A_2072 = arith.addi %mul3A_1140, %add3A_2071 : i32
        %get3A_2073 = arith.index_cast %add3A_2072 : i32 to index
        %get3A_2074 = arith.constant 96 : index
        %get3A_2075 = tpu.vector_load %arg16[%get3A_2073, %get3A_2074] {strides = array<i32>} : memref<128x128xf32, #tpu.memory_space<vmem>>, vector<16xf32>,
        %mul3A_2076 = arith.mulf %get3A_2075, %gather3A_2070 : vector<16xf32>
        %add3A_2077 = arith.constant 8 : i32
        %add3A_2078 = arith.addi %mul3A_1140, %add3A_2077 : i32
        %swap3A_2079 = arith.index_cast %add3A_2078 : i32 to index
        %swap3A_2080 = arith.constant 96 : index
        %swap3A_2081 = tpu.vector_load %arg16[%swap3A_2079, %swap3A_2080] {strides = array<i32>} : memref<128x128xf32, #tpu.memory_space<vmem>>, vector<16xf32>,
        tpu.vector_store %arg16[%swap3A_2079, %swap3A_2080], %mul3A_2076 {strides = array<i32>} : memref<128x128xf32, #tpu.memory_space<vmem>>, vector<16xf32>,
        %add3A_2082 = arith.constant 8 : i32
        %add3A_2083 = arith.addi %mul3A_1140, %add3A_2082 : i32
        %get3A_2084 = arith.index_cast %add3A_2083 : i32 to index
        %get3A_2085 = arith.constant 112 : index
        %get3A_2086 = tpu.vector_load %arg16[%get3A_2084, %get3A_2085] {strides = array<i32>} : memref<128x128xf32, #tpu.memory_space<vmem>>, vector<16xf32>,
        %mul3A_2087 = arith.mulf %get3A_2086, %gather3A_2070 : vector<16xf32>
        %add3A_2088 = arith.constant 8 : i32
        %add3A_2089 = arith.addi %mul3A_1140, %add3A_2088 : i32
        %swap3A_2090 = arith.index_cast %add3A_2089 : i32 to index
        %swap3A_2091 = arith.constant 112 : index
        %swap3A_2092 = tpu.vector_load %arg16[%swap3A_2090, %swap3A_2091] {strides = array<i32>} : memref<128x128xf32, #tpu.memory_space<vmem>>, vector<16xf32>,
        tpu.vector_store %arg16[%swap3A_2090, %swap3A_2091], %mul3A_2087 {strides = array<i32>} : memref<128x128xf32, #tpu.memory_space<vmem>>, vector<16xf32>,
        %broadcast_in_dim3A_2093 = arith.constant 9 : i32
        %broadcast_in_dim3A_2094 = vector.broadcast %broadcast_in_dim3A_2093 : i32 to vector<16x1xi32>
        %gather3A_2095 = vector.shape_cast %broadcast_in_dim3A_2094 : vector<16x1xi32> to vector<16xi32>
        %gather3A_2096 = tpu.dynamic_gather %get3A_1144[%gather3A_2095] in [0] : vector<16xf32>, vector<16xi32> -> vector<16xf32>
        %add3A_2097 = arith.constant 9 : i32
        %add3A_2098 = arith.addi %mul3A_1140, %add3A_2097 : i32
        %get3A_2099 = arith.index_cast %add3A_2098 : i32 to index
        %get3A_2100 = arith.constant 0 : index
        %get3A_2101 = tpu.vector_load %arg16[%get3A_2099, %get3A_2100] {strides = array<i32>} : memref<128x128xf32, #tpu.memory_space<vmem>>, vector<16xf32>,
        %mul3A_2102 = arith.mulf %get3A_2101, %gather3A_2096 : vector<16xf32>
        %add3A_2103 = arith.constant 9 : i32
        %add3A_2104 = arith.addi %mul3A_1140, %add3A_2103 : i32
        %swap3A_2105 = arith.index_cast %add3A_2104 : i32 to index
        %swap3A_2106 = arith.constant 0 : index
        %swap3A_2107 = tpu.vector_load %arg16[%swap3A_2105, %swap3A_2106] {strides = array<i32>} : memref<128x128xf32, #tpu.memory_space<vmem>>, vector<16xf32>,
        tpu.vector_store %arg16[%swap3A_2105, %swap3A_2106], %mul3A_2102 {strides = array<i32>} : memref<128x128xf32, #tpu.memory_space<vmem>>, vector<16xf32>,
        %add3A_2108 = arith.constant 9 : i32
        %add3A_2109 = arith.addi %mul3A_1140, %add3A_2108 : i32
        %get3A_2110 = arith.index_cast %add3A_2109 : i32 to index
        %get3A_2111 = arith.constant 16 : index
        %get3A_2112 = tpu.vector_load %arg16[%get3A_2110, %get3A_2111] {strides = array<i32>} : memref<128x128xf32, #tpu.memory_space<vmem>>, vector<16xf32>,
        %mul3A_2113 = arith.mulf %get3A_2112, %gather3A_2096 : vector<16xf32>
        %add3A_2114 = arith.constant 9 : i32
        %add3A_2115 = arith.addi %mul3A_1140, %add3A_2114 : i32
        %swap3A_2116 = arith.index_cast %add3A_2115 : i32 to index
        %swap3A_2117 = arith.constant 16 : index
        %swap3A_2118 = tpu.vector_load %arg16[%swap3A_2116, %swap3A_2117] {strides = array<i32>} : memref<128x128xf32, #tpu.memory_space<vmem>>, vector<16xf32>,
        tpu.vector_store %arg16[%swap3A_2116, %swap3A_2117], %mul3A_2113 {strides = array<i32>} : memref<128x128xf32, #tpu.memory_space<vmem>>, vector<16xf32>,
        %broadcast_in_dim3A_2119 = arith.constant 9 : i32
        %broadcast_in_dim3A_2120 = vector.broadcast %broadcast_in_dim3A_2119 : i32 to vector<16x1xi32>
        %gather3A_2121 = vector.shape_cast %broadcast_in_dim3A_2120 : vector<16x1xi32> to vector<16xi32>
        %gather3A_2122 = tpu.dynamic_gather %get3A_1148[%gather3A_2121] in [0] : vector<16xf32>, vector<16xi32> -> vector<16xf32>
        %add3A_2123 = arith.constant 9 : i32
        %add3A_2124 = arith.addi %mul3A_1140, %add3A_2123 : i32
        %get3A_2125 = arith.index_cast %add3A_2124 : i32 to index
        %get3A_2126 = arith.constant 32 : index
        %get3A_2127 = tpu.vector_load %arg16[%get3A_2125, %get3A_2126] {strides = array<i32>} : memref<128x128xf32, #tpu.memory_space<vmem>>, vector<16xf32>,
        %mul3A_2128 = arith.mulf %get3A_2127, %gather3A_2122 : vector<16xf32>
        %add3A_2129 = arith.constant 9 : i32
        %add3A_2130 = arith.addi %mul3A_1140, %add3A_2129 : i32
        %swap3A_2131 = arith.index_cast %add3A_2130 : i32 to index
        %swap3A_2132 = arith.constant 32 : index
        %swap3A_2133 = tpu.vector_load %arg16[%swap3A_2131, %swap3A_2132] {strides = array<i32>} : memref<128x128xf32, #tpu.memory_space<vmem>>, vector<16xf32>,
        tpu.vector_store %arg16[%swap3A_2131, %swap3A_2132], %mul3A_2128 {strides = array<i32>} : memref<128x128xf32, #tpu.memory_space<vmem>>, vector<16xf32>,
        %add3A_2134 = arith.constant 9 : i32
        %add3A_2135 = arith.addi %mul3A_1140, %add3A_2134 : i32
        %get3A_2136 = arith.index_cast %add3A_2135 : i32 to index
        %get3A_2137 = arith.constant 48 : index
        %get3A_2138 = tpu.vector_load %arg16[%get3A_2136, %get3A_2137] {strides = array<i32>} : memref<128x128xf32, #tpu.memory_space<vmem>>, vector<16xf32>,
        %mul3A_2139 = arith.mulf %get3A_2138, %gather3A_2122 : vector<16xf32>
        %add3A_2140 = arith.constant 9 : i32
        %add3A_2141 = arith.addi %mul3A_1140, %add3A_2140 : i32
        %swap3A_2142 = arith.index_cast %add3A_2141 : i32 to index
        %swap3A_2143 = arith.constant 48 : index
        %swap3A_2144 = tpu.vector_load %arg16[%swap3A_2142, %swap3A_2143] {strides = array<i32>} : memref<128x128xf32, #tpu.memory_space<vmem>>, vector<16xf32>,
        tpu.vector_store %arg16[%swap3A_2142, %swap3A_2143], %mul3A_2139 {strides = array<i32>} : memref<128x128xf32, #tpu.memory_space<vmem>>, vector<16xf32>,
        %broadcast_in_dim3A_2145 = arith.constant 9 : i32
        %broadcast_in_dim3A_2146 = vector.broadcast %broadcast_in_dim3A_2145 : i32 to vector<16x1xi32>
        %gather3A_2147 = vector.shape_cast %broadcast_in_dim3A_2146 : vector<16x1xi32> to vector<16xi32>
        %gather3A_2148 = tpu.dynamic_gather %get3A_1152[%gather3A_2147] in [0] : vector<16xf32>, vector<16xi32> -> vector<16xf32>
        %add3A_2149 = arith.constant 9 : i32
        %add3A_2150 = arith.addi %mul3A_1140, %add3A_2149 : i32
        %get3A_2151 = arith.index_cast %add3A_2150 : i32 to index
        %get3A_2152 = arith.constant 64 : index
        %get3A_2153 = tpu.vector_load %arg16[%get3A_2151, %get3A_2152] {strides = array<i32>} : memref<128x128xf32, #tpu.memory_space<vmem>>, vector<16xf32>,
        %mul3A_2154 = arith.mulf %get3A_2153, %gather3A_2148 : vector<16xf32>
        %add3A_2155 = arith.constant 9 : i32
        %add3A_2156 = arith.addi %mul3A_1140, %add3A_2155 : i32
        %swap3A_2157 = arith.index_cast %add3A_2156 : i32 to index
        %swap3A_2158 = arith.constant 64 : index
        %swap3A_2159 = tpu.vector_load %arg16[%swap3A_2157, %swap3A_2158] {strides = array<i32>} : memref<128x128xf32, #tpu.memory_space<vmem>>, vector<16xf32>,
        tpu.vector_store %arg16[%swap3A_2157, %swap3A_2158], %mul3A_2154 {strides = array<i32>} : memref<128x128xf32, #tpu.memory_space<vmem>>, vector<16xf32>,
        %add3A_2160 = arith.constant 9 : i32
        %add3A_2161 = arith.addi %mul3A_1140, %add3A_2160 : i32
        %get3A_2162 = arith.index_cast %add3A_2161 : i32 to index
        %get3A_2163 = arith.constant 80 : index
        %get3A_2164 = tpu.vector_load %arg16[%get3A_2162, %get3A_2163] {strides = array<i32>} : memref<128x128xf32, #tpu.memory_space<vmem>>, vector<16xf32>,
        %mul3A_2165 = arith.mulf %get3A_2164, %gather3A_2148 : vector<16xf32>
        %add3A_2166 = arith.constant 9 : i32
        %add3A_2167 = arith.addi %mul3A_1140, %add3A_2166 : i32
        %swap3A_2168 = arith.index_cast %add3A_2167 : i32 to index
        %swap3A_2169 = arith.constant 80 : index
        %swap3A_2170 = tpu.vector_load %arg16[%swap3A_2168, %swap3A_2169] {strides = array<i32>} : memref<128x128xf32, #tpu.memory_space<vmem>>, vector<16xf32>,
        tpu.vector_store %arg16[%swap3A_2168, %swap3A_2169], %mul3A_2165 {strides = array<i32>} : memref<128x128xf32, #tpu.memory_space<vmem>>, vector<16xf32>,
        %broadcast_in_dim3A_2171 = arith.constant 9 : i32
        %broadcast_in_dim3A_2172 = vector.broadcast %broadcast_in_dim3A_2171 : i32 to vector<16x1xi32>
        %gather3A_2173 = vector.shape_cast %broadcast_in_dim3A_2172 : vector<16x1xi32> to vector<16xi32>
        %gather3A_2174 = tpu.dynamic_gather %get3A_1156[%gather3A_2173] in [0] : vector<16xf32>, vector<16xi32> -> vector<16xf32>
        %add3A_2175 = arith.constant 9 : i32
        %add3A_2176 = arith.addi %mul3A_1140, %add3A_2175 : i32
        %get3A_2177 = arith.index_cast %add3A_2176 : i32 to index
        %get3A_2178 = arith.constant 96 : index
        %get3A_2179 = tpu.vector_load %arg16[%get3A_2177, %get3A_2178] {strides = array<i32>} : memref<128x128xf32, #tpu.memory_space<vmem>>, vector<16xf32>,
        %mul3A_2180 = arith.mulf %get3A_2179, %gather3A_2174 : vector<16xf32>
        %add3A_2181 = arith.constant 9 : i32
        %add3A_2182 = arith.addi %mul3A_1140, %add3A_2181 : i32
        %swap3A_2183 = arith.index_cast %add3A_2182 : i32 to index
        %swap3A_2184 = arith.constant 96 : index
        %swap3A_2185 = tpu.vector_load %arg16[%swap3A_2183, %swap3A_2184] {strides = array<i32>} : memref<128x128xf32, #tpu.memory_space<vmem>>, vector<16xf32>,
        tpu.vector_store %arg16[%swap3A_2183, %swap3A_2184], %mul3A_2180 {strides = array<i32>} : memref<128x128xf32, #tpu.memory_space<vmem>>, vector<16xf32>,
        %add3A_2186 = arith.constant 9 : i32
        %add3A_2187 = arith.addi %mul3A_1140, %add3A_2186 : i32
        %get3A_2188 = arith.index_cast %add3A_2187 : i32 to index
        %get3A_2189 = arith.constant 112 : index
        %get3A_2190 = tpu.vector_load %arg16[%get3A_2188, %get3A_2189] {strides = array<i32>} : memref<128x128xf32, #tpu.memory_space<vmem>>, vector<16xf32>,
        %mul3A_2191 = arith.mulf %get3A_2190, %gather3A_2174 : vector<16xf32>
        %add3A_2192 = arith.constant 9 : i32
        %add3A_2193 = arith.addi %mul3A_1140, %add3A_2192 : i32
        %swap3A_2194 = arith.index_cast %add3A_2193 : i32 to index
        %swap3A_2195 = arith.constant 112 : index
        %swap3A_2196 = tpu.vector_load %arg16[%swap3A_2194, %swap3A_2195] {strides = array<i32>} : memref<128x128xf32, #tpu.memory_space<vmem>>, vector<16xf32>,
        tpu.vector_store %arg16[%swap3A_2194, %swap3A_2195], %mul3A_2191 {strides = array<i32>} : memref<128x128xf32, #tpu.memory_space<vmem>>, vector<16xf32>,
        %broadcast_in_dim3A_2197 = arith.constant 10 : i32
        %broadcast_in_dim3A_2198 = vector.broadcast %broadcast_in_dim3A_2197 : i32 to vector<16x1xi32>
        %gather3A_2199 = vector.shape_cast %broadcast_in_dim3A_2198 : vector<16x1xi32> to vector<16xi32>
        %gather3A_2200 = tpu.dynamic_gather %get3A_1144[%gather3A_2199] in [0] : vector<16xf32>, vector<16xi32> -> vector<16xf32>
        %add3A_2201 = arith.constant 10 : i32
        %add3A_2202 = arith.addi %mul3A_1140, %add3A_2201 : i32
        %get3A_2203 = arith.index_cast %add3A_2202 : i32 to index
        %get3A_2204 = arith.constant 0 : index
        %get3A_2205 = tpu.vector_load %arg16[%get3A_2203, %get3A_2204] {strides = array<i32>} : memref<128x128xf32, #tpu.memory_space<vmem>>, vector<16xf32>,
        %mul3A_2206 = arith.mulf %get3A_2205, %gather3A_2200 : vector<16xf32>
        %add3A_2207 = arith.constant 10 : i32
        %add3A_2208 = arith.addi %mul3A_1140, %add3A_2207 : i32
        %swap3A_2209 = arith.index_cast %add3A_2208 : i32 to index
        %swap3A_2210 = arith.constant 0 : index
        %swap3A_2211 = tpu.vector_load %arg16[%swap3A_2209, %swap3A_2210] {strides = array<i32>} : memref<128x128xf32, #tpu.memory_space<vmem>>, vector<16xf32>,
        tpu.vector_store %arg16[%swap3A_2209, %swap3A_2210], %mul3A_2206 {strides = array<i32>} : memref<128x128xf32, #tpu.memory_space<vmem>>, vector<16xf32>,
        %add3A_2212 = arith.constant 10 : i32
        %add3A_2213 = arith.addi %mul3A_1140, %add3A_2212 : i32
        %get3A_2214 = arith.index_cast %add3A_2213 : i32 to index
        %get3A_2215 = arith.constant 16 : index
        %get3A_2216 = tpu.vector_load %arg16[%get3A_2214, %get3A_2215] {strides = array<i32>} : memref<128x128xf32, #tpu.memory_space<vmem>>, vector<16xf32>,
        %mul3A_2217 = arith.mulf %get3A_2216, %gather3A_2200 : vector<16xf32>
        %add3A_2218 = arith.constant 10 : i32
        %add3A_2219 = arith.addi %mul3A_1140, %add3A_2218 : i32
        %swap3A_2220 = arith.index_cast %add3A_2219 : i32 to index
        %swap3A_2221 = arith.constant 16 : index
        %swap3A_2222 = tpu.vector_load %arg16[%swap3A_2220, %swap3A_2221] {strides = array<i32>} : memref<128x128xf32, #tpu.memory_space<vmem>>, vector<16xf32>,
        tpu.vector_store %arg16[%swap3A_2220, %swap3A_2221], %mul3A_2217 {strides = array<i32>} : memref<128x128xf32, #tpu.memory_space<vmem>>, vector<16xf32>,
        %broadcast_in_dim3A_2223 = arith.constant 10 : i32
        %broadcast_in_dim3A_2224 = vector.broadcast %broadcast_in_dim3A_2223 : i32 to vector<16x1xi32>
        %gather3A_2225 = vector.shape_cast %broadcast_in_dim3A_2224 : vector<16x1xi32> to vector<16xi32>
        %gather3A_2226 = tpu.dynamic_gather %get3A_1148[%gather3A_2225] in [0] : vector<16xf32>, vector<16xi32> -> vector<16xf32>
        %add3A_2227 = arith.constant 10 : i32
        %add3A_2228 = arith.addi %mul3A_1140, %add3A_2227 : i32
        %get3A_2229 = arith.index_cast %add3A_2228 : i32 to index
        %get3A_2230 = arith.constant 32 : index
        %get3A_2231 = tpu.vector_load %arg16[%get3A_2229, %get3A_2230] {strides = array<i32>} : memref<128x128xf32, #tpu.memory_space<vmem>>, vector<16xf32>,
        %mul3A_2232 = arith.mulf %get3A_2231, %gather3A_2226 : vector<16xf32>
        %add3A_2233 = arith.constant 10 : i32
        %add3A_2234 = arith.addi %mul3A_1140, %add3A_2233 : i32
        %swap3A_2235 = arith.index_cast %add3A_2234 : i32 to index
        %swap3A_2236 = arith.constant 32 : index
        %swap3A_2237 = tpu.vector_load %arg16[%swap3A_2235, %swap3A_2236] {strides = array<i32>} : memref<128x128xf32, #tpu.memory_space<vmem>>, vector<16xf32>,
        tpu.vector_store %arg16[%swap3A_2235, %swap3A_2236], %mul3A_2232 {strides = array<i32>} : memref<128x128xf32, #tpu.memory_space<vmem>>, vector<16xf32>,
        %add3A_2238 = arith.constant 10 : i32
        %add3A_2239 = arith.addi %mul3A_1140, %add3A_2238 : i32
        %get3A_2240 = arith.index_cast %add3A_2239 : i32 to index
        %get3A_2241 = arith.constant 48 : index
        %get3A_2242 = tpu.vector_load %arg16[%get3A_2240, %get3A_2241] {strides = array<i32>} : memref<128x128xf32, #tpu.memory_space<vmem>>, vector<16xf32>,
        %mul3A_2243 = arith.mulf %get3A_2242, %gather3A_2226 : vector<16xf32>
        %add3A_2244 = arith.constant 10 : i32
        %add3A_2245 = arith.addi %mul3A_1140, %add3A_2244 : i32
        %swap3A_2246 = arith.index_cast %add3A_2245 : i32 to index
        %swap3A_2247 = arith.constant 48 : index
        %swap3A_2248 = tpu.vector_load %arg16[%swap3A_2246, %swap3A_2247] {strides = array<i32>} : memref<128x128xf32, #tpu.memory_space<vmem>>, vector<16xf32>,
        tpu.vector_store %arg16[%swap3A_2246, %swap3A_2247], %mul3A_2243 {strides = array<i32>} : memref<128x128xf32, #tpu.memory_space<vmem>>, vector<16xf32>,
        %broadcast_in_dim3A_2249 = arith.constant 10 : i32
        %broadcast_in_dim3A_2250 = vector.broadcast %broadcast_in_dim3A_2249 : i32 to vector<16x1xi32>
        %gather3A_2251 = vector.shape_cast %broadcast_in_dim3A_2250 : vector<16x1xi32> to vector<16xi32>
        %gather3A_2252 = tpu.dynamic_gather %get3A_1152[%gather3A_2251] in [0] : vector<16xf32>, vector<16xi32> -> vector<16xf32>
        %add3A_2253 = arith.constant 10 : i32
        %add3A_2254 = arith.addi %mul3A_1140, %add3A_2253 : i32
        %get3A_2255 = arith.index_cast %add3A_2254 : i32 to index
        %get3A_2256 = arith.constant 64 : index
        %get3A_2257 = tpu.vector_load %arg16[%get3A_2255, %get3A_2256] {strides = array<i32>} : memref<128x128xf32, #tpu.memory_space<vmem>>, vector<16xf32>,
        %mul3A_2258 = arith.mulf %get3A_2257, %gather3A_2252 : vector<16xf32>
        %add3A_2259 = arith.constant 10 : i32
        %add3A_2260 = arith.addi %mul3A_1140, %add3A_2259 : i32
        %swap3A_2261 = arith.index_cast %add3A_2260 : i32 to index
        %swap3A_2262 = arith.constant 64 : index
        %swap3A_2263 = tpu.vector_load %arg16[%swap3A_2261, %swap3A_2262] {strides = array<i32>} : memref<128x128xf32, #tpu.memory_space<vmem>>, vector<16xf32>,
        tpu.vector_store %arg16[%swap3A_2261, %swap3A_2262], %mul3A_2258 {strides = array<i32>} : memref<128x128xf32, #tpu.memory_space<vmem>>, vector<16xf32>,
        %add3A_2264 = arith.constant 10 : i32
        %add3A_2265 = arith.addi %mul3A_1140, %add3A_2264 : i32
        %get3A_2266 = arith.index_cast %add3A_2265 : i32 to index
        %get3A_2267 = arith.constant 80 : index
        %get3A_2268 = tpu.vector_load %arg16[%get3A_2266, %get3A_2267] {strides = array<i32>} : memref<128x128xf32, #tpu.memory_space<vmem>>, vector<16xf32>,
        %mul3A_2269 = arith.mulf %get3A_2268, %gather3A_2252 : vector<16xf32>
        %add3A_2270 = arith.constant 10 : i32
        %add3A_2271 = arith.addi %mul3A_1140, %add3A_2270 : i32
        %swap3A_2272 = arith.index_cast %add3A_2271 : i32 to index
        %swap3A_2273 = arith.constant 80 : index
        %swap3A_2274 = tpu.vector_load %arg16[%swap3A_2272, %swap3A_2273] {strides = array<i32>} : memref<128x128xf32, #tpu.memory_space<vmem>>, vector<16xf32>,
        tpu.vector_store %arg16[%swap3A_2272, %swap3A_2273], %mul3A_2269 {strides = array<i32>} : memref<128x128xf32, #tpu.memory_space<vmem>>, vector<16xf32>,
        %broadcast_in_dim3A_2275 = arith.constant 10 : i32
        %broadcast_in_dim3A_2276 = vector.broadcast %broadcast_in_dim3A_2275 : i32 to vector<16x1xi32>
        %gather3A_2277 = vector.shape_cast %broadcast_in_dim3A_2276 : vector<16x1xi32> to vector<16xi32>
        %gather3A_2278 = tpu.dynamic_gather %get3A_1156[%gather3A_2277] in [0] : vector<16xf32>, vector<16xi32> -> vector<16xf32>
        %add3A_2279 = arith.constant 10 : i32
        %add3A_2280 = arith.addi %mul3A_1140, %add3A_2279 : i32
        %get3A_2281 = arith.index_cast %add3A_2280 : i32 to index
        %get3A_2282 = arith.constant 96 : index
        %get3A_2283 = tpu.vector_load %arg16[%get3A_2281, %get3A_2282] {strides = array<i32>} : memref<128x128xf32, #tpu.memory_space<vmem>>, vector<16xf32>,
        %mul3A_2284 = arith.mulf %get3A_2283, %gather3A_2278 : vector<16xf32>
        %add3A_2285 = arith.constant 10 : i32
        %add3A_2286 = arith.addi %mul3A_1140, %add3A_2285 : i32
        %swap3A_2287 = arith.index_cast %add3A_2286 : i32 to index
        %swap3A_2288 = arith.constant 96 : index
        %swap3A_2289 = tpu.vector_load %arg16[%swap3A_2287, %swap3A_2288] {strides = array<i32>} : memref<128x128xf32, #tpu.memory_space<vmem>>, vector<16xf32>,
        tpu.vector_store %arg16[%swap3A_2287, %swap3A_2288], %mul3A_2284 {strides = array<i32>} : memref<128x128xf32, #tpu.memory_space<vmem>>, vector<16xf32>,
        %add3A_2290 = arith.constant 10 : i32
        %add3A_2291 = arith.addi %mul3A_1140, %add3A_2290 : i32
        %get3A_2292 = arith.index_cast %add3A_2291 : i32 to index
        %get3A_2293 = arith.constant 112 : index
        %get3A_2294 = tpu.vector_load %arg16[%get3A_2292, %get3A_2293] {strides = array<i32>} : memref<128x128xf32, #tpu.memory_space<vmem>>, vector<16xf32>,
        %mul3A_2295 = arith.mulf %get3A_2294, %gather3A_2278 : vector<16xf32>
        %add3A_2296 = arith.constant 10 : i32
        %add3A_2297 = arith.addi %mul3A_1140, %add3A_2296 : i32
        %swap3A_2298 = arith.index_cast %add3A_2297 : i32 to index
        %swap3A_2299 = arith.constant 112 : index
        %swap3A_2300 = tpu.vector_load %arg16[%swap3A_2298, %swap3A_2299] {strides = array<i32>} : memref<128x128xf32, #tpu.memory_space<vmem>>, vector<16xf32>,
        tpu.vector_store %arg16[%swap3A_2298, %swap3A_2299], %mul3A_2295 {strides = array<i32>} : memref<128x128xf32, #tpu.memory_space<vmem>>, vector<16xf32>,
        %broadcast_in_dim3A_2301 = arith.constant 11 : i32
        %broadcast_in_dim3A_2302 = vector.broadcast %broadcast_in_dim3A_2301 : i32 to vector<16x1xi32>
        %gather3A_2303 = vector.shape_cast %broadcast_in_dim3A_2302 : vector<16x1xi32> to vector<16xi32>
        %gather3A_2304 = tpu.dynamic_gather %get3A_1144[%gather3A_2303] in [0] : vector<16xf32>, vector<16xi32> -> vector<16xf32>
        %add3A_2305 = arith.constant 11 : i32
        %add3A_2306 = arith.addi %mul3A_1140, %add3A_2305 : i32
        %get3A_2307 = arith.index_cast %add3A_2306 : i32 to index
        %get3A_2308 = arith.constant 0 : index
        %get3A_2309 = tpu.vector_load %arg16[%get3A_2307, %get3A_2308] {strides = array<i32>} : memref<128x128xf32, #tpu.memory_space<vmem>>, vector<16xf32>,
        %mul3A_2310 = arith.mulf %get3A_2309, %gather3A_2304 : vector<16xf32>
        %add3A_2311 = arith.constant 11 : i32
        %add3A_2312 = arith.addi %mul3A_1140, %add3A_2311 : i32
        %swap3A_2313 = arith.index_cast %add3A_2312 : i32 to index
        %swap3A_2314 = arith.constant 0 : index
        %swap3A_2315 = tpu.vector_load %arg16[%swap3A_2313, %swap3A_2314] {strides = array<i32>} : memref<128x128xf32, #tpu.memory_space<vmem>>, vector<16xf32>,
        tpu.vector_store %arg16[%swap3A_2313, %swap3A_2314], %mul3A_2310 {strides = array<i32>} : memref<128x128xf32, #tpu.memory_space<vmem>>, vector<16xf32>,
        %add3A_2316 = arith.constant 11 : i32
        %add3A_2317 = arith.addi %mul3A_1140, %add3A_2316 : i32
        %get3A_2318 = arith.index_cast %add3A_2317 : i32 to index
        %get3A_2319 = arith.constant 16 : index
        %get3A_2320 = tpu.vector_load %arg16[%get3A_2318, %get3A_2319] {strides = array<i32>} : memref<128x128xf32, #tpu.memory_space<vmem>>, vector<16xf32>,
        %mul3A_2321 = arith.mulf %get3A_2320, %gather3A_2304 : vector<16xf32>
        %add3A_2322 = arith.constant 11 : i32
        %add3A_2323 = arith.addi %mul3A_1140, %add3A_2322 : i32
        %swap3A_2324 = arith.index_cast %add3A_2323 : i32 to index
        %swap3A_2325 = arith.constant 16 : index
        %swap3A_2326 = tpu.vector_load %arg16[%swap3A_2324, %swap3A_2325] {strides = array<i32>} : memref<128x128xf32, #tpu.memory_space<vmem>>, vector<16xf32>,
        tpu.vector_store %arg16[%swap3A_2324, %swap3A_2325], %mul3A_2321 {strides = array<i32>} : memref<128x128xf32, #tpu.memory_space<vmem>>, vector<16xf32>,
        %broadcast_in_dim3A_2327 = arith.constant 11 : i32
        %broadcast_in_dim3A_2328 = vector.broadcast %broadcast_in_dim3A_2327 : i32 to vector<16x1xi32>
        %gather3A_2329 = vector.shape_cast %broadcast_in_dim3A_2328 : vector<16x1xi32> to vector<16xi32>
        %gather3A_2330 = tpu.dynamic_gather %get3A_1148[%gather3A_2329] in [0] : vector<16xf32>, vector<16xi32> -> vector<16xf32>
        %add3A_2331 = arith.constant 11 : i32
        %add3A_2332 = arith.addi %mul3A_1140, %add3A_2331 : i32
        %get3A_2333 = arith.index_cast %add3A_2332 : i32 to index
        %get3A_2334 = arith.constant 32 : index
        %get3A_2335 = tpu.vector_load %arg16[%get3A_2333, %get3A_2334] {strides = array<i32>} : memref<128x128xf32, #tpu.memory_space<vmem>>, vector<16xf32>,
        %mul3A_2336 = arith.mulf %get3A_2335, %gather3A_2330 : vector<16xf32>
        %add3A_2337 = arith.constant 11 : i32
        %add3A_2338 = arith.addi %mul3A_1140, %add3A_2337 : i32
        %swap3A_2339 = arith.index_cast %add3A_2338 : i32 to index
        %swap3A_2340 = arith.constant 32 : index
        %swap3A_2341 = tpu.vector_load %arg16[%swap3A_2339, %swap3A_2340] {strides = array<i32>} : memref<128x128xf32, #tpu.memory_space<vmem>>, vector<16xf32>,
        tpu.vector_store %arg16[%swap3A_2339, %swap3A_2340], %mul3A_2336 {strides = array<i32>} : memref<128x128xf32, #tpu.memory_space<vmem>>, vector<16xf32>,
        %add3A_2342 = arith.constant 11 : i32
        %add3A_2343 = arith.addi %mul3A_1140, %add3A_2342 : i32
        %get3A_2344 = arith.index_cast %add3A_2343 : i32 to index
        %get3A_2345 = arith.constant 48 : index
        %get3A_2346 = tpu.vector_load %arg16[%get3A_2344, %get3A_2345] {strides = array<i32>} : memref<128x128xf32, #tpu.memory_space<vmem>>, vector<16xf32>,
        %mul3A_2347 = arith.mulf %get3A_2346, %gather3A_2330 : vector<16xf32>
        %add3A_2348 = arith.constant 11 : i32
        %add3A_2349 = arith.addi %mul3A_1140, %add3A_2348 : i32
        %swap3A_2350 = arith.index_cast %add3A_2349 : i32 to index
        %swap3A_2351 = arith.constant 48 : index
        %swap3A_2352 = tpu.vector_load %arg16[%swap3A_2350, %swap3A_2351] {strides = array<i32>} : memref<128x128xf32, #tpu.memory_space<vmem>>, vector<16xf32>,
        tpu.vector_store %arg16[%swap3A_2350, %swap3A_2351], %mul3A_2347 {strides = array<i32>} : memref<128x128xf32, #tpu.memory_space<vmem>>, vector<16xf32>,
        %broadcast_in_dim3A_2353 = arith.constant 11 : i32
        %broadcast_in_dim3A_2354 = vector.broadcast %broadcast_in_dim3A_2353 : i32 to vector<16x1xi32>
        %gather3A_2355 = vector.shape_cast %broadcast_in_dim3A_2354 : vector<16x1xi32> to vector<16xi32>
        %gather3A_2356 = tpu.dynamic_gather %get3A_1152[%gather3A_2355] in [0] : vector<16xf32>, vector<16xi32> -> vector<16xf32>
        %add3A_2357 = arith.constant 11 : i32
        %add3A_2358 = arith.addi %mul3A_1140, %add3A_2357 : i32
        %get3A_2359 = arith.index_cast %add3A_2358 : i32 to index
        %get3A_2360 = arith.constant 64 : index
        %get3A_2361 = tpu.vector_load %arg16[%get3A_2359, %get3A_2360] {strides = array<i32>} : memref<128x128xf32, #tpu.memory_space<vmem>>, vector<16xf32>,
        %mul3A_2362 = arith.mulf %get3A_2361, %gather3A_2356 : vector<16xf32>
        %add3A_2363 = arith.constant 11 : i32
        %add3A_2364 = arith.addi %mul3A_1140, %add3A_2363 : i32
        %swap3A_2365 = arith.index_cast %add3A_2364 : i32 to index
        %swap3A_2366 = arith.constant 64 : index
        %swap3A_2367 = tpu.vector_load %arg16[%swap3A_2365, %swap3A_2366] {strides = array<i32>} : memref<128x128xf32, #tpu.memory_space<vmem>>, vector<16xf32>,
        tpu.vector_store %arg16[%swap3A_2365, %swap3A_2366], %mul3A_2362 {strides = array<i32>} : memref<128x128xf32, #tpu.memory_space<vmem>>, vector<16xf32>,
        %add3A_2368 = arith.constant 11 : i32
        %add3A_2369 = arith.addi %mul3A_1140, %add3A_2368 : i32
        %get3A_2370 = arith.index_cast %add3A_2369 : i32 to index
        %get3A_2371 = arith.constant 80 : index
        %get3A_2372 = tpu.vector_load %arg16[%get3A_2370, %get3A_2371] {strides = array<i32>} : memref<128x128xf32, #tpu.memory_space<vmem>>, vector<16xf32>,
        %mul3A_2373 = arith.mulf %get3A_2372, %gather3A_2356 : vector<16xf32>
        %add3A_2374 = arith.constant 11 : i32
        %add3A_2375 = arith.addi %mul3A_1140, %add3A_2374 : i32
        %swap3A_2376 = arith.index_cast %add3A_2375 : i32 to index
        %swap3A_2377 = arith.constant 80 : index
        %swap3A_2378 = tpu.vector_load %arg16[%swap3A_2376, %swap3A_2377] {strides = array<i32>} : memref<128x128xf32, #tpu.memory_space<vmem>>, vector<16xf32>,
        tpu.vector_store %arg16[%swap3A_2376, %swap3A_2377], %mul3A_2373 {strides = array<i32>} : memref<128x128xf32, #tpu.memory_space<vmem>>, vector<16xf32>,
        %broadcast_in_dim3A_2379 = arith.constant 11 : i32
        %broadcast_in_dim3A_2380 = vector.broadcast %broadcast_in_dim3A_2379 : i32 to vector<16x1xi32>
        %gather3A_2381 = vector.shape_cast %broadcast_in_dim3A_2380 : vector<16x1xi32> to vector<16xi32>
        %gather3A_2382 = tpu.dynamic_gather %get3A_1156[%gather3A_2381] in [0] : vector<16xf32>, vector<16xi32> -> vector<16xf32>
        %add3A_2383 = arith.constant 11 : i32
        %add3A_2384 = arith.addi %mul3A_1140, %add3A_2383 : i32
        %get3A_2385 = arith.index_cast %add3A_2384 : i32 to index
        %get3A_2386 = arith.constant 96 : index
        %get3A_2387 = tpu.vector_load %arg16[%get3A_2385, %get3A_2386] {strides = array<i32>} : memref<128x128xf32, #tpu.memory_space<vmem>>, vector<16xf32>,
        %mul3A_2388 = arith.mulf %get3A_2387, %gather3A_2382 : vector<16xf32>
        %add3A_2389 = arith.constant 11 : i32
        %add3A_2390 = arith.addi %mul3A_1140, %add3A_2389 : i32
        %swap3A_2391 = arith.index_cast %add3A_2390 : i32 to index
        %swap3A_2392 = arith.constant 96 : index
        %swap3A_2393 = tpu.vector_load %arg16[%swap3A_2391, %swap3A_2392] {strides = array<i32>} : memref<128x128xf32, #tpu.memory_space<vmem>>, vector<16xf32>,
        tpu.vector_store %arg16[%swap3A_2391, %swap3A_2392], %mul3A_2388 {strides = array<i32>} : memref<128x128xf32, #tpu.memory_space<vmem>>, vector<16xf32>,
        %add3A_2394 = arith.constant 11 : i32
        %add3A_2395 = arith.addi %mul3A_1140, %add3A_2394 : i32
        %get3A_2396 = arith.index_cast %add3A_2395 : i32 to index
        %get3A_2397 = arith.constant 112 : index
        %get3A_2398 = tpu.vector_load %arg16[%get3A_2396, %get3A_2397] {strides = array<i32>} : memref<128x128xf32, #tpu.memory_space<vmem>>, vector<16xf32>,
        %mul3A_2399 = arith.mulf %get3A_2398, %gather3A_2382 : vector<16xf32>
        %add3A_2400 = arith.constant 11 : i32
        %add3A_2401 = arith.addi %mul3A_1140, %add3A_2400 : i32
        %swap3A_2402 = arith.index_cast %add3A_2401 : i32 to index
        %swap3A_2403 = arith.constant 112 : index
        %swap3A_2404 = tpu.vector_load %arg16[%swap3A_2402, %swap3A_2403] {strides = array<i32>} : memref<128x128xf32, #tpu.memory_space<vmem>>, vector<16xf32>,
        tpu.vector_store %arg16[%swap3A_2402, %swap3A_2403], %mul3A_2399 {strides = array<i32>} : memref<128x128xf32, #tpu.memory_space<vmem>>, vector<16xf32>,
        %broadcast_in_dim3A_2405 = arith.constant 12 : i32
        %broadcast_in_dim3A_2406 = vector.broadcast %broadcast_in_dim3A_2405 : i32 to vector<16x1xi32>
        %gather3A_2407 = vector.shape_cast %broadcast_in_dim3A_2406 : vector<16x1xi32> to vector<16xi32>
        %gather3A_2408 = tpu.dynamic_gather %get3A_1144[%gather3A_2407] in [0] : vector<16xf32>, vector<16xi32> -> vector<16xf32>
        %add3A_2409 = arith.constant 12 : i32
        %add3A_2410 = arith.addi %mul3A_1140, %add3A_2409 : i32
        %get3A_2411 = arith.index_cast %add3A_2410 : i32 to index
        %get3A_2412 = arith.constant 0 : index
        %get3A_2413 = tpu.vector_load %arg16[%get3A_2411, %get3A_2412] {strides = array<i32>} : memref<128x128xf32, #tpu.memory_space<vmem>>, vector<16xf32>,
        %mul3A_2414 = arith.mulf %get3A_2413, %gather3A_2408 : vector<16xf32>
        %add3A_2415 = arith.constant 12 : i32
        %add3A_2416 = arith.addi %mul3A_1140, %add3A_2415 : i32
        %swap3A_2417 = arith.index_cast %add3A_2416 : i32 to index
        %swap3A_2418 = arith.constant 0 : index
        %swap3A_2419 = tpu.vector_load %arg16[%swap3A_2417, %swap3A_2418] {strides = array<i32>} : memref<128x128xf32, #tpu.memory_space<vmem>>, vector<16xf32>,
        tpu.vector_store %arg16[%swap3A_2417, %swap3A_2418], %mul3A_2414 {strides = array<i32>} : memref<128x128xf32, #tpu.memory_space<vmem>>, vector<16xf32>,
        %add3A_2420 = arith.constant 12 : i32
        %add3A_2421 = arith.addi %mul3A_1140, %add3A_2420 : i32
        %get3A_2422 = arith.index_cast %add3A_2421 : i32 to index
        %get3A_2423 = arith.constant 16 : index
        %get3A_2424 = tpu.vector_load %arg16[%get3A_2422, %get3A_2423] {strides = array<i32>} : memref<128x128xf32, #tpu.memory_space<vmem>>, vector<16xf32>,
        %mul3A_2425 = arith.mulf %get3A_2424, %gather3A_2408 : vector<16xf32>
        %add3A_2426 = arith.constant 12 : i32
        %add3A_2427 = arith.addi %mul3A_1140, %add3A_2426 : i32
        %swap3A_2428 = arith.index_cast %add3A_2427 : i32 to index
        %swap3A_2429 = arith.constant 16 : index
        %swap3A_2430 = tpu.vector_load %arg16[%swap3A_2428, %swap3A_2429] {strides = array<i32>} : memref<128x128xf32, #tpu.memory_space<vmem>>, vector<16xf32>,
        tpu.vector_store %arg16[%swap3A_2428, %swap3A_2429], %mul3A_2425 {strides = array<i32>} : memref<128x128xf32, #tpu.memory_space<vmem>>, vector<16xf32>,
        %broadcast_in_dim3A_2431 = arith.constant 12 : i32
        %broadcast_in_dim3A_2432 = vector.broadcast %broadcast_in_dim3A_2431 : i32 to vector<16x1xi32>
        %gather3A_2433 = vector.shape_cast %broadcast_in_dim3A_2432 : vector<16x1xi32> to vector<16xi32>
        %gather3A_2434 = tpu.dynamic_gather %get3A_1148[%gather3A_2433] in [0] : vector<16xf32>, vector<16xi32> -> vector<16xf32>
        %add3A_2435 = arith.constant 12 : i32
        %add3A_2436 = arith.addi %mul3A_1140, %add3A_2435 : i32
        %get3A_2437 = arith.index_cast %add3A_2436 : i32 to index
        %get3A_2438 = arith.constant 32 : index
        %get3A_2439 = tpu.vector_load %arg16[%get3A_2437, %get3A_2438] {strides = array<i32>} : memref<128x128xf32, #tpu.memory_space<vmem>>, vector<16xf32>,
        %mul3A_2440 = arith.mulf %get3A_2439, %gather3A_2434 : vector<16xf32>
        %add3A_2441 = arith.constant 12 : i32
        %add3A_2442 = arith.addi %mul3A_1140, %add3A_2441 : i32
        %swap3A_2443 = arith.index_cast %add3A_2442 : i32 to index
        %swap3A_2444 = arith.constant 32 : index
        %swap3A_2445 = tpu.vector_load %arg16[%swap3A_2443, %swap3A_2444] {strides = array<i32>} : memref<128x128xf32, #tpu.memory_space<vmem>>, vector<16xf32>,
        tpu.vector_store %arg16[%swap3A_2443, %swap3A_2444], %mul3A_2440 {strides = array<i32>} : memref<128x128xf32, #tpu.memory_space<vmem>>, vector<16xf32>,
        %add3A_2446 = arith.constant 12 : i32
        %add3A_2447 = arith.addi %mul3A_1140, %add3A_2446 : i32
        %get3A_2448 = arith.index_cast %add3A_2447 : i32 to index
        %get3A_2449 = arith.constant 48 : index
        %get3A_2450 = tpu.vector_load %arg16[%get3A_2448, %get3A_2449] {strides = array<i32>} : memref<128x128xf32, #tpu.memory_space<vmem>>, vector<16xf32>,
        %mul3A_2451 = arith.mulf %get3A_2450, %gather3A_2434 : vector<16xf32>
        %add3A_2452 = arith.constant 12 : i32
        %add3A_2453 = arith.addi %mul3A_1140, %add3A_2452 : i32
        %swap3A_2454 = arith.index_cast %add3A_2453 : i32 to index
        %swap3A_2455 = arith.constant 48 : index
        %swap3A_2456 = tpu.vector_load %arg16[%swap3A_2454, %swap3A_2455] {strides = array<i32>} : memref<128x128xf32, #tpu.memory_space<vmem>>, vector<16xf32>,
        tpu.vector_store %arg16[%swap3A_2454, %swap3A_2455], %mul3A_2451 {strides = array<i32>} : memref<128x128xf32, #tpu.memory_space<vmem>>, vector<16xf32>,
        %broadcast_in_dim3A_2457 = arith.constant 12 : i32
        %broadcast_in_dim3A_2458 = vector.broadcast %broadcast_in_dim3A_2457 : i32 to vector<16x1xi32>
        %gather3A_2459 = vector.shape_cast %broadcast_in_dim3A_2458 : vector<16x1xi32> to vector<16xi32>
        %gather3A_2460 = tpu.dynamic_gather %get3A_1152[%gather3A_2459] in [0] : vector<16xf32>, vector<16xi32> -> vector<16xf32>
        %add3A_2461 = arith.constant 12 : i32
        %add3A_2462 = arith.addi %mul3A_1140, %add3A_2461 : i32
        %get3A_2463 = arith.index_cast %add3A_2462 : i32 to index
        %get3A_2464 = arith.constant 64 : index
        %get3A_2465 = tpu.vector_load %arg16[%get3A_2463, %get3A_2464] {strides = array<i32>} : memref<128x128xf32, #tpu.memory_space<vmem>>, vector<16xf32>,
        %mul3A_2466 = arith.mulf %get3A_2465, %gather3A_2460 : vector<16xf32>
        %add3A_2467 = arith.constant 12 : i32
        %add3A_2468 = arith.addi %mul3A_1140, %add3A_2467 : i32
        %swap3A_2469 = arith.index_cast %add3A_2468 : i32 to index
        %swap3A_2470 = arith.constant 64 : index
        %swap3A_2471 = tpu.vector_load %arg16[%swap3A_2469, %swap3A_2470] {strides = array<i32>} : memref<128x128xf32, #tpu.memory_space<vmem>>, vector<16xf32>,
        tpu.vector_store %arg16[%swap3A_2469, %swap3A_2470], %mul3A_2466 {strides = array<i32>} : memref<128x128xf32, #tpu.memory_space<vmem>>, vector<16xf32>,
        %add3A_2472 = arith.constant 12 : i32
        %add3A_2473 = arith.addi %mul3A_1140, %add3A_2472 : i32
        %get3A_2474 = arith.index_cast %add3A_2473 : i32 to index
        %get3A_2475 = arith.constant 80 : index
        %get3A_2476 = tpu.vector_load %arg16[%get3A_2474, %get3A_2475] {strides = array<i32>} : memref<128x128xf32, #tpu.memory_space<vmem>>, vector<16xf32>,
        %mul3A_2477 = arith.mulf %get3A_2476, %gather3A_2460 : vector<16xf32>
        %add3A_2478 = arith.constant 12 : i32
        %add3A_2479 = arith.addi %mul3A_1140, %add3A_2478 : i32
        %swap3A_2480 = arith.index_cast %add3A_2479 : i32 to index
        %swap3A_2481 = arith.constant 80 : index
        %swap3A_2482 = tpu.vector_load %arg16[%swap3A_2480, %swap3A_2481] {strides = array<i32>} : memref<128x128xf32, #tpu.memory_space<vmem>>, vector<16xf32>,
        tpu.vector_store %arg16[%swap3A_2480, %swap3A_2481], %mul3A_2477 {strides = array<i32>} : memref<128x128xf32, #tpu.memory_space<vmem>>, vector<16xf32>,
        %broadcast_in_dim3A_2483 = arith.constant 12 : i32
        %broadcast_in_dim3A_2484 = vector.broadcast %broadcast_in_dim3A_2483 : i32 to vector<16x1xi32>
        %gather3A_2485 = vector.shape_cast %broadcast_in_dim3A_2484 : vector<16x1xi32> to vector<16xi32>
        %gather3A_2486 = tpu.dynamic_gather %get3A_1156[%gather3A_2485] in [0] : vector<16xf32>, vector<16xi32> -> vector<16xf32>
        %add3A_2487 = arith.constant 12 : i32
        %add3A_2488 = arith.addi %mul3A_1140, %add3A_2487 : i32
        %get3A_2489 = arith.index_cast %add3A_2488 : i32 to index
        %get3A_2490 = arith.constant 96 : index
        %get3A_2491 = tpu.vector_load %arg16[%get3A_2489, %get3A_2490] {strides = array<i32>} : memref<128x128xf32, #tpu.memory_space<vmem>>, vector<16xf32>,
        %mul3A_2492 = arith.mulf %get3A_2491, %gather3A_2486 : vector<16xf32>
        %add3A_2493 = arith.constant 12 : i32
        %add3A_2494 = arith.addi %mul3A_1140, %add3A_2493 : i32
        %swap3A_2495 = arith.index_cast %add3A_2494 : i32 to index
        %swap3A_2496 = arith.constant 96 : index
        %swap3A_2497 = tpu.vector_load %arg16[%swap3A_2495, %swap3A_2496] {strides = array<i32>} : memref<128x128xf32, #tpu.memory_space<vmem>>, vector<16xf32>,
        tpu.vector_store %arg16[%swap3A_2495, %swap3A_2496], %mul3A_2492 {strides = array<i32>} : memref<128x128xf32, #tpu.memory_space<vmem>>, vector<16xf32>,
        %add3A_2498 = arith.constant 12 : i32
        %add3A_2499 = arith.addi %mul3A_1140, %add3A_2498 : i32
        %get3A_2500 = arith.index_cast %add3A_2499 : i32 to index
        %get3A_2501 = arith.constant 112 : index
        %get3A_2502 = tpu.vector_load %arg16[%get3A_2500, %get3A_2501] {strides = array<i32>} : memref<128x128xf32, #tpu.memory_space<vmem>>, vector<16xf32>,
        %mul3A_2503 = arith.mulf %get3A_2502, %gather3A_2486 : vector<16xf32>
        %add3A_2504 = arith.constant 12 : i32
        %add3A_2505 = arith.addi %mul3A_1140, %add3A_2504 : i32
        %swap3A_2506 = arith.index_cast %add3A_2505 : i32 to index
        %swap3A_2507 = arith.constant 112 : index
        %swap3A_2508 = tpu.vector_load %arg16[%swap3A_2506, %swap3A_2507] {strides = array<i32>} : memref<128x128xf32, #tpu.memory_space<vmem>>, vector<16xf32>,
        tpu.vector_store %arg16[%swap3A_2506, %swap3A_2507], %mul3A_2503 {strides = array<i32>} : memref<128x128xf32, #tpu.memory_space<vmem>>, vector<16xf32>,
        %broadcast_in_dim3A_2509 = arith.constant 13 : i32
        %broadcast_in_dim3A_2510 = vector.broadcast %broadcast_in_dim3A_2509 : i32 to vector<16x1xi32>
        %gather3A_2511 = vector.shape_cast %broadcast_in_dim3A_2510 : vector<16x1xi32> to vector<16xi32>
        %gather3A_2512 = tpu.dynamic_gather %get3A_1144[%gather3A_2511] in [0] : vector<16xf32>, vector<16xi32> -> vector<16xf32>
        %add3A_2513 = arith.constant 13 : i32
        %add3A_2514 = arith.addi %mul3A_1140, %add3A_2513 : i32
        %get3A_2515 = arith.index_cast %add3A_2514 : i32 to index
        %get3A_2516 = arith.constant 0 : index
        %get3A_2517 = tpu.vector_load %arg16[%get3A_2515, %get3A_2516] {strides = array<i32>} : memref<128x128xf32, #tpu.memory_space<vmem>>, vector<16xf32>,
        %mul3A_2518 = arith.mulf %get3A_2517, %gather3A_2512 : vector<16xf32>
        %add3A_2519 = arith.constant 13 : i32
        %add3A_2520 = arith.addi %mul3A_1140, %add3A_2519 : i32
        %swap3A_2521 = arith.index_cast %add3A_2520 : i32 to index
        %swap3A_2522 = arith.constant 0 : index
        %swap3A_2523 = tpu.vector_load %arg16[%swap3A_2521, %swap3A_2522] {strides = array<i32>} : memref<128x128xf32, #tpu.memory_space<vmem>>, vector<16xf32>,
        tpu.vector_store %arg16[%swap3A_2521, %swap3A_2522], %mul3A_2518 {strides = array<i32>} : memref<128x128xf32, #tpu.memory_space<vmem>>, vector<16xf32>,
        %add3A_2524 = arith.constant 13 : i32
        %add3A_2525 = arith.addi %mul3A_1140, %add3A_2524 : i32
        %get3A_2526 = arith.index_cast %add3A_2525 : i32 to index
        %get3A_2527 = arith.constant 16 : index
        %get3A_2528 = tpu.vector_load %arg16[%get3A_2526, %get3A_2527] {strides = array<i32>} : memref<128x128xf32, #tpu.memory_space<vmem>>, vector<16xf32>,
        %mul3A_2529 = arith.mulf %get3A_2528, %gather3A_2512 : vector<16xf32>
        %add3A_2530 = arith.constant 13 : i32
        %add3A_2531 = arith.addi %mul3A_1140, %add3A_2530 : i32
        %swap3A_2532 = arith.index_cast %add3A_2531 : i32 to index
        %swap3A_2533 = arith.constant 16 : index
        %swap3A_2534 = tpu.vector_load %arg16[%swap3A_2532, %swap3A_2533] {strides = array<i32>} : memref<128x128xf32, #tpu.memory_space<vmem>>, vector<16xf32>,
        tpu.vector_store %arg16[%swap3A_2532, %swap3A_2533], %mul3A_2529 {strides = array<i32>} : memref<128x128xf32, #tpu.memory_space<vmem>>, vector<16xf32>,
        %broadcast_in_dim3A_2535 = arith.constant 13 : i32
        %broadcast_in_dim3A_2536 = vector.broadcast %broadcast_in_dim3A_2535 : i32 to vector<16x1xi32>
        %gather3A_2537 = vector.shape_cast %broadcast_in_dim3A_2536 : vector<16x1xi32> to vector<16xi32>
        %gather3A_2538 = tpu.dynamic_gather %get3A_1148[%gather3A_2537] in [0] : vector<16xf32>, vector<16xi32> -> vector<16xf32>
        %add3A_2539 = arith.constant 13 : i32
        %add3A_2540 = arith.addi %mul3A_1140, %add3A_2539 : i32
        %get3A_2541 = arith.index_cast %add3A_2540 : i32 to index
        %get3A_2542 = arith.constant 32 : index
        %get3A_2543 = tpu.vector_load %arg16[%get3A_2541, %get3A_2542] {strides = array<i32>} : memref<128x128xf32, #tpu.memory_space<vmem>>, vector<16xf32>,
        %mul3A_2544 = arith.mulf %get3A_2543, %gather3A_2538 : vector<16xf32>
        %add3A_2545 = arith.constant 13 : i32
        %add3A_2546 = arith.addi %mul3A_1140, %add3A_2545 : i32
        %swap3A_2547 = arith.index_cast %add3A_2546 : i32 to index
        %swap3A_2548 = arith.constant 32 : index
        %swap3A_2549 = tpu.vector_load %arg16[%swap3A_2547, %swap3A_2548] {strides = array<i32>} : memref<128x128xf32, #tpu.memory_space<vmem>>, vector<16xf32>,
        tpu.vector_store %arg16[%swap3A_2547, %swap3A_2548], %mul3A_2544 {strides = array<i32>} : memref<128x128xf32, #tpu.memory_space<vmem>>, vector<16xf32>,
        %add3A_2550 = arith.constant 13 : i32
        %add3A_2551 = arith.addi %mul3A_1140, %add3A_2550 : i32
        %get3A_2552 = arith.index_cast %add3A_2551 : i32 to index
        %get3A_2553 = arith.constant 48 : index
        %get3A_2554 = tpu.vector_load %arg16[%get3A_2552, %get3A_2553] {strides = array<i32>} : memref<128x128xf32, #tpu.memory_space<vmem>>, vector<16xf32>,
        %mul3A_2555 = arith.mulf %get3A_2554, %gather3A_2538 : vector<16xf32>
        %add3A_2556 = arith.constant 13 : i32
        %add3A_2557 = arith.addi %mul3A_1140, %add3A_2556 : i32
        %swap3A_2558 = arith.index_cast %add3A_2557 : i32 to index
        %swap3A_2559 = arith.constant 48 : index
        %swap3A_2560 = tpu.vector_load %arg16[%swap3A_2558, %swap3A_2559] {strides = array<i32>} : memref<128x128xf32, #tpu.memory_space<vmem>>, vector<16xf32>,
        tpu.vector_store %arg16[%swap3A_2558, %swap3A_2559], %mul3A_2555 {strides = array<i32>} : memref<128x128xf32, #tpu.memory_space<vmem>>, vector<16xf32>,
        %broadcast_in_dim3A_2561 = arith.constant 13 : i32
        %broadcast_in_dim3A_2562 = vector.broadcast %broadcast_in_dim3A_2561 : i32 to vector<16x1xi32>
        %gather3A_2563 = vector.shape_cast %broadcast_in_dim3A_2562 : vector<16x1xi32> to vector<16xi32>
        %gather3A_2564 = tpu.dynamic_gather %get3A_1152[%gather3A_2563] in [0] : vector<16xf32>, vector<16xi32> -> vector<16xf32>
        %add3A_2565 = arith.constant 13 : i32
        %add3A_2566 = arith.addi %mul3A_1140, %add3A_2565 : i32
        %get3A_2567 = arith.index_cast %add3A_2566 : i32 to index
        %get3A_2568 = arith.constant 64 : index
        %get3A_2569 = tpu.vector_load %arg16[%get3A_2567, %get3A_2568] {strides = array<i32>} : memref<128x128xf32, #tpu.memory_space<vmem>>, vector<16xf32>,
        %mul3A_2570 = arith.mulf %get3A_2569, %gather3A_2564 : vector<16xf32>
        %add3A_2571 = arith.constant 13 : i32
        %add3A_2572 = arith.addi %mul3A_1140, %add3A_2571 : i32
        %swap3A_2573 = arith.index_cast %add3A_2572 : i32 to index
        %swap3A_2574 = arith.constant 64 : index
        %swap3A_2575 = tpu.vector_load %arg16[%swap3A_2573, %swap3A_2574] {strides = array<i32>} : memref<128x128xf32, #tpu.memory_space<vmem>>, vector<16xf32>,
        tpu.vector_store %arg16[%swap3A_2573, %swap3A_2574], %mul3A_2570 {strides = array<i32>} : memref<128x128xf32, #tpu.memory_space<vmem>>, vector<16xf32>,
        %add3A_2576 = arith.constant 13 : i32
        %add3A_2577 = arith.addi %mul3A_1140, %add3A_2576 : i32
        %get3A_2578 = arith.index_cast %add3A_2577 : i32 to index
        %get3A_2579 = arith.constant 80 : index
        %get3A_2580 = tpu.vector_load %arg16[%get3A_2578, %get3A_2579] {strides = array<i32>} : memref<128x128xf32, #tpu.memory_space<vmem>>, vector<16xf32>,
        %mul3A_2581 = arith.mulf %get3A_2580, %gather3A_2564 : vector<16xf32>
        %add3A_2582 = arith.constant 13 : i32
        %add3A_2583 = arith.addi %mul3A_1140, %add3A_2582 : i32
        %swap3A_2584 = arith.index_cast %add3A_2583 : i32 to index
        %swap3A_2585 = arith.constant 80 : index
        %swap3A_2586 = tpu.vector_load %arg16[%swap3A_2584, %swap3A_2585] {strides = array<i32>} : memref<128x128xf32, #tpu.memory_space<vmem>>, vector<16xf32>,
        tpu.vector_store %arg16[%swap3A_2584, %swap3A_2585], %mul3A_2581 {strides = array<i32>} : memref<128x128xf32, #tpu.memory_space<vmem>>, vector<16xf32>,
        %broadcast_in_dim3A_2587 = arith.constant 13 : i32
        %broadcast_in_dim3A_2588 = vector.broadcast %broadcast_in_dim3A_2587 : i32 to vector<16x1xi32>
        %gather3A_2589 = vector.shape_cast %broadcast_in_dim3A_2588 : vector<16x1xi32> to vector<16xi32>
        %gather3A_2590 = tpu.dynamic_gather %get3A_1156[%gather3A_2589] in [0] : vector<16xf32>, vector<16xi32> -> vector<16xf32>
        %add3A_2591 = arith.constant 13 : i32
        %add3A_2592 = arith.addi %mul3A_1140, %add3A_2591 : i32
        %get3A_2593 = arith.index_cast %add3A_2592 : i32 to index
        %get3A_2594 = arith.constant 96 : index
        %get3A_2595 = tpu.vector_load %arg16[%get3A_2593, %get3A_2594] {strides = array<i32>} : memref<128x128xf32, #tpu.memory_space<vmem>>, vector<16xf32>,
        %mul3A_2596 = arith.mulf %get3A_2595, %gather3A_2590 : vector<16xf32>
        %add3A_2597 = arith.constant 13 : i32
        %add3A_2598 = arith.addi %mul3A_1140, %add3A_2597 : i32
        %swap3A_2599 = arith.index_cast %add3A_2598 : i32 to index
        %swap3A_2600 = arith.constant 96 : index
        %swap3A_2601 = tpu.vector_load %arg16[%swap3A_2599, %swap3A_2600] {strides = array<i32>} : memref<128x128xf32, #tpu.memory_space<vmem>>, vector<16xf32>,
        tpu.vector_store %arg16[%swap3A_2599, %swap3A_2600], %mul3A_2596 {strides = array<i32>} : memref<128x128xf32, #tpu.memory_space<vmem>>, vector<16xf32>,
        %add3A_2602 = arith.constant 13 : i32
        %add3A_2603 = arith.addi %mul3A_1140, %add3A_2602 : i32
        %get3A_2604 = arith.index_cast %add3A_2603 : i32 to index
        %get3A_2605 = arith.constant 112 : index
        %get3A_2606 = tpu.vector_load %arg16[%get3A_2604, %get3A_2605] {strides = array<i32>} : memref<128x128xf32, #tpu.memory_space<vmem>>, vector<16xf32>,
        %mul3A_2607 = arith.mulf %get3A_2606, %gather3A_2590 : vector<16xf32>
        %add3A_2608 = arith.constant 13 : i32
        %add3A_2609 = arith.addi %mul3A_1140, %add3A_2608 : i32
        %swap3A_2610 = arith.index_cast %add3A_2609 : i32 to index
        %swap3A_2611 = arith.constant 112 : index
        %swap3A_2612 = tpu.vector_load %arg16[%swap3A_2610, %swap3A_2611] {strides = array<i32>} : memref<128x128xf32, #tpu.memory_space<vmem>>, vector<16xf32>,
        tpu.vector_store %arg16[%swap3A_2610, %swap3A_2611], %mul3A_2607 {strides = array<i32>} : memref<128x128xf32, #tpu.memory_space<vmem>>, vector<16xf32>,
        %broadcast_in_dim3A_2613 = arith.constant 14 : i32
        %broadcast_in_dim3A_2614 = vector.broadcast %broadcast_in_dim3A_2613 : i32 to vector<16x1xi32>
        %gather3A_2615 = vector.shape_cast %broadcast_in_dim3A_2614 : vector<16x1xi32> to vector<16xi32>
        %gather3A_2616 = tpu.dynamic_gather %get3A_1144[%gather3A_2615] in [0] : vector<16xf32>, vector<16xi32> -> vector<16xf32>
        %add3A_2617 = arith.constant 14 : i32
        %add3A_2618 = arith.addi %mul3A_1140, %add3A_2617 : i32
        %get3A_2619 = arith.index_cast %add3A_2618 : i32 to index
        %get3A_2620 = arith.constant 0 : index
        %get3A_2621 = tpu.vector_load %arg16[%get3A_2619, %get3A_2620] {strides = array<i32>} : memref<128x128xf32, #tpu.memory_space<vmem>>, vector<16xf32>,
        %mul3A_2622 = arith.mulf %get3A_2621, %gather3A_2616 : vector<16xf32>
        %add3A_2623 = arith.constant 14 : i32
        %add3A_2624 = arith.addi %mul3A_1140, %add3A_2623 : i32
        %swap3A_2625 = arith.index_cast %add3A_2624 : i32 to index
        %swap3A_2626 = arith.constant 0 : index
        %swap3A_2627 = tpu.vector_load %arg16[%swap3A_2625, %swap3A_2626] {strides = array<i32>} : memref<128x128xf32, #tpu.memory_space<vmem>>, vector<16xf32>,
        tpu.vector_store %arg16[%swap3A_2625, %swap3A_2626], %mul3A_2622 {strides = array<i32>} : memref<128x128xf32, #tpu.memory_space<vmem>>, vector<16xf32>,
        %add3A_2628 = arith.constant 14 : i32
        %add3A_2629 = arith.addi %mul3A_1140, %add3A_2628 : i32
        %get3A_2630 = arith.index_cast %add3A_2629 : i32 to index
        %get3A_2631 = arith.constant 16 : index
        %get3A_2632 = tpu.vector_load %arg16[%get3A_2630, %get3A_2631] {strides = array<i32>} : memref<128x128xf32, #tpu.memory_space<vmem>>, vector<16xf32>,
        %mul3A_2633 = arith.mulf %get3A_2632, %gather3A_2616 : vector<16xf32>
        %add3A_2634 = arith.constant 14 : i32
        %add3A_2635 = arith.addi %mul3A_1140, %add3A_2634 : i32
        %swap3A_2636 = arith.index_cast %add3A_2635 : i32 to index
        %swap3A_2637 = arith.constant 16 : index
        %swap3A_2638 = tpu.vector_load %arg16[%swap3A_2636, %swap3A_2637] {strides = array<i32>} : memref<128x128xf32, #tpu.memory_space<vmem>>, vector<16xf32>,
        tpu.vector_store %arg16[%swap3A_2636, %swap3A_2637], %mul3A_2633 {strides = array<i32>} : memref<128x128xf32, #tpu.memory_space<vmem>>, vector<16xf32>,
        %broadcast_in_dim3A_2639 = arith.constant 14 : i32
        %broadcast_in_dim3A_2640 = vector.broadcast %broadcast_in_dim3A_2639 : i32 to vector<16x1xi32>
        %gather3A_2641 = vector.shape_cast %broadcast_in_dim3A_2640 : vector<16x1xi32> to vector<16xi32>
        %gather3A_2642 = tpu.dynamic_gather %get3A_1148[%gather3A_2641] in [0] : vector<16xf32>, vector<16xi32> -> vector<16xf32>
        %add3A_2643 = arith.constant 14 : i32
        %add3A_2644 = arith.addi %mul3A_1140, %add3A_2643 : i32
        %get3A_2645 = arith.index_cast %add3A_2644 : i32 to index
        %get3A_2646 = arith.constant 32 : index
        %get3A_2647 = tpu.vector_load %arg16[%get3A_2645, %get3A_2646] {strides = array<i32>} : memref<128x128xf32, #tpu.memory_space<vmem>>, vector<16xf32>,
        %mul3A_2648 = arith.mulf %get3A_2647, %gather3A_2642 : vector<16xf32>
        %add3A_2649 = arith.constant 14 : i32
        %add3A_2650 = arith.addi %mul3A_1140, %add3A_2649 : i32
        %swap3A_2651 = arith.index_cast %add3A_2650 : i32 to index
        %swap3A_2652 = arith.constant 32 : index
        %swap3A_2653 = tpu.vector_load %arg16[%swap3A_2651, %swap3A_2652] {strides = array<i32>} : memref<128x128xf32, #tpu.memory_space<vmem>>, vector<16xf32>,
        tpu.vector_store %arg16[%swap3A_2651, %swap3A_2652], %mul3A_2648 {strides = array<i32>} : memref<128x128xf32, #tpu.memory_space<vmem>>, vector<16xf32>,
        %add3A_2654 = arith.constant 14 : i32
        %add3A_2655 = arith.addi %mul3A_1140, %add3A_2654 : i32
        %get3A_2656 = arith.index_cast %add3A_2655 : i32 to index
        %get3A_2657 = arith.constant 48 : index
        %get3A_2658 = tpu.vector_load %arg16[%get3A_2656, %get3A_2657] {strides = array<i32>} : memref<128x128xf32, #tpu.memory_space<vmem>>, vector<16xf32>,
        %mul3A_2659 = arith.mulf %get3A_2658, %gather3A_2642 : vector<16xf32>
        %add3A_2660 = arith.constant 14 : i32
        %add3A_2661 = arith.addi %mul3A_1140, %add3A_2660 : i32
        %swap3A_2662 = arith.index_cast %add3A_2661 : i32 to index
        %swap3A_2663 = arith.constant 48 : index
        %swap3A_2664 = tpu.vector_load %arg16[%swap3A_2662, %swap3A_2663] {strides = array<i32>} : memref<128x128xf32, #tpu.memory_space<vmem>>, vector<16xf32>,
        tpu.vector_store %arg16[%swap3A_2662, %swap3A_2663], %mul3A_2659 {strides = array<i32>} : memref<128x128xf32, #tpu.memory_space<vmem>>, vector<16xf32>,
        %broadcast_in_dim3A_2665 = arith.constant 14 : i32
        %broadcast_in_dim3A_2666 = vector.broadcast %broadcast_in_dim3A_2665 : i32 to vector<16x1xi32>
        %gather3A_2667 = vector.shape_cast %broadcast_in_dim3A_2666 : vector<16x1xi32> to vector<16xi32>
        %gather3A_2668 = tpu.dynamic_gather %get3A_1152[%gather3A_2667] in [0] : vector<16xf32>, vector<16xi32> -> vector<16xf32>
        %add3A_2669 = arith.constant 14 : i32
        %add3A_2670 = arith.addi %mul3A_1140, %add3A_2669 : i32
        %get3A_2671 = arith.index_cast %add3A_2670 : i32 to index
        %get3A_2672 = arith.constant 64 : index
        %get3A_2673 = tpu.vector_load %arg16[%get3A_2671, %get3A_2672] {strides = array<i32>} : memref<128x128xf32, #tpu.memory_space<vmem>>, vector<16xf32>,
        %mul3A_2674 = arith.mulf %get3A_2673, %gather3A_2668 : vector<16xf32>
        %add3A_2675 = arith.constant 14 : i32
        %add3A_2676 = arith.addi %mul3A_1140, %add3A_2675 : i32
        %swap3A_2677 = arith.index_cast %add3A_2676 : i32 to index
        %swap3A_2678 = arith.constant 64 : index
        %swap3A_2679 = tpu.vector_load %arg16[%swap3A_2677, %swap3A_2678] {strides = array<i32>} : memref<128x128xf32, #tpu.memory_space<vmem>>, vector<16xf32>,
        tpu.vector_store %arg16[%swap3A_2677, %swap3A_2678], %mul3A_2674 {strides = array<i32>} : memref<128x128xf32, #tpu.memory_space<vmem>>, vector<16xf32>,
        %add3A_2680 = arith.constant 14 : i32
        %add3A_2681 = arith.addi %mul3A_1140, %add3A_2680 : i32
        %get3A_2682 = arith.index_cast %add3A_2681 : i32 to index
        %get3A_2683 = arith.constant 80 : index
        %get3A_2684 = tpu.vector_load %arg16[%get3A_2682, %get3A_2683] {strides = array<i32>} : memref<128x128xf32, #tpu.memory_space<vmem>>, vector<16xf32>,
        %mul3A_2685 = arith.mulf %get3A_2684, %gather3A_2668 : vector<16xf32>
        %add3A_2686 = arith.constant 14 : i32
        %add3A_2687 = arith.addi %mul3A_1140, %add3A_2686 : i32
        %swap3A_2688 = arith.index_cast %add3A_2687 : i32 to index
        %swap3A_2689 = arith.constant 80 : index
        %swap3A_2690 = tpu.vector_load %arg16[%swap3A_2688, %swap3A_2689] {strides = array<i32>} : memref<128x128xf32, #tpu.memory_space<vmem>>, vector<16xf32>,
        tpu.vector_store %arg16[%swap3A_2688, %swap3A_2689], %mul3A_2685 {strides = array<i32>} : memref<128x128xf32, #tpu.memory_space<vmem>>, vector<16xf32>,
        %broadcast_in_dim3A_2691 = arith.constant 14 : i32
        %broadcast_in_dim3A_2692 = vector.broadcast %broadcast_in_dim3A_2691 : i32 to vector<16x1xi32>
        %gather3A_2693 = vector.shape_cast %broadcast_in_dim3A_2692 : vector<16x1xi32> to vector<16xi32>
        %gather3A_2694 = tpu.dynamic_gather %get3A_1156[%gather3A_2693] in [0] : vector<16xf32>, vector<16xi32> -> vector<16xf32>
        %add3A_2695 = arith.constant 14 : i32
        %add3A_2696 = arith.addi %mul3A_1140, %add3A_2695 : i32
        %get3A_2697 = arith.index_cast %add3A_2696 : i32 to index
        %get3A_2698 = arith.constant 96 : index
        %get3A_2699 = tpu.vector_load %arg16[%get3A_2697, %get3A_2698] {strides = array<i32>} : memref<128x128xf32, #tpu.memory_space<vmem>>, vector<16xf32>,
        %mul3A_2700 = arith.mulf %get3A_2699, %gather3A_2694 : vector<16xf32>
        %add3A_2701 = arith.constant 14 : i32
        %add3A_2702 = arith.addi %mul3A_1140, %add3A_2701 : i32
        %swap3A_2703 = arith.index_cast %add3A_2702 : i32 to index
        %swap3A_2704 = arith.constant 96 : index
        %swap3A_2705 = tpu.vector_load %arg16[%swap3A_2703, %swap3A_2704] {strides = array<i32>} : memref<128x128xf32, #tpu.memory_space<vmem>>, vector<16xf32>,
        tpu.vector_store %arg16[%swap3A_2703, %swap3A_2704], %mul3A_2700 {strides = array<i32>} : memref<128x128xf32, #tpu.memory_space<vmem>>, vector<16xf32>,
        %add3A_2706 = arith.constant 14 : i32
        %add3A_2707 = arith.addi %mul3A_1140, %add3A_2706 : i32
        %get3A_2708 = arith.index_cast %add3A_2707 : i32 to index
        %get3A_2709 = arith.constant 112 : index
        %get3A_2710 = tpu.vector_load %arg16[%get3A_2708, %get3A_2709] {strides = array<i32>} : memref<128x128xf32, #tpu.memory_space<vmem>>, vector<16xf32>,
        %mul3A_2711 = arith.mulf %get3A_2710, %gather3A_2694 : vector<16xf32>
        %add3A_2712 = arith.constant 14 : i32
        %add3A_2713 = arith.addi %mul3A_1140, %add3A_2712 : i32
        %swap3A_2714 = arith.index_cast %add3A_2713 : i32 to index
        %swap3A_2715 = arith.constant 112 : index
        %swap3A_2716 = tpu.vector_load %arg16[%swap3A_2714, %swap3A_2715] {strides = array<i32>} : memref<128x128xf32, #tpu.memory_space<vmem>>, vector<16xf32>,
        tpu.vector_store %arg16[%swap3A_2714, %swap3A_2715], %mul3A_2711 {strides = array<i32>} : memref<128x128xf32, #tpu.memory_space<vmem>>, vector<16xf32>,
        %broadcast_in_dim3A_2717 = arith.constant 15 : i32
        %broadcast_in_dim3A_2718 = vector.broadcast %broadcast_in_dim3A_2717 : i32 to vector<16x1xi32>
        %gather3A_2719 = vector.shape_cast %broadcast_in_dim3A_2718 : vector<16x1xi32> to vector<16xi32>
        %gather3A_2720 = tpu.dynamic_gather %get3A_1144[%gather3A_2719] in [0] : vector<16xf32>, vector<16xi32> -> vector<16xf32>
        %add3A_2721 = arith.constant 15 : i32
        %add3A_2722 = arith.addi %mul3A_1140, %add3A_2721 : i32
        %get3A_2723 = arith.index_cast %add3A_2722 : i32 to index
        %get3A_2724 = arith.constant 0 : index
        %get3A_2725 = tpu.vector_load %arg16[%get3A_2723, %get3A_2724] {strides = array<i32>} : memref<128x128xf32, #tpu.memory_space<vmem>>, vector<16xf32>,
        %mul3A_2726 = arith.mulf %get3A_2725, %gather3A_2720 : vector<16xf32>
        %add3A_2727 = arith.constant 15 : i32
        %add3A_2728 = arith.addi %mul3A_1140, %add3A_2727 : i32
        %swap3A_2729 = arith.index_cast %add3A_2728 : i32 to index
        %swap3A_2730 = arith.constant 0 : index
        %swap3A_2731 = tpu.vector_load %arg16[%swap3A_2729, %swap3A_2730] {strides = array<i32>} : memref<128x128xf32, #tpu.memory_space<vmem>>, vector<16xf32>,
        tpu.vector_store %arg16[%swap3A_2729, %swap3A_2730], %mul3A_2726 {strides = array<i32>} : memref<128x128xf32, #tpu.memory_space<vmem>>, vector<16xf32>,
        %add3A_2732 = arith.constant 15 : i32
        %add3A_2733 = arith.addi %mul3A_1140, %add3A_2732 : i32
        %get3A_2734 = arith.index_cast %add3A_2733 : i32 to index
        %get3A_2735 = arith.constant 16 : index
        %get3A_2736 = tpu.vector_load %arg16[%get3A_2734, %get3A_2735] {strides = array<i32>} : memref<128x128xf32, #tpu.memory_space<vmem>>, vector<16xf32>,
        %mul3A_2737 = arith.mulf %get3A_2736, %gather3A_2720 : vector<16xf32>
        %add3A_2738 = arith.constant 15 : i32
        %add3A_2739 = arith.addi %mul3A_1140, %add3A_2738 : i32
        %swap3A_2740 = arith.index_cast %add3A_2739 : i32 to index
        %swap3A_2741 = arith.constant 16 : index
        %swap3A_2742 = tpu.vector_load %arg16[%swap3A_2740, %swap3A_2741] {strides = array<i32>} : memref<128x128xf32, #tpu.memory_space<vmem>>, vector<16xf32>,
        tpu.vector_store %arg16[%swap3A_2740, %swap3A_2741], %mul3A_2737 {strides = array<i32>} : memref<128x128xf32, #tpu.memory_space<vmem>>, vector<16xf32>,
        %broadcast_in_dim3A_2743 = arith.constant 15 : i32
        %broadcast_in_dim3A_2744 = vector.broadcast %broadcast_in_dim3A_2743 : i32 to vector<16x1xi32>
        %gather3A_2745 = vector.shape_cast %broadcast_in_dim3A_2744 : vector<16x1xi32> to vector<16xi32>
        %gather3A_2746 = tpu.dynamic_gather %get3A_1148[%gather3A_2745] in [0] : vector<16xf32>, vector<16xi32> -> vector<16xf32>
        %add3A_2747 = arith.constant 15 : i32
        %add3A_2748 = arith.addi %mul3A_1140, %add3A_2747 : i32
        %get3A_2749 = arith.index_cast %add3A_2748 : i32 to index
        %get3A_2750 = arith.constant 32 : index
        %get3A_2751 = tpu.vector_load %arg16[%get3A_2749, %get3A_2750] {strides = array<i32>} : memref<128x128xf32, #tpu.memory_space<vmem>>, vector<16xf32>,
        %mul3A_2752 = arith.mulf %get3A_2751, %gather3A_2746 : vector<16xf32>
        %add3A_2753 = arith.constant 15 : i32
        %add3A_2754 = arith.addi %mul3A_1140, %add3A_2753 : i32
        %swap3A_2755 = arith.index_cast %add3A_2754 : i32 to index
        %swap3A_2756 = arith.constant 32 : index
        %swap3A_2757 = tpu.vector_load %arg16[%swap3A_2755, %swap3A_2756] {strides = array<i32>} : memref<128x128xf32, #tpu.memory_space<vmem>>, vector<16xf32>,
        tpu.vector_store %arg16[%swap3A_2755, %swap3A_2756], %mul3A_2752 {strides = array<i32>} : memref<128x128xf32, #tpu.memory_space<vmem>>, vector<16xf32>,
        %add3A_2758 = arith.constant 15 : i32
        %add3A_2759 = arith.addi %mul3A_1140, %add3A_2758 : i32
        %get3A_2760 = arith.index_cast %add3A_2759 : i32 to index
        %get3A_2761 = arith.constant 48 : index
        %get3A_2762 = tpu.vector_load %arg16[%get3A_2760, %get3A_2761] {strides = array<i32>} : memref<128x128xf32, #tpu.memory_space<vmem>>, vector<16xf32>,
        %mul3A_2763 = arith.mulf %get3A_2762, %gather3A_2746 : vector<16xf32>
        %add3A_2764 = arith.constant 15 : i32
        %add3A_2765 = arith.addi %mul3A_1140, %add3A_2764 : i32
        %swap3A_2766 = arith.index_cast %add3A_2765 : i32 to index
        %swap3A_2767 = arith.constant 48 : index
        %swap3A_2768 = tpu.vector_load %arg16[%swap3A_2766, %swap3A_2767] {strides = array<i32>} : memref<128x128xf32, #tpu.memory_space<vmem>>, vector<16xf32>,
        tpu.vector_store %arg16[%swap3A_2766, %swap3A_2767], %mul3A_2763 {strides = array<i32>} : memref<128x128xf32, #tpu.memory_space<vmem>>, vector<16xf32>,
        %broadcast_in_dim3A_2769 = arith.constant 15 : i32
        %broadcast_in_dim3A_2770 = vector.broadcast %broadcast_in_dim3A_2769 : i32 to vector<16x1xi32>
        %gather3A_2771 = vector.shape_cast %broadcast_in_dim3A_2770 : vector<16x1xi32> to vector<16xi32>
        %gather3A_2772 = tpu.dynamic_gather %get3A_1152[%gather3A_2771] in [0] : vector<16xf32>, vector<16xi32> -> vector<16xf32>
        %add3A_2773 = arith.constant 15 : i32
        %add3A_2774 = arith.addi %mul3A_1140, %add3A_2773 : i32
        %get3A_2775 = arith.index_cast %add3A_2774 : i32 to index
        %get3A_2776 = arith.constant 64 : index
        %get3A_2777 = tpu.vector_load %arg16[%get3A_2775, %get3A_2776] {strides = array<i32>} : memref<128x128xf32, #tpu.memory_space<vmem>>, vector<16xf32>,
        %mul3A_2778 = arith.mulf %get3A_2777, %gather3A_2772 : vector<16xf32>
        %add3A_2779 = arith.constant 15 : i32
        %add3A_2780 = arith.addi %mul3A_1140, %add3A_2779 : i32
        %swap3A_2781 = arith.index_cast %add3A_2780 : i32 to index
        %swap3A_2782 = arith.constant 64 : index
        %swap3A_2783 = tpu.vector_load %arg16[%swap3A_2781, %swap3A_2782] {strides = array<i32>} : memref<128x128xf32, #tpu.memory_space<vmem>>, vector<16xf32>,
        tpu.vector_store %arg16[%swap3A_2781, %swap3A_2782], %mul3A_2778 {strides = array<i32>} : memref<128x128xf32, #tpu.memory_space<vmem>>, vector<16xf32>,
        %add3A_2784 = arith.constant 15 : i32
        %add3A_2785 = arith.addi %mul3A_1140, %add3A_2784 : i32
        %get3A_2786 = arith.index_cast %add3A_2785 : i32 to index
        %get3A_2787 = arith.constant 80 : index
        %get3A_2788 = tpu.vector_load %arg16[%get3A_2786, %get3A_2787] {strides = array<i32>} : memref<128x128xf32, #tpu.memory_space<vmem>>, vector<16xf32>,
        %mul3A_2789 = arith.mulf %get3A_2788, %gather3A_2772 : vector<16xf32>
        %add3A_2790 = arith.constant 15 : i32
        %add3A_2791 = arith.addi %mul3A_1140, %add3A_2790 : i32
        %swap3A_2792 = arith.index_cast %add3A_2791 : i32 to index
        %swap3A_2793 = arith.constant 80 : index
        %swap3A_2794 = tpu.vector_load %arg16[%swap3A_2792, %swap3A_2793] {strides = array<i32>} : memref<128x128xf32, #tpu.memory_space<vmem>>, vector<16xf32>,
        tpu.vector_store %arg16[%swap3A_2792, %swap3A_2793], %mul3A_2789 {strides = array<i32>} : memref<128x128xf32, #tpu.memory_space<vmem>>, vector<16xf32>,
        %broadcast_in_dim3A_2795 = arith.constant 15 : i32
        %broadcast_in_dim3A_2796 = vector.broadcast %broadcast_in_dim3A_2795 : i32 to vector<16x1xi32>
        %gather3A_2797 = vector.shape_cast %broadcast_in_dim3A_2796 : vector<16x1xi32> to vector<16xi32>
        %gather3A_2798 = tpu.dynamic_gather %get3A_1156[%gather3A_2797] in [0] : vector<16xf32>, vector<16xi32> -> vector<16xf32>
        %add3A_2799 = arith.constant 15 : i32
        %add3A_2800 = arith.addi %mul3A_1140, %add3A_2799 : i32
        %get3A_2801 = arith.index_cast %add3A_2800 : i32 to index
        %get3A_2802 = arith.constant 96 : index
        %get3A_2803 = tpu.vector_load %arg16[%get3A_2801, %get3A_2802] {strides = array<i32>} : memref<128x128xf32, #tpu.memory_space<vmem>>, vector<16xf32>,
        %mul3A_2804 = arith.mulf %get3A_2803, %gather3A_2798 : vector<16xf32>
        %add3A_2805 = arith.constant 15 : i32
        %add3A_2806 = arith.addi %mul3A_1140, %add3A_2805 : i32
        %swap3A_2807 = arith.index_cast %add3A_2806 : i32 to index
        %swap3A_2808 = arith.constant 96 : index
        %swap3A_2809 = tpu.vector_load %arg16[%swap3A_2807, %swap3A_2808] {strides = array<i32>} : memref<128x128xf32, #tpu.memory_space<vmem>>, vector<16xf32>,
        tpu.vector_store %arg16[%swap3A_2807, %swap3A_2808], %mul3A_2804 {strides = array<i32>} : memref<128x128xf32, #tpu.memory_space<vmem>>, vector<16xf32>,
        %add3A_2810 = arith.constant 15 : i32
        %add3A_2811 = arith.addi %mul3A_1140, %add3A_2810 : i32
        %get3A_2812 = arith.index_cast %add3A_2811 : i32 to index
        %get3A_2813 = arith.constant 112 : index
        %get3A_2814 = tpu.vector_load %arg16[%get3A_2812, %get3A_2813] {strides = array<i32>} : memref<128x128xf32, #tpu.memory_space<vmem>>, vector<16xf32>,
        %mul3A_2815 = arith.mulf %get3A_2814, %gather3A_2798 : vector<16xf32>
        %add3A_2816 = arith.constant 15 : i32
        %add3A_2817 = arith.addi %mul3A_1140, %add3A_2816 : i32
        %swap3A_2818 = arith.index_cast %add3A_2817 : i32 to index
        %swap3A_2819 = arith.constant 112 : index
        %swap3A_2820 = tpu.vector_load %arg16[%swap3A_2818, %swap3A_2819] {strides = array<i32>} : memref<128x128xf32, #tpu.memory_space<vmem>>, vector<16xf32>,
        tpu.vector_store %arg16[%swap3A_2818, %swap3A_2819], %mul3A_2815 {strides = array<i32>} : memref<128x128xf32, #tpu.memory_space<vmem>>, vector<16xf32>,
        %scan3A_2821 = arith.constant 0 : i32
        scf.yield %scan3A_2821 : i32
      }
      %scan3A_1135 = arith.constant 8 : i32
      "tpu.region"() ({
        %run_scoped3A = tpu.sem_alloc : memref<!tpu.dma_semaphore, #tpu.memory_space<semaphore_mem>>
        %dma_start3A_1137 = arith.constant 0 : i32
        %dma_start3A_1138 = arith.constant 0 : i32
        %dma_start3A_1139 = tpu.memref_slice %arg21[%dma_start3A_1137, %dma_start3A_1138] : memref<10240x128xf32, #tpu.memory_space<vmem_shared>> -> memref<10240x128xf32, #tpu.memory_space<vmem_shared>>
        tpu.enqueue_indirect_dma source(%arg16 : memref<128x128xf32, #tpu.memory_space<vmem>>) target(%dma_start3A_1139 : memref<10240x128xf32, #tpu.memory_space<vmem_shared>>) offsets(%arg12 : memref<128xi32, #tpu.memory_space<vmem>>) semaphore(%run_scoped3A : memref<!tpu.dma_semaphore, #tpu.memory_space<semaphore_mem>>) {add = true}
        %dma_wait3A_1140 = arith.constant 0 : i32
        %dma_wait3A_1141 = arith.constant 0 : i32
        %dma_wait3A_1142 = tpu.memref_slice %arg21[%dma_wait3A_1140, %dma_wait3A_1141] : memref<10240x128xf32, #tpu.memory_space<vmem_shared>> -> memref<10240x128xf32, #tpu.memory_space<vmem_shared>>
        tpu.wait_indirect_dma semaphore(%run_scoped3A : memref<!tpu.dma_semaphore, #tpu.memory_space<semaphore_mem>>) src(%arg16 : memref<128x128xf32, #tpu.memory_space<vmem>>) dst(%dma_wait3A_1142 : memref<10240x128xf32, #tpu.memory_space<vmem_shared>>)
        tpu.yield
      }) : () -> ()
      %scan3A_1136 = arith.constant 0 : i32
      scf.yield %scan3A_1136 : i32
    }
    %scan3A_339 = arith.constant 79 : i32
    %barrier3A_340 = arith.constant 0 : index
    tpu.barrier barrier_id(%barrier3A_340)
    %add3A_341 = arith.constant 0 : i32
    %add3A_342 = arith.addi %mul3A_292, %add3A_341 : i32
    "tpu.region"() ({
      %run_scoped3A = tpu.sem_alloc : memref<!tpu.dma_semaphore, #tpu.memory_space<semaphore_mem>>
      %dma_start3A = arith.constant 0 : i32
      %dma_start3A_351 = tpu.memref_slice %arg9[%arg0, %add3A_342, %dma_start3A] : memref<2x10240x128xf32, #tpu.memory_space<hbm>> -> memref<1x128x128xf32, #tpu.memory_space<hbm>>
      %dma_start3A_352 = tpu.memref_squeeze %dma_start3A_351 : memref<1x128x128xf32, #tpu.memory_space<hbm>> -> memref<128x128xf32, #tpu.memory_space<hbm>>
      %dma_start3A_353 = arith.constant 0 : i32
      %dma_start3A_354 = tpu.memref_slice %arg21[%add3A_342, %dma_start3A_353] : memref<10240x128xf32, #tpu.memory_space<vmem_shared>> -> memref<128x128xf32, #tpu.memory_space<vmem_shared>>
      tpu.enqueue_dma source(%dma_start3A_354 : memref<128x128xf32, #tpu.memory_space<vmem_shared>>) target(%dma_start3A_352 : memref<128x128xf32, #tpu.memory_space<hbm>>) target_semaphore(%run_scoped3A : memref<!tpu.dma_semaphore, #tpu.memory_space<semaphore_mem>>)
      %dma_wait3A = arith.constant 0 : i32
      %dma_wait3A_355 = tpu.memref_slice %arg9[%arg0, %add3A_342, %dma_wait3A] : memref<2x10240x128xf32, #tpu.memory_space<hbm>> -> memref<1x128x128xf32, #tpu.memory_space<hbm>>
      %dma_wait3A_356 = tpu.memref_squeeze %dma_wait3A_355 : memref<1x128x128xf32, #tpu.memory_space<hbm>> -> memref<128x128xf32, #tpu.memory_space<hbm>>
      %dma_wait3A_357 = arith.constant 0 : i32
      %dma_wait3A_358 = tpu.memref_slice %arg21[%add3A_342, %dma_wait3A_357] : memref<10240x128xf32, #tpu.memory_space<vmem_shared>> -> memref<128x128xf32, #tpu.memory_space<vmem_shared>>
      tpu.wait_dma2 semaphore(%run_scoped3A : memref<!tpu.dma_semaphore, #tpu.memory_space<semaphore_mem>>) src(%dma_wait3A_358 : memref<128x128xf32, #tpu.memory_space<vmem_shared>>) dst(%dma_wait3A_356 : memref<128x128xf32, #tpu.memory_space<hbm>>)
      tpu.yield
    }) : () -> ()
    "tpu.region"() ({
      %run_scoped3A = tpu.sem_alloc : memref<!tpu.dma_semaphore, #tpu.memory_space<semaphore_mem>>
      %dma_start3A = arith.constant 0 : i32
      %dma_start3A_351 = tpu.memref_slice %arg10[%arg0, %add3A_342, %dma_start3A] : memref<2x10240x16xf32, #tpu.memory_space<hbm>> -> memref<1x128x16xf32, #tpu.memory_space<hbm>>
      %dma_start3A_352 = tpu.memref_squeeze %dma_start3A_351 : memref<1x128x16xf32, #tpu.memory_space<hbm>> -> memref<128x16xf32, #tpu.memory_space<hbm>>
      %dma_start3A_353 = arith.constant 0 : i32
      %dma_start3A_354 = tpu.memref_slice %arg22[%add3A_342, %dma_start3A_353] : memref<10240x16xf32, #tpu.memory_space<vmem_shared>> -> memref<128x16xf32, #tpu.memory_space<vmem_shared>>
      tpu.enqueue_dma source(%dma_start3A_354 : memref<128x16xf32, #tpu.memory_space<vmem_shared>>) target(%dma_start3A_352 : memref<128x16xf32, #tpu.memory_space<hbm>>) target_semaphore(%run_scoped3A : memref<!tpu.dma_semaphore, #tpu.memory_space<semaphore_mem>>)
      %dma_wait3A = arith.constant 0 : i32
      %dma_wait3A_355 = tpu.memref_slice %arg10[%arg0, %add3A_342, %dma_wait3A] : memref<2x10240x16xf32, #tpu.memory_space<hbm>> -> memref<1x128x16xf32, #tpu.memory_space<hbm>>
      %dma_wait3A_356 = tpu.memref_squeeze %dma_wait3A_355 : memref<1x128x16xf32, #tpu.memory_space<hbm>> -> memref<128x16xf32, #tpu.memory_space<hbm>>
      %dma_wait3A_357 = arith.constant 0 : i32
      %dma_wait3A_358 = tpu.memref_slice %arg22[%add3A_342, %dma_wait3A_357] : memref<10240x16xf32, #tpu.memory_space<vmem_shared>> -> memref<128x16xf32, #tpu.memory_space<vmem_shared>>
      tpu.wait_dma2 semaphore(%run_scoped3A : memref<!tpu.dma_semaphore, #tpu.memory_space<semaphore_mem>>) src(%dma_wait3A_358 : memref<128x16xf32, #tpu.memory_space<vmem_shared>>) dst(%dma_wait3A_356 : memref<128x16xf32, #tpu.memory_space<hbm>>)
      tpu.yield
    }) : () -> ()
    %add3A_343 = arith.constant 128 : i32
    %add3A_344 = arith.addi %mul3A_292, %add3A_343 : i32
    "tpu.region"() ({
      %run_scoped3A = tpu.sem_alloc : memref<!tpu.dma_semaphore, #tpu.memory_space<semaphore_mem>>
      %dma_start3A = arith.constant 0 : i32
      %dma_start3A_351 = tpu.memref_slice %arg9[%arg0, %add3A_344, %dma_start3A] : memref<2x10240x128xf32, #tpu.memory_space<hbm>> -> memref<1x128x128xf32, #tpu.memory_space<hbm>>
      %dma_start3A_352 = tpu.memref_squeeze %dma_start3A_351 : memref<1x128x128xf32, #tpu.memory_space<hbm>> -> memref<128x128xf32, #tpu.memory_space<hbm>>
      %dma_start3A_353 = arith.constant 0 : i32
      %dma_start3A_354 = tpu.memref_slice %arg21[%add3A_344, %dma_start3A_353] : memref<10240x128xf32, #tpu.memory_space<vmem_shared>> -> memref<128x128xf32, #tpu.memory_space<vmem_shared>>
      tpu.enqueue_dma source(%dma_start3A_354 : memref<128x128xf32, #tpu.memory_space<vmem_shared>>) target(%dma_start3A_352 : memref<128x128xf32, #tpu.memory_space<hbm>>) target_semaphore(%run_scoped3A : memref<!tpu.dma_semaphore, #tpu.memory_space<semaphore_mem>>)
      %dma_wait3A = arith.constant 0 : i32
      %dma_wait3A_355 = tpu.memref_slice %arg9[%arg0, %add3A_344, %dma_wait3A] : memref<2x10240x128xf32, #tpu.memory_space<hbm>> -> memref<1x128x128xf32, #tpu.memory_space<hbm>>
      %dma_wait3A_356 = tpu.memref_squeeze %dma_wait3A_355 : memref<1x128x128xf32, #tpu.memory_space<hbm>> -> memref<128x128xf32, #tpu.memory_space<hbm>>
      %dma_wait3A_357 = arith.constant 0 : i32
      %dma_wait3A_358 = tpu.memref_slice %arg21[%add3A_344, %dma_wait3A_357] : memref<10240x128xf32, #tpu.memory_space<vmem_shared>> -> memref<128x128xf32, #tpu.memory_space<vmem_shared>>
      tpu.wait_dma2 semaphore(%run_scoped3A : memref<!tpu.dma_semaphore, #tpu.memory_space<semaphore_mem>>) src(%dma_wait3A_358 : memref<128x128xf32, #tpu.memory_space<vmem_shared>>) dst(%dma_wait3A_356 : memref<128x128xf32, #tpu.memory_space<hbm>>)
      tpu.yield
    }) : () -> ()
    "tpu.region"() ({
      %run_scoped3A = tpu.sem_alloc : memref<!tpu.dma_semaphore, #tpu.memory_space<semaphore_mem>>
      %dma_start3A = arith.constant 0 : i32
      %dma_start3A_351 = tpu.memref_slice %arg10[%arg0, %add3A_344, %dma_start3A] : memref<2x10240x16xf32, #tpu.memory_space<hbm>> -> memref<1x128x16xf32, #tpu.memory_space<hbm>>
      %dma_start3A_352 = tpu.memref_squeeze %dma_start3A_351 : memref<1x128x16xf32, #tpu.memory_space<hbm>> -> memref<128x16xf32, #tpu.memory_space<hbm>>
      %dma_start3A_353 = arith.constant 0 : i32
      %dma_start3A_354 = tpu.memref_slice %arg22[%add3A_344, %dma_start3A_353] : memref<10240x16xf32, #tpu.memory_space<vmem_shared>> -> memref<128x16xf32, #tpu.memory_space<vmem_shared>>
      tpu.enqueue_dma source(%dma_start3A_354 : memref<128x16xf32, #tpu.memory_space<vmem_shared>>) target(%dma_start3A_352 : memref<128x16xf32, #tpu.memory_space<hbm>>) target_semaphore(%run_scoped3A : memref<!tpu.dma_semaphore, #tpu.memory_space<semaphore_mem>>)
      %dma_wait3A = arith.constant 0 : i32
      %dma_wait3A_355 = tpu.memref_slice %arg10[%arg0, %add3A_344, %dma_wait3A] : memref<2x10240x16xf32, #tpu.memory_space<hbm>> -> memref<1x128x16xf32, #tpu.memory_space<hbm>>
      %dma_wait3A_356 = tpu.memref_squeeze %dma_wait3A_355 : memref<1x128x16xf32, #tpu.memory_space<hbm>> -> memref<128x16xf32, #tpu.memory_space<hbm>>
      %dma_wait3A_357 = arith.constant 0 : i32
      %dma_wait3A_358 = tpu.memref_slice %arg22[%add3A_344, %dma_wait3A_357] : memref<10240x16xf32, #tpu.memory_space<vmem_shared>> -> memref<128x16xf32, #tpu.memory_space<vmem_shared>>
      tpu.wait_dma2 semaphore(%run_scoped3A : memref<!tpu.dma_semaphore, #tpu.memory_space<semaphore_mem>>) src(%dma_wait3A_358 : memref<128x16xf32, #tpu.memory_space<vmem_shared>>) dst(%dma_wait3A_356 : memref<128x16xf32, #tpu.memory_space<hbm>>)
      tpu.yield
    }) : () -> ()
    %add3A_345 = arith.constant 256 : i32
    %add3A_346 = arith.addi %mul3A_292, %add3A_345 : i32
    "tpu.region"() ({
      %run_scoped3A = tpu.sem_alloc : memref<!tpu.dma_semaphore, #tpu.memory_space<semaphore_mem>>
      %dma_start3A = arith.constant 0 : i32
      %dma_start3A_351 = tpu.memref_slice %arg9[%arg0, %add3A_346, %dma_start3A] : memref<2x10240x128xf32, #tpu.memory_space<hbm>> -> memref<1x128x128xf32, #tpu.memory_space<hbm>>
      %dma_start3A_352 = tpu.memref_squeeze %dma_start3A_351 : memref<1x128x128xf32, #tpu.memory_space<hbm>> -> memref<128x128xf32, #tpu.memory_space<hbm>>
      %dma_start3A_353 = arith.constant 0 : i32
      %dma_start3A_354 = tpu.memref_slice %arg21[%add3A_346, %dma_start3A_353] : memref<10240x128xf32, #tpu.memory_space<vmem_shared>> -> memref<128x128xf32, #tpu.memory_space<vmem_shared>>
      tpu.enqueue_dma source(%dma_start3A_354 : memref<128x128xf32, #tpu.memory_space<vmem_shared>>) target(%dma_start3A_352 : memref<128x128xf32, #tpu.memory_space<hbm>>) target_semaphore(%run_scoped3A : memref<!tpu.dma_semaphore, #tpu.memory_space<semaphore_mem>>)
      %dma_wait3A = arith.constant 0 : i32
      %dma_wait3A_355 = tpu.memref_slice %arg9[%arg0, %add3A_346, %dma_wait3A] : memref<2x10240x128xf32, #tpu.memory_space<hbm>> -> memref<1x128x128xf32, #tpu.memory_space<hbm>>
      %dma_wait3A_356 = tpu.memref_squeeze %dma_wait3A_355 : memref<1x128x128xf32, #tpu.memory_space<hbm>> -> memref<128x128xf32, #tpu.memory_space<hbm>>
      %dma_wait3A_357 = arith.constant 0 : i32
      %dma_wait3A_358 = tpu.memref_slice %arg21[%add3A_346, %dma_wait3A_357] : memref<10240x128xf32, #tpu.memory_space<vmem_shared>> -> memref<128x128xf32, #tpu.memory_space<vmem_shared>>
      tpu.wait_dma2 semaphore(%run_scoped3A : memref<!tpu.dma_semaphore, #tpu.memory_space<semaphore_mem>>) src(%dma_wait3A_358 : memref<128x128xf32, #tpu.memory_space<vmem_shared>>) dst(%dma_wait3A_356 : memref<128x128xf32, #tpu.memory_space<hbm>>)
      tpu.yield
    }) : () -> ()
    "tpu.region"() ({
      %run_scoped3A = tpu.sem_alloc : memref<!tpu.dma_semaphore, #tpu.memory_space<semaphore_mem>>
      %dma_start3A = arith.constant 0 : i32
      %dma_start3A_351 = tpu.memref_slice %arg10[%arg0, %add3A_346, %dma_start3A] : memref<2x10240x16xf32, #tpu.memory_space<hbm>> -> memref<1x128x16xf32, #tpu.memory_space<hbm>>
      %dma_start3A_352 = tpu.memref_squeeze %dma_start3A_351 : memref<1x128x16xf32, #tpu.memory_space<hbm>> -> memref<128x16xf32, #tpu.memory_space<hbm>>
      %dma_start3A_353 = arith.constant 0 : i32
      %dma_start3A_354 = tpu.memref_slice %arg22[%add3A_346, %dma_start3A_353] : memref<10240x16xf32, #tpu.memory_space<vmem_shared>> -> memref<128x16xf32, #tpu.memory_space<vmem_shared>>
      tpu.enqueue_dma source(%dma_start3A_354 : memref<128x16xf32, #tpu.memory_space<vmem_shared>>) target(%dma_start3A_352 : memref<128x16xf32, #tpu.memory_space<hbm>>) target_semaphore(%run_scoped3A : memref<!tpu.dma_semaphore, #tpu.memory_space<semaphore_mem>>)
      %dma_wait3A = arith.constant 0 : i32
      %dma_wait3A_355 = tpu.memref_slice %arg10[%arg0, %add3A_346, %dma_wait3A] : memref<2x10240x16xf32, #tpu.memory_space<hbm>> -> memref<1x128x16xf32, #tpu.memory_space<hbm>>
      %dma_wait3A_356 = tpu.memref_squeeze %dma_wait3A_355 : memref<1x128x16xf32, #tpu.memory_space<hbm>> -> memref<128x16xf32, #tpu.memory_space<hbm>>
      %dma_wait3A_357 = arith.constant 0 : i32
      %dma_wait3A_358 = tpu.memref_slice %arg22[%add3A_346, %dma_wait3A_357] : memref<10240x16xf32, #tpu.memory_space<vmem_shared>> -> memref<128x16xf32, #tpu.memory_space<vmem_shared>>
      tpu.wait_dma2 semaphore(%run_scoped3A : memref<!tpu.dma_semaphore, #tpu.memory_space<semaphore_mem>>) src(%dma_wait3A_358 : memref<128x16xf32, #tpu.memory_space<vmem_shared>>) dst(%dma_wait3A_356 : memref<128x16xf32, #tpu.memory_space<hbm>>)
      tpu.yield
    }) : () -> ()
    %add3A_347 = arith.constant 384 : i32
    %add3A_348 = arith.addi %mul3A_292, %add3A_347 : i32
    "tpu.region"() ({
      %run_scoped3A = tpu.sem_alloc : memref<!tpu.dma_semaphore, #tpu.memory_space<semaphore_mem>>
      %dma_start3A = arith.constant 0 : i32
      %dma_start3A_351 = tpu.memref_slice %arg9[%arg0, %add3A_348, %dma_start3A] : memref<2x10240x128xf32, #tpu.memory_space<hbm>> -> memref<1x128x128xf32, #tpu.memory_space<hbm>>
      %dma_start3A_352 = tpu.memref_squeeze %dma_start3A_351 : memref<1x128x128xf32, #tpu.memory_space<hbm>> -> memref<128x128xf32, #tpu.memory_space<hbm>>
      %dma_start3A_353 = arith.constant 0 : i32
      %dma_start3A_354 = tpu.memref_slice %arg21[%add3A_348, %dma_start3A_353] : memref<10240x128xf32, #tpu.memory_space<vmem_shared>> -> memref<128x128xf32, #tpu.memory_space<vmem_shared>>
      tpu.enqueue_dma source(%dma_start3A_354 : memref<128x128xf32, #tpu.memory_space<vmem_shared>>) target(%dma_start3A_352 : memref<128x128xf32, #tpu.memory_space<hbm>>) target_semaphore(%run_scoped3A : memref<!tpu.dma_semaphore, #tpu.memory_space<semaphore_mem>>)
      %dma_wait3A = arith.constant 0 : i32
      %dma_wait3A_355 = tpu.memref_slice %arg9[%arg0, %add3A_348, %dma_wait3A] : memref<2x10240x128xf32, #tpu.memory_space<hbm>> -> memref<1x128x128xf32, #tpu.memory_space<hbm>>
      %dma_wait3A_356 = tpu.memref_squeeze %dma_wait3A_355 : memref<1x128x128xf32, #tpu.memory_space<hbm>> -> memref<128x128xf32, #tpu.memory_space<hbm>>
      %dma_wait3A_357 = arith.constant 0 : i32
      %dma_wait3A_358 = tpu.memref_slice %arg21[%add3A_348, %dma_wait3A_357] : memref<10240x128xf32, #tpu.memory_space<vmem_shared>> -> memref<128x128xf32, #tpu.memory_space<vmem_shared>>
      tpu.wait_dma2 semaphore(%run_scoped3A : memref<!tpu.dma_semaphore, #tpu.memory_space<semaphore_mem>>) src(%dma_wait3A_358 : memref<128x128xf32, #tpu.memory_space<vmem_shared>>) dst(%dma_wait3A_356 : memref<128x128xf32, #tpu.memory_space<hbm>>)
      tpu.yield
    }) : () -> ()
    "tpu.region"() ({
      %run_scoped3A = tpu.sem_alloc : memref<!tpu.dma_semaphore, #tpu.memory_space<semaphore_mem>>
      %dma_start3A = arith.constant 0 : i32
      %dma_start3A_351 = tpu.memref_slice %arg10[%arg0, %add3A_348, %dma_start3A] : memref<2x10240x16xf32, #tpu.memory_space<hbm>> -> memref<1x128x16xf32, #tpu.memory_space<hbm>>
      %dma_start3A_352 = tpu.memref_squeeze %dma_start3A_351 : memref<1x128x16xf32, #tpu.memory_space<hbm>> -> memref<128x16xf32, #tpu.memory_space<hbm>>
      %dma_start3A_353 = arith.constant 0 : i32
      %dma_start3A_354 = tpu.memref_slice %arg22[%add3A_348, %dma_start3A_353] : memref<10240x16xf32, #tpu.memory_space<vmem_shared>> -> memref<128x16xf32, #tpu.memory_space<vmem_shared>>
      tpu.enqueue_dma source(%dma_start3A_354 : memref<128x16xf32, #tpu.memory_space<vmem_shared>>) target(%dma_start3A_352 : memref<128x16xf32, #tpu.memory_space<hbm>>) target_semaphore(%run_scoped3A : memref<!tpu.dma_semaphore, #tpu.memory_space<semaphore_mem>>)
      %dma_wait3A = arith.constant 0 : i32
      %dma_wait3A_355 = tpu.memref_slice %arg10[%arg0, %add3A_348, %dma_wait3A] : memref<2x10240x16xf32, #tpu.memory_space<hbm>> -> memref<1x128x16xf32, #tpu.memory_space<hbm>>
      %dma_wait3A_356 = tpu.memref_squeeze %dma_wait3A_355 : memref<1x128x16xf32, #tpu.memory_space<hbm>> -> memref<128x16xf32, #tpu.memory_space<hbm>>
      %dma_wait3A_357 = arith.constant 0 : i32
      %dma_wait3A_358 = tpu.memref_slice %arg22[%add3A_348, %dma_wait3A_357] : memref<10240x16xf32, #tpu.memory_space<vmem_shared>> -> memref<128x16xf32, #tpu.memory_space<vmem_shared>>
      tpu.wait_dma2 semaphore(%run_scoped3A : memref<!tpu.dma_semaphore, #tpu.memory_space<semaphore_mem>>) src(%dma_wait3A_358 : memref<128x16xf32, #tpu.memory_space<vmem_shared>>) dst(%dma_wait3A_356 : memref<128x16xf32, #tpu.memory_space<hbm>>)
      tpu.yield
    }) : () -> ()
    %add3A_349 = arith.constant 512 : i32
    %add3A_350 = arith.addi %mul3A_292, %add3A_349 : i32
    "tpu.region"() ({
      %run_scoped3A = tpu.sem_alloc : memref<!tpu.dma_semaphore, #tpu.memory_space<semaphore_mem>>
      %dma_start3A = arith.constant 0 : i32
      %dma_start3A_351 = tpu.memref_slice %arg9[%arg0, %add3A_350, %dma_start3A] : memref<2x10240x128xf32, #tpu.memory_space<hbm>> -> memref<1x128x128xf32, #tpu.memory_space<hbm>>
      %dma_start3A_352 = tpu.memref_squeeze %dma_start3A_351 : memref<1x128x128xf32, #tpu.memory_space<hbm>> -> memref<128x128xf32, #tpu.memory_space<hbm>>
      %dma_start3A_353 = arith.constant 0 : i32
      %dma_start3A_354 = tpu.memref_slice %arg21[%add3A_350, %dma_start3A_353] : memref<10240x128xf32, #tpu.memory_space<vmem_shared>> -> memref<128x128xf32, #tpu.memory_space<vmem_shared>>
      tpu.enqueue_dma source(%dma_start3A_354 : memref<128x128xf32, #tpu.memory_space<vmem_shared>>) target(%dma_start3A_352 : memref<128x128xf32, #tpu.memory_space<hbm>>) target_semaphore(%run_scoped3A : memref<!tpu.dma_semaphore, #tpu.memory_space<semaphore_mem>>)
      %dma_wait3A = arith.constant 0 : i32
      %dma_wait3A_355 = tpu.memref_slice %arg9[%arg0, %add3A_350, %dma_wait3A] : memref<2x10240x128xf32, #tpu.memory_space<hbm>> -> memref<1x128x128xf32, #tpu.memory_space<hbm>>
      %dma_wait3A_356 = tpu.memref_squeeze %dma_wait3A_355 : memref<1x128x128xf32, #tpu.memory_space<hbm>> -> memref<128x128xf32, #tpu.memory_space<hbm>>
      %dma_wait3A_357 = arith.constant 0 : i32
      %dma_wait3A_358 = tpu.memref_slice %arg21[%add3A_350, %dma_wait3A_357] : memref<10240x128xf32, #tpu.memory_space<vmem_shared>> -> memref<128x128xf32, #tpu.memory_space<vmem_shared>>
      tpu.wait_dma2 semaphore(%run_scoped3A : memref<!tpu.dma_semaphore, #tpu.memory_space<semaphore_mem>>) src(%dma_wait3A_358 : memref<128x128xf32, #tpu.memory_space<vmem_shared>>) dst(%dma_wait3A_356 : memref<128x128xf32, #tpu.memory_space<hbm>>)
      tpu.yield
    }) : () -> ()
    "tpu.region"() ({
      %run_scoped3A = tpu.sem_alloc : memref<!tpu.dma_semaphore, #tpu.memory_space<semaphore_mem>>
      %dma_start3A = arith.constant 0 : i32
      %dma_start3A_351 = tpu.memref_slice %arg10[%arg0, %add3A_350, %dma_start3A] : memref<2x10240x16xf32, #tpu.memory_space<hbm>> -> memref<1x128x16xf32, #tpu.memory_space<hbm>>
      %dma_start3A_352 = tpu.memref_squeeze %dma_start3A_351 : memref<1x128x16xf32, #tpu.memory_space<hbm>> -> memref<128x16xf32, #tpu.memory_space<hbm>>
      %dma_start3A_353 = arith.constant 0 : i32
      %dma_start3A_354 = tpu.memref_slice %arg22[%add3A_350, %dma_start3A_353] : memref<10240x16xf32, #tpu.memory_space<vmem_shared>> -> memref<128x16xf32, #tpu.memory_space<vmem_shared>>
      tpu.enqueue_dma source(%dma_start3A_354 : memref<128x16xf32, #tpu.memory_space<vmem_shared>>) target(%dma_start3A_352 : memref<128x16xf32, #tpu.memory_space<hbm>>) target_semaphore(%run_scoped3A : memref<!tpu.dma_semaphore, #tpu.memory_space<semaphore_mem>>)
      %dma_wait3A = arith.constant 0 : i32
      %dma_wait3A_355 = tpu.memref_slice %arg10[%arg0, %add3A_350, %dma_wait3A] : memref<2x10240x16xf32, #tpu.memory_space<hbm>> -> memref<1x128x16xf32, #tpu.memory_space<hbm>>
      %dma_wait3A_356 = tpu.memref_squeeze %dma_wait3A_355 : memref<1x128x16xf32, #tpu.memory_space<hbm>> -> memref<128x16xf32, #tpu.memory_space<hbm>>
      %dma_wait3A_357 = arith.constant 0 : i32
      %dma_wait3A_358 = tpu.memref_slice %arg22[%add3A_350, %dma_wait3A_357] : memref<10240x16xf32, #tpu.memory_space<vmem_shared>> -> memref<128x16xf32, #tpu.memory_space<vmem_shared>>
      tpu.wait_dma2 semaphore(%run_scoped3A : memref<!tpu.dma_semaphore, #tpu.memory_space<semaphore_mem>>) src(%dma_wait3A_358 : memref<128x16xf32, #tpu.memory_space<vmem_shared>>) dst(%dma_wait3A_356 : memref<128x16xf32, #tpu.memory_space<hbm>>)
      tpu.yield
    }) : () -> ()
    return
  }
}

module attributes {stable_mosaic.version = 14 : i64} {
  func.func @_proj_body(%arg0: i32, %arg1: memref<2048x128xf32, #tpu.memory_space<vmem>>, %arg2: memref<128x128xf32, #tpu.memory_space<vmem>>, %arg3: memref<128x16xf32, #tpu.memory_space<vmem>>, %arg4: memref<2048x128xf32, #tpu.memory_space<vmem>>, %arg5: memref<2048x16xf32, #tpu.memory_space<vmem>>) attributes {dimension_semantics = [#tpu.dimension_semantics<arbitrary>], iteration_bounds = array<i64: 5>, scalar_prefetch = 0 : i64, scratch_operands = 0 : i64, tpu.core_type = #tpu.core_type<tc>, window_params = [{transform_indices = @transform_0, window_bounds = array<i64: 2048, 128>}, {pipeline_mode = #tpu.pipeline_mode<synchronous>, transform_indices = @transform_1, window_bounds = array<i64: 128, 128>}, {pipeline_mode = #tpu.pipeline_mode<synchronous>, transform_indices = @transform_2, window_bounds = array<i64: 128, 16>}, {transform_indices = @transform_3, window_bounds = array<i64: 2048, 128>}, {transform_indices = @transform_4, window_bounds = array<i64: 2048, 16>}]} {
    %get3A = arith.constant 0 : index
    %get3A_0 = arith.constant 0 : index
    %get3A_1 = vector.load %arg1[%get3A, %get3A_0] : memref<2048x128xf32, #tpu.memory_space<vmem>>, vector<2048x128xf32>
    %get3A_2 = arith.constant 0 : index
    %get3A_3 = arith.constant 0 : index
    %get3A_4 = vector.load %arg2[%get3A_2, %get3A_3] : memref<128x128xf32, #tpu.memory_space<vmem>>, vector<128x128xf32>
    %dot_general3A = arith.constant dense<0.000000e+00> : vector<2048x128xf32>
    %dot_general3A_5 = tpu.matmul %get3A_1, %get3A_4, %dot_general3A {dimension_numbers = #tpu.dot_dimension_numbers<[1], [1], [0], [0], [0, 0, 1, 0], [], []>, transpose_lhs_hint = false} : vector<2048x128xf32>, vector<128x128xf32>, vector<2048x128xf32> -> vector<2048x128xf32>
    %swap3A = arith.constant 0 : index
    %swap3A_6 = arith.constant 0 : index
    %swap3A_7 = vector.load %arg4[%swap3A, %swap3A_6] : memref<2048x128xf32, #tpu.memory_space<vmem>>, vector<2048x128xf32>
    tpu.vector_store %arg4[%swap3A, %swap3A_6], %dot_general3A_5 {strides = array<i32>} : memref<2048x128xf32, #tpu.memory_space<vmem>>, vector<2048x128xf32>,
    %get3A_8 = arith.constant 0 : index
    %get3A_9 = arith.constant 0 : index
    %get3A_10 = vector.load %arg3[%get3A_8, %get3A_9] : memref<128x16xf32, #tpu.memory_space<vmem>>, vector<128x16xf32>
    %dot_general3A_11 = arith.constant dense<0.000000e+00> : vector<2048x16xf32>
    %dot_general3A_12 = tpu.matmul %dot_general3A_5, %get3A_10, %dot_general3A_11 {dimension_numbers = #tpu.dot_dimension_numbers<[1], [0], [0], [1], [0, 0, 1, 1], [], []>, transpose_lhs_hint = false} : vector<2048x128xf32>, vector<128x16xf32>, vector<2048x16xf32> -> vector<2048x16xf32>
    %swap3A_13 = arith.constant 0 : index
    %swap3A_14 = arith.constant 0 : index
    %swap3A_15 = vector.load %arg5[%swap3A_13, %swap3A_14] : memref<2048x16xf32, #tpu.memory_space<vmem>>, vector<2048x16xf32>
    tpu.vector_store %arg5[%swap3A_13, %swap3A_14], %dot_general3A_12 {strides = array<i32>} : memref<2048x16xf32, #tpu.memory_space<vmem>>, vector<2048x16xf32>,
    return
  }
  func.func @transform_0(%arg0: i32) -> (i32, i32) {
    %c0_i32 = arith.constant 0 : i32
    %c0_i32_0 = arith.constant 0 : i32
    return %arg0, %c0_i32 : i32, i32
  }
  func.func @transform_1(%arg0: i32) -> (i32, i32) {
    %c0_i32 = arith.constant 0 : i32
    %c0_i32_0 = arith.constant 0 : i32
    %c0_i32_1 = arith.constant 0 : i32
    return %c0_i32, %c0_i32_0 : i32, i32
  }
  func.func @transform_2(%arg0: i32) -> (i32, i32) {
    %c0_i32 = arith.constant 0 : i32
    %c0_i32_0 = arith.constant 0 : i32
    %c0_i32_1 = arith.constant 0 : i32
    return %c0_i32, %c0_i32_0 : i32, i32
  }
  func.func @transform_3(%arg0: i32) -> (i32, i32) {
    %c0_i32 = arith.constant 0 : i32
    %c0_i32_0 = arith.constant 0 : i32
    return %arg0, %c0_i32 : i32, i32
  }
  func.func @transform_4(%arg0: i32) -> (i32, i32) {
    %c0_i32 = arith.constant 0 : i32
    %c0_i32_0 = arith.constant 0 : i32
    return %arg0, %c0_i32 : i32, i32
  }
}

module attributes {stable_mosaic.version = 14 : i64} {
  func.func @_final_body(%arg0: i32, %arg1: memref<2000x128xf32, #tpu.memory_space<vmem>>, %arg2: memref<2000x128xf32, #tpu.memory_space<vmem>>, %arg3: memref<2000x16xf32, #tpu.memory_space<vmem>>, %arg4: memref<2000x16xf32, #tpu.memory_space<vmem>>, %arg5: memref<16x128xf32, #tpu.memory_space<vmem>>, %arg6: memref<1x128xf32, #tpu.memory_space<vmem>>, %arg7: memref<2000x128xf32, #tpu.memory_space<vmem>>) attributes {dimension_semantics = [#tpu.dimension_semantics<arbitrary>], iteration_bounds = array<i64: 5>, scalar_prefetch = 0 : i64, scratch_operands = 0 : i64, tpu.core_type = #tpu.core_type<tc>, window_params = [{transform_indices = @transform_0, window_bounds = array<i64: 2000, 128>}, {transform_indices = @transform_1, window_bounds = array<i64: 2000, 128>}, {transform_indices = @transform_2, window_bounds = array<i64: 2000, 16>}, {transform_indices = @transform_3, window_bounds = array<i64: 2000, 16>}, {pipeline_mode = #tpu.pipeline_mode<synchronous>, transform_indices = @transform_4, window_bounds = array<i64: 16, 128>}, {pipeline_mode = #tpu.pipeline_mode<synchronous>, transform_indices = @transform_5, window_bounds = array<i64: 1, 128>}, {transform_indices = @transform_6, window_bounds = array<i64: 2000, 128>}]} {
    %get3A = arith.constant 0 : index
    %get3A_0 = arith.constant 0 : index
    %get3A_1 = vector.load %arg3[%get3A, %get3A_0] : memref<2000x16xf32, #tpu.memory_space<vmem>>, vector<2000x16xf32>
    %get3A_2 = arith.constant 0 : index
    %get3A_3 = arith.constant 0 : index
    %get3A_4 = vector.load %arg4[%get3A_2, %get3A_3] : memref<2000x16xf32, #tpu.memory_space<vmem>>, vector<2000x16xf32>
    %add3A = arith.addf %get3A_1, %get3A_4 : vector<2000x16xf32>
    %get3A_5 = arith.constant 0 : index
    %get3A_6 = arith.constant 0 : index
    %get3A_7 = vector.load %arg5[%get3A_5, %get3A_6] : memref<16x128xf32, #tpu.memory_space<vmem>>, vector<16x128xf32>
    %dot_general3A = arith.constant dense<0.000000e+00> : vector<2000x128xf32>
    %dot_general3A_8 = tpu.matmul %add3A, %get3A_7, %dot_general3A {dimension_numbers = #tpu.dot_dimension_numbers<[1], [0], [0], [1], [0, 0, 1, 1], [], []>, transpose_lhs_hint = false} : vector<2000x16xf32>, vector<16x128xf32>, vector<2000x128xf32> -> vector<2000x128xf32>
    %gt3A = arith.constant 0.000000e+00 : f32
    %gt3A_9 = vector.broadcast %gt3A : f32 to vector<2000x128xf32>
    %gt3A_10 = arith.cmpf ogt, %dot_general3A_8, %gt3A_9 : vector<2000x128xf32>
    %jit3A = arith.constant 1.000000e+00 : f32
    %broadcast_in_dim3A = vector.broadcast %jit3A : f32 to vector<2000x128xf32>
    %select_n3A = arith.select %gt3A_10, %dot_general3A_8, %broadcast_in_dim3A : vector<2000x128xi1>, vector<2000x128xf32>
    %get3A_11 = arith.constant 0 : index
    %get3A_12 = arith.constant 0 : index
    %get3A_13 = vector.load %arg1[%get3A_11, %get3A_12] : memref<2000x128xf32, #tpu.memory_space<vmem>>, vector<2000x128xf32>
    %get3A_14 = arith.constant 0 : index
    %get3A_15 = arith.constant 0 : index
    %get3A_16 = vector.load %arg2[%get3A_14, %get3A_15] : memref<2000x128xf32, #tpu.memory_space<vmem>>, vector<2000x128xf32>
    %add3A_17 = arith.addf %get3A_13, %get3A_16 : vector<2000x128xf32>
    %div3A = arith.divf %add3A_17, %select_n3A : vector<2000x128xf32>
    %get3A_18 = arith.constant 0 : index
    %get3A_19 = arith.constant 0 : index
    %get3A_20 = vector.load %arg6[%get3A_18, %get3A_19] : memref<1x128xf32, #tpu.memory_space<vmem>>, vector<1x128xf32>
    %add3A_21 = vector.broadcast %get3A_20 : vector<1x128xf32> to vector<2000x128xf32>
    %add3A_22 = arith.addf %div3A, %add3A_21 : vector<2000x128xf32>
    %swap3A = arith.constant 0 : index
    %swap3A_23 = arith.constant 0 : index
    %swap3A_24 = vector.load %arg7[%swap3A, %swap3A_23] : memref<2000x128xf32, #tpu.memory_space<vmem>>, vector<2000x128xf32>
    tpu.vector_store %arg7[%swap3A, %swap3A_23], %add3A_22 {strides = array<i32>} : memref<2000x128xf32, #tpu.memory_space<vmem>>, vector<2000x128xf32>,
    return
  }
  func.func @transform_0(%arg0: i32) -> (i32, i32) {
    %c0_i32 = arith.constant 0 : i32
    %c0_i32_0 = arith.constant 0 : i32
    return %arg0, %c0_i32 : i32, i32
  }
  func.func @transform_1(%arg0: i32) -> (i32, i32) {
    %c0_i32 = arith.constant 0 : i32
    %c0_i32_0 = arith.constant 0 : i32
    return %arg0, %c0_i32 : i32, i32
  }
  func.func @transform_2(%arg0: i32) -> (i32, i32) {
    %c0_i32 = arith.constant 0 : i32
    %c0_i32_0 = arith.constant 0 : i32
    return %arg0, %c0_i32 : i32, i32
  }
  func.func @transform_3(%arg0: i32) -> (i32, i32) {
    %c0_i32 = arith.constant 0 : i32
    %c0_i32_0 = arith.constant 0 : i32
    return %arg0, %c0_i32 : i32, i32
  }
  func.func @transform_4(%arg0: i32) -> (i32, i32) {
    %c0_i32 = arith.constant 0 : i32
    %c0_i32_0 = arith.constant 0 : i32
    %c0_i32_1 = arith.constant 0 : i32
    return %c0_i32, %c0_i32_0 : i32, i32
  }
  func.func @transform_5(%arg0: i32) -> (i32, i32) {
    %c0_i32 = arith.constant 0 : i32
    %c0_i32_0 = arith.constant 0 : i32
    %c0_i32_1 = arith.constant 0 : i32
    return %c0_i32, %c0_i32_0 : i32, i32
  }
  func.func @transform_6(%arg0: i32) -> (i32, i32) {
    %c0_i32 = arith.constant 0 : i32
    %c0_i32_0 = arith.constant 0 : i32
    return %arg0, %c0_i32 : i32, i32
  }
}

</mosaic_0001>

<sc_bundles>
// kernel: kernel.5.cloned.1.call-start
scs
__scs_entry_jumppad:
0x0: {  	(pc) =	sbr.rel $0x88, $3  }
0x1: {  	(tag) =	ssettag $0x0;
	lr =	simm.s32 $0x1  }
0x2: {  	[smem:$0x3F98] =	sst lr;
	_ =	strace $0xD0000000  }
0x3: {  	_ = 	snop  }
0x4: {  	_ = 	snop  }
0x5: {  	_ = 	snop  }
0x6: {  	_ = 	snop  }
0x7: {  	_ = 	snop  }
__scs_overlays_trampoline_lowered:
0x8: {  	[smem:$0x3FA7] =	sst s0  }
0x9: {  	[smem:$0x3FA8] =	sst s1  }
0xa: {  	[smem:$0x3FA9] =	sst s2  }
0xb: {  	[smem:$0x3FAA] =	sst s3  }
0xc: {  	[smem:$0x3FAB] =	sst s4  }
0xd: {  	[smem:$0x3FAC] =	sst s5  }
0xe: {  	[smem:$0x3FAD] =	sst s6  }
0xf: {  	[smem:$0x3FAE] =	sst s7  }
0x10: {  	[smem:$0x3FAF] =	sst s8  }
0x11: {  	[smem:$0x3FB0] =	sst s9;
	s0 =	simm.s32 @!p0 $0x0  }
0x12: {  	s1 =	sld [smem:$0x3F96];
	s0 =	simm.s32 @p0 $0x1  }
0x13: {  	[smem:$0x3FB1] =	sst s0;
	s0 =	simm.s32 @!p1 $0x0  }
0x14: {  	s2 =	sld [smem:$0x3F95];
	s0 =	simm.s32 @p1 $0x1  }
0x15: {  	[smem:$0x3FB2] =	sst s0;
	s0 =	simm.s32 @!p2 $0x0  }
0x16: {  	s3 =	sld [smem:$0x3FDB];
	s0 =	simm.s32 @p2 $0x1  }
0x17: {  	s4 =	simm.s32 $0x1BF5;
	[smem:$0x3FB4] =	sst s0  }
0x18: {  	s0 =	sld [smem:$0x3F97];
	_ =	swait.ge [sflag:s4], $0x0  }
0x19: {  	s7 =	sld [smem:$0x3F98]  }
0x1a: {  	s8 =	sadd.s32 $0xFFFFE003, lr  }
0x1b: {  	s9 =	sadd.s32 $0xFFFFFEF7, lr;
	s5 =	simm.s32 $0xFFFFFFFF;
	p2 =	slt.u32 s8, $0xFFFFF086  }
0x1c: {  	p1 =	slt.u32 s9, $0xF7A;
	s5 =	simm.s32 @!p2 $0x0  }
0x1d: {  	s5 =	simm.s32 @p1 $0x1;
	p0 =	seq.s32 s7, s2  }
0x1e: {  	s7 =	smul.u32 @!p0 $0xF7A, s2;
	p2 =	seq.s32 @!p0 s5, $0x0  }
0x1f: {  	s9 =	smul.u32 $0xF7A, s1;
	s8 =	simm.s32 @!p0 $0x1BF5;
	p2 =	por !p2, p0  }
0x20: {  	[sflag:s8] =	ssyncset.s32 @!p0 $0xFFFFF086;
	s6 =	sadd.s32 @!p0 s3, s7;
	s7 =	simm.s32 @!p0 $0x108  }
0x21: {  	s3 =	sadd.s32 s3, s9;
	s6 =	sadd.s32 @!p0 $0x88, s6;
	s7 =	simm.s32 @p2 $0x1082  }
0x22: {  	[simem:s7], [sflag:s8] =	dma.local @!p0 [hbm:s6], $0xF7A  }
0x23: {  	s9 =	sor.u32 $0xD0000000, s2;
	s6 =	simm.s32 $0x108;
	_ =	swait.ge @!p0 [sflag:s8], $0x0  }
0x24: {  	s3 =	sadd.s32 $0x88, s3;
	s6 =	simm.s32 @!p1 $0x1082;
	[sflag:s4] =	ssyncset.s32 $0xFFFFF086  }
0x25: {  	[simem:s6], [sflag:s4] =	dma.local [hbm:s3], $0xF7A  }
0x26: {  	[smem:$0x3F98] =	sst s1;
	(tag) =	ssettag s2;
	_ =	strace s9  }
0x27: {  	s1 =	sld [smem:$0x3FA8]  }
0x28: {  	s2 =	sld [smem:$0x3FA9]  }
0x29: {  	s4 =	sld [smem:$0x3FAB]  }
0x2a: {  	p0 =	seq.s32 s5, $0x0;
	s5 =	sld [smem:$0x3FAC]  }
0x2b: {  	s6 =	sld [smem:$0x3FAD]  }
0x2c: {  	s7 =	sld [smem:$0x3FAE]  }
0x2d: {  	s3 =	simm.s32 $0x108;
	s8 =	sld [smem:$0x3FAF]  }
0x2e: {  	s3 =	simm.s32 @!p0 $0x1082;
	s9 =	sld [smem:$0x3FB0]  }
0x2f: {  	lr =	sadd.s32 s0, s3;
	s0 =	sld [smem:$0x3FA7]  }
0x30: {  	s3 =	sld [smem:$0x3FAA]  }
0x31: {  	[smem:$0x3FB3] =	sst s10  }
0x32: {  	s10 =	sld [smem:$0x3FB1];
	_ =	sdelay $0x3  }
0x33: {  	p0 =	seq.s32 s10, $0x1;
	s10 =	sld [smem:$0x3FB3];
	_ =	sdelay $0x3  }
0x34: {  	[smem:$0x3FB3] =	sst s10  }
0x35: {  	s10 =	sld [smem:$0x3FB2];
	_ =	sdelay $0x3  }
0x36: {  	p1 =	seq.s32 s10, $0x1;
	s10 =	sld [smem:$0x3FB3];
	_ =	sdelay $0x3  }
0x37: {  	[smem:$0x3FB3] =	sst s10  }
0x38: {  	s10 =	sld [smem:$0x3FB4]  }
0x39: {  	_ = 	snop;
	(pc) =	sbr.ind lr, $3  }
0x3a: {  	_ = 	snop  }
0x3b: {  	_ = 	snop  }
0x3c: {  	p2 =	seq.s32 s10, $0x1;
	s10 =	sld [smem:$0x3FB3]  }
0x3d: {  	_ =	shalt  }
0x3e: {  	_ =	shalt  }
0x3f: {  	_ =	shalt  }
0x40: {  	_ =	shalt  }
0x41: {  	_ =	shalt  }
0x42: {  	_ =	shalt  }
0x43: {  	_ =	shalt  }
0x44: {  	_ =	shalt  }
0x45: {  	_ =	shalt  }
0x46: {  	_ =	shalt  }
0x47: {  	_ =	shalt  }
0x48: {  	_ =	shalt  }
0x49: {  	_ =	shalt  }
0x4a: {  	_ =	shalt  }
0x4b: {  	_ =	shalt  }
0x4c: {  	_ =	shalt  }
0x4d: {  	_ =	shalt  }
0x4e: {  	_ =	shalt  }
0x4f: {  	_ =	shalt  }
0x50: {  	_ =	shalt  }
0x51: {  	_ =	shalt  }
0x52: {  	_ =	shalt  }
0x53: {  	_ =	shalt  }
0x54: {  	_ =	shalt  }
0x55: {  	_ =	shalt  }
0x56: {  	_ =	shalt  }
0x57: {  	_ =	shalt  }
0x58: {  	_ =	shalt  }
0x59: {  	_ =	shalt  }
0x5a: {  	_ =	shalt  }
0x5b: {  	_ =	shalt  }
0x5c: {  	_ =	shalt  }
0x5d: {  	_ =	shalt  }
0x5e: {  	_ =	shalt  }
0x5f: {  	_ =	shalt  }
0x60: {  	_ =	shalt  }
0x61: {  	_ =	shalt  }
0x62: {  	_ =	shalt  }
0x63: {  	_ =	shalt  }
0x64: {  	_ =	shalt  }
0x65: {  	_ =	shalt  }
0x66: {  	_ =	shalt  }
0x67: {  	_ =	shalt  }
0x68: {  	_ =	shalt  }
0x69: {  	_ =	shalt  }
0x6a: {  	_ =	shalt  }
0x6b: {  	_ =	shalt  }
0x6c: {  	_ =	shalt  }
0x6d: {  	_ =	shalt  }
0x6e: {  	_ =	shalt  }
0x6f: {  	_ =	shalt  }
0x70: {  	_ =	shalt  }
0x71: {  	_ =	shalt  }
0x72: {  	_ =	shalt  }
0x73: {  	_ =	shalt  }
0x74: {  	_ =	shalt  }
0x75: {  	_ =	shalt  }
0x76: {  	_ =	shalt  }
0x77: {  	_ =	shalt  }
0x78: {  	_ =	shalt  }
0x79: {  	_ =	shalt  }
0x7a: {  	_ =	shalt  }
0x7b: {  	_ =	shalt  }
0x7c: {  	_ =	shalt  }
0x7d: {  	_ =	shalt  }
0x7e: {  	_ =	shalt  }
0x7f: {  	_ =	shalt  }
0x80: {  	_ =	shalt  }
0x81: {  	_ =	shalt  }
0x82: {  	_ =	shalt  }
0x83: {  	_ =	shalt  }
0x84: {  	_ =	shalt  }
0x85: {  	_ =	shalt  }
0x86: {  	_ =	shalt  }
0x87: {  	_ =	shalt  }
.Lfunc_end0:
.L_simem_size_0:
called_computation_lowered:
.L_overlay_start_0:
0x88: {  	s2 =	sld [smem:$0x3FD9]  }
0x89: {  	s3 =	sld [smem:$0x3FFE];
	_ =	sdelay $0x1  }
0x8a: {  	s1 =	srdreg.scid  }
0x8b: {  	s0 =	sand.u32 $0x1, s1  }
0x8c: {  	s17 =	sshll.u32 s0, $0xA;
	s2 =	sadd.s32 s3, s2  }
0x8d: {  	s2 =	sadd.s32 s2, s17  }
0x8e: {  	[smem:$0x3FBF] =	sst s2  }
0x8f: {  	_ = 	snop  }
0x90: {  	s2 =	sld [smem:$0x3FD0];
	(tm) =	ssettm $0x1  }
0x91: {  	s18 =	sld [smem:$0x3FFB];
	_ =	sdelay $0x3  }
0x92: {  	_ =	strace s18  }
0x93: {  	s3 =	sld [smem:$0x3FFC];
	_ =	sdelay $0x3  }
0x94: {  	_ =	strace s3  }
0x95: {  	s3 =	sld [smem:$0x3FFD];
	_ =	sdelay $0x3  }
0x96: {  	_ =	strace s3  }
0x97: {  	_ =	strace $0x8FFFFFFF  }
0x98: {  	s19 =	sld [smem:$0x3FDB];
	_ =	sdelay $0x1  }
0x99: {  	s4 =	simm.s32 $_scs_section_size  }
0x9a: {  	s5 =	simm.s32 $_size__tile_overlayer_lowered;
	s6 =	simm.s32 $_tile_overlayer_lowered  }
0x9b: {  	s22 =	simm.s32 $0x1BFF;
	s21 =	sshll.u32 s6, $0x1;
	s3 =	sadd.s32 s4, s19  }
0x9c: {  	s7 =	simm.s32 $0x0;
	s20 =	sshll.u32 s5, $0x1;
	s5 =	sadd.s32 s21, s3  }
0x9d: {  	[timem:s7], [sflag:s22] =	dma.local [hbm:s5], s20  }
0x9e: {  	_ =	swait.ge [sflag:s22], s20  }
0x9f: {  	s4 =	ssub.s32 $0x0, s20;
	[sflag:s22] =	ssyncset.done $0x0  }
0xa0: {  	[sflag:s22] =	ssyncadd.s32 s4;
	_ =	sdelay $0x1  }
0xa1: {  	s23 =	simm.s32 $0x1B8B  }
0xa2: {  	_ =	swait.ge [sflag:s23], $0x1  }
0xa3: {  	[sflag:s23] =	ssyncset.done $0x0  }
0xa4: {  	s25 =	simm.s32 $0x1B8E;
	s24 =	sld [smem:$0x3FFE];
	[sflag:s23] =	ssyncadd.s32 $0xFFFFFFFF  }
0xa5: {  	s26 =	simm.s32 $execute0_lowered;
	[smem:$0x3FD2] =	sst s25  }
0xa6: {  	s5 =	sshll.u32 s26, $0x1;
	_ =	strace $0x80000046;
	[dreg:$0x1] =	wrdreg $0xFFFFFFFF  }
0xa7: {  	s28 =	simm.s32 $_size_execute0_lowered;
	s3 =	sadd.s32 s3, s5;
	[dreg:$0x0] =	wrdreg $0x0  }
0xa8: {  	s5 =	sshll.u32 s28, $0x1;
	[dreg:$0x2] =	wrdreg s3  }
0xa9: {  	[dreg:$0x3] =	wrdreg s5  }
0xaa: {  	[dreg:$0x4] =	wrdreg $0xC0  }
0xab: {  	_ =	task [dreg:s7], $0x5FFFF  }
0xac: {  	[dreg:$0x1] =	wrdreg $0xFFFFFFFF  }
0xad: {  	[dreg:$0x0] =	wrdreg $0x60  }
0xae: {  	[dreg:$0x2] =	wrdreg s24  }
0xaf: {  	[dreg:$0x3] =	wrdreg s2  }
0xb0: {  	[dreg:$0x4] =	wrdreg $0x5BA00  }
0xb1: {  	[dreg:$0x5] =	wrdreg $0x19BA00  }
0xb2: {  	[dreg:$0x6] =	wrdreg $0x1C3A00  }
0xb3: {  	[dreg:$0x7] =	wrdreg $0x9  }
0xb4: {  	_ =	task.clear_ibuf [dreg:s7], $0x8FFFF;
	_ =	strace $0x90000046  }
0xb5: {  	s29 =	simm.s32 $0x9;
	_ =	strace $0x80000048  }
0xb6: {  	_ =	swait.ge [sflag:s29], $0x1  }
0xb7: {  	[sflag:s29] =	ssyncadd.s32 $0xFFFFFFFF  }
0xb8: {  	_ =	strace $0x90000048  }
0xb9: {  	_ =	sfence  }
0xba: {  	s30 =	sld [smem:$0x0];
	_ =	sdelay $0x2  }
0xbb: {  	s31 =	sshll.u32 s1, $0xD;
	s1 =	sshrl.u32 s1, $0x2  }
0xbc: {  	s3 =	sand.u32 $0x4000, s31;
	s1 =	sadd.s32 s1, s30  }
0xbd: {  	s0 =	sor.u32 s3, s0;
	s1 =	sshll.u32 s1, $0x11  }
0xbe: {  	s0 =	sor.u32 s1, s0  }
0xbf: {  	s0 =	sadd.s32 $0x8F2B, s0  }
0xc0: {  	[sflag:s0] =	ssyncadd.remote.s32 $0x1  }
0xc1: {  	_ =	sfence.sel $0xFFFF  }
0xc2: {  	[dreg:$0x0] =	wrdreg $0xFFFFFFFF;
	(pc) =	sbr.abs _section_cstart, $3  }
0xc3: {  	[dreg:$0x1] =	wrdreg $0xFFFFFFFF  }
0xc4: {  	_ =	task.clear_ibuf [dreg:s7], $0x2FFFF;
	_ =	strace $0x9FFFFFFF  }
0xc5: {  	(tm) =	ssettm $0x7FFFFFFF  }
tec
execute0_lowered:
.L_overlay_start_1:
0x0: {  	(tag) =	ssettag $0x1  }
0x1: {  	s1 =	srdreg.scid  }
0x2: {  	s0 =	rddreg [dreg:$0x0];
	s7 =	stileid.u32;
	s28 =	simm.s32 $0x0  }
0x3: {  	s9 =	sand.u32 $0x1, s1;
	s10 =	sadd.s32 $0x28A00, s0;
	s3 =	smul.u32 $0x280, s7  }
0x4: {  	v0 =	vlaneseq.u32;
	s5 =	sshll.u32 s7, $0x1;
	s1 =	smul.u32 $0x2800, s7;
	s11 =	sadd.s32 $0x4BA00, s0  }
0x5: {  	s7 =	smul.u32 $0x14000, s7;
	v0 =	vmul.u32 $0x10, v0;
	[smem:$0x7FF] =	sst s28;
	s2 =	ssub.s32 $0x2, s9  }
0x6: {  	s5 =	sor.u32 s9, s5;
	s4 =	sshrl.u32 s2, $0x1;
	s15 =	sshrl.u32 s1, $0x3  }
0x7: {  	s12 =	sadd.s32 $0x80, s3;
	s13 =	sadd.s32 $0x100, s3;
	s14 =	sadd.s32 $0x180, s3;
	v5 =	vor.u32 $0x4, v0  }
0x8: {  	s6 =	ssub.s32 s2, s4;
	s2 =	sadd.s32 s10, s15;
	s16 =	sshll.u32 s12, $0x1;
	[tilespmem:$0x1FD30] =	vst v5;
	v5 =	vor.u32 $0x5, v0  }
0x9: {  	s8 =	sshll.u32 s12, $0x7;
	s4 =	sshll.u32 s13, $0x7;
	s17 =	sshll.u32 s13, $0x1;
	[tilespmem:$0x1FD40] =	vst v5;
	v5 =	vor.u32 $0x6, v0  }
0xa: {  	s15 =	smul.u32 $0x140000, s9;
	[dreg:$0x6] =	wrdreg s2;
	s2 =	sadd.s32 s10, s16;
	[tilespmem:$0x1FD50] =	vst v5;
	v5 =	vor.u32 $0x7, v0  }
0xb: {  	s12 =	sshll.u32 s12, $0x4;
	s16 =	sshll.u32 s14, $0x1;
	[dreg:$0x7] =	wrdreg s2;
	[tilespmem:$0x1FD60] =	vst v5;
	v5 =	vor.u32 $0x8, v0  }
0xc: {  	s2 =	sadd.s32 s10, s17;
	s16 =	sadd.s32 s10, s16;
	s17 =	sadd.s32 s7, s15;
	[tilespmem:$0x1FD70] =	vst v5;
	v5 =	vor.u32 $0x9, v0  }
0xd: {  	s19 =	sadd.s32 s15, s8;
	s21 =	sadd.s32 s15, s4;
	[dreg:$0x8] =	wrdreg s2;
	[tilespmem:$0x1FD80] =	vst v5;
	v5 =	vor.u32 $0xA, v0  }
0xe: {  	s2 =	sshll.u32 s14, $0x7;
	[dreg:$0x9] =	wrdreg s16;
	s16 =	sadd.s32 $0x200, s3;
	[tilespmem:$0x1FD90] =	vst v5;
	v5 =	vor.u32 $0xB, v0  }
0xf: {  	s17 =	sshrl.u32 s17, $0x3;
	s20 =	sshrl.u32 s19, $0x3;
	s18 =	sshll.u32 s16, $0x1;
	[tilespmem:$0x1FDA0] =	vst v5;
	v5 =	vor.u32 $0xC, v0  }
0x10: {  	s22 =	sshrl.u32 s21, $0x3;
	s10 =	sadd.s32 s10, s18;
	s18 =	sadd.s32 s11, s17;
	[tilespmem:$0x1FDB0] =	vst v5;
	v5 =	vor.u32 $0xD, v0  }
0x11: {  	s17 =	smul.u32 $0x28000, s9;
	s9 =	sadd.s32 s11, s20;
	s20 =	rddreg [dreg:$0x1];
	[tilespmem:$0x1FDC0] =	vst v5;
	v5 =	vor.u32 $0xE, v0  }
0x12: {  	s3 =	sshll.u32 s16, $0x7;
	s23 =	sadd.s32 s15, s2;
	[dreg:$0xa] =	wrdreg s10;
	[tilespmem:$0x1FDD0] =	vst v5;
	v5 =	vor.u32 $0xF, v0  }
0x13: {  	s19 =	sshll.u32 s16, $0x4;
	s24 =	sshrl.u32 s23, $0x3;
	[dreg:$0xb] =	wrdreg s18;
	[tilespmem:$0x1FDE0] =	vst v5;
	v5 =	vor.u32 $0x104, v0  }
0x14: {  	s25 =	sadd.s32 s15, s3;
	[dreg:$0xc] =	wrdreg s9;
	s9 =	sadd.s32 s11, s22;
	[tilespmem:$0x1FDF0] =	vst v5;
	v5 =	vor.u32 $0x105, v0  }
0x15: {  	s26 =	sshrl.u32 s25, $0x3;
	s10 =	sshll.u32 s13, $0x4;
	[dreg:$0xd] =	wrdreg s9;
	[tilespmem:$0x1FE00] =	vst v5;
	v5 =	vor.u32 $0x106, v0  }
0x16: {  	s9 =	sadd.s32 s11, s24;
	s18 =	sadd.s32 s1, s17;
	s21 =	sadd.s32 s17, s12;
	[tilespmem:$0x1FE10] =	vst v5;
	v5 =	vor.u32 $0x107, v0  }
0x17: {  	s22 =	sadd.s32 s17, s10;
	[dreg:$0xe] =	wrdreg s9;
	s9 =	sadd.s32 s11, s26;
	[tilespmem:$0x1FE20] =	vst v5;
	v5 =	vor.u32 $0x108, v0  }
0x18: {  	s13 =	sshrl.u32 s18, $0x3;
	s23 =	sshrl.u32 s21, $0x3;
	s18 =	rddreg [dreg:$0x4];
	[tilespmem:$0x1FE30] =	vst v5;
	v5 =	vor.u32 $0x109, v0  }
0x19: {  	s15 =	sshrl.u32 s22, $0x3;
	[dreg:$0xf] =	wrdreg s9;
	s13 =	sadd.s32 s20, s13;
	[tilespmem:$0x1FE40] =	vst v5;
	v5 =	vor.u32 $0x10A, v0  }
0x1a: {  	s9 =	sshll.u32 s14, $0x4;
	s16 =	sadd.s32 s20, s23;
	[dreg:$0x10] =	wrdreg s13;
	[tilespmem:$0x1FE50] =	vst v5;
	v5 =	vor.u32 $0x10B, v0  }
0x1b: {  	s15 =	sadd.s32 s20, s15;
	s13 =	rddreg [dreg:$0x2];
	s24 =	sadd.s32 s17, s9;
	[tilespmem:$0x1FE60] =	vst v5;
	v5 =	vor.u32 $0x10C, v0  }
0x1c: {  	[dreg:$0x12] =	wrdreg s15;
	s17 =	sadd.s32 s17, s19;
	s15 =	sshrl.u32 s24, $0x3;
	[tilespmem:$0x1FE70] =	vst v5;
	v5 =	vor.u32 $0x10D, v0  }
0x1d: {  	[dreg:$0x11] =	wrdreg s16;
	s17 =	sshrl.u32 s17, $0x3;
	s15 =	sadd.s32 s20, s15;
	[tilespmem:$0x1FE80] =	vst v5;
	v5 =	vor.u32 $0x10E, v0  }
0x1e: {  	s14 =	sadd.s32 s20, s17;
	[dreg:$0x13] =	wrdreg s15;
	[tilespmem:$0x1FE90] =	vst v5;
	v5 =	vor.u32 $0x10F, v0  }
0x1f: {  	[dreg:$0x14] =	wrdreg s14;
	[tilespmem:$0x1FEA0] =	vst v5;
	v5 =	vor.u32 $0x204, v0  }
0x20: {  	s16 =	rddreg [dreg:$0x3];
	_ =	strace $0x80000047;
	[tilespmem:$0x1FEB0] =	vst v5;
	v5 =	vor.u32 $0x205, v0  }
0x21: {  	[tilespmem:$0x1FEC0] =	vst v5;
	v5 =	vor.u32 $0x206, v0  }
0x22: {  	[tilespmem:$0x1FED0] =	vst v5;
	v5 =	vor.u32 $0x207, v0  }
0x23: {  	s5 =	smul.u32 $0x4F, s5;
	s25 =	sadd.s32 $0x4B600, s0;
	[tilespmem:$0x1FEE0] =	vst v5;
	v5 =	vor.u32 $0x208, v0  }
0x24: {  	s21 =	sadd.s32 $0xA00, s0;
	s22 =	sadd.s32 $0x37A00, s0;
	s23 =	sadd.s32 $0x41800, s0;
	[tilespmem:$0x1FEF0] =	vst v5;
	v5 =	vor.u32 $0x209, v0  }
0x25: {  	v1 =	vimm.f32 $0.0e+00;
	s26 =	sadd.s32 s1, s18;
	s11 =	sadd.s32 s10, s18;
	s24 =	sadd.s32 $0x2DA00, s0;
	[tilespmem:$0x1FF00] =	vst v5;
	v5 =	vor.u32 $0x20A, v0  }
0x26: {  	v62 =	vimm.s32 $0x0;
	v63 =	vimm.s32 $0x1;
	s0 =	sadd.s32 $0x4B800, s0;
	s29 =	sadd.s32 s7, s13;
	s30 =	sadd.s32 s1, s16;
	[tilespmem:$0x1FF10] =	vst v5;
	v5 =	vor.u32 $0x20B, v0  }
0x27: {  	v9 =	vimm.s32 $0x2;
	v10 =	vimm.s32 $0x3;
	s31 =	sadd.s32 s8, s13;
	s28 =	sadd.s32 s12, s16;
	[dreg:$0x15] =	wrdreg s25;
	[tilespmem:$0x1FF20] =	vst v5;
	v5 =	vor.u32 $0x20C, v0  }
0x28: {  	v11 =	vimm.s32 $0x4;
	v12 =	vimm.s32 $0x5;
	s1 =	sadd.s32 s12, s18;
	s4 =	sadd.s32 s4, s13;
	[dreg:$0x16] =	wrdreg s0;
	[tilespmem:$0x1FF30] =	vst v5;
	v5 =	vor.u32 $0x20D, v0  }
0x29: {  	v13 =	vimm.s32 $0x6;
	v14 =	vimm.s32 $0x7;
	s12 =	sadd.s32 s10, s16;
	s10 =	sadd.s32 s9, s18;
	[dreg:$0x17] =	wrdreg s28;
	[tilespmem:$0x1FF40] =	vst v5;
	v5 =	vor.u32 $0x20E, v0  }
0x2a: {  	v15 =	vimm.s32 $0x8;
	v16 =	vimm.s32 $0x9;
	s3 =	sadd.s32 s3, s13;
	s7 =	simm.s32 $0x980;
	[dreg:$0x18] =	wrdreg s4;
	[tilespmem:$0x1FF50] =	vst v5;
	v5 =	vor.u32 $0x20F, v0  }
0x2b: {  	v25 =	vimm.s32 $0xA;
	v26 =	vimm.s32 $0xB;
	s8 =	simm.s32 $0x4;
	s14 =	sadd.s32 s2, s13;
	[dreg:$0x19] =	wrdreg s12;
	[tilespmem:$0x1FF60] =	vst v5;
	v5 =	vor.u32 $0x304, v0  }
0x2c: {  	v27 =	vimm.s32 $0xC;
	v28 =	vimm.s32 $0xD;
	s17 =	smax.u32 s6, $0x1;
	s15 =	sadd.s32 s9, s16;
	[dreg:$0x1a] =	wrdreg s14;
	[tilespmem:$0x1FF70] =	vst v5;
	v5 =	vor.u32 $0x305, v0  }
0x2d: {  	v29 =	vimm.s32 $0xE;
	v30 =	vimm.s32 $0xF;
	s20 =	sshrl.u32 s1, $0x3;
	s6 =	simm.s32 $0x3;
	[dreg:$0x1b] =	wrdreg s15;
	[tilespmem:$0x1FF80] =	vst v5;
	v5 =	vor.u32 $0x306, v0  }
0x2e: {  	v2 =	vor.u32 $0x1, v0;
	v3 =	vor.u32 $0x2, v0;
	s9 =	sadd.s32 s19, s18;
	s4 =	sadd.s32 s19, s16;
	[dreg:$0x1c] =	wrdreg s17;
	[tilespmem:$0x1FF90] =	vst v5;
	v5 =	vor.u32 $0x307, v0  }
0x2f: {  	v4 =	vor.u32 $0x3, v0;
	v17 =	vor.u32 $0x100, v0;
	s19 =	sshrl.u32 s26, $0x3;
	[dreg:$0x1e] =	wrdreg s20;
	s25 =	sshrl.u32 s11, $0x3;
	[tilespmem:$0x1FFA0] =	vst v5;
	v5 =	vor.u32 $0x308, v0  }
0x30: {  	v18 =	vor.u32 $0x101, v0;
	v19 =	vor.u32 $0x102, v0;
	s26 =	sshrl.u32 s10, $0x3;
	s28 =	sshrl.u32 s9, $0x3;
	[dreg:$0x1d] =	wrdreg s19;
	[tilespmem:$0x1FFB0] =	vst v5;
	v5 =	vor.u32 $0x309, v0  }
0x31: {  	v20 =	vor.u32 $0x103, v0;
	v33 =	vor.u32 $0x200, v0;
	s12 =	simm.s32 $0x5;
	s14 =	simm.s32 $0x5180;
	[dreg:$0x1f] =	wrdreg s25;
	[tilespmem:$0x1FFC0] =	vst v5;
	v5 =	vor.u32 $0x30A, v0  }
0x32: {  	v34 =	vor.u32 $0x201, v0;
	v35 =	vor.u32 $0x202, v0;
	s15 =	simm.s32 $0x1180;
	s20 =	simm.s32 $0x100;
	[smem:$0x7FC] =	sst s26;
	[tilespmem:$0x1FFD0] =	vst v5;
	v5 =	vor.u32 $0x30B, v0  }
0x33: {  	v36 =	vor.u32 $0x203, v0;
	v49 =	vor.u32 $0x300, v0;
	s9 =	simm.s32 $0x1;
	s10 =	simm.s32 $0x0;
	[smem:$0x7FD] =	sst s28;
	[tilespmem:$0x1FFE0] =	vst v5;
	v5 =	vor.u32 $0x30C, v0  }
0x34: {  	v50 =	vor.u32 $0x301, v0;
	v51 =	vor.u32 $0x302, v0;
	v52 =	vor.u32 $0x303, v0;
	s19 =	simm.s32 $0x80;
	s25 =	simm.s32 $0x2;
	s26 =	simm.s32 $0x180;
	[tilespmem:$0x1FFF0] =	vst v5  }
.LBB2_1:
0x35: {  	s11 =	simm.s32 $0x0;
	s17 =	rddreg [dreg:$0x15];
	s0 =	simm.s32 $0x5B80  }
0x36: {  	[tilespmem:s0], [sflag:$0x5] =	stream.linear.gather [hbm4b:s17+s11], $0x10, $0x38;
	[tilespmem:$0x1EBA0] =	vst v63  }
0x37: {  	_ =	swait.ge [sflag:s12], $0x10  }
0x38: {  	[sflag:s12] =	ssyncset.done $0x0  }
0x39: {  	s2 =	simm.s32 $0x5B90;
	s1 =	rddreg [dreg:$0x16];
	[sflag:s12] =	ssyncadd.s32 $0xFFFFFFF0  }
0x3a: {  	[tilespmem:s2], [sflag:$0x5] =	stream.linear.gather [hbm4b:s1+s11], $0x10, $0x38;
	[tilespmem:$0x1EBA0] =	vst v63  }
0x3b: {  	_ =	swait.ge [sflag:s12], $0x10  }
0x3c: {  	[sflag:s12] =	ssyncset.done $0x0  }
0x3d: {  	[sflag:s12] =	ssyncadd.s32 $0xFFFFFFF0  }
0x3e: {  	v31 =	vld [tilespmem:$0x5B80]  }
0x3f: {  	s28 =	simm.s32 $0x200;
	s11 =	simm.s32 $0x0;
	v32 =	vld [tilespmem:$0x5B90]  }
.LBB2_2:
0x40: {  	p0 =	sne.s32 s28, $0xFE00;
	[tilespmem:s11+$0x11F0] =	vst v1  }
0x41: {  	[tilespmem:s11+$0x1180] =	vst v1  }
0x42: {  	[tilespmem:s11+$0x1190] =	vst v1  }
.Ltmp0:
0x43: {  	[tilespmem:s11+$0x11A0] =	vst v1;
	(pc) =	sbr.rel @p0 .LBB2_2-.Ltmp0, $4  }
0x44: {  	[tilespmem:s11+$0x11B0] =	vst v1  }
0x45: {  	[tilespmem:s11+$0x11C0] =	vst v1  }
0x46: {  	[tilespmem:s11+$0x11D0] =	vst v1  }
0x47: {  	[tilespmem:s11+$0x11E0] =	vst v1;
	s11 =	sshra.s32 s28, $0x2;
	s28 =	sadd.s32 $0x200, s28  }
0x48: {  	[tilespmem:s11+$0x11F0] =	vst v1  }
0x49: {  	[tilespmem:s11+$0x1180] =	vst v1  }
0x4a: {  	[tilespmem:s11+$0x1190] =	vst v1  }
0x4b: {  	[tilespmem:s11+$0x11A0] =	vst v1  }
0x4c: {  	[tilespmem:s11+$0x11B0] =	vst v1;
	v5 =	vld [tilespmem:$0x1FD30]  }
0x4d: {  	[tilespmem:s11+$0x11C0] =	vst v1  }
0x4e: {  	[tilespmem:s11+$0x11D0] =	vst v1  }
0x4f: {  	[tilespmem:s11+$0x11E0] =	vst v1  }
0x50: {  	[tilespmem:v0+s14+$0x0] =	vst.idx.msk $0xffff, v1  }
0x51: {  	[tilespmem:v2+s14+$0x0] =	vst.idx.msk $0xffff, v1  }
0x52: {  	[tilespmem:v3+s14+$0x0] =	vst.idx.msk $0xffff, v1  }
0x53: {  	[tilespmem:v4+s14+$0x0] =	vst.idx.msk $0xffff, v1  }
0x54: {  	[tilespmem:v5+s14+$0x0] =	vst.idx.msk $0xffff, v1;
	v5 =	vld [tilespmem:$0x1FD40];
	_ =	sdelay $0x7  }
0x55: {  	[tilespmem:v5+s14+$0x0] =	vst.idx.msk $0xffff, v1;
	v5 =	vld [tilespmem:$0x1FD50];
	_ =	sdelay $0x7  }
0x56: {  	[tilespmem:v5+s14+$0x0] =	vst.idx.msk $0xffff, v1;
	v5 =	vld [tilespmem:$0x1FD60];
	_ =	sdelay $0x7  }
0x57: {  	[tilespmem:v5+s14+$0x0] =	vst.idx.msk $0xffff, v1;
	v5 =	vld [tilespmem:$0x1FD70];
	_ =	sdelay $0x7  }
0x58: {  	[tilespmem:v5+s14+$0x0] =	vst.idx.msk $0xffff, v1;
	v5 =	vld [tilespmem:$0x1FD80];
	_ =	sdelay $0x7  }
0x59: {  	[tilespmem:v5+s14+$0x0] =	vst.idx.msk $0xffff, v1;
	v5 =	vld [tilespmem:$0x1FD90];
	_ =	sdelay $0x7  }
0x5a: {  	[tilespmem:v5+s14+$0x0] =	vst.idx.msk $0xffff, v1;
	v5 =	vld [tilespmem:$0x1FDA0];
	_ =	sdelay $0x7  }
0x5b: {  	[tilespmem:v5+s14+$0x0] =	vst.idx.msk $0xffff, v1;
	v5 =	vld [tilespmem:$0x1FDB0];
	_ =	sdelay $0x7  }
0x5c: {  	[tilespmem:v5+s14+$0x0] =	vst.idx.msk $0xffff, v1;
	v5 =	vld [tilespmem:$0x1FDC0];
	_ =	sdelay $0x7  }
0x5d: {  	[tilespmem:v5+s14+$0x0] =	vst.idx.msk $0xffff, v1;
	v5 =	vld [tilespmem:$0x1FDD0];
	_ =	sdelay $0x7  }
0x5e: {  	[tilespmem:v5+s14+$0x0] =	vst.idx.msk $0xffff, v1;
	v5 =	vld [tilespmem:$0x1FDE0];
	_ =	sdelay $0x7  }
0x5f: {  	[tilespmem:v5+s14+$0x0] =	vst.idx.msk $0xffff, v1;
	v5 =	vld [tilespmem:$0x1FDF0];
	_ =	sdelay $0x3  }
0x60: {  	[tilespmem:v17+s14+$0x0] =	vst.idx.msk $0xffff, v1  }
0x61: {  	[tilespmem:v18+s14+$0x0] =	vst.idx.msk $0xffff, v1  }
0x62: {  	[tilespmem:v19+s14+$0x0] =	vst.idx.msk $0xffff, v1  }
0x63: {  	[tilespmem:v20+s14+$0x0] =	vst.idx.msk $0xffff, v1  }
0x64: {  	[tilespmem:v5+s14+$0x0] =	vst.idx.msk $0xffff, v1;
	v5 =	vld [tilespmem:$0x1FE00];
	_ =	sdelay $0x7  }
0x65: {  	[tilespmem:v5+s14+$0x0] =	vst.idx.msk $0xffff, v1;
	v5 =	vld [tilespmem:$0x1FE10];
	_ =	sdelay $0x7  }
0x66: {  	[tilespmem:v5+s14+$0x0] =	vst.idx.msk $0xffff, v1;
	v5 =	vld [tilespmem:$0x1FE20];
	_ =	sdelay $0x7  }
0x67: {  	[tilespmem:v5+s14+$0x0] =	vst.idx.msk $0xffff, v1;
	v5 =	vld [tilespmem:$0x1FE30];
	_ =	sdelay $0x7  }
0x68: {  	[tilespmem:v5+s14+$0x0] =	vst.idx.msk $0xffff, v1;
	v5 =	vld [tilespmem:$0x1FE40];
	_ =	sdelay $0x7  }
0x69: {  	[tilespmem:v5+s14+$0x0] =	vst.idx.msk $0xffff, v1;
	v5 =	vld [tilespmem:$0x1FE50];
	_ =	sdelay $0x7  }
0x6a: {  	[tilespmem:v5+s14+$0x0] =	vst.idx.msk $0xffff, v1;
	v5 =	vld [tilespmem:$0x1FE60];
	_ =	sdelay $0x7  }
0x6b: {  	[tilespmem:v5+s14+$0x0] =	vst.idx.msk $0xffff, v1;
	v5 =	vld [tilespmem:$0x1FE70];
	_ =	sdelay $0x7  }
0x6c: {  	[tilespmem:v5+s14+$0x0] =	vst.idx.msk $0xffff, v1;
	v5 =	vld [tilespmem:$0x1FE80];
	_ =	sdelay $0x7  }
0x6d: {  	[tilespmem:v5+s14+$0x0] =	vst.idx.msk $0xffff, v1;
	v5 =	vld [tilespmem:$0x1FE90];
	_ =	sdelay $0x7  }
0x6e: {  	[tilespmem:v5+s14+$0x0] =	vst.idx.msk $0xffff, v1;
	v5 =	vld [tilespmem:$0x1FEA0];
	_ =	sdelay $0x7  }
0x6f: {  	[tilespmem:v5+s14+$0x0] =	vst.idx.msk $0xffff, v1;
	v5 =	vld [tilespmem:$0x1FEB0];
	_ =	sdelay $0x3  }
0x70: {  	[tilespmem:v33+s14+$0x0] =	vst.idx.msk $0xffff, v1  }
0x71: {  	[tilespmem:v34+s14+$0x0] =	vst.idx.msk $0xffff, v1  }
0x72: {  	[tilespmem:v35+s14+$0x0] =	vst.idx.msk $0xffff, v1  }
0x73: {  	[tilespmem:v36+s14+$0x0] =	vst.idx.msk $0xffff, v1  }
0x74: {  	[tilespmem:v5+s14+$0x0] =	vst.idx.msk $0xffff, v1;
	v5 =	vld [tilespmem:$0x1FEC0];
	_ =	sdelay $0x7  }
0x75: {  	[tilespmem:v5+s14+$0x0] =	vst.idx.msk $0xffff, v1;
	v5 =	vld [tilespmem:$0x1FED0];
	_ =	sdelay $0x7  }
0x76: {  	[tilespmem:v5+s14+$0x0] =	vst.idx.msk $0xffff, v1;
	v5 =	vld [tilespmem:$0x1FEE0];
	_ =	sdelay $0x7  }
0x77: {  	[tilespmem:v5+s14+$0x0] =	vst.idx.msk $0xffff, v1;
	v5 =	vld [tilespmem:$0x1FEF0];
	_ =	sdelay $0x7  }
0x78: {  	[tilespmem:v5+s14+$0x0] =	vst.idx.msk $0xffff, v1;
	v5 =	vld [tilespmem:$0x1FF00];
	_ =	sdelay $0x7  }
0x79: {  	[tilespmem:v5+s14+$0x0] =	vst.idx.msk $0xffff, v1;
	v5 =	vld [tilespmem:$0x1FF10];
	_ =	sdelay $0x7  }
0x7a: {  	[tilespmem:v5+s14+$0x0] =	vst.idx.msk $0xffff, v1;
	v5 =	vld [tilespmem:$0x1FF20];
	_ =	sdelay $0x7  }
0x7b: {  	[tilespmem:v5+s14+$0x0] =	vst.idx.msk $0xffff, v1;
	v5 =	vld [tilespmem:$0x1FF30];
	_ =	sdelay $0x7  }
0x7c: {  	[tilespmem:v5+s14+$0x0] =	vst.idx.msk $0xffff, v1;
	v5 =	vld [tilespmem:$0x1FF40];
	_ =	sdelay $0x7  }
0x7d: {  	[tilespmem:v5+s14+$0x0] =	vst.idx.msk $0xffff, v1;
	v5 =	vld [tilespmem:$0x1FF50];
	_ =	sdelay $0x7  }
0x7e: {  	[tilespmem:v5+s14+$0x0] =	vst.idx.msk $0xffff, v1;
	v5 =	vld [tilespmem:$0x1FF60];
	_ =	sdelay $0x7  }
0x7f: {  	[tilespmem:v5+s14+$0x0] =	vst.idx.msk $0xffff, v1;
	v5 =	vld [tilespmem:$0x1FF70];
	_ =	sdelay $0x3  }
0x80: {  	[tilespmem:v49+s14+$0x0] =	vst.idx.msk $0xffff, v1  }
0x81: {  	[tilespmem:v50+s14+$0x0] =	vst.idx.msk $0xffff, v1  }
0x82: {  	[tilespmem:v51+s14+$0x0] =	vst.idx.msk $0xffff, v1  }
0x83: {  	[tilespmem:v52+s14+$0x0] =	vst.idx.msk $0xffff, v1  }
0x84: {  	[tilespmem:v5+s14+$0x0] =	vst.idx.msk $0xffff, v1;
	v5 =	vld [tilespmem:$0x1FF80];
	_ =	sdelay $0x7  }
0x85: {  	[tilespmem:v5+s14+$0x0] =	vst.idx.msk $0xffff, v1;
	v5 =	vld [tilespmem:$0x1FF90];
	_ =	sdelay $0x7  }
0x86: {  	[tilespmem:v5+s14+$0x0] =	vst.idx.msk $0xffff, v1;
	v5 =	vld [tilespmem:$0x1FFA0];
	_ =	sdelay $0x7  }
0x87: {  	[tilespmem:v5+s14+$0x0] =	vst.idx.msk $0xffff, v1;
	v5 =	vld [tilespmem:$0x1FFB0]  }
0x88: {  	v6 =	vld [tilespmem:$0x1FFC0]  }
0x89: {  	v7 =	vld [tilespmem:$0x1FFD0]  }
0x8a: {  	v8 =	vld [tilespmem:$0x1FFE0];
	_ =	sdelay $0x4  }
0x8b: {  	[tilespmem:v5+s14+$0x0] =	vst.idx.msk $0xffff, v1  }
0x8c: {  	[tilespmem:v6+s14+$0x0] =	vst.idx.msk $0xffff, v1  }
0x8d: {  	[tilespmem:v7+s14+$0x0] =	vst.idx.msk $0xffff, v1  }
0x8e: {  	[tilespmem:v8+s14+$0x0] =	vst.idx.msk $0xffff, v1;
	v8 =	vld [tilespmem:$0x1FFF0];
	_ =	sdelay $0x3  }
0x8f: {  	v21 =	vor.u32 $0x407, v0;
	v5 =	vor.u32 $0x30D, v0  }
0x90: {  	v22 =	vor.u32 $0x507, v0;
	[tilespmem:$0x1FC60] =	vst v21  }
0x91: {  	v37 =	vor.u32 $0x607, v0;
	[tilespmem:$0x1FCA0] =	vst v22;
	v6 =	vor.u32 $0x30E, v0  }
0x92: {  	[tilespmem:$0x1FCE0] =	vst v37;
	v7 =	vor.u32 $0x30F, v0  }
0x93: {  	[tilespmem:v8+s14+$0x0] =	vst.idx.msk $0xffff, v1  }
0x94: {  	v41 =	vor.u32 $0x400, v0;
	v8 =	vor.u32 $0x406, v0;
	[tilespmem:v5+s14+$0x0] =	vst.idx.msk $0xffff, v1  }
0x95: {  	[tilespmem:$0x1FC50] =	vst v8  }
0x96: {  	v42 =	vor.u32 $0x401, v0;
	[tilespmem:v6+s14+$0x0] =	vst.idx.msk $0xffff, v1  }
0x97: {  	v43 =	vor.u32 $0x402, v0;
	v6 =	vor.u32 $0x404, v0;
	[tilespmem:v7+s14+$0x0] =	vst.idx.msk $0xffff, v1  }
0x98: {  	v44 =	vor.u32 $0x403, v0;
	[tilespmem:$0x1FC30] =	vst v6  }
0x99: {  	v7 =	vor.u32 $0x405, v0;
	[tilespmem:v41+s14+$0x0] =	vst.idx.msk $0xffff, v1  }
0x9a: {  	[tilespmem:$0x1FC40] =	vst v7  }
0x9b: {  	[tilespmem:v42+s14+$0x0] =	vst.idx.msk $0xffff, v1  }
0x9c: {  	[tilespmem:v43+s14+$0x0] =	vst.idx.msk $0xffff, v1  }
0x9d: {  	v5 =	vor.u32 $0x408, v0;
	[tilespmem:v44+s14+$0x0] =	vst.idx.msk $0xffff, v1  }
0x9e: {  	[tilespmem:v6+s14+$0x0] =	vst.idx.msk $0xffff, v1;
	v6 =	vor.u32 $0x409, v0  }
0x9f: {  	[tilespmem:v7+s14+$0x0] =	vst.idx.msk $0xffff, v1;
	v7 =	vor.u32 $0x40A, v0  }
0xa0: {  	[tilespmem:v8+s14+$0x0] =	vst.idx.msk $0xffff, v1;
	v8 =	vor.u32 $0x40B, v0  }
0xa1: {  	[tilespmem:v21+s14+$0x0] =	vst.idx.msk $0xffff, v1;
	v21 =	vor.u32 $0x40C, v0  }
0xa2: {  	[tilespmem:v5+s14+$0x0] =	vst.idx.msk $0xffff, v1;
	v5 =	vor.u32 $0x40D, v0  }
0xa3: {  	[tilespmem:v6+s14+$0x0] =	vst.idx.msk $0xffff, v1  }
0xa4: {  	v6 =	vor.u32 $0x40E, v0;
	[tilespmem:v7+s14+$0x0] =	vst.idx.msk $0xffff, v1  }
0xa5: {  	v7 =	vor.u32 $0x40F, v0;
	[tilespmem:v8+s14+$0x0] =	vst.idx.msk $0xffff, v1  }
0xa6: {  	[tilespmem:v21+s14+$0x0] =	vst.idx.msk $0xffff, v1  }
0xa7: {  	v57 =	vor.u32 $0x500, v0;
	v21 =	vor.u32 $0x506, v0;
	[tilespmem:v5+s14+$0x0] =	vst.idx.msk $0xffff, v1  }
0xa8: {  	[tilespmem:$0x1FC90] =	vst v21  }
0xa9: {  	v58 =	vor.u32 $0x501, v0;
	[tilespmem:v6+s14+$0x0] =	vst.idx.msk $0xffff, v1  }
0xaa: {  	v59 =	vor.u32 $0x502, v0;
	v6 =	vor.u32 $0x504, v0;
	[tilespmem:v7+s14+$0x0] =	vst.idx.msk $0xffff, v1  }
0xab: {  	v60 =	vor.u32 $0x503, v0;
	[tilespmem:$0x1FC70] =	vst v6  }
0xac: {  	v7 =	vor.u32 $0x505, v0;
	[tilespmem:v57+s14+$0x0] =	vst.idx.msk $0xffff, v1  }
0xad: {  	[tilespmem:$0x1FC80] =	vst v7  }
0xae: {  	[tilespmem:v58+s14+$0x0] =	vst.idx.msk $0xffff, v1  }
0xaf: {  	[tilespmem:v59+s14+$0x0] =	vst.idx.msk $0xffff, v1  }
0xb0: {  	[tilespmem:v60+s14+$0x0] =	vst.idx.msk $0xffff, v1  }
0xb1: {  	v5 =	vor.u32 $0x508, v0;
	[tilespmem:v6+s14+$0x0] =	vst.idx.msk $0xffff, v1  }
0xb2: {  	v6 =	vor.u32 $0x509, v0;
	[tilespmem:v7+s14+$0x0] =	vst.idx.msk $0xffff, v1  }
0xb3: {  	v8 =	vor.u32 $0x50A, v0;
	v7 =	vor.u32 $0x605, v0;
	[tilespmem:v21+s14+$0x0] =	vst.idx.msk $0xffff, v1  }
0xb4: {  	v21 =	vor.u32 $0x50B, v0;
	[tilespmem:$0x1FCC0] =	vst v7  }
0xb5: {  	[tilespmem:v22+s14+$0x0] =	vst.idx.msk $0xffff, v1;
	v22 =	vor.u32 $0x50C, v0  }
0xb6: {  	[tilespmem:v5+s14+$0x0] =	vst.idx.msk $0xffff, v1;
	v5 =	vor.u32 $0x50D, v0  }
0xb7: {  	[tilespmem:v6+s14+$0x0] =	vst.idx.msk $0xffff, v1;
	v6 =	vor.u32 $0x50E, v0  }
0xb8: {  	v24 =	vor.u32 $0x50F, v0;
	[tilespmem:v8+s14+$0x0] =	vst.idx.msk $0xffff, v1  }
0xb9: {  	[tilespmem:v21+s14+$0x0] =	vst.idx.msk $0xffff, v1  }
0xba: {  	v8 =	vor.u32 $0x600, v0;
	[tilespmem:v22+s14+$0x0] =	vst.idx.msk $0xffff, v1  }
0xbb: {  	[tilespmem:v5+s14+$0x0] =	vst.idx.msk $0xffff, v1  }
0xbc: {  	v21 =	vor.u32 $0x601, v0;
	[tilespmem:v6+s14+$0x0] =	vst.idx.msk $0xffff, v1  }
0xbd: {  	v22 =	vor.u32 $0x602, v0;
	v6 =	vor.u32 $0x604, v0;
	[tilespmem:v24+s14+$0x0] =	vst.idx.msk $0xffff, v1  }
0xbe: {  	v23 =	vor.u32 $0x603, v0;
	[tilespmem:$0x1FCB0] =	vst v6  }
0xbf: {  	v24 =	vor.u32 $0x606, v0;
	[tilespmem:v8+s14+$0x0] =	vst.idx.msk $0xffff, v1  }
0xc0: {  	[tilespmem:$0x1FCD0] =	vst v24  }
0xc1: {  	[tilespmem:v21+s14+$0x0] =	vst.idx.msk $0xffff, v1  }
0xc2: {  	[tilespmem:v22+s14+$0x0] =	vst.idx.msk $0xffff, v1  }
0xc3: {  	[tilespmem:v23+s14+$0x0] =	vst.idx.msk $0xffff, v1  }
0xc4: {  	[tilespmem:v6+s14+$0x0] =	vst.idx.msk $0xffff, v1  }
0xc5: {  	v5 =	vor.u32 $0x608, v0;
	[tilespmem:v7+s14+$0x0] =	vst.idx.msk $0xffff, v1  }
0xc6: {  	v6 =	vor.u32 $0x609, v0;
	v7 =	vor.u32 $0x705, v0;
	[tilespmem:v24+s14+$0x0] =	vst.idx.msk $0xffff, v1  }
0xc7: {  	v40 =	vor.u32 $0x60A, v0;
	[tilespmem:$0x1FD00] =	vst v7  }
0xc8: {  	v45 =	vor.u32 $0x60B, v0;
	v24 =	vor.u32 $0x706, v0;
	[tilespmem:v37+s14+$0x0] =	vst.idx.msk $0xffff, v1  }
0xc9: {  	v46 =	vor.u32 $0x60C, v0;
	[tilespmem:$0x1FD10] =	vst v24  }
0xca: {  	[tilespmem:v5+s14+$0x0] =	vst.idx.msk $0xffff, v1;
	v5 =	vor.u32 $0x60D, v0  }
0xcb: {  	[tilespmem:v6+s14+$0x0] =	vst.idx.msk $0xffff, v1;
	v6 =	vor.u32 $0x60E, v0  }
0xcc: {  	v47 =	vor.u32 $0x60F, v0;
	[tilespmem:v40+s14+$0x0] =	vst.idx.msk $0xffff, v1  }
0xcd: {  	[tilespmem:v45+s14+$0x0] =	vst.idx.msk $0xffff, v1  }
0xce: {  	v40 =	vor.u32 $0x700, v0;
	[tilespmem:v46+s14+$0x0] =	vst.idx.msk $0xffff, v1  }
0xcf: {  	[tilespmem:v5+s14+$0x0] =	vst.idx.msk $0xffff, v1  }
0xd0: {  	v53 =	vor.u32 $0x701, v0;
	[tilespmem:v6+s14+$0x0] =	vst.idx.msk $0xffff, v1  }
0xd1: {  	v54 =	vor.u32 $0x702, v0;
	v6 =	vor.u32 $0x704, v0;
	[tilespmem:v47+s14+$0x0] =	vst.idx.msk $0xffff, v1  }
0xd2: {  	v55 =	vor.u32 $0x703, v0;
	[tilespmem:$0x1FCF0] =	vst v6  }
0xd3: {  	v47 =	vor.u32 $0x707, v0;
	[tilespmem:v40+s14+$0x0] =	vst.idx.msk $0xffff, v1  }
0xd4: {  	[tilespmem:$0x1FD20] =	vst v47  }
0xd5: {  	[tilespmem:v53+s14+$0x0] =	vst.idx.msk $0xffff, v1  }
0xd6: {  	[tilespmem:v54+s14+$0x0] =	vst.idx.msk $0xffff, v1  }
0xd7: {  	v5 =	vor.u32 $0x708, v0;
	[tilespmem:v55+s14+$0x0] =	vst.idx.msk $0xffff, v1  }
0xd8: {  	[tilespmem:v6+s14+$0x0] =	vst.idx.msk $0xffff, v1;
	v6 =	vor.u32 $0x709, v0  }
0xd9: {  	v48 =	vor.u32 $0x70A, v0;
	[tilespmem:v7+s14+$0x0] =	vst.idx.msk $0xffff, v1  }
0xda: {  	v61 =	vor.u32 $0x70B, v0;
	[tilespmem:v24+s14+$0x0] =	vst.idx.msk $0xffff, v1  }
0xdb: {  	v7 =	vor.u32 $0x70C, v0;
	[tilespmem:v47+s14+$0x0] =	vst.idx.msk $0xffff, v1  }
0xdc: {  	[tilespmem:v5+s14+$0x0] =	vst.idx.msk $0xffff, v1;
	v5 =	vor.u32 $0x70D, v0  }
0xdd: {  	[tilespmem:v6+s14+$0x0] =	vst.idx.msk $0xffff, v1;
	v6 =	vor.u32 $0x70E, v0  }
0xde: {  	v56 =	vor.u32 $0x70F, v0;
	[tilespmem:v48+s14+$0x0] =	vst.idx.msk $0xffff, v1  }
0xdf: {  	[tilespmem:v61+s14+$0x0] =	vst.idx.msk $0xffff, v1  }
0xe0: {  	[tilespmem:v7+s14+$0x0] =	vst.idx.msk $0xffff, v1  }
0xe1: {  	[tilespmem:v5+s14+$0x0] =	vst.idx.msk $0xffff, v1  }
0xe2: {  	[tilespmem:v6+s14+$0x0] =	vst.idx.msk $0xffff, v1  }
0xe3: {  	[tilespmem:v56+s14+$0x0] =	vst.idx.msk $0xffff, v1  }
0xe4: {  	[spmem:s29] =	stream.linear.scatter [tilespmem:s15], [sflag:$0x5], $0x4000, $0x38;
	[tilespmem:$0x1EBA0] =	vst v63  }
0xe5: {  	_ =	swait.ge [sflag:s12], $0x4000  }
0xe6: {  	[sflag:s12] =	ssyncset.done $0x0  }
0xe7: {  	[sflag:s12] =	ssyncadd.s32 $0xFFFFC000  }
0xe8: {  	[spmem:s30] =	stream.linear.scatter [tilespmem:s14], [sflag:$0x5], $0x800, $0x38;
	[tilespmem:$0x1EBA0] =	vst v63  }
0xe9: {  	s1 =	smov.u32 s30;
	s30 =	stileid.u32;
	_ =	swait.ge [sflag:s12], $0x800  }
0xea: {  	s11 =	sshll.u32 s30, $0x6;
	[sflag:s12] =	ssyncset.done $0x0;
	s17 =	rddreg [dreg:$0x6]  }
0xeb: {  	s11 =	sor.u32 $0x1C05, s11;
	s2 =	rddreg [dreg:$0x1d];
	[sflag:s12] =	ssyncadd.s32 $0xFFFFF800  }
0xec: {  	[spmem:s2], [sflag:s11] =	dma.local [hbm:s17], $0x100  }
0xed: {  	_ =	swait.ge [sflag:s12], $0x100  }
0xee: {  	[sflag:s12] =	ssyncset.done $0x0  }
0xef: {  	[sflag:s12] =	ssyncadd.s32 $0xFFFFFF00  }
0xf0: {  	[spmem:s31] =	stream.linear.scatter [tilespmem:s15], [sflag:$0x5], $0x4000, $0x38;
	[tilespmem:$0x1EBA0] =	vst v63  }
0xf1: {  	_ =	swait.ge [sflag:s12], $0x4000  }
0xf2: {  	[sflag:s12] =	ssyncset.done $0x0  }
0xf3: {  	s2 =	smov.u32 s31;
	s31 =	rddreg [dreg:$0x17];
	[sflag:s12] =	ssyncadd.s32 $0xFFFFC000  }
0xf4: {  	[spmem:s31] =	stream.linear.scatter [tilespmem:s14], [sflag:$0x5], $0x800, $0x38;
	[tilespmem:$0x1EBA0] =	vst v63  }
0xf5: {  	_ =	swait.ge [sflag:s12], $0x800  }
0xf6: {  	[sflag:s12] =	ssyncset.done $0x0;
	s30 =	rddreg [dreg:$0x7]  }
0xf7: {  	s28 =	rddreg [dreg:$0x1e];
	[sflag:s12] =	ssyncadd.s32 $0xFFFFF800  }
0xf8: {  	[spmem:s28], [sflag:s11] =	dma.local [hbm:s30], $0x100  }
0xf9: {  	_ =	swait.ge [sflag:s12], $0x100  }
0xfa: {  	[sflag:s12] =	ssyncset.done $0x0  }
0xfb: {  	s31 =	rddreg [dreg:$0x18];
	[sflag:s12] =	ssyncadd.s32 $0xFFFFFF00  }
0xfc: {  	[spmem:s31] =	stream.linear.scatter [tilespmem:s15], [sflag:$0x5], $0x4000, $0x38;
	[tilespmem:$0x1EBA0] =	vst v63  }
0xfd: {  	_ =	swait.ge [sflag:s12], $0x4000  }
0xfe: {  	[sflag:s12] =	ssyncset.done $0x0  }
0xff: {  	s30 =	rddreg [dreg:$0x19];
	[sflag:s12] =	ssyncadd.s32 $0xFFFFC000  }
0x100: {  	[spmem:s30] =	stream.linear.scatter [tilespmem:s14], [sflag:$0x5], $0x800, $0x38;
	[tilespmem:$0x1EBA0] =	vst v63  }
0x101: {  	_ =	swait.ge [sflag:s12], $0x800  }
0x102: {  	[sflag:s12] =	ssyncset.done $0x0;
	s31 =	rddreg [dreg:$0x8]  }
0x103: {  	s28 =	rddreg [dreg:$0x1f];
	[sflag:s12] =	ssyncadd.s32 $0xFFFFF800  }
0x104: {  	[spmem:s28], [sflag:s11] =	dma.local [hbm:s31], $0x100  }
0x105: {  	_ =	swait.ge [sflag:s12], $0x100  }
0x106: {  	[sflag:s12] =	ssyncset.done $0x0  }
0x107: {  	s30 =	rddreg [dreg:$0x1a];
	[sflag:s12] =	ssyncadd.s32 $0xFFFFFF00  }
0x108: {  	[spmem:s30] =	stream.linear.scatter [tilespmem:s15], [sflag:$0x5], $0x4000, $0x38;
	[tilespmem:$0x1EBA0] =	vst v63  }
0x109: {  	_ =	swait.ge [sflag:s12], $0x4000  }
0x10a: {  	[sflag:s12] =	ssyncset.done $0x0  }
0x10b: {  	s31 =	rddreg [dreg:$0x1b];
	[sflag:s12] =	ssyncadd.s32 $0xFFFFC000  }
0x10c: {  	[spmem:s31] =	stream.linear.scatter [tilespmem:s14], [sflag:$0x5], $0x800, $0x38;
	[tilespmem:$0x1EBA0] =	vst v63  }
0x10d: {  	_ =	swait.ge [sflag:s12], $0x800  }
0x10e: {  	s28 =	sld [smem:$0x7FC]  }
0x10f: {  	[sflag:s12] =	ssyncset.done $0x0  }
0x110: {  	s30 =	rddreg [dreg:$0x9];
	[sflag:s12] =	ssyncadd.s32 $0xFFFFF800  }
0x111: {  	[spmem:s28], [sflag:s11] =	dma.local [hbm:s30], $0x100  }
0x112: {  	_ =	swait.ge [sflag:s12], $0x100  }
0x113: {  	[sflag:s12] =	ssyncset.done $0x0  }
0x114: {  	[sflag:s12] =	ssyncadd.s32 $0xFFFFFF00  }
0x115: {  	[spmem:s3] =	stream.linear.scatter [tilespmem:s15], [sflag:$0x5], $0x4000, $0x38;
	[tilespmem:$0x1EBA0] =	vst v63  }
0x116: {  	_ =	swait.ge [sflag:s12], $0x4000  }
0x117: {  	[sflag:s12] =	ssyncset.done $0x0  }
0x118: {  	[sflag:s12] =	ssyncadd.s32 $0xFFFFC000  }
0x119: {  	[spmem:s4] =	stream.linear.scatter [tilespmem:s14], [sflag:$0x5], $0x800, $0x38;
	[tilespmem:$0x1EBA0] =	vst v63  }
0x11a: {  	_ =	swait.ge [sflag:s12], $0x800  }
0x11b: {  	s28 =	sld [smem:$0x7FD]  }
0x11c: {  	[sflag:s12] =	ssyncset.done $0x0  }
0x11d: {  	s31 =	rddreg [dreg:$0xa];
	[sflag:s12] =	ssyncadd.s32 $0xFFFFF800  }
0x11e: {  	[spmem:s28], [sflag:s11] =	dma.local [hbm:s31], $0x100  }
0x11f: {  	_ =	swait.ge [sflag:s12], $0x100  }
0x120: {  	[sflag:s12] =	ssyncset.done $0x0  }
0x121: {  	s0 =	smov.u32 s29;
	[sflag:s12] =	ssyncadd.s32 $0xFFFFFF00  }
0x122: {  	s29 =	simm.s32 $0x0;
	s28 =	simm.s32 $0x0;
	[bflag:$0x0] =	sbarrier.arrive $0xFFFF  }
.LBB2_4:
0x123: {  	s30 =	sadd.s32 s5, s29  }
0x124: {  	s30 =	sshll.u32 s30, $0x4  }
0x125: {  	s31 =	sadd.s32 s22, s30  }
0x126: {  	[tilespmem:s28], [sflag:$0x2] =	stream.linear.gather [hbm4b:s31+s28], $0x80, $0x38;
	[tilespmem:$0x1EBA0] =	vst v63  }
0x127: {  	s17 =	sadd.s32 s23, s30  }
0x128: {  	[tilespmem:s19], [sflag:$0x3] =	stream.linear.gather [hbm4b:s17+s28], $0x80, $0x38;
	[tilespmem:$0x1EBA0] =	vst v63  }
0x129: {  	s30 =	sadd.s32 s24, s30  }
0x12a: {  	[tilespmem:s20], [sflag:$0x4] =	stream.linear.gather [hbm4b:s30+s28], $0x80, $0x38;
	[tilespmem:$0x1EBA0] =	vst v63  }
0x12b: {  	_ =	swait.ge [sflag:s25], $0x80  }
0x12c: {  	[sflag:s25] =	ssyncset.done $0x0  }
0x12d: {  	[sflag:s25] =	ssyncadd.s32 $0xFFFFFF80  }
0x12e: {  	[tilespmem:s15], [sflag:$0x1] =	stream.indirect.gather [hbm4b:s21+s19], $0x80, s28, s19, $0xb8;
	[tilespmem:$0x1EBA0] =	vst v63  }
0x12f: {  	_ = 	snop  }
0x130: {  	[tilespmem:s26], [sflag:$0x5] =	stream.indirect.gather [spmem:s18], $0x10, s28, s19, $0xb8;
	[tilespmem:$0x1EBA0] =	vst v63  }
0x131: {  	_ =	swait.ge [sflag:s12], $0x800  }
0x132: {  	[sflag:s12] =	ssyncset.done $0x0  }
0x133: {  	[sflag:s12] =	ssyncadd.s32 $0xFFFFF800  }
0x134: {  	_ =	swait.ge [sflag:s6], $0x80  }
0x135: {  	[sflag:s6] =	ssyncset.done $0x0  }
0x136: {  	[sflag:s6] =	ssyncadd.s32 $0xFFFFFF80  }
0x137: {  	[tilespmem:s7], [sflag:$0x5] =	stream.indirect.gather [spmem:s18], $0x10, s19, s19, $0xb8;
	[tilespmem:$0x1EBA0] =	vst v63  }
0x138: {  	_ =	swait.ge [sflag:s12], $0x800  }
0x139: {  	[sflag:s12] =	ssyncset.done $0x0  }
0x13a: {  	[sflag:s12] =	ssyncadd.s32 $0xFFFFF800  }
0x13b: {  	_ =	swait.ge [sflag:s8], $0x80  }
0x13c: {  	v6 =	vld [tilespmem:$0x1FD30];
	_ =	sdelay $0x4  }
0x13d: {  	[sflag:s8] =	ssyncset.done $0x0  }
0x13e: {  	[sflag:s8] =	ssyncadd.s32 $0xFFFFFF80  }
0x13f: {  	v5 =	vld.idx.msk [tilespmem:v0+s26+$0x0], $0xffff  }
0x140: {  	v6 =	vld.idx.msk [tilespmem:v6+s7+$0x0], $0xffff  }
0x141: {  	v7 =	vld [tilespmem:$0x100];
	_ =	sdelay $0x3  }
0x142: {  	v5 =	vadd.f32 v6, v5  }
0x143: {  	v6 =	vmul.f32 v7, v31  }
0x144: {  	v7 =	vmul.f32 $2.000000030e-01, v5  }
0x145: {  	v6 =	vadd.f32 v6, v32;
	vm0 =	vgt.f32 v5, $0.0e+00  }
0x146: {  	v5 =	vsel vm0, v5, v7  }
0x147: {  	v5 =	vmul.f32 v5, v6;
	_ =	sdelay $0x1  }
0x148: {  	v5 =	vmul.f32 $1.442695020e+00, v5;
	_ =	sdelay $0x1  }
0x149: {  	(erf) = vpow2.f32 v5;
	_ =	sdelay $0x4  }
0x14a: {  	v7 =	vld [tilespmem:$0x1FD40];
	_ =	sdelay $0x3  }
0x14b: {  	v5 =	vpop (erf)  }
0x14c: {  	[tilespmem:v0+s14+$0x0] =	vst.idx.msk $0xffff, v5  }
0x14d: {  	[tilespmem:$0x5980] =	vst v5  }
0x14e: {  	v5 =	vld.idx.msk [tilespmem:v2+s26+$0x0], $0xffff  }
0x14f: {  	v7 =	vld.idx.msk [tilespmem:v7+s7+$0x0], $0xffff;
	_ =	sdelay $0x4  }
0x150: {  	v5 =	vadd.f32 v7, v5;
	_ =	sdelay $0x1  }
0x151: {  	v7 =	vmul.f32 $2.000000030e-01, v5  }
0x152: {  	vm9 =	vgt.f32 v5, $0.0e+00  }
0x153: {  	v5 =	vsel vm9, v5, v7  }
0x154: {  	v5 =	vmul.f32 v5, v6;
	_ =	sdelay $0x1  }
0x155: {  	v5 =	vmul.f32 $1.442695020e+00, v5;
	_ =	sdelay $0x1  }
0x156: {  	(erf) = vpow2.f32 v5;
	_ =	sdelay $0x4  }
0x157: {  	v7 =	vld [tilespmem:$0x1FD50];
	_ =	sdelay $0x3  }
0x158: {  	v5 =	vpop (erf)  }
0x159: {  	[tilespmem:v2+s14+$0x0] =	vst.idx.msk $0xffff, v5  }
0x15a: {  	[tilespmem:$0x5A00] =	vst v5  }
0x15b: {  	v5 =	vld.idx.msk [tilespmem:v3+s26+$0x0], $0xffff  }
0x15c: {  	v7 =	vld.idx.msk [tilespmem:v7+s7+$0x0], $0xffff;
	_ =	sdelay $0x4  }
0x15d: {  	v5 =	vadd.f32 v7, v5;
	_ =	sdelay $0x1  }
0x15e: {  	v7 =	vmul.f32 $2.000000030e-01, v5  }
0x15f: {  	vm10 =	vgt.f32 v5, $0.0e+00  }
0x160: {  	v5 =	vsel vm10, v5, v7  }
0x161: {  	v5 =	vmul.f32 v5, v6;
	_ =	sdelay $0x1  }
0x162: {  	v5 =	vmul.f32 $1.442695020e+00, v5;
	_ =	sdelay $0x1  }
0x163: {  	(erf) = vpow2.f32 v5;
	_ =	sdelay $0x4  }
0x164: {  	v7 =	vld [tilespmem:$0x1FD60];
	_ =	sdelay $0x3  }
0x165: {  	v5 =	vpop (erf)  }
0x166: {  	[tilespmem:v3+s14+$0x0] =	vst.idx.msk $0xffff, v5  }
0x167: {  	[tilespmem:$0x5A80] =	vst v5  }
0x168: {  	v5 =	vld.idx.msk [tilespmem:v4+s26+$0x0], $0xffff  }
0x169: {  	v7 =	vld.idx.msk [tilespmem:v7+s7+$0x0], $0xffff;
	_ =	sdelay $0x4  }
0x16a: {  	v5 =	vadd.f32 v7, v5;
	_ =	sdelay $0x1  }
0x16b: {  	v7 =	vmul.f32 $2.000000030e-01, v5  }
0x16c: {  	vm11 =	vgt.f32 v5, $0.0e+00  }
0x16d: {  	v5 =	vsel vm11, v5, v7  }
0x16e: {  	v5 =	vmul.f32 v5, v6;
	_ =	sdelay $0x1  }
0x16f: {  	v5 =	vmul.f32 $1.442695020e+00, v5;
	_ =	sdelay $0x1  }
0x170: {  	(erf) = vpow2.f32 v5;
	_ =	sdelay $0x4  }
0x171: {  	v6 =	vld [tilespmem:$0x1FDF0];
	_ =	sdelay $0x3  }
0x172: {  	v5 =	vpop (erf)  }
0x173: {  	[tilespmem:v4+s14+$0x0] =	vst.idx.msk $0xffff, v5  }
0x174: {  	[tilespmem:$0x5B00] =	vst v5  }
0x175: {  	v5 =	vld.idx.msk [tilespmem:v17+s26+$0x0], $0xffff  }
0x176: {  	v6 =	vld.idx.msk [tilespmem:v6+s7+$0x0], $0xffff  }
0x177: {  	v7 =	vld [tilespmem:$0x110];
	_ =	sdelay $0x3  }
0x178: {  	v5 =	vadd.f32 v6, v5  }
0x179: {  	v6 =	vmul.f32 v7, v31  }
0x17a: {  	v7 =	vmul.f32 $2.000000030e-01, v5  }
0x17b: {  	v6 =	vadd.f32 v6, v32;
	vm12 =	vgt.f32 v5, $0.0e+00  }
0x17c: {  	v5 =	vsel vm12, v5, v7  }
0x17d: {  	v5 =	vmul.f32 v5, v6;
	_ =	sdelay $0x1  }
0x17e: {  	v5 =	vmul.f32 $1.442695020e+00, v5;
	_ =	sdelay $0x1  }
0x17f: {  	(erf) = vpow2.f32 v5;
	_ =	sdelay $0x4  }
0x180: {  	v7 =	vld [tilespmem:$0x1FE00];
	_ =	sdelay $0x3  }
0x181: {  	v5 =	vpop (erf)  }
0x182: {  	[tilespmem:v17+s14+$0x0] =	vst.idx.msk $0xffff, v5  }
0x183: {  	[tilespmem:$0x5990] =	vst v5  }
0x184: {  	v5 =	vld.idx.msk [tilespmem:v18+s26+$0x0], $0xffff  }
0x185: {  	v7 =	vld.idx.msk [tilespmem:v7+s7+$0x0], $0xffff;
	_ =	sdelay $0x4  }
0x186: {  	v5 =	vadd.f32 v7, v5;
	_ =	sdelay $0x1  }
0x187: {  	v7 =	vmul.f32 $2.000000030e-01, v5  }
0x188: {  	vm13 =	vgt.f32 v5, $0.0e+00  }
0x189: {  	v5 =	vsel vm13, v5, v7  }
0x18a: {  	v5 =	vmul.f32 v5, v6;
	_ =	sdelay $0x1  }
0x18b: {  	v5 =	vmul.f32 $1.442695020e+00, v5;
	_ =	sdelay $0x1  }
0x18c: {  	(erf) = vpow2.f32 v5;
	_ =	sdelay $0x4  }
0x18d: {  	v7 =	vld [tilespmem:$0x1FE10];
	_ =	sdelay $0x3  }
0x18e: {  	v5 =	vpop (erf)  }
0x18f: {  	[tilespmem:v18+s14+$0x0] =	vst.idx.msk $0xffff, v5  }
0x190: {  	[tilespmem:$0x5A10] =	vst v5  }
0x191: {  	v5 =	vld.idx.msk [tilespmem:v19+s26+$0x0], $0xffff  }
0x192: {  	v7 =	vld.idx.msk [tilespmem:v7+s7+$0x0], $0xffff;
	_ =	sdelay $0x4  }
0x193: {  	v5 =	vadd.f32 v7, v5;
	_ =	sdelay $0x1  }
0x194: {  	v7 =	vmul.f32 $2.000000030e-01, v5  }
0x195: {  	vm14 =	vgt.f32 v5, $0.0e+00  }
0x196: {  	v5 =	vsel vm14, v5, v7  }
0x197: {  	v5 =	vmul.f32 v5, v6;
	_ =	sdelay $0x1  }
0x198: {  	v5 =	vmul.f32 $1.442695020e+00, v5;
	_ =	sdelay $0x1  }
0x199: {  	(erf) = vpow2.f32 v5;
	_ =	sdelay $0x4  }
0x19a: {  	v7 =	vld [tilespmem:$0x1FE20];
	_ =	sdelay $0x3  }
0x19b: {  	v5 =	vpop (erf)  }
0x19c: {  	[tilespmem:v19+s14+$0x0] =	vst.idx.msk $0xffff, v5  }
0x19d: {  	[tilespmem:$0x5A90] =	vst v5  }
0x19e: {  	v5 =	vld.idx.msk [tilespmem:v20+s26+$0x0], $0xffff  }
0x19f: {  	v7 =	vld.idx.msk [tilespmem:v7+s7+$0x0], $0xffff;
	_ =	sdelay $0x4  }
0x1a0: {  	v5 =	vadd.f32 v7, v5;
	_ =	sdelay $0x1  }
0x1a1: {  	v7 =	vmul.f32 $2.000000030e-01, v5  }
0x1a2: {  	vm15 =	vgt.f32 v5, $0.0e+00  }
0x1a3: {  	v5 =	vsel vm15, v5, v7  }
0x1a4: {  	v5 =	vmul.f32 v5, v6;
	_ =	sdelay $0x1  }
0x1a5: {  	v5 =	vmul.f32 $1.442695020e+00, v5;
	_ =	sdelay $0x1  }
0x1a6: {  	(erf) = vpow2.f32 v5;
	_ =	sdelay $0x4  }
0x1a7: {  	v6 =	vld [tilespmem:$0x1FEB0];
	_ =	sdelay $0x3  }
0x1a8: {  	v5 =	vpop (erf)  }
0x1a9: {  	[tilespmem:v20+s14+$0x0] =	vst.idx.msk $0xffff, v5  }
0x1aa: {  	[tilespmem:$0x5B10] =	vst v5  }
0x1ab: {  	v5 =	vld.idx.msk [tilespmem:v33+s26+$0x0], $0xffff  }
0x1ac: {  	v6 =	vld.idx.msk [tilespmem:v6+s7+$0x0], $0xffff  }
0x1ad: {  	v7 =	vld [tilespmem:$0x120];
	_ =	sdelay $0x3  }
0x1ae: {  	v5 =	vadd.f32 v6, v5  }
0x1af: {  	v6 =	vmul.f32 v7, v31  }
0x1b0: {  	v7 =	vmul.f32 $2.000000030e-01, v5  }
0x1b1: {  	v6 =	vadd.f32 v6, v32;
	vm4 =	vgt.f32 v5, $0.0e+00  }
0x1b2: {  	v5 =	vsel vm4, v5, v7  }
0x1b3: {  	v5 =	vmul.f32 v5, v6;
	_ =	sdelay $0x1  }
0x1b4: {  	v5 =	vmul.f32 $1.442695020e+00, v5;
	_ =	sdelay $0x1  }
0x1b5: {  	(erf) = vpow2.f32 v5;
	_ =	sdelay $0x4  }
0x1b6: {  	v7 =	vld [tilespmem:$0x1FEC0];
	_ =	sdelay $0x3  }
0x1b7: {  	v5 =	vpop (erf)  }
0x1b8: {  	[tilespmem:v33+s14+$0x0] =	vst.idx.msk $0xffff, v5  }
0x1b9: {  	[tilespmem:$0x59A0] =	vst v5  }
0x1ba: {  	v5 =	vld.idx.msk [tilespmem:v34+s26+$0x0], $0xffff  }
0x1bb: {  	v7 =	vld.idx.msk [tilespmem:v7+s7+$0x0], $0xffff;
	_ =	sdelay $0x4  }
0x1bc: {  	v5 =	vadd.f32 v7, v5;
	_ =	sdelay $0x1  }
0x1bd: {  	v7 =	vmul.f32 $2.000000030e-01, v5  }
0x1be: {  	vm5 =	vgt.f32 v5, $0.0e+00  }
0x1bf: {  	v5 =	vsel vm5, v5, v7  }
0x1c0: {  	v5 =	vmul.f32 v5, v6;
	_ =	sdelay $0x1  }
0x1c1: {  	v5 =	vmul.f32 $1.442695020e+00, v5;
	_ =	sdelay $0x1  }
0x1c2: {  	(erf) = vpow2.f32 v5;
	_ =	sdelay $0x4  }
0x1c3: {  	v7 =	vld [tilespmem:$0x1FED0];
	_ =	sdelay $0x3  }
0x1c4: {  	v5 =	vpop (erf)  }
0x1c5: {  	[tilespmem:v34+s14+$0x0] =	vst.idx.msk $0xffff, v5  }
0x1c6: {  	[tilespmem:$0x5A20] =	vst v5  }
0x1c7: {  	v5 =	vld.idx.msk [tilespmem:v35+s26+$0x0], $0xffff  }
0x1c8: {  	v7 =	vld.idx.msk [tilespmem:v7+s7+$0x0], $0xffff;
	_ =	sdelay $0x4  }
0x1c9: {  	v5 =	vadd.f32 v7, v5;
	_ =	sdelay $0x1  }
0x1ca: {  	v7 =	vmul.f32 $2.000000030e-01, v5  }
0x1cb: {  	vm6 =	vgt.f32 v5, $0.0e+00  }
0x1cc: {  	v5 =	vsel vm6, v5, v7  }
0x1cd: {  	v5 =	vmul.f32 v5, v6;
	_ =	sdelay $0x1  }
0x1ce: {  	v5 =	vmul.f32 $1.442695020e+00, v5;
	_ =	sdelay $0x1  }
0x1cf: {  	(erf) = vpow2.f32 v5;
	_ =	sdelay $0x4  }
0x1d0: {  	v7 =	vld [tilespmem:$0x1FEE0];
	_ =	sdelay $0x3  }
0x1d1: {  	v5 =	vpop (erf)  }
0x1d2: {  	[tilespmem:v35+s14+$0x0] =	vst.idx.msk $0xffff, v5  }
0x1d3: {  	[tilespmem:$0x5AA0] =	vst v5  }
0x1d4: {  	v5 =	vld.idx.msk [tilespmem:v36+s26+$0x0], $0xffff  }
0x1d5: {  	v7 =	vld.idx.msk [tilespmem:v7+s7+$0x0], $0xffff;
	_ =	sdelay $0x4  }
0x1d6: {  	v5 =	vadd.f32 v7, v5;
	_ =	sdelay $0x1  }
0x1d7: {  	v7 =	vmul.f32 $2.000000030e-01, v5  }
0x1d8: {  	vm7 =	vgt.f32 v5, $0.0e+00  }
0x1d9: {  	v5 =	vsel vm7, v5, v7  }
0x1da: {  	v5 =	vmul.f32 v5, v6;
	_ =	sdelay $0x1  }
0x1db: {  	v5 =	vmul.f32 $1.442695020e+00, v5;
	_ =	sdelay $0x1  }
0x1dc: {  	(erf) = vpow2.f32 v5;
	_ =	sdelay $0x4  }
0x1dd: {  	v6 =	vld [tilespmem:$0x1FF70];
	_ =	sdelay $0x3  }
0x1de: {  	v5 =	vpop (erf)  }
0x1df: {  	[tilespmem:v36+s14+$0x0] =	vst.idx.msk $0xffff, v5  }
0x1e0: {  	[tilespmem:$0x5B20] =	vst v5  }
0x1e1: {  	v5 =	vld.idx.msk [tilespmem:v49+s26+$0x0], $0xffff  }
0x1e2: {  	v6 =	vld.idx.msk [tilespmem:v6+s7+$0x0], $0xffff  }
0x1e3: {  	v7 =	vld [tilespmem:$0x130];
	_ =	sdelay $0x3  }
0x1e4: {  	v5 =	vadd.f32 v6, v5  }
0x1e5: {  	v6 =	vmul.f32 v7, v31  }
0x1e6: {  	v7 =	vmul.f32 $2.000000030e-01, v5  }
0x1e7: {  	v6 =	vadd.f32 v6, v32;
	vm8 =	vgt.f32 v5, $0.0e+00  }
0x1e8: {  	v5 =	vsel vm8, v5, v7  }
0x1e9: {  	v5 =	vmul.f32 v5, v6;
	_ =	sdelay $0x1  }
0x1ea: {  	v5 =	vmul.f32 $1.442695020e+00, v5;
	_ =	sdelay $0x1  }
0x1eb: {  	(erf) = vpow2.f32 v5;
	_ =	sdelay $0x4  }
0x1ec: {  	v7 =	vld [tilespmem:$0x1FF80];
	_ =	sdelay $0x3  }
0x1ed: {  	v5 =	vpop (erf)  }
0x1ee: {  	[tilespmem:v49+s14+$0x0] =	vst.idx.msk $0xffff, v5  }
0x1ef: {  	[tilespmem:$0x59B0] =	vst v5  }
0x1f0: {  	v5 =	vld.idx.msk [tilespmem:v50+s26+$0x0], $0xffff  }
0x1f1: {  	v7 =	vld.idx.msk [tilespmem:v7+s7+$0x0], $0xffff;
	_ =	sdelay $0x4  }
0x1f2: {  	v5 =	vadd.f32 v7, v5;
	_ =	sdelay $0x1  }
0x1f3: {  	v7 =	vmul.f32 $2.000000030e-01, v5  }
0x1f4: {  	vm9 =	vgt.f32 v5, $0.0e+00  }
0x1f5: {  	v5 =	vsel vm9, v5, v7  }
0x1f6: {  	v5 =	vmul.f32 v5, v6;
	_ =	sdelay $0x1  }
0x1f7: {  	v5 =	vmul.f32 $1.442695020e+00, v5;
	_ =	sdelay $0x1  }
0x1f8: {  	(erf) = vpow2.f32 v5;
	_ =	sdelay $0x4  }
0x1f9: {  	v7 =	vld [tilespmem:$0x1FF90];
	_ =	sdelay $0x3  }
0x1fa: {  	v5 =	vpop (erf)  }
0x1fb: {  	[tilespmem:v50+s14+$0x0] =	vst.idx.msk $0xffff, v5  }
0x1fc: {  	[tilespmem:$0x5A30] =	vst v5  }
0x1fd: {  	v5 =	vld.idx.msk [tilespmem:v51+s26+$0x0], $0xffff  }
0x1fe: {  	v7 =	vld.idx.msk [tilespmem:v7+s7+$0x0], $0xffff;
	_ =	sdelay $0x4  }
0x1ff: {  	v5 =	vadd.f32 v7, v5;
	_ =	sdelay $0x1  }
0x200: {  	v7 =	vmul.f32 $2.000000030e-01, v5  }
0x201: {  	vm10 =	vgt.f32 v5, $0.0e+00  }
0x202: {  	v5 =	vsel vm10, v5, v7  }
0x203: {  	v5 =	vmul.f32 v5, v6;
	_ =	sdelay $0x1  }
0x204: {  	v5 =	vmul.f32 $1.442695020e+00, v5;
	_ =	sdelay $0x1  }
0x205: {  	(erf) = vpow2.f32 v5;
	_ =	sdelay $0x4  }
0x206: {  	v7 =	vld [tilespmem:$0x1FFA0];
	_ =	sdelay $0x3  }
0x207: {  	v5 =	vpop (erf)  }
0x208: {  	[tilespmem:v51+s14+$0x0] =	vst.idx.msk $0xffff, v5  }
0x209: {  	[tilespmem:$0x5AB0] =	vst v5  }
0x20a: {  	v5 =	vld.idx.msk [tilespmem:v52+s26+$0x0], $0xffff  }
0x20b: {  	v7 =	vld.idx.msk [tilespmem:v7+s7+$0x0], $0xffff;
	_ =	sdelay $0x4  }
0x20c: {  	v5 =	vadd.f32 v7, v5;
	_ =	sdelay $0x1  }
0x20d: {  	v7 =	vmul.f32 $2.000000030e-01, v5  }
0x20e: {  	vm11 =	vgt.f32 v5, $0.0e+00  }
0x20f: {  	v5 =	vsel vm11, v5, v7  }
0x210: {  	v5 =	vmul.f32 v5, v6;
	_ =	sdelay $0x1  }
0x211: {  	v5 =	vmul.f32 $1.442695020e+00, v5;
	_ =	sdelay $0x1  }
0x212: {  	(erf) = vpow2.f32 v5;
	_ =	sdelay $0x4  }
0x213: {  	v6 =	vld [tilespmem:$0x1FC30];
	_ =	sdelay $0x3  }
0x214: {  	v5 =	vpop (erf)  }
0x215: {  	[tilespmem:v52+s14+$0x0] =	vst.idx.msk $0xffff, v5  }
0x216: {  	[tilespmem:$0x5B30] =	vst v5  }
0x217: {  	v5 =	vld.idx.msk [tilespmem:v41+s26+$0x0], $0xffff  }
0x218: {  	v6 =	vld.idx.msk [tilespmem:v6+s7+$0x0], $0xffff  }
0x219: {  	v7 =	vld [tilespmem:$0x140];
	_ =	sdelay $0x3  }
0x21a: {  	v5 =	vadd.f32 v6, v5  }
0x21b: {  	v6 =	vmul.f32 v7, v31  }
0x21c: {  	v7 =	vmul.f32 $2.000000030e-01, v5  }
0x21d: {  	v6 =	vadd.f32 v6, v32;
	vm12 =	vgt.f32 v5, $0.0e+00  }
0x21e: {  	v5 =	vsel vm12, v5, v7  }
0x21f: {  	v5 =	vmul.f32 v5, v6;
	_ =	sdelay $0x1  }
0x220: {  	v5 =	vmul.f32 $1.442695020e+00, v5;
	_ =	sdelay $0x1  }
0x221: {  	(erf) = vpow2.f32 v5;
	_ =	sdelay $0x4  }
0x222: {  	v7 =	vld [tilespmem:$0x1FC40];
	_ =	sdelay $0x3  }
0x223: {  	v5 =	vpop (erf)  }
0x224: {  	[tilespmem:v41+s14+$0x0] =	vst.idx.msk $0xffff, v5  }
0x225: {  	[tilespmem:$0x59C0] =	vst v5  }
0x226: {  	v5 =	vld.idx.msk [tilespmem:v42+s26+$0x0], $0xffff  }
0x227: {  	v7 =	vld.idx.msk [tilespmem:v7+s7+$0x0], $0xffff;
	_ =	sdelay $0x4  }
0x228: {  	v5 =	vadd.f32 v7, v5;
	_ =	sdelay $0x1  }
0x229: {  	v7 =	vmul.f32 $2.000000030e-01, v5  }
0x22a: {  	vm13 =	vgt.f32 v5, $0.0e+00  }
0x22b: {  	v5 =	vsel vm13, v5, v7  }
0x22c: {  	v5 =	vmul.f32 v5, v6;
	_ =	sdelay $0x1  }
0x22d: {  	v5 =	vmul.f32 $1.442695020e+00, v5;
	_ =	sdelay $0x1  }
0x22e: {  	(erf) = vpow2.f32 v5;
	_ =	sdelay $0x4  }
0x22f: {  	v7 =	vld [tilespmem:$0x1FC50];
	_ =	sdelay $0x3  }
0x230: {  	v5 =	vpop (erf)  }
0x231: {  	[tilespmem:v42+s14+$0x0] =	vst.idx.msk $0xffff, v5  }
0x232: {  	[tilespmem:$0x5A40] =	vst v5  }
0x233: {  	v5 =	vld.idx.msk [tilespmem:v43+s26+$0x0], $0xffff  }
0x234: {  	v7 =	vld.idx.msk [tilespmem:v7+s7+$0x0], $0xffff;
	_ =	sdelay $0x4  }
0x235: {  	v5 =	vadd.f32 v7, v5;
	_ =	sdelay $0x1  }
0x236: {  	v7 =	vmul.f32 $2.000000030e-01, v5  }
0x237: {  	vm14 =	vgt.f32 v5, $0.0e+00  }
0x238: {  	v5 =	vsel vm14, v5, v7  }
0x239: {  	v5 =	vmul.f32 v5, v6;
	_ =	sdelay $0x1  }
0x23a: {  	v5 =	vmul.f32 $1.442695020e+00, v5;
	_ =	sdelay $0x1  }
0x23b: {  	(erf) = vpow2.f32 v5;
	_ =	sdelay $0x4  }
0x23c: {  	v7 =	vld [tilespmem:$0x1FC60];
	_ =	sdelay $0x3  }
0x23d: {  	v5 =	vpop (erf)  }
0x23e: {  	[tilespmem:v43+s14+$0x0] =	vst.idx.msk $0xffff, v5  }
0x23f: {  	[tilespmem:$0x5AC0] =	vst v5  }
0x240: {  	v5 =	vld.idx.msk [tilespmem:v44+s26+$0x0], $0xffff  }
0x241: {  	v7 =	vld.idx.msk [tilespmem:v7+s7+$0x0], $0xffff;
	_ =	sdelay $0x4  }
0x242: {  	v5 =	vadd.f32 v7, v5;
	_ =	sdelay $0x1  }
0x243: {  	v7 =	vmul.f32 $2.000000030e-01, v5  }
0x244: {  	vm15 =	vgt.f32 v5, $0.0e+00  }
0x245: {  	v5 =	vsel vm15, v5, v7  }
0x246: {  	v5 =	vmul.f32 v5, v6;
	_ =	sdelay $0x1  }
0x247: {  	v5 =	vmul.f32 $1.442695020e+00, v5;
	_ =	sdelay $0x1  }
0x248: {  	(erf) = vpow2.f32 v5;
	_ =	sdelay $0x4  }
0x249: {  	v6 =	vld [tilespmem:$0x1FC70];
	_ =	sdelay $0x3  }
0x24a: {  	v5 =	vpop (erf)  }
0x24b: {  	[tilespmem:v44+s14+$0x0] =	vst.idx.msk $0xffff, v5  }
0x24c: {  	[tilespmem:$0x5B40] =	vst v5  }
0x24d: {  	v5 =	vld.idx.msk [tilespmem:v57+s26+$0x0], $0xffff  }
0x24e: {  	v6 =	vld.idx.msk [tilespmem:v6+s7+$0x0], $0xffff  }
0x24f: {  	v7 =	vld [tilespmem:$0x150];
	_ =	sdelay $0x3  }
0x250: {  	v5 =	vadd.f32 v6, v5  }
0x251: {  	v6 =	vmul.f32 v7, v31  }
0x252: {  	v7 =	vmul.f32 $2.000000030e-01, v5  }
0x253: {  	v6 =	vadd.f32 v6, v32;
	vm4 =	vgt.f32 v5, $0.0e+00  }
0x254: {  	v5 =	vsel vm4, v5, v7  }
0x255: {  	v5 =	vmul.f32 v5, v6;
	_ =	sdelay $0x1  }
0x256: {  	v5 =	vmul.f32 $1.442695020e+00, v5;
	_ =	sdelay $0x1  }
0x257: {  	(erf) = vpow2.f32 v5;
	_ =	sdelay $0x4  }
0x258: {  	v7 =	vld [tilespmem:$0x1FC80];
	_ =	sdelay $0x3  }
0x259: {  	v5 =	vpop (erf)  }
0x25a: {  	[tilespmem:v57+s14+$0x0] =	vst.idx.msk $0xffff, v5  }
0x25b: {  	[tilespmem:$0x59D0] =	vst v5  }
0x25c: {  	v5 =	vld.idx.msk [tilespmem:v58+s26+$0x0], $0xffff  }
0x25d: {  	v7 =	vld.idx.msk [tilespmem:v7+s7+$0x0], $0xffff;
	_ =	sdelay $0x4  }
0x25e: {  	v5 =	vadd.f32 v7, v5;
	_ =	sdelay $0x1  }
0x25f: {  	v7 =	vmul.f32 $2.000000030e-01, v5  }
0x260: {  	vm5 =	vgt.f32 v5, $0.0e+00  }
0x261: {  	v5 =	vsel vm5, v5, v7  }
0x262: {  	v5 =	vmul.f32 v5, v6;
	_ =	sdelay $0x1  }
0x263: {  	v5 =	vmul.f32 $1.442695020e+00, v5;
	_ =	sdelay $0x1  }
0x264: {  	(erf) = vpow2.f32 v5;
	_ =	sdelay $0x4  }
0x265: {  	v7 =	vld [tilespmem:$0x1FC90];
	_ =	sdelay $0x3  }
0x266: {  	v5 =	vpop (erf)  }
0x267: {  	[tilespmem:v58+s14+$0x0] =	vst.idx.msk $0xffff, v5  }
0x268: {  	[tilespmem:$0x5A50] =	vst v5  }
0x269: {  	v5 =	vld.idx.msk [tilespmem:v59+s26+$0x0], $0xffff  }
0x26a: {  	v7 =	vld.idx.msk [tilespmem:v7+s7+$0x0], $0xffff;
	_ =	sdelay $0x4  }
0x26b: {  	v5 =	vadd.f32 v7, v5;
	_ =	sdelay $0x1  }
0x26c: {  	v7 =	vmul.f32 $2.000000030e-01, v5  }
0x26d: {  	vm6 =	vgt.f32 v5, $0.0e+00  }
0x26e: {  	v5 =	vsel vm6, v5, v7  }
0x26f: {  	v5 =	vmul.f32 v5, v6;
	_ =	sdelay $0x1  }
0x270: {  	v5 =	vmul.f32 $1.442695020e+00, v5;
	_ =	sdelay $0x1  }
0x271: {  	(erf) = vpow2.f32 v5;
	_ =	sdelay $0x4  }
0x272: {  	v7 =	vld [tilespmem:$0x1FCA0];
	_ =	sdelay $0x3  }
0x273: {  	v5 =	vpop (erf)  }
0x274: {  	[tilespmem:v59+s14+$0x0] =	vst.idx.msk $0xffff, v5  }
0x275: {  	[tilespmem:$0x5AD0] =	vst v5  }
0x276: {  	v5 =	vld.idx.msk [tilespmem:v60+s26+$0x0], $0xffff  }
0x277: {  	v7 =	vld.idx.msk [tilespmem:v7+s7+$0x0], $0xffff;
	_ =	sdelay $0x4  }
0x278: {  	v5 =	vadd.f32 v7, v5;
	_ =	sdelay $0x1  }
0x279: {  	v7 =	vmul.f32 $2.000000030e-01, v5  }
0x27a: {  	vm7 =	vgt.f32 v5, $0.0e+00  }
0x27b: {  	v5 =	vsel vm7, v5, v7  }
0x27c: {  	v5 =	vmul.f32 v5, v6;
	_ =	sdelay $0x1  }
0x27d: {  	v5 =	vmul.f32 $1.442695020e+00, v5;
	_ =	sdelay $0x1  }
0x27e: {  	(erf) = vpow2.f32 v5;
	_ =	sdelay $0x4  }
0x27f: {  	v6 =	vld [tilespmem:$0x1FCB0];
	_ =	sdelay $0x3  }
0x280: {  	v5 =	vpop (erf)  }
0x281: {  	[tilespmem:v60+s14+$0x0] =	vst.idx.msk $0xffff, v5  }
0x282: {  	[tilespmem:$0x5B50] =	vst v5  }
0x283: {  	v5 =	vld.idx.msk [tilespmem:v8+s26+$0x0], $0xffff  }
0x284: {  	v6 =	vld.idx.msk [tilespmem:v6+s7+$0x0], $0xffff  }
0x285: {  	v7 =	vld [tilespmem:$0x160];
	_ =	sdelay $0x3  }
0x286: {  	v5 =	vadd.f32 v6, v5  }
0x287: {  	v6 =	vmul.f32 v7, v31  }
0x288: {  	v7 =	vmul.f32 $2.000000030e-01, v5  }
0x289: {  	v6 =	vadd.f32 v6, v32;
	vm8 =	vgt.f32 v5, $0.0e+00  }
0x28a: {  	v5 =	vsel vm8, v5, v7  }
0x28b: {  	v5 =	vmul.f32 v5, v6;
	_ =	sdelay $0x1  }
0x28c: {  	v5 =	vmul.f32 $1.442695020e+00, v5;
	_ =	sdelay $0x1  }
0x28d: {  	(erf) = vpow2.f32 v5;
	_ =	sdelay $0x4  }
0x28e: {  	v7 =	vld [tilespmem:$0x1FCC0];
	_ =	sdelay $0x3  }
0x28f: {  	v5 =	vpop (erf)  }
0x290: {  	[tilespmem:v8+s14+$0x0] =	vst.idx.msk $0xffff, v5  }
0x291: {  	[tilespmem:$0x59E0] =	vst v5  }
0x292: {  	v5 =	vld.idx.msk [tilespmem:v21+s26+$0x0], $0xffff  }
0x293: {  	v7 =	vld.idx.msk [tilespmem:v7+s7+$0x0], $0xffff;
	_ =	sdelay $0x4  }
0x294: {  	v5 =	vadd.f32 v7, v5;
	_ =	sdelay $0x1  }
0x295: {  	v7 =	vmul.f32 $2.000000030e-01, v5  }
0x296: {  	vm9 =	vgt.f32 v5, $0.0e+00  }
0x297: {  	v5 =	vsel vm9, v5, v7  }
0x298: {  	v5 =	vmul.f32 v5, v6;
	_ =	sdelay $0x1  }
0x299: {  	v5 =	vmul.f32 $1.442695020e+00, v5;
	_ =	sdelay $0x1  }
0x29a: {  	(erf) = vpow2.f32 v5;
	_ =	sdelay $0x4  }
0x29b: {  	v7 =	vld [tilespmem:$0x1FCD0];
	_ =	sdelay $0x3  }
0x29c: {  	v5 =	vpop (erf)  }
0x29d: {  	[tilespmem:v21+s14+$0x0] =	vst.idx.msk $0xffff, v5  }
0x29e: {  	[tilespmem:$0x5A60] =	vst v5  }
0x29f: {  	v5 =	vld.idx.msk [tilespmem:v22+s26+$0x0], $0xffff  }
0x2a0: {  	v7 =	vld.idx.msk [tilespmem:v7+s7+$0x0], $0xffff;
	_ =	sdelay $0x4  }
0x2a1: {  	v5 =	vadd.f32 v7, v5;
	_ =	sdelay $0x1  }
0x2a2: {  	v7 =	vmul.f32 $2.000000030e-01, v5  }
0x2a3: {  	vm10 =	vgt.f32 v5, $0.0e+00  }
0x2a4: {  	v5 =	vsel vm10, v5, v7  }
0x2a5: {  	v5 =	vmul.f32 v5, v6;
	_ =	sdelay $0x1  }
0x2a6: {  	v5 =	vmul.f32 $1.442695020e+00, v5;
	_ =	sdelay $0x1  }
0x2a7: {  	(erf) = vpow2.f32 v5;
	_ =	sdelay $0x4  }
0x2a8: {  	v7 =	vld [tilespmem:$0x1FCE0];
	_ =	sdelay $0x3  }
0x2a9: {  	v5 =	vpop (erf)  }
0x2aa: {  	[tilespmem:v22+s14+$0x0] =	vst.idx.msk $0xffff, v5  }
0x2ab: {  	[tilespmem:$0x5AE0] =	vst v5  }
0x2ac: {  	v5 =	vld.idx.msk [tilespmem:v23+s26+$0x0], $0xffff  }
0x2ad: {  	v7 =	vld.idx.msk [tilespmem:v7+s7+$0x0], $0xffff;
	_ =	sdelay $0x4  }
0x2ae: {  	v5 =	vadd.f32 v7, v5;
	_ =	sdelay $0x1  }
0x2af: {  	v7 =	vmul.f32 $2.000000030e-01, v5  }
0x2b0: {  	vm11 =	vgt.f32 v5, $0.0e+00  }
0x2b1: {  	v5 =	vsel vm11, v5, v7  }
0x2b2: {  	v5 =	vmul.f32 v5, v6;
	_ =	sdelay $0x1  }
0x2b3: {  	v5 =	vmul.f32 $1.442695020e+00, v5;
	_ =	sdelay $0x1  }
0x2b4: {  	(erf) = vpow2.f32 v5;
	_ =	sdelay $0x4  }
0x2b5: {  	v6 =	vld [tilespmem:$0x1FCF0];
	_ =	sdelay $0x3  }
0x2b6: {  	v5 =	vpop (erf)  }
0x2b7: {  	[tilespmem:v23+s14+$0x0] =	vst.idx.msk $0xffff, v5  }
0x2b8: {  	[tilespmem:$0x5B60] =	vst v5  }
0x2b9: {  	v5 =	vld.idx.msk [tilespmem:v40+s26+$0x0], $0xffff  }
0x2ba: {  	v6 =	vld.idx.msk [tilespmem:v6+s7+$0x0], $0xffff  }
0x2bb: {  	v7 =	vld [tilespmem:$0x170];
	_ =	sdelay $0x3  }
0x2bc: {  	v5 =	vadd.f32 v6, v5  }
0x2bd: {  	v6 =	vmul.f32 v7, v31  }
0x2be: {  	v7 =	vmul.f32 $2.000000030e-01, v5  }
0x2bf: {  	v6 =	vadd.f32 v6, v32;
	vm12 =	vgt.f32 v5, $0.0e+00  }
0x2c0: {  	v5 =	vsel vm12, v5, v7  }
0x2c1: {  	v5 =	vmul.f32 v5, v6;
	_ =	sdelay $0x1  }
0x2c2: {  	v5 =	vmul.f32 $1.442695020e+00, v5;
	_ =	sdelay $0x1  }
0x2c3: {  	(erf) = vpow2.f32 v5;
	_ =	sdelay $0x4  }
0x2c4: {  	v7 =	vld [tilespmem:$0x1FD00];
	_ =	sdelay $0x3  }
0x2c5: {  	v5 =	vpop (erf)  }
0x2c6: {  	[tilespmem:v40+s14+$0x0] =	vst.idx.msk $0xffff, v5  }
0x2c7: {  	[tilespmem:$0x59F0] =	vst v5  }
0x2c8: {  	v5 =	vld.idx.msk [tilespmem:v53+s26+$0x0], $0xffff  }
0x2c9: {  	v7 =	vld.idx.msk [tilespmem:v7+s7+$0x0], $0xffff;
	_ =	sdelay $0x4  }
0x2ca: {  	v5 =	vadd.f32 v7, v5;
	_ =	sdelay $0x1  }
0x2cb: {  	v7 =	vmul.f32 $2.000000030e-01, v5  }
0x2cc: {  	vm13 =	vgt.f32 v5, $0.0e+00  }
0x2cd: {  	v5 =	vsel vm13, v5, v7  }
0x2ce: {  	v5 =	vmul.f32 v5, v6;
	_ =	sdelay $0x1  }
0x2cf: {  	v5 =	vmul.f32 $1.442695020e+00, v5;
	_ =	sdelay $0x1  }
0x2d0: {  	(erf) = vpow2.f32 v5;
	_ =	sdelay $0x4  }
0x2d1: {  	v7 =	vld [tilespmem:$0x1FD10];
	_ =	sdelay $0x3  }
0x2d2: {  	v5 =	vpop (erf)  }
0x2d3: {  	[tilespmem:v53+s14+$0x0] =	vst.idx.msk $0xffff, v5  }
0x2d4: {  	[tilespmem:$0x5A70] =	vst v5  }
0x2d5: {  	v5 =	vld.idx.msk [tilespmem:v54+s26+$0x0], $0xffff  }
0x2d6: {  	v7 =	vld.idx.msk [tilespmem:v7+s7+$0x0], $0xffff;
	_ =	sdelay $0x4  }
0x2d7: {  	v5 =	vadd.f32 v7, v5;
	_ =	sdelay $0x1  }
0x2d8: {  	v7 =	vmul.f32 $2.000000030e-01, v5  }
0x2d9: {  	vm14 =	vgt.f32 v5, $0.0e+00  }
0x2da: {  	v5 =	vsel vm14, v5, v7  }
0x2db: {  	v5 =	vmul.f32 v5, v6;
	_ =	sdelay $0x1  }
0x2dc: {  	v5 =	vmul.f32 $1.442695020e+00, v5;
	_ =	sdelay $0x1  }
0x2dd: {  	(erf) = vpow2.f32 v5;
	_ =	sdelay $0x4  }
0x2de: {  	v7 =	vld [tilespmem:$0x1FD20];
	_ =	sdelay $0x3  }
0x2df: {  	v5 =	vpop (erf)  }
0x2e0: {  	[tilespmem:v54+s14+$0x0] =	vst.idx.msk $0xffff, v5  }
0x2e1: {  	[tilespmem:$0x5AF0] =	vst v5  }
0x2e2: {  	v5 =	vld.idx.msk [tilespmem:v55+s26+$0x0], $0xffff  }
0x2e3: {  	v7 =	vld.idx.msk [tilespmem:v7+s7+$0x0], $0xffff;
	_ =	sdelay $0x4  }
0x2e4: {  	v5 =	vadd.f32 v7, v5;
	_ =	sdelay $0x1  }
0x2e5: {  	v7 =	vmul.f32 $2.000000030e-01, v5  }
0x2e6: {  	vm15 =	vgt.f32 v5, $0.0e+00  }
0x2e7: {  	v5 =	vsel vm15, v5, v7  }
0x2e8: {  	v5 =	vmul.f32 v5, v6;
	_ =	sdelay $0x1  }
0x2e9: {  	v5 =	vmul.f32 $1.442695020e+00, v5;
	_ =	sdelay $0x1  }
0x2ea: {  	(erf) = vpow2.f32 v5;
	_ =	sdelay $0x8  }
0x2eb: {  	v5 =	vpop (erf)  }
0x2ec: {  	[tilespmem:v55+s14+$0x0] =	vst.idx.msk $0xffff, v5  }
0x2ed: {  	[tilespmem:$0x5B70] =	vst v5  }
0x2ee: {  	[spmem:s16] =	stream.indirect.scatter.add.f32 [tilespmem:s14], [sflag:$0x5], $0x10, s19, s19, $0xb8;
	[tilespmem:$0x1EBA0] =	vst v63  }
0x2ef: {  	_ =	swait.ge [sflag:s12], $0x800  }
0x2f0: {  	[sflag:s12] =	ssyncset.done $0x0  }
0x2f1: {  	[sflag:s12] =	ssyncadd.s32 $0xFFFFF800  }
0x2f2: {  	_ =	swait.ge [sflag:s9], $0x4000  }
0x2f3: {  	[sflag:s9] =	ssyncset.done $0x0  }
0x2f4: {  	s30 =	simm.s32 $0x0;
	[sflag:s9] =	ssyncadd.s32 $0xFFFFC000  }
.LBB2_5:
0x2f5: {  	s31 =	sshll.u32 s30, $0x4  }
0x2f6: {  	s31 =	sand.u32 $0x3FFFFFF0, s31  }
0x2f7: {  	v6 =	vld [tilespmem:s31+$0x5980]  }
0x2f8: {  	v5 =	vld [tilespmem:s31+$0x5A00]  }
0x2f9: {  	s17 =	sshll.u32 s30, $0xB;
	v61 =	vld [tilespmem:s31+$0x5A80]  }
0x2fa: {  	s17 =	sand.u32 $0x3FFFF800, s17;
	v48 =	vld [tilespmem:s31+$0x5B00]  }
0x2fb: {  	v7 =	vld [tilespmem:s17+$0x1180]  }
0x2fc: {  	v24 =	vld [tilespmem:s17+$0x1190]  }
0x2fd: {  	v37 =	vld [tilespmem:s17+$0x11A0]  }
0x2fe: {  	v39 =	vld [tilespmem:s17+$0x11B0];
	v38 =	vperm.xlane v6, v62  }
0x2ff: {  	v56 =	vld [tilespmem:s17+$0x11C0]  }
0x300: {  	v46 =	vld [tilespmem:s17+$0x11D0];
	v45 =	vperm.xlane v5, v62;
	v7 =	vmul.f32 v7, v38  }
0x301: {  	v24 =	vmul.f32 v24, v38;
	v38 =	vld [tilespmem:s17+$0x11E0]  }
0x302: {  	v47 =	vld [tilespmem:s17+$0x11F0];
	[tilespmem:s17+$0x1180] =	vst v7;
	v7 =	vmul.f32 v37, v45;
	v37 =	vperm.xlane v61, v62  }
0x303: {  	[tilespmem:s17+$0x1190] =	vst v24;
	v24 =	vmul.f32 v39, v45;
	v39 =	vld [tilespmem:s17+$0x1200]  }
0x304: {  	v45 =	vperm.xlane v48, v62;
	[tilespmem:s17+$0x11A0] =	vst v7;
	v7 =	vmul.f32 v56, v37;
	v56 =	vld [tilespmem:s17+$0x1210]  }
0x305: {  	[tilespmem:s17+$0x11B0] =	vst v24;
	v24 =	vmul.f32 v46, v37;
	v37 =	vld [tilespmem:s17+$0x1220]  }
0x306: {  	v46 =	vld [tilespmem:s17+$0x1230];
	[tilespmem:s17+$0x11C0] =	vst v7;
	v7 =	vmul.f32 v38, v45;
	v38 =	vperm.xlane v6, v63  }
0x307: {  	[tilespmem:s17+$0x11D0] =	vst v24;
	v24 =	vmul.f32 v47, v45;
	v45 =	vld [tilespmem:s17+$0x1240]  }
0x308: {  	v47 =	vld [tilespmem:s17+$0x1250];
	[tilespmem:s17+$0x11E0] =	vst v7;
	v7 =	vmul.f32 v39, v38;
	v39 =	vperm.xlane v5, v63  }
0x309: {  	[tilespmem:s17+$0x11F0] =	vst v24;
	v24 =	vmul.f32 v56, v38;
	v38 =	vld [tilespmem:s17+$0x1260]  }
0x30a: {  	v56 =	vld [tilespmem:s17+$0x1270];
	[tilespmem:s17+$0x1200] =	vst v7;
	v7 =	vmul.f32 v37, v39;
	v37 =	vperm.xlane v61, v63  }
0x30b: {  	[tilespmem:s17+$0x1210] =	vst v24;
	v24 =	vmul.f32 v46, v39;
	v39 =	vld [tilespmem:s17+$0x1280]  }
0x30c: {  	v46 =	vld [tilespmem:s17+$0x1290];
	[tilespmem:s17+$0x1220] =	vst v7;
	v7 =	vmul.f32 v45, v37;
	v45 =	vperm.xlane v48, v63  }
0x30d: {  	[tilespmem:s17+$0x1230] =	vst v24;
	v24 =	vmul.f32 v47, v37;
	v37 =	vld [tilespmem:s17+$0x12A0]  }
0x30e: {  	v47 =	vld [tilespmem:s17+$0x12B0];
	[tilespmem:s17+$0x1240] =	vst v7;
	v7 =	vmul.f32 v38, v45;
	v38 =	vperm.xlane v6, v9  }
0x30f: {  	[tilespmem:s17+$0x1250] =	vst v24;
	v24 =	vmul.f32 v56, v45;
	v45 =	vld [tilespmem:s17+$0x12C0]  }
0x310: {  	v56 =	vld [tilespmem:s17+$0x12D0];
	[tilespmem:s17+$0x1260] =	vst v7;
	v7 =	vmul.f32 v39, v38;
	v39 =	vperm.xlane v5, v9  }
0x311: {  	[tilespmem:s17+$0x1270] =	vst v24;
	v24 =	vmul.f32 v46, v38;
	v38 =	vld [tilespmem:s17+$0x12E0]  }
0x312: {  	v46 =	vld [tilespmem:s17+$0x12F0];
	[tilespmem:s17+$0x1280] =	vst v7;
	v7 =	vmul.f32 v37, v39;
	v37 =	vperm.xlane v61, v9  }
0x313: {  	[tilespmem:s17+$0x1290] =	vst v24;
	v24 =	vmul.f32 v47, v39;
	v39 =	vld [tilespmem:s17+$0x1300]  }
0x314: {  	v47 =	vld [tilespmem:s17+$0x1310];
	[tilespmem:s17+$0x12A0] =	vst v7;
	v7 =	vmul.f32 v45, v37;
	v45 =	vperm.xlane v48, v9  }
0x315: {  	[tilespmem:s17+$0x12B0] =	vst v24;
	v24 =	vmul.f32 v56, v37;
	v37 =	vld [tilespmem:s17+$0x1320]  }
0x316: {  	v56 =	vld [tilespmem:s17+$0x1330];
	[tilespmem:s17+$0x12C0] =	vst v7;
	v7 =	vmul.f32 v38, v45;
	v38 =	vperm.xlane v6, v10  }
0x317: {  	[tilespmem:s17+$0x12D0] =	vst v24;
	v24 =	vmul.f32 v46, v45;
	v45 =	vld [tilespmem:s17+$0x1340]  }
0x318: {  	v46 =	vld [tilespmem:s17+$0x1350];
	[tilespmem:s17+$0x12E0] =	vst v7;
	v7 =	vmul.f32 v39, v38;
	v39 =	vperm.xlane v5, v10  }
0x319: {  	[tilespmem:s17+$0x12F0] =	vst v24;
	v24 =	vmul.f32 v47, v38;
	v38 =	vld [tilespmem:s17+$0x1360]  }
0x31a: {  	v47 =	vld [tilespmem:s17+$0x1370];
	[tilespmem:s17+$0x1300] =	vst v7;
	v7 =	vmul.f32 v37, v39;
	v37 =	vperm.xlane v61, v10  }
0x31b: {  	[tilespmem:s17+$0x1310] =	vst v24;
	v24 =	vmul.f32 v56, v39;
	v39 =	vld [tilespmem:s17+$0x1380]  }
0x31c: {  	v56 =	vld [tilespmem:s17+$0x1390];
	[tilespmem:s17+$0x1320] =	vst v7;
	v7 =	vmul.f32 v45, v37;
	v45 =	vperm.xlane v48, v10  }
0x31d: {  	[tilespmem:s17+$0x1330] =	vst v24;
	v24 =	vmul.f32 v46, v37;
	v37 =	vld [tilespmem:s17+$0x13A0]  }
0x31e: {  	v46 =	vld [tilespmem:s17+$0x13B0];
	[tilespmem:s17+$0x1340] =	vst v7;
	v7 =	vmul.f32 v38, v45;
	v38 =	vperm.xlane v6, v11  }
0x31f: {  	[tilespmem:s17+$0x1350] =	vst v24;
	v24 =	vmul.f32 v47, v45;
	v45 =	vld [tilespmem:s17+$0x13C0]  }
0x320: {  	v47 =	vld [tilespmem:s17+$0x13D0];
	[tilespmem:s17+$0x1360] =	vst v7;
	v7 =	vmul.f32 v39, v38;
	v39 =	vperm.xlane v5, v11  }
0x321: {  	[tilespmem:s17+$0x1370] =	vst v24;
	v24 =	vmul.f32 v56, v38;
	v38 =	vld [tilespmem:s17+$0x13E0]  }
0x322: {  	v56 =	vld [tilespmem:s17+$0x13F0];
	[tilespmem:s17+$0x1380] =	vst v7;
	v7 =	vmul.f32 v37, v39;
	v37 =	vperm.xlane v61, v11  }
0x323: {  	[tilespmem:s17+$0x1390] =	vst v24;
	v24 =	vmul.f32 v46, v39;
	v39 =	vld [tilespmem:s17+$0x1400]  }
0x324: {  	v46 =	vld [tilespmem:s17+$0x1410];
	[tilespmem:s17+$0x13A0] =	vst v7;
	v7 =	vmul.f32 v45, v37;
	v45 =	vperm.xlane v48, v11  }
0x325: {  	[tilespmem:s17+$0x13B0] =	vst v24;
	v24 =	vmul.f32 v47, v37;
	v37 =	vld [tilespmem:s17+$0x1420]  }
0x326: {  	v47 =	vld [tilespmem:s17+$0x1430];
	[tilespmem:s17+$0x13C0] =	vst v7;
	v7 =	vmul.f32 v38, v45;
	v38 =	vperm.xlane v6, v12  }
0x327: {  	[tilespmem:s17+$0x13D0] =	vst v24;
	v24 =	vmul.f32 v56, v45;
	v45 =	vld [tilespmem:s17+$0x1440]  }
0x328: {  	v56 =	vld [tilespmem:s17+$0x1450];
	[tilespmem:s17+$0x13E0] =	vst v7;
	v7 =	vmul.f32 v39, v38;
	v39 =	vperm.xlane v5, v12  }
0x329: {  	[tilespmem:s17+$0x13F0] =	vst v24;
	v24 =	vmul.f32 v46, v38;
	v38 =	vld [tilespmem:s17+$0x1460]  }
0x32a: {  	v46 =	vld [tilespmem:s17+$0x1470];
	[tilespmem:s17+$0x1400] =	vst v7;
	v7 =	vmul.f32 v37, v39;
	v37 =	vperm.xlane v61, v12  }
0x32b: {  	[tilespmem:s17+$0x1410] =	vst v24;
	v24 =	vmul.f32 v47, v39;
	v39 =	vld [tilespmem:s17+$0x1480]  }
0x32c: {  	v47 =	vld [tilespmem:s17+$0x1490];
	[tilespmem:s17+$0x1420] =	vst v7;
	v7 =	vmul.f32 v45, v37;
	v45 =	vperm.xlane v48, v12  }
0x32d: {  	[tilespmem:s17+$0x1430] =	vst v24;
	v24 =	vmul.f32 v56, v37;
	v37 =	vld [tilespmem:s17+$0x14A0]  }
0x32e: {  	v56 =	vld [tilespmem:s17+$0x14B0];
	[tilespmem:s17+$0x1440] =	vst v7;
	v7 =	vmul.f32 v38, v45;
	v38 =	vperm.xlane v6, v13  }
0x32f: {  	[tilespmem:s17+$0x1450] =	vst v24;
	v24 =	vmul.f32 v46, v45;
	v45 =	vld [tilespmem:s17+$0x14C0]  }
0x330: {  	v46 =	vld [tilespmem:s17+$0x14D0];
	[tilespmem:s17+$0x1460] =	vst v7;
	v7 =	vmul.f32 v39, v38;
	v39 =	vperm.xlane v5, v13  }
0x331: {  	[tilespmem:s17+$0x1470] =	vst v24;
	v24 =	vmul.f32 v47, v38;
	v38 =	vld [tilespmem:s17+$0x14E0]  }
0x332: {  	v47 =	vld [tilespmem:s17+$0x14F0];
	[tilespmem:s17+$0x1480] =	vst v7;
	v7 =	vmul.f32 v37, v39;
	v37 =	vperm.xlane v61, v13  }
0x333: {  	[tilespmem:s17+$0x1490] =	vst v24;
	v24 =	vmul.f32 v56, v39;
	v39 =	vld [tilespmem:s17+$0x1500]  }
0x334: {  	v56 =	vld [tilespmem:s17+$0x1510];
	[tilespmem:s17+$0x14A0] =	vst v7;
	v7 =	vmul.f32 v45, v37;
	v45 =	vperm.xlane v48, v13  }
0x335: {  	[tilespmem:s17+$0x14B0] =	vst v24;
	v24 =	vmul.f32 v46, v37;
	v37 =	vld [tilespmem:s17+$0x1520]  }
0x336: {  	v46 =	vld [tilespmem:s17+$0x1530];
	[tilespmem:s17+$0x14C0] =	vst v7;
	v7 =	vmul.f32 v38, v45;
	v38 =	vperm.xlane v6, v14  }
0x337: {  	[tilespmem:s17+$0x14D0] =	vst v24;
	v24 =	vmul.f32 v47, v45;
	v45 =	vld [tilespmem:s17+$0x1540]  }
0x338: {  	v47 =	vld [tilespmem:s17+$0x1550];
	[tilespmem:s17+$0x14E0] =	vst v7;
	v7 =	vmul.f32 v39, v38;
	v39 =	vperm.xlane v5, v14  }
0x339: {  	[tilespmem:s17+$0x14F0] =	vst v24;
	v24 =	vmul.f32 v56, v38;
	v38 =	vld [tilespmem:s17+$0x1560]  }
0x33a: {  	v56 =	vld [tilespmem:s17+$0x1570];
	[tilespmem:s17+$0x1500] =	vst v7;
	v7 =	vmul.f32 v37, v39;
	v37 =	vperm.xlane v61, v14  }
0x33b: {  	[tilespmem:s17+$0x1510] =	vst v24;
	v24 =	vmul.f32 v46, v39;
	v39 =	vld [tilespmem:s17+$0x1580]  }
0x33c: {  	v46 =	vld [tilespmem:s17+$0x1590];
	[tilespmem:s17+$0x1520] =	vst v7;
	v7 =	vmul.f32 v45, v37;
	v45 =	vperm.xlane v48, v14  }
0x33d: {  	[tilespmem:s17+$0x1530] =	vst v24;
	v24 =	vmul.f32 v47, v37;
	v37 =	vld [tilespmem:s17+$0x15A0]  }
0x33e: {  	v47 =	vld [tilespmem:s17+$0x15B0];
	[tilespmem:s17+$0x1540] =	vst v7;
	v7 =	vmul.f32 v38, v45;
	v38 =	vperm.xlane v6, v15  }
0x33f: {  	[tilespmem:s17+$0x1550] =	vst v24;
	v24 =	vmul.f32 v56, v45;
	v45 =	vld [tilespmem:s17+$0x15C0]  }
0x340: {  	v56 =	vld [tilespmem:s17+$0x15D0];
	[tilespmem:s17+$0x1560] =	vst v7;
	v7 =	vmul.f32 v39, v38;
	v39 =	vperm.xlane v5, v15  }
0x341: {  	[tilespmem:s17+$0x1570] =	vst v24;
	v24 =	vmul.f32 v46, v38;
	v38 =	vld [tilespmem:s17+$0x15E0]  }
0x342: {  	v46 =	vld [tilespmem:s17+$0x15F0];
	[tilespmem:s17+$0x1580] =	vst v7;
	v7 =	vmul.f32 v37, v39;
	v37 =	vperm.xlane v61, v15  }
0x343: {  	[tilespmem:s17+$0x1590] =	vst v24;
	v24 =	vmul.f32 v47, v39;
	v39 =	vld [tilespmem:s17+$0x1600]  }
0x344: {  	v47 =	vld [tilespmem:s17+$0x1610];
	[tilespmem:s17+$0x15A0] =	vst v7;
	v7 =	vmul.f32 v45, v37;
	v45 =	vperm.xlane v48, v15  }
0x345: {  	[tilespmem:s17+$0x15B0] =	vst v24;
	v24 =	vmul.f32 v56, v37;
	v37 =	vld [tilespmem:s17+$0x1620]  }
0x346: {  	v56 =	vld [tilespmem:s17+$0x1630];
	[tilespmem:s17+$0x15C0] =	vst v7;
	v7 =	vmul.f32 v38, v45;
	v38 =	vperm.xlane v6, v16  }
0x347: {  	[tilespmem:s17+$0x15D0] =	vst v24;
	v24 =	vmul.f32 v46, v45;
	v45 =	vld [tilespmem:s17+$0x1640]  }
0x348: {  	v46 =	vld [tilespmem:s17+$0x1650];
	[tilespmem:s17+$0x15E0] =	vst v7;
	v7 =	vmul.f32 v39, v38;
	v39 =	vperm.xlane v5, v16  }
0x349: {  	[tilespmem:s17+$0x15F0] =	vst v24;
	v24 =	vmul.f32 v47, v38;
	v38 =	vld [tilespmem:s17+$0x1660]  }
0x34a: {  	v47 =	vld [tilespmem:s17+$0x1670];
	[tilespmem:s17+$0x1600] =	vst v7;
	v7 =	vmul.f32 v37, v39;
	v37 =	vperm.xlane v61, v16  }
0x34b: {  	[tilespmem:s17+$0x1610] =	vst v24;
	v24 =	vmul.f32 v56, v39;
	v39 =	vld [tilespmem:s17+$0x1680]  }
0x34c: {  	v56 =	vld [tilespmem:s17+$0x1690];
	[tilespmem:s17+$0x1620] =	vst v7;
	v7 =	vmul.f32 v45, v37;
	v45 =	vperm.xlane v48, v16  }
0x34d: {  	[tilespmem:s17+$0x1630] =	vst v24;
	v24 =	vmul.f32 v46, v37;
	v37 =	vld [tilespmem:s17+$0x16A0]  }
0x34e: {  	v46 =	vld [tilespmem:s17+$0x16B0];
	[tilespmem:s17+$0x1640] =	vst v7;
	v7 =	vmul.f32 v38, v45;
	v38 =	vperm.xlane v6, v25  }
0x34f: {  	[tilespmem:s17+$0x1650] =	vst v24;
	v24 =	vmul.f32 v47, v45;
	v45 =	vld [tilespmem:s17+$0x16C0]  }
0x350: {  	v47 =	vld [tilespmem:s17+$0x16D0];
	[tilespmem:s17+$0x1660] =	vst v7;
	v7 =	vmul.f32 v39, v38;
	v39 =	vperm.xlane v5, v25  }
0x351: {  	[tilespmem:s17+$0x1670] =	vst v24;
	v24 =	vmul.f32 v56, v38;
	v38 =	vld [tilespmem:s17+$0x16E0]  }
0x352: {  	v56 =	vld [tilespmem:s17+$0x16F0];
	[tilespmem:s17+$0x1680] =	vst v7;
	v7 =	vmul.f32 v37, v39;
	v37 =	vperm.xlane v61, v25  }
0x353: {  	[tilespmem:s17+$0x1690] =	vst v24;
	v24 =	vmul.f32 v46, v39;
	v39 =	vld [tilespmem:s17+$0x1700]  }
0x354: {  	v46 =	vld [tilespmem:s17+$0x1710];
	[tilespmem:s17+$0x16A0] =	vst v7;
	v7 =	vmul.f32 v45, v37;
	v45 =	vperm.xlane v48, v25  }
0x355: {  	[tilespmem:s17+$0x16B0] =	vst v24;
	v24 =	vmul.f32 v47, v37;
	v37 =	vld [tilespmem:s17+$0x1720]  }
0x356: {  	v47 =	vld [tilespmem:s17+$0x1730];
	[tilespmem:s17+$0x16C0] =	vst v7;
	v7 =	vmul.f32 v38, v45;
	v38 =	vperm.xlane v6, v26  }
0x357: {  	[tilespmem:s17+$0x16D0] =	vst v24;
	v24 =	vmul.f32 v56, v45;
	v45 =	vld [tilespmem:s17+$0x1740]  }
0x358: {  	v56 =	vld [tilespmem:s17+$0x1750];
	[tilespmem:s17+$0x16E0] =	vst v7;
	v7 =	vmul.f32 v39, v38;
	v39 =	vperm.xlane v5, v26  }
0x359: {  	[tilespmem:s17+$0x16F0] =	vst v24;
	v24 =	vmul.f32 v46, v38;
	v38 =	vld [tilespmem:s17+$0x1760]  }
0x35a: {  	v46 =	vld [tilespmem:s17+$0x1770];
	[tilespmem:s17+$0x1700] =	vst v7;
	v7 =	vmul.f32 v37, v39;
	v37 =	vperm.xlane v61, v26  }
0x35b: {  	[tilespmem:s17+$0x1710] =	vst v24;
	v24 =	vmul.f32 v47, v39;
	v39 =	vld [tilespmem:s17+$0x1780]  }
0x35c: {  	v47 =	vld [tilespmem:s17+$0x1790];
	[tilespmem:s17+$0x1720] =	vst v7;
	v7 =	vmul.f32 v45, v37;
	v45 =	vperm.xlane v48, v26  }
0x35d: {  	[tilespmem:s17+$0x1730] =	vst v24;
	v24 =	vmul.f32 v56, v37;
	v37 =	vld [tilespmem:s17+$0x17A0]  }
0x35e: {  	v56 =	vld [tilespmem:s17+$0x17B0];
	[tilespmem:s17+$0x1740] =	vst v7;
	v7 =	vmul.f32 v38, v45;
	v38 =	vperm.xlane v6, v27  }
0x35f: {  	[tilespmem:s17+$0x1750] =	vst v24;
	v24 =	vmul.f32 v46, v45;
	v45 =	vld [tilespmem:s17+$0x17C0]  }
0x360: {  	v46 =	vld [tilespmem:s17+$0x17D0];
	[tilespmem:s17+$0x1760] =	vst v7;
	v7 =	vmul.f32 v39, v38;
	v39 =	vperm.xlane v5, v27  }
0x361: {  	[tilespmem:s17+$0x1770] =	vst v24;
	v24 =	vmul.f32 v47, v38;
	v38 =	vld [tilespmem:s17+$0x17E0]  }
0x362: {  	v47 =	vld [tilespmem:s17+$0x17F0];
	[tilespmem:s17+$0x1780] =	vst v7;
	v7 =	vmul.f32 v37, v39;
	v37 =	vperm.xlane v61, v27  }
0x363: {  	[tilespmem:s17+$0x1790] =	vst v24;
	v24 =	vmul.f32 v56, v39;
	v39 =	vld [tilespmem:s17+$0x1800]  }
0x364: {  	v56 =	vld [tilespmem:s17+$0x1810];
	[tilespmem:s17+$0x17A0] =	vst v7;
	v7 =	vmul.f32 v45, v37;
	v45 =	vperm.xlane v48, v27  }
0x365: {  	[tilespmem:s17+$0x17B0] =	vst v24;
	v24 =	vmul.f32 v46, v37;
	v37 =	vld [tilespmem:s17+$0x1820]  }
0x366: {  	v46 =	vld [tilespmem:s17+$0x1830];
	[tilespmem:s17+$0x17C0] =	vst v7;
	v7 =	vmul.f32 v38, v45;
	v38 =	vperm.xlane v6, v28  }
0x367: {  	[tilespmem:s17+$0x17D0] =	vst v24;
	v24 =	vmul.f32 v47, v45;
	v45 =	vld [tilespmem:s17+$0x1840]  }
0x368: {  	v47 =	vld [tilespmem:s17+$0x1850];
	[tilespmem:s17+$0x17E0] =	vst v7;
	v7 =	vmul.f32 v39, v38;
	v39 =	vperm.xlane v5, v28  }
0x369: {  	[tilespmem:s17+$0x17F0] =	vst v24;
	v24 =	vmul.f32 v56, v38;
	v38 =	vld [tilespmem:s17+$0x1860]  }
0x36a: {  	v56 =	vld [tilespmem:s17+$0x1870];
	[tilespmem:s17+$0x1800] =	vst v7;
	v7 =	vmul.f32 v37, v39;
	v37 =	vperm.xlane v61, v28  }
0x36b: {  	[tilespmem:s17+$0x1810] =	vst v24;
	v24 =	vmul.f32 v46, v39;
	v39 =	vld [tilespmem:s17+$0x1880]  }
0x36c: {  	v46 =	vld [tilespmem:s17+$0x1890];
	[tilespmem:s17+$0x1820] =	vst v7;
	v7 =	vmul.f32 v45, v37;
	v45 =	vperm.xlane v48, v28  }
0x36d: {  	[tilespmem:s17+$0x1830] =	vst v24;
	v24 =	vmul.f32 v47, v37;
	v37 =	vld [tilespmem:s17+$0x18A0]  }
0x36e: {  	v47 =	vld [tilespmem:s17+$0x18B0];
	[tilespmem:s17+$0x1840] =	vst v7;
	v7 =	vmul.f32 v38, v45;
	v38 =	vperm.xlane v6, v29  }
0x36f: {  	[tilespmem:s17+$0x1850] =	vst v24;
	v24 =	vmul.f32 v56, v45;
	v45 =	vld [tilespmem:s17+$0x18C0]  }
0x370: {  	v56 =	vld [tilespmem:s17+$0x18D0];
	[tilespmem:s17+$0x1860] =	vst v7;
	v7 =	vmul.f32 v39, v38;
	v39 =	vperm.xlane v5, v29  }
0x371: {  	[tilespmem:s17+$0x1870] =	vst v24;
	v24 =	vmul.f32 v46, v38;
	v38 =	vld [tilespmem:s17+$0x18E0]  }
0x372: {  	v46 =	vld [tilespmem:s17+$0x18F0];
	[tilespmem:s17+$0x1880] =	vst v7;
	v7 =	vmul.f32 v37, v39;
	v37 =	vperm.xlane v61, v29  }
0x373: {  	[tilespmem:s17+$0x1890] =	vst v24;
	v24 =	vmul.f32 v47, v39;
	v39 =	vld [tilespmem:s17+$0x1900]  }
0x374: {  	v47 =	vld [tilespmem:s17+$0x1910];
	[tilespmem:s17+$0x18A0] =	vst v7;
	v7 =	vmul.f32 v45, v37;
	v45 =	vperm.xlane v48, v29  }
0x375: {  	[tilespmem:s17+$0x18B0] =	vst v24;
	v24 =	vmul.f32 v56, v37;
	v56 =	vld [tilespmem:s17+$0x1920]  }
0x376: {  	v6 =	vperm.xlane v6, v30;
	[tilespmem:s17+$0x18C0] =	vst v7;
	v7 =	vmul.f32 v38, v45;
	v38 =	vld [tilespmem:s17+$0x1930]  }
0x377: {  	[tilespmem:s17+$0x18D0] =	vst v24;
	v24 =	vmul.f32 v46, v45;
	v45 =	vld [tilespmem:s17+$0x1940]  }
0x378: {  	v5 =	vperm.xlane v5, v30;
	[tilespmem:s17+$0x18E0] =	vst v7;
	v7 =	vmul.f32 v39, v6;
	v39 =	vld [tilespmem:s17+$0x1950]  }
0x379: {  	v6 =	vmul.f32 v47, v6;
	[tilespmem:s17+$0x18F0] =	vst v24;
	v24 =	vld [tilespmem:s17+$0x1960]  }
0x37a: {  	[tilespmem:s17+$0x1900] =	vst v7;
	v7 =	vmul.f32 v56, v5;
	v56 =	vperm.xlane v61, v30;
	v61 =	vld [tilespmem:s17+$0x1970]  }
0x37b: {  	[tilespmem:s17+$0x1910] =	vst v6;
	v5 =	vmul.f32 v38, v5  }
0x37c: {  	p0 =	sne.s32 s30, $0x7;
	[tilespmem:s17+$0x1920] =	vst v7;
	v6 =	vmul.f32 v45, v56;
	v7 =	vperm.xlane v48, v30  }
.Ltmp1:
0x37d: {  	[tilespmem:s17+$0x1930] =	vst v5;
	v5 =	vmul.f32 v39, v56;
	(pc) =	sbr.rel @p0 .LBB2_5-.Ltmp1, $4  }
0x37e: {  	[tilespmem:s17+$0x1940] =	vst v6;
	v6 =	vmul.f32 v24, v7  }
0x37f: {  	[tilespmem:s17+$0x1950] =	vst v5;
	v5 =	vmul.f32 v61, v7  }
0x380: {  	[tilespmem:s17+$0x1960] =	vst v6  }
0x381: {  	s30 =	sadd.s32 $0x1, s30;
	[tilespmem:s17+$0x1970] =	vst v5  }
0x382: {  	s29 =	sadd.s32 $0x1, s29  }
0x383: {  	p0 =	sne.s32 s29, $0x4F  }
.Ltmp2:
0x384: {  	_ = 	snop;
	(pc) =	sbr.rel @p0 .LBB2_4-.Ltmp2, $4  }
0x385: {  	[spmem:s13] =	stream.indirect.scatter.add.f32 [tilespmem:s15], [sflag:$0x5], $0x80, s19, s19, $0xb8;
	[tilespmem:$0x1EBA0] =	vst v63  }
0x386: {  	_ =	swait.ge [sflag:s12], $0x4000  }
0x387: {  	[sflag:s12] =	ssyncset.done $0x0  }
0x388: {  	[sflag:s12] =	ssyncadd.s32 $0xFFFFC000  }
0x389: {  	[bflag:$0x0] =	sbarrier.arrive $0xFFFF  }
0x38a: {  	s17 =	sshrl.u32 s0, $0x3;
	s28 =	rddreg [dreg:$0xb]  }
0x38b: {  	[hbm:s28], [sflag:s11] =	dma.local [spmem:s17], $0x800  }
0x38c: {  	_ =	swait.ge [sflag:s12], $0x800  }
0x38d: {  	s29 =	smov.u32 s0;
	s30 =	smov.u32 s1;
	[sflag:s12] =	ssyncset.done $0x0  }
0x38e: {  	s1 =	sshrl.u32 s1, $0x3;
	s0 =	rddreg [dreg:$0x10];
	[sflag:s12] =	ssyncadd.s32 $0xFFFFF800  }
0x38f: {  	[hbm:s0], [sflag:s11] =	dma.local [spmem:s1], $0x100  }
0x390: {  	_ =	swait.ge [sflag:s12], $0x100  }
0x391: {  	s31 =	smov.u32 s2;
	[sflag:s12] =	ssyncset.done $0x0  }
0x392: {  	s1 =	sshrl.u32 s2, $0x3;
	s2 =	rddreg [dreg:$0xc];
	[sflag:s12] =	ssyncadd.s32 $0xFFFFFF00  }
0x393: {  	[hbm:s2], [sflag:s11] =	dma.local [spmem:s1], $0x800  }
0x394: {  	_ =	swait.ge [sflag:s12], $0x800  }
0x395: {  	[sflag:s12] =	ssyncset.done $0x0;
	s28 =	rddreg [dreg:$0x17]  }
0x396: {  	s2 =	rddreg [dreg:$0x11];
	[sflag:s12] =	ssyncadd.s32 $0xFFFFF800;
	s1 =	sshrl.u32 s28, $0x3  }
0x397: {  	[hbm:s2], [sflag:s11] =	dma.local [spmem:s1], $0x100  }
0x398: {  	_ =	swait.ge [sflag:s12], $0x100  }
0x399: {  	[sflag:s12] =	ssyncset.done $0x0;
	s28 =	rddreg [dreg:$0x18]  }
0x39a: {  	s2 =	rddreg [dreg:$0xd];
	[sflag:s12] =	ssyncadd.s32 $0xFFFFFF00;
	s1 =	sshrl.u32 s28, $0x3  }
0x39b: {  	[hbm:s2], [sflag:s11] =	dma.local [spmem:s1], $0x800  }
0x39c: {  	_ =	swait.ge [sflag:s12], $0x800  }
0x39d: {  	[sflag:s12] =	ssyncset.done $0x0;
	s28 =	rddreg [dreg:$0x19]  }
0x39e: {  	s2 =	rddreg [dreg:$0x12];
	[sflag:s12] =	ssyncadd.s32 $0xFFFFF800;
	s1 =	sshrl.u32 s28, $0x3  }
0x39f: {  	[hbm:s2], [sflag:s11] =	dma.local [spmem:s1], $0x100  }
0x3a0: {  	_ =	swait.ge [sflag:s12], $0x100  }
0x3a1: {  	[sflag:s12] =	ssyncset.done $0x0;
	s28 =	rddreg [dreg:$0x1a]  }
0x3a2: {  	s2 =	rddreg [dreg:$0xe];
	[sflag:s12] =	ssyncadd.s32 $0xFFFFFF00;
	s1 =	sshrl.u32 s28, $0x3  }
0x3a3: {  	[hbm:s2], [sflag:s11] =	dma.local [spmem:s1], $0x800  }
0x3a4: {  	_ =	swait.ge [sflag:s12], $0x800  }
0x3a5: {  	[sflag:s12] =	ssyncset.done $0x0;
	s28 =	rddreg [dreg:$0x1b]  }
0x3a6: {  	s1 =	rddreg [dreg:$0x13];
	[sflag:s12] =	ssyncadd.s32 $0xFFFFF800;
	s0 =	sshrl.u32 s28, $0x3  }
0x3a7: {  	[hbm:s1], [sflag:s11] =	dma.local [spmem:s0], $0x100  }
0x3a8: {  	_ =	swait.ge [sflag:s12], $0x100  }
0x3a9: {  	[sflag:s12] =	ssyncset.done $0x0  }
0x3aa: {  	s2 =	sshrl.u32 s3, $0x3;
	s0 =	rddreg [dreg:$0xf];
	[sflag:s12] =	ssyncadd.s32 $0xFFFFFF00  }
0x3ab: {  	[hbm:s0], [sflag:s11] =	dma.local [spmem:s2], $0x800  }
0x3ac: {  	_ =	swait.ge [sflag:s12], $0x800  }
0x3ad: {  	[sflag:s12] =	ssyncset.done $0x0  }
0x3ae: {  	s1 =	sshrl.u32 s4, $0x3;
	s2 =	rddreg [dreg:$0x14];
	[sflag:s12] =	ssyncadd.s32 $0xFFFFF800  }
0x3af: {  	[hbm:s2], [sflag:s11] =	dma.local [spmem:s1], $0x100  }
0x3b0: {  	_ =	swait.ge [sflag:s12], $0x100  }
0x3b1: {  	s10 =	sadd.s32 $0x1, s10;
	s28 =	rddreg [dreg:$0x1c]  }
0x3b2: {  	p0 =	sne.s32 s10, s28  }
.Ltmp3:
0x3b3: {  	_ = 	snop;
	(pc) =	sbr.rel @p0 .LBB2_1-.Ltmp3, $3  }
0x3b4: {  	_ =	sdelay $0x1  }
0x3b5: {  	[sflag:s12] =	ssyncset.done $0x0  }
0x3b6: {  	[sflag:s12] =	ssyncadd.s32 $0xFFFFFF00  }
0x3b7: {  	_ =	sfence.sel $0x180000  }
0x3b8: {  	[bflag:$0x0] =	sbarrier.arrive $0xFFFF  }
0x3b9: {  	_ =	strace $0x90000047  }
0x3ba: {  	s0 =	stileid.u32;
	[bflag:$0x2] =	sbarrier.arrive $0xFFFF  }
0x3bb: {  	p0 =	sne.s32 s0, $0x0;
	s0 =	rddreg [dreg:$0x5]  }
0x3bc: {  	s0 =	sadd.s32 @!p0 $0x100000, s0  }
0x3bd: {  	[sflag:s0] =	ssyncadd.tile.s32 @!p0 $0x1;
	_ =	shalt  }
.Lfunc_end2:
_tile_overlayer_lowered:
.L_overlay_start_2:
0x3be: {  	(tag) =	ssettag $0x2  }
0x3bf: {  	s0 =	rddreg [dreg:$0x0];
	s2 =	stileid.u32  }
0x3c0: {  	s1 =	rddreg [dreg:$0x1];
	p0 =	sne.s32 s2, $0x0  }
0x3c1: {  	s3 =	rddreg [dreg:$0x2];
	[bflag:$0x3] =	sbarrier.arrive $0xFFFF;
	s2 =	simm.s32 @!p0 $0x1C05  }
0x3c2: {  	[timem:s3], [sflag:s2] =	dma.local @!p0 [hbm:s0], s1  }
0x3c3: {  	s0 =	simm.s32 @!p0 $0x5  }
0x3c4: {  	_ =	swait.ge @!p0 [sflag:s0], s1  }
0x3c5: {  	s1 =	ssub.s32 @!p0 $0x0, s1;
	[sflag:s0] =	ssyncset.done @!p0 $0x0  }
0x3c6: {  	[sflag:s0] =	ssyncadd.s32 @!p0 s1  }
0x3c7: {  	[bflag:$0x3] =	sbarrier.arrive $0xFFFF  }
0x3c8: {  	_ =	shalt  }

</sc_bundles>
